<compile_context>
chip_gen: v7x
topology: tpu7x:2x2x1
jax: 0.10.2.dev20260603
libtpu: 0.0.44.dev20260713+nightly
codegen_flags: <defaults>
</compile_context>

<pallas_src>
import functools

import jax
import jax.numpy as jnp
import numpy as np
from jax import lax
from jax.experimental import pallas as pl
from jax.experimental.pallas import tpu as pltpu
from jax.experimental.pallas import tpu_sc as plsc

_NC = 2
_NS = 16
_NW = _NC * _NS

_QT = 1024
_CH = 32


def _nn_block(m_per, b0, q_ref, k_ref,
              i0_ref, i1_ref, i2_ref, d0_ref, d1_ref, d2_ref):
    b = pl.program_id(0) + b0
    d2 = None
    for d in range(3):
        kc = k_ref[:, d:d + 1]
        qr = q_ref[d:d + 1, :]
        diff = kc - qr
        sq = diff * diff
        d2 = sq if d2 is None else d2 + sq

    iota_f = lax.broadcasted_iota(jnp.int32, d2.shape, 0).astype(jnp.float32)
    inf = jnp.float32(np.inf)
    off = b * m_per
    idx_refs = (i0_ref, i1_ref, i2_ref)
    dist_refs = (d0_ref, d1_ref, d2_ref)
    for j in range(3):
        m = jnp.min(d2, axis=0, keepdims=True)
        cand = jnp.where(d2 == m, iota_f, inf)
        i_f = jnp.min(cand, axis=0, keepdims=True)
        dist_refs[j][0:1, :] = m
        idx_refs[j][0:1, :] = i_f.astype(jnp.int32) + off
        if j < 2:
            d2 = jnp.where(cand == i_f, inf, d2)


def _three_nn_tc(num_batches, m_per, n_per, b0):
    n_total = num_batches * n_per
    n_tiles = n_per // _QT
    grid = (num_batches, n_tiles)
    plane = pl.BlockSpec((1, _QT), lambda b, t: (0, b * n_tiles + t))
    return pl.pallas_call(
        functools.partial(_nn_block, m_per, b0),
        grid=grid,
        in_specs=[
            pl.BlockSpec((3, _QT), lambda b, t: (0, b * n_tiles + t)),
            pl.BlockSpec((m_per, 3), lambda b, t: (b + b0, 0)),
        ],
        out_specs=[plane] * 6,
        out_shape=[jax.ShapeDtypeStruct((1, n_total), jnp.int32)] * 3
        + [jax.ShapeDtypeStruct((1, n_total), jnp.float32)] * 3,
    )


def _interp_sc(n_total, c):
    qw = n_total // _NW
    n_chunks = qw // _CH
    n_pairs = n_chunks // 2
    mesh = plsc.VectorSubcoreMesh(core_axis_name="c", subcore_axis_name="s")

    @functools.partial(
        pl.kernel,
        out_type=jax.ShapeDtypeStruct((n_total, c), jnp.float32),
        mesh=mesh,
        scratch_types=[
            pltpu.VMEM((qw,), jnp.int32),
            pltpu.VMEM((qw,), jnp.int32),
            pltpu.VMEM((qw,), jnp.int32),
            pltpu.VMEM((qw,), jnp.float32),
            pltpu.VMEM((qw,), jnp.float32),
            pltpu.VMEM((qw,), jnp.float32),
            pltpu.VMEM((_CH, c), jnp.float32),
            pltpu.VMEM((_CH, c), jnp.float32),
            pltpu.VMEM((_CH, c), jnp.float32),
            pltpu.VMEM((_CH, c), jnp.float32),
            pltpu.VMEM((_CH, c), jnp.float32),
            pltpu.VMEM((_CH, c), jnp.float32),
            pltpu.VMEM((_CH, c), jnp.float32),
            pltpu.VMEM((_CH, c), jnp.float32),
            [pltpu.SemaphoreType.DMA] * 6,
            [pltpu.SemaphoreType.DMA] * 2,
        ],
    )
    def interp(i0_hbm, i1_hbm, i2_hbm, d0_hbm, d1_hbm, d2_hbm, feat_hbm,
               out_hbm, i0_v, i1_v, i2_v, w0_v, w1_v, w2_v,
               ra0, ra1, ra2, rb0, rb1, rb2, out_a, out_b, gsems, osems):
        wid = lax.axis_index("s") * _NC + lax.axis_index("c")
        qbase0 = pl.multiple_of(wid * qw, _CH)
        idx_refs = (i0_v, i1_v, i2_v)
        row_refs = ((ra0, ra1, ra2), (rb0, rb1, rb2))
        out_refs = (out_a, out_b)

        for src, dst in ((i0_hbm, i0_v), (i1_hbm, i1_v), (i2_hbm, i2_v),
                         (d0_hbm, w0_v), (d1_hbm, w1_v), (d2_hbm, w2_v)):
            pltpu.sync_copy(src.at[pl.ds(qbase0, qw)], dst)

        @plsc.parallel_loop(0, qw // 16, 1, unroll=2)
        def _(g):
            sl = pl.ds(pl.multiple_of(g * 16, 16), 16)
            r0 = 1.0 / (w0_v[sl] + 1e-8)
            r1 = 1.0 / (w1_v[sl] + 1e-8)
            r2 = 1.0 / (w2_v[sl] + 1e-8)
            s = r0 + r1 + r2
            w0_v[sl] = r0 / s
            w1_v[sl] = r1 / s
            w2_v[sl] = r2 / s

        def start_gathers(t, slot):
            base = pl.multiple_of(t * _CH, _CH)
            for j in range(3):
                pltpu.async_copy(
                    feat_hbm.at[idx_refs[j].at[pl.ds(base, _CH)]],
                    row_refs[slot][j], gsems[slot * 3 + j])

        def wait_gathers(t, slot):
            base = pl.multiple_of(t * _CH, _CH)
            for j in range(3):
                pltpu.make_async_copy(
                    feat_hbm.at[idx_refs[j].at[pl.ds(base, _CH)]],
                    row_refs[slot][j], gsems[slot * 3 + j]).wait()

        def out_slice(t):
            return out_hbm.at[pl.ds(pl.multiple_of(qbase0 + t * _CH, _CH),
                                    _CH)]

        def do_chunk(p, t, slot):
            wait_gathers(t, slot)
            r0r, r1r, r2r = row_refs[slot]
            outr = out_refs[slot]

            @pl.when(p > 0)
            def _():
                pltpu.make_async_copy(outr, out_slice(t), osems[slot]).wait()

            tch = t * _CH

            def q_body(i, _):
                qi = tch + i
                base = pl.multiple_of((qi // 16) * 16, 16)
                lane = jnp.full((16,), qi - base, jnp.int32)
                w0s = w0_v[pl.ds(base, 16)].at[lane].get(
                    mode="promise_in_bounds")
                w1s = w1_v[pl.ds(base, 16)].at[lane].get(
                    mode="promise_in_bounds")
                w2s = w2_v[pl.ds(base, 16)].at[lane].get(
                    mode="promise_in_bounds")
                for g in range(c // 16):
                    sl = pl.ds(g * 16, 16)
                    acc = r0r[i, sl] * w0s
                    acc = acc + r1r[i, sl] * w1s
                    acc = acc + r2r[i, sl] * w2s
                    outr[i, sl] = acc
                return 0

            lax.fori_loop(0, _CH, q_body, 0)
            pltpu.async_copy(outr, out_slice(t), osems[slot])

        def pair_body(p, _):
            t0 = 2 * p
            start_gathers(t0 + 1, 1)
            do_chunk(p, t0, 0)

            @pl.when(p + 1 < n_pairs)
            def _():
                start_gathers(t0 + 2, 0)

            do_chunk(p, t0 + 1, 1)
            return 0

        start_gathers(0, 0)
        lax.fori_loop(0, n_pairs, pair_body, 0)
        for slot, t in ((0, n_chunks - 2), (1, n_chunks - 1)):
            pltpu.make_async_copy(
                out_refs[slot], out_slice(t), osems[slot]).wait()

    return interp


def kernel(xyz, xyz_batch_cnt, new_xyz, new_xyz_batch_cnt, features):
    num_batches = xyz_batch_cnt.shape[0]
    m_per = xyz.shape[0] // num_batches
    n_per = new_xyz.shape[0] // num_batches
    n_total = new_xyz.shape[0]
    c = features.shape[1]

    nb1 = num_batches // 2
    groups = ((0, nb1), (nb1, num_batches - nb1)) if nb1 else \
        ((0, num_batches),)
    outs = []
    for b0, nb in groups:
        q_t = new_xyz[b0 * n_per:(b0 + nb) * n_per].T
        planes = _three_nn_tc(nb, m_per, n_per, b0)(q_t, xyz)
        outs.append(_interp_sc(nb * n_per, c)(
            *[p.reshape(-1) for p in planes], features))
    return jnp.concatenate(outs, axis=0) if len(outs) > 1 else outs[0]

# --- scband reference (transcript-rebuilt; emitter-appended) ---
"""Pipeline reference for scband-interpolate3-nn-64295660421503 (READ-ONLY COPY).

The authoritative reference and input builder live on the scoring server;
editing this copy changes nothing except your own understanding.
"""

import jax, jax.numpy as jnp
import numpy as np

B = 8
M_PER = 1024
N_PER = 4096
C = 256

def setup_inputs(seed: int = 0) -> dict:
    key = jax.random.key(seed)
    k1, k2, k3 = jax.random.split(key, 3)
    xyz = jax.random.normal(k1, (B * M_PER, 3), dtype=jnp.float32)
    new_xyz = jax.random.normal(k2, (B * N_PER, 3), dtype=jnp.float32)
    features = jax.random.normal(k3, (B * M_PER, C), dtype=jnp.float32)
    xyz_batch_cnt = jnp.full((B,), M_PER, dtype=jnp.int32)
    new_xyz_batch_cnt = jnp.full((B,), N_PER, dtype=jnp.int32)
    return {
        "xyz": xyz,
        "xyz_batch_cnt": xyz_batch_cnt,
        "new_xyz": new_xyz,
        "new_xyz_batch_cnt": new_xyz_batch_cnt,
        "features": features,
    }


def _three_nn_batch(q, kn, offset):
    # squared distances, matching pointnet2_stack three_nn CUDA kernel
    d2 = jnp.sum((q[:, None, :] - kn[None, :, :]) ** 2, axis=-1)  # (n, m)
    neg_d, idx_local = jax.lax.top_k(-d2, 3)  # 3 nearest
    dist = -neg_d  # (n, 3) squared distances
    idx = idx_local + offset  # global indices into stacked known points
    return dist, idx


def reference(xyz, xyz_batch_cnt, new_xyz, new_xyz_batch_cnt, features):
    num_batches = xyz_batch_cnt.shape[0]
    assert new_xyz_batch_cnt.shape[0] == num_batches
    m_per = xyz.shape[0] // num_batches
    n_per = new_xyz.shape[0] // num_batches
    outs = []
    for b in range(num_batches):
        kn = xyz[b * m_per:(b + 1) * m_per]
        q = new_xyz[b * n_per:(b + 1) * n_per]
        dist, idx = _three_nn_batch(q, kn, b * m_per)
        dist_recip = 1.0 / (dist + 1e-8)
        norm = jnp.sum(dist_recip, axis=-1, keepdims=True)
        weight = dist_recip / norm  # (n, 3)
        gathered = features[idx]  # (n, 3, C)
        interpolated = jnp.sum(gathered * weight[..., None], axis=1)  # (n, C)
        outs.append(interpolated)
    return jnp.concatenate(outs, axis=0)

if __name__ == "__main__":
    import jax
    _d = setup_inputs()
    print(jax.jit(kernel)(*tuple(_d.values())))

</pallas_src>

<mosaic_0001>
#map = affine_map<(d0, d1) -> (0)>
#map1 = affine_map<(d0, d1) -> (0, 0)>
module attributes {stable_mosaic.version = 14 : i64} {
  func.func @interp(%arg0: i32, %arg1: i32, %arg2: memref<16384xi32, #tpu.memory_space<hbm>>, %arg3: memref<16384xi32, #tpu.memory_space<hbm>>, %arg4: memref<16384xi32, #tpu.memory_space<hbm>>, %arg5: memref<16384xf32, #tpu.memory_space<hbm>>, %arg6: memref<16384xf32, #tpu.memory_space<hbm>>, %arg7: memref<16384xf32, #tpu.memory_space<hbm>>, %arg8: memref<8192x256xf32, #tpu.memory_space<hbm>>, %arg9: memref<16384x256xf32, #tpu.memory_space<hbm>>, %arg10: memref<512xi32, #tpu.memory_space<vmem>>, %arg11: memref<512xi32, #tpu.memory_space<vmem>>, %arg12: memref<512xi32, #tpu.memory_space<vmem>>, %arg13: memref<512xf32, #tpu.memory_space<vmem>>, %arg14: memref<512xf32, #tpu.memory_space<vmem>>, %arg15: memref<512xf32, #tpu.memory_space<vmem>>, %arg16: memref<32x256xf32, #tpu.memory_space<vmem>>, %arg17: memref<32x256xf32, #tpu.memory_space<vmem>>, %arg18: memref<32x256xf32, #tpu.memory_space<vmem>>, %arg19: memref<32x256xf32, #tpu.memory_space<vmem>>, %arg20: memref<32x256xf32, #tpu.memory_space<vmem>>, %arg21: memref<32x256xf32, #tpu.memory_space<vmem>>, %arg22: memref<32x256xf32, #tpu.memory_space<vmem>>, %arg23: memref<32x256xf32, #tpu.memory_space<vmem>>, %arg24: memref<!tpu.dma_semaphore, #tpu.memory_space<semaphore_mem>>, %arg25: memref<!tpu.dma_semaphore, #tpu.memory_space<semaphore_mem>>, %arg26: memref<!tpu.dma_semaphore, #tpu.memory_space<semaphore_mem>>, %arg27: memref<!tpu.dma_semaphore, #tpu.memory_space<semaphore_mem>>, %arg28: memref<!tpu.dma_semaphore, #tpu.memory_space<semaphore_mem>>, %arg29: memref<!tpu.dma_semaphore, #tpu.memory_space<semaphore_mem>>, %arg30: memref<!tpu.dma_semaphore, #tpu.memory_space<semaphore_mem>>, %arg31: memref<!tpu.dma_semaphore, #tpu.memory_space<semaphore_mem>>) attributes {dimension_semantics = [#tpu.dimension_semantics<core_parallel>, #tpu.dimension_semantics<subcore_parallel>], iteration_bounds = array<i64: 2, 16>, scalar_prefetch = 0 : i64, scratch_operands = 22 : i64, tpu.core_type = #tpu.core_type<sc_vector_subcore>, window_params = [{transform_indices = #map}, {transform_indices = #map}, {transform_indices = #map}, {transform_indices = #map}, {transform_indices = #map}, {transform_indices = #map}, {transform_indices = #map1}, {transform_indices = #map1}]} {
    %mul3A = arith.constant 2 : i32
    %mul3A_0 = arith.muli %arg1, %mul3A : i32
    %add3A = arith.addi %mul3A_0, %arg0 : i32
    %mul3A_1 = arith.constant 512 : i32
    %mul3A_2 = arith.muli %add3A, %mul3A_1 : i32
    %multiple_of3A = tpu.assume_multiple %mul3A_2, 32 : i32
    "tpu.region"() ({
      %run_scoped3A = tpu.sem_alloc : memref<!tpu.dma_semaphore, #tpu.memory_space<semaphore_mem>>
      %dma_start3A_37 = tpu.memref_slice %arg2[%multiple_of3A] : memref<16384xi32, #tpu.memory_space<hbm>> -> memref<512xi32, #tpu.memory_space<hbm>>
      %dma_start3A_38 = tpu.memref_slice %arg2[%multiple_of3A] : memref<16384xi32, #tpu.memory_space<hbm>> -> memref<512xi32, #tpu.memory_space<hbm>>
      tpu.enqueue_dma source(%dma_start3A_38 : memref<512xi32, #tpu.memory_space<hbm>>) target(%arg10 : memref<512xi32, #tpu.memory_space<vmem>>) target_semaphore(%run_scoped3A : memref<!tpu.dma_semaphore, #tpu.memory_space<semaphore_mem>>)
      %dma_wait3A_39 = tpu.memref_slice %arg2[%multiple_of3A] : memref<16384xi32, #tpu.memory_space<hbm>> -> memref<512xi32, #tpu.memory_space<hbm>>
      %dma_wait3A_40 = tpu.memref_slice %arg2[%multiple_of3A] : memref<16384xi32, #tpu.memory_space<hbm>> -> memref<512xi32, #tpu.memory_space<hbm>>
      tpu.wait_dma2 semaphore(%run_scoped3A : memref<!tpu.dma_semaphore, #tpu.memory_space<semaphore_mem>>) src(%dma_wait3A_40 : memref<512xi32, #tpu.memory_space<hbm>>) dst(%arg10 : memref<512xi32, #tpu.memory_space<vmem>>)
      tpu.yield
    }) : () -> ()
    "tpu.region"() ({
      %run_scoped3A = tpu.sem_alloc : memref<!tpu.dma_semaphore, #tpu.memory_space<semaphore_mem>>
      %dma_start3A_37 = tpu.memref_slice %arg3[%multiple_of3A] : memref<16384xi32, #tpu.memory_space<hbm>> -> memref<512xi32, #tpu.memory_space<hbm>>
      %dma_start3A_38 = tpu.memref_slice %arg3[%multiple_of3A] : memref<16384xi32, #tpu.memory_space<hbm>> -> memref<512xi32, #tpu.memory_space<hbm>>
      tpu.enqueue_dma source(%dma_start3A_38 : memref<512xi32, #tpu.memory_space<hbm>>) target(%arg11 : memref<512xi32, #tpu.memory_space<vmem>>) target_semaphore(%run_scoped3A : memref<!tpu.dma_semaphore, #tpu.memory_space<semaphore_mem>>)
      %dma_wait3A_39 = tpu.memref_slice %arg3[%multiple_of3A] : memref<16384xi32, #tpu.memory_space<hbm>> -> memref<512xi32, #tpu.memory_space<hbm>>
      %dma_wait3A_40 = tpu.memref_slice %arg3[%multiple_of3A] : memref<16384xi32, #tpu.memory_space<hbm>> -> memref<512xi32, #tpu.memory_space<hbm>>
      tpu.wait_dma2 semaphore(%run_scoped3A : memref<!tpu.dma_semaphore, #tpu.memory_space<semaphore_mem>>) src(%dma_wait3A_40 : memref<512xi32, #tpu.memory_space<hbm>>) dst(%arg11 : memref<512xi32, #tpu.memory_space<vmem>>)
      tpu.yield
    }) : () -> ()
    "tpu.region"() ({
      %run_scoped3A = tpu.sem_alloc : memref<!tpu.dma_semaphore, #tpu.memory_space<semaphore_mem>>
      %dma_start3A_37 = tpu.memref_slice %arg4[%multiple_of3A] : memref<16384xi32, #tpu.memory_space<hbm>> -> memref<512xi32, #tpu.memory_space<hbm>>
      %dma_start3A_38 = tpu.memref_slice %arg4[%multiple_of3A] : memref<16384xi32, #tpu.memory_space<hbm>> -> memref<512xi32, #tpu.memory_space<hbm>>
      tpu.enqueue_dma source(%dma_start3A_38 : memref<512xi32, #tpu.memory_space<hbm>>) target(%arg12 : memref<512xi32, #tpu.memory_space<vmem>>) target_semaphore(%run_scoped3A : memref<!tpu.dma_semaphore, #tpu.memory_space<semaphore_mem>>)
      %dma_wait3A_39 = tpu.memref_slice %arg4[%multiple_of3A] : memref<16384xi32, #tpu.memory_space<hbm>> -> memref<512xi32, #tpu.memory_space<hbm>>
      %dma_wait3A_40 = tpu.memref_slice %arg4[%multiple_of3A] : memref<16384xi32, #tpu.memory_space<hbm>> -> memref<512xi32, #tpu.memory_space<hbm>>
      tpu.wait_dma2 semaphore(%run_scoped3A : memref<!tpu.dma_semaphore, #tpu.memory_space<semaphore_mem>>) src(%dma_wait3A_40 : memref<512xi32, #tpu.memory_space<hbm>>) dst(%arg12 : memref<512xi32, #tpu.memory_space<vmem>>)
      tpu.yield
    }) : () -> ()
    "tpu.region"() ({
      %run_scoped3A = tpu.sem_alloc : memref<!tpu.dma_semaphore, #tpu.memory_space<semaphore_mem>>
      %dma_start3A_37 = tpu.memref_slice %arg5[%multiple_of3A] : memref<16384xf32, #tpu.memory_space<hbm>> -> memref<512xf32, #tpu.memory_space<hbm>>
      %dma_start3A_38 = tpu.memref_slice %arg5[%multiple_of3A] : memref<16384xf32, #tpu.memory_space<hbm>> -> memref<512xf32, #tpu.memory_space<hbm>>
      tpu.enqueue_dma source(%dma_start3A_38 : memref<512xf32, #tpu.memory_space<hbm>>) target(%arg13 : memref<512xf32, #tpu.memory_space<vmem>>) target_semaphore(%run_scoped3A : memref<!tpu.dma_semaphore, #tpu.memory_space<semaphore_mem>>)
      %dma_wait3A_39 = tpu.memref_slice %arg5[%multiple_of3A] : memref<16384xf32, #tpu.memory_space<hbm>> -> memref<512xf32, #tpu.memory_space<hbm>>
      %dma_wait3A_40 = tpu.memref_slice %arg5[%multiple_of3A] : memref<16384xf32, #tpu.memory_space<hbm>> -> memref<512xf32, #tpu.memory_space<hbm>>
      tpu.wait_dma2 semaphore(%run_scoped3A : memref<!tpu.dma_semaphore, #tpu.memory_space<semaphore_mem>>) src(%dma_wait3A_40 : memref<512xf32, #tpu.memory_space<hbm>>) dst(%arg13 : memref<512xf32, #tpu.memory_space<vmem>>)
      tpu.yield
    }) : () -> ()
    "tpu.region"() ({
      %run_scoped3A = tpu.sem_alloc : memref<!tpu.dma_semaphore, #tpu.memory_space<semaphore_mem>>
      %dma_start3A_37 = tpu.memref_slice %arg6[%multiple_of3A] : memref<16384xf32, #tpu.memory_space<hbm>> -> memref<512xf32, #tpu.memory_space<hbm>>
      %dma_start3A_38 = tpu.memref_slice %arg6[%multiple_of3A] : memref<16384xf32, #tpu.memory_space<hbm>> -> memref<512xf32, #tpu.memory_space<hbm>>
      tpu.enqueue_dma source(%dma_start3A_38 : memref<512xf32, #tpu.memory_space<hbm>>) target(%arg14 : memref<512xf32, #tpu.memory_space<vmem>>) target_semaphore(%run_scoped3A : memref<!tpu.dma_semaphore, #tpu.memory_space<semaphore_mem>>)
      %dma_wait3A_39 = tpu.memref_slice %arg6[%multiple_of3A] : memref<16384xf32, #tpu.memory_space<hbm>> -> memref<512xf32, #tpu.memory_space<hbm>>
      %dma_wait3A_40 = tpu.memref_slice %arg6[%multiple_of3A] : memref<16384xf32, #tpu.memory_space<hbm>> -> memref<512xf32, #tpu.memory_space<hbm>>
      tpu.wait_dma2 semaphore(%run_scoped3A : memref<!tpu.dma_semaphore, #tpu.memory_space<semaphore_mem>>) src(%dma_wait3A_40 : memref<512xf32, #tpu.memory_space<hbm>>) dst(%arg14 : memref<512xf32, #tpu.memory_space<vmem>>)
      tpu.yield
    }) : () -> ()
    "tpu.region"() ({
      %run_scoped3A = tpu.sem_alloc : memref<!tpu.dma_semaphore, #tpu.memory_space<semaphore_mem>>
      %dma_start3A_37 = tpu.memref_slice %arg7[%multiple_of3A] : memref<16384xf32, #tpu.memory_space<hbm>> -> memref<512xf32, #tpu.memory_space<hbm>>
      %dma_start3A_38 = tpu.memref_slice %arg7[%multiple_of3A] : memref<16384xf32, #tpu.memory_space<hbm>> -> memref<512xf32, #tpu.memory_space<hbm>>
      tpu.enqueue_dma source(%dma_start3A_38 : memref<512xf32, #tpu.memory_space<hbm>>) target(%arg15 : memref<512xf32, #tpu.memory_space<vmem>>) target_semaphore(%run_scoped3A : memref<!tpu.dma_semaphore, #tpu.memory_space<semaphore_mem>>)
      %dma_wait3A_39 = tpu.memref_slice %arg7[%multiple_of3A] : memref<16384xf32, #tpu.memory_space<hbm>> -> memref<512xf32, #tpu.memory_space<hbm>>
      %dma_wait3A_40 = tpu.memref_slice %arg7[%multiple_of3A] : memref<16384xf32, #tpu.memory_space<hbm>> -> memref<512xf32, #tpu.memory_space<hbm>>
      tpu.wait_dma2 semaphore(%run_scoped3A : memref<!tpu.dma_semaphore, #tpu.memory_space<semaphore_mem>>) src(%dma_wait3A_40 : memref<512xf32, #tpu.memory_space<hbm>>) dst(%arg15 : memref<512xf32, #tpu.memory_space<vmem>>)
      tpu.yield
    }) : () -> ()
    %parallel_loop3A = arith.constant 0 : i32
    %parallel_loop3A_3 = arith.constant 32 : i32
    %parallel_loop3A_4 = arith.constant 1 : i32
    scf.for %parallel_loop3A_37 = %parallel_loop3A to %parallel_loop3A_3 step %parallel_loop3A_4  : i32 {
      %parallel_loop3A_38 = arith.constant 16 : i32
      %parallel_loop3A_39 = arith.muli %parallel_loop3A_37, %parallel_loop3A_38 : i32
      %parallel_loop3A_40 = tpu.assume_multiple %parallel_loop3A_39, 16 : i32
      %parallel_loop3A_41 = arith.index_cast %parallel_loop3A_40 : i32 to index
      %parallel_loop3A_42 = tpu.vector_load %arg13[%parallel_loop3A_41] {strides = array<i32>} : memref<512xf32, #tpu.memory_space<vmem>>, vector<16xf32>,
      %parallel_loop3A_43 = vector.shape_cast %parallel_loop3A_42 : vector<16xf32> to vector<16xf32>
      %parallel_loop3A_44 = arith.constant 9.99999993E-9 : f32
      %parallel_loop3A_45 = vector.broadcast %parallel_loop3A_44 : f32 to vector<16xf32>
      %parallel_loop3A_46 = arith.addf %parallel_loop3A_43, %parallel_loop3A_45 : vector<16xf32>
      %parallel_loop3A_47 = arith.constant 1.000000e+00 : f32
      %parallel_loop3A_48 = vector.broadcast %parallel_loop3A_47 : f32 to vector<16xf32>
      %parallel_loop3A_49 = arith.divf %parallel_loop3A_48, %parallel_loop3A_46 : vector<16xf32>
      %parallel_loop3A_50 = arith.index_cast %parallel_loop3A_40 : i32 to index
      %parallel_loop3A_51 = tpu.vector_load %arg14[%parallel_loop3A_50] {strides = array<i32>} : memref<512xf32, #tpu.memory_space<vmem>>, vector<16xf32>,
      %parallel_loop3A_52 = vector.shape_cast %parallel_loop3A_51 : vector<16xf32> to vector<16xf32>
      %parallel_loop3A_53 = arith.constant 9.99999993E-9 : f32
      %parallel_loop3A_54 = vector.broadcast %parallel_loop3A_53 : f32 to vector<16xf32>
      %parallel_loop3A_55 = arith.addf %parallel_loop3A_52, %parallel_loop3A_54 : vector<16xf32>
      %parallel_loop3A_56 = arith.constant 1.000000e+00 : f32
      %parallel_loop3A_57 = vector.broadcast %parallel_loop3A_56 : f32 to vector<16xf32>
      %parallel_loop3A_58 = arith.divf %parallel_loop3A_57, %parallel_loop3A_55 : vector<16xf32>
      %parallel_loop3A_59 = arith.index_cast %parallel_loop3A_40 : i32 to index
      %parallel_loop3A_60 = tpu.vector_load %arg15[%parallel_loop3A_59] {strides = array<i32>} : memref<512xf32, #tpu.memory_space<vmem>>, vector<16xf32>,
      %parallel_loop3A_61 = vector.shape_cast %parallel_loop3A_60 : vector<16xf32> to vector<16xf32>
      %parallel_loop3A_62 = arith.constant 9.99999993E-9 : f32
      %parallel_loop3A_63 = vector.broadcast %parallel_loop3A_62 : f32 to vector<16xf32>
      %parallel_loop3A_64 = arith.addf %parallel_loop3A_61, %parallel_loop3A_63 : vector<16xf32>
      %parallel_loop3A_65 = arith.constant 1.000000e+00 : f32
      %parallel_loop3A_66 = vector.broadcast %parallel_loop3A_65 : f32 to vector<16xf32>
      %parallel_loop3A_67 = arith.divf %parallel_loop3A_66, %parallel_loop3A_64 : vector<16xf32>
      %parallel_loop3A_68 = arith.addf %parallel_loop3A_49, %parallel_loop3A_58 : vector<16xf32>
      %parallel_loop3A_69 = arith.addf %parallel_loop3A_68, %parallel_loop3A_67 : vector<16xf32>
      %parallel_loop3A_70 = arith.divf %parallel_loop3A_49, %parallel_loop3A_69 : vector<16xf32>
      %parallel_loop3A_71 = arith.index_cast %parallel_loop3A_40 : i32 to index
      %parallel_loop3A_72 = tpu.vector_load %arg13[%parallel_loop3A_71] {strides = array<i32>} : memref<512xf32, #tpu.memory_space<vmem>>, vector<16xf32>,
      %parallel_loop3A_73 = vector.shape_cast %parallel_loop3A_72 : vector<16xf32> to vector<16xf32>
      %parallel_loop3A_74 = vector.shape_cast %parallel_loop3A_70 : vector<16xf32> to vector<16xf32>
      tpu.vector_store %arg13[%parallel_loop3A_71], %parallel_loop3A_74 {strides = array<i32>} : memref<512xf32, #tpu.memory_space<vmem>>, vector<16xf32>,
      %parallel_loop3A_75 = arith.divf %parallel_loop3A_58, %parallel_loop3A_69 : vector<16xf32>
      %parallel_loop3A_76 = arith.index_cast %parallel_loop3A_40 : i32 to index
      %parallel_loop3A_77 = tpu.vector_load %arg14[%parallel_loop3A_76] {strides = array<i32>} : memref<512xf32, #tpu.memory_space<vmem>>, vector<16xf32>,
      %parallel_loop3A_78 = vector.shape_cast %parallel_loop3A_77 : vector<16xf32> to vector<16xf32>
      %parallel_loop3A_79 = vector.shape_cast %parallel_loop3A_75 : vector<16xf32> to vector<16xf32>
      tpu.vector_store %arg14[%parallel_loop3A_76], %parallel_loop3A_79 {strides = array<i32>} : memref<512xf32, #tpu.memory_space<vmem>>, vector<16xf32>,
      %parallel_loop3A_80 = arith.divf %parallel_loop3A_67, %parallel_loop3A_69 : vector<16xf32>
      %parallel_loop3A_81 = arith.index_cast %parallel_loop3A_40 : i32 to index
      %parallel_loop3A_82 = tpu.vector_load %arg15[%parallel_loop3A_81] {strides = array<i32>} : memref<512xf32, #tpu.memory_space<vmem>>, vector<16xf32>,
      %parallel_loop3A_83 = vector.shape_cast %parallel_loop3A_82 : vector<16xf32> to vector<16xf32>
      %parallel_loop3A_84 = vector.shape_cast %parallel_loop3A_80 : vector<16xf32> to vector<16xf32>
      tpu.vector_store %arg15[%parallel_loop3A_81], %parallel_loop3A_84 {strides = array<i32>} : memref<512xf32, #tpu.memory_space<vmem>>, vector<16xf32>,
    } {sc.loop_unroll_factor = 2 : i64, sc.parallel_access}
    %multiple_of3A_5 = arith.constant 0 : i32
    %multiple_of3A_6 = tpu.assume_multiple %multiple_of3A_5, 32 : i32
    %dma_start3A = tpu.memref_slice %arg10[%multiple_of3A_6] : memref<512xi32, #tpu.memory_space<vmem>> -> memref<32xi32, #tpu.memory_space<vmem>>
    %dma_start3A_7 = arith.constant 0 : i32
    %dma_start3A_8 = arith.constant 0 : i32
    %dma_start3A_9 = tpu.memref_slice %arg8[%dma_start3A_7, %dma_start3A_8] : memref<8192x256xf32, #tpu.memory_space<hbm>> -> memref<8192x256xf32, #tpu.memory_space<hbm>>
    tpu.enqueue_indirect_dma source(%dma_start3A_9 : memref<8192x256xf32, #tpu.memory_space<hbm>>) target(%arg16 : memref<32x256xf32, #tpu.memory_space<vmem>>) offsets(%dma_start3A : memref<32xi32, #tpu.memory_space<vmem>>) semaphore(%arg24 : memref<!tpu.dma_semaphore, #tpu.memory_space<semaphore_mem>>)
    %dma_start3A_10 = tpu.memref_slice %arg11[%multiple_of3A_6] : memref<512xi32, #tpu.memory_space<vmem>> -> memref<32xi32, #tpu.memory_space<vmem>>
    %dma_start3A_11 = arith.constant 0 : i32
    %dma_start3A_12 = arith.constant 0 : i32
    %dma_start3A_13 = tpu.memref_slice %arg8[%dma_start3A_11, %dma_start3A_12] : memref<8192x256xf32, #tpu.memory_space<hbm>> -> memref<8192x256xf32, #tpu.memory_space<hbm>>
    tpu.enqueue_indirect_dma source(%dma_start3A_13 : memref<8192x256xf32, #tpu.memory_space<hbm>>) target(%arg17 : memref<32x256xf32, #tpu.memory_space<vmem>>) offsets(%dma_start3A_10 : memref<32xi32, #tpu.memory_space<vmem>>) semaphore(%arg25 : memref<!tpu.dma_semaphore, #tpu.memory_space<semaphore_mem>>)
    %dma_start3A_14 = tpu.memref_slice %arg12[%multiple_of3A_6] : memref<512xi32, #tpu.memory_space<vmem>> -> memref<32xi32, #tpu.memory_space<vmem>>
    %dma_start3A_15 = arith.constant 0 : i32
    %dma_start3A_16 = arith.constant 0 : i32
    %dma_start3A_17 = tpu.memref_slice %arg8[%dma_start3A_15, %dma_start3A_16] : memref<8192x256xf32, #tpu.memory_space<hbm>> -> memref<8192x256xf32, #tpu.memory_space<hbm>>
    tpu.enqueue_indirect_dma source(%dma_start3A_17 : memref<8192x256xf32, #tpu.memory_space<hbm>>) target(%arg18 : memref<32x256xf32, #tpu.memory_space<vmem>>) offsets(%dma_start3A_14 : memref<32xi32, #tpu.memory_space<vmem>>) semaphore(%arg26 : memref<!tpu.dma_semaphore, #tpu.memory_space<semaphore_mem>>)
    %scan3A = arith.constant 0 : i32
    %scan3A_18 = arith.constant 0 : i32
    %scan3A_19 = arith.constant 8 : i32
    %scan3A_20 = arith.addi %scan3A_18, %scan3A_19 : i32
    %scan3A_21 = arith.constant 1 : i32
    %scan3A_22 = scf.for %scan3A_37 = %scan3A_18 to %scan3A_20 step %scan3A_21 iter_args(%scan3A_38 = %scan3A) -> (i32)  : i32 {
      %mul3A_39 = arith.constant 2 : i32
      %mul3A_40 = arith.muli %mul3A_39, %scan3A_37 : i32
      %add3A_41 = arith.constant 1 : i32
      %add3A_42 = arith.addi %mul3A_40, %add3A_41 : i32
      %mul3A_43 = arith.constant 32 : i32
      %mul3A_44 = arith.muli %add3A_42, %mul3A_43 : i32
      %multiple_of3A_45 = tpu.assume_multiple %mul3A_44, 32 : i32
      %dma_start3A_46 = tpu.memref_slice %arg10[%multiple_of3A_45] : memref<512xi32, #tpu.memory_space<vmem>> -> memref<32xi32, #tpu.memory_space<vmem>>
      %dma_start3A_47 = arith.constant 0 : i32
      %dma_start3A_48 = arith.constant 0 : i32
      %dma_start3A_49 = tpu.memref_slice %arg8[%dma_start3A_47, %dma_start3A_48] : memref<8192x256xf32, #tpu.memory_space<hbm>> -> memref<8192x256xf32, #tpu.memory_space<hbm>>
      tpu.enqueue_indirect_dma source(%dma_start3A_49 : memref<8192x256xf32, #tpu.memory_space<hbm>>) target(%arg19 : memref<32x256xf32, #tpu.memory_space<vmem>>) offsets(%dma_start3A_46 : memref<32xi32, #tpu.memory_space<vmem>>) semaphore(%arg27 : memref<!tpu.dma_semaphore, #tpu.memory_space<semaphore_mem>>)
      %dma_start3A_50 = tpu.memref_slice %arg11[%multiple_of3A_45] : memref<512xi32, #tpu.memory_space<vmem>> -> memref<32xi32, #tpu.memory_space<vmem>>
      %dma_start3A_51 = arith.constant 0 : i32
      %dma_start3A_52 = arith.constant 0 : i32
      %dma_start3A_53 = tpu.memref_slice %arg8[%dma_start3A_51, %dma_start3A_52] : memref<8192x256xf32, #tpu.memory_space<hbm>> -> memref<8192x256xf32, #tpu.memory_space<hbm>>
      tpu.enqueue_indirect_dma source(%dma_start3A_53 : memref<8192x256xf32, #tpu.memory_space<hbm>>) target(%arg20 : memref<32x256xf32, #tpu.memory_space<vmem>>) offsets(%dma_start3A_50 : memref<32xi32, #tpu.memory_space<vmem>>) semaphore(%arg28 : memref<!tpu.dma_semaphore, #tpu.memory_space<semaphore_mem>>)
      %dma_start3A_54 = tpu.memref_slice %arg12[%multiple_of3A_45] : memref<512xi32, #tpu.memory_space<vmem>> -> memref<32xi32, #tpu.memory_space<vmem>>
      %dma_start3A_55 = arith.constant 0 : i32
      %dma_start3A_56 = arith.constant 0 : i32
      %dma_start3A_57 = tpu.memref_slice %arg8[%dma_start3A_55, %dma_start3A_56] : memref<8192x256xf32, #tpu.memory_space<hbm>> -> memref<8192x256xf32, #tpu.memory_space<hbm>>
      tpu.enqueue_indirect_dma source(%dma_start3A_57 : memref<8192x256xf32, #tpu.memory_space<hbm>>) target(%arg21 : memref<32x256xf32, #tpu.memory_space<vmem>>) offsets(%dma_start3A_54 : memref<32xi32, #tpu.memory_space<vmem>>) semaphore(%arg29 : memref<!tpu.dma_semaphore, #tpu.memory_space<semaphore_mem>>)
      %mul3A_58 = arith.constant 32 : i32
      %mul3A_59 = arith.muli %mul3A_40, %mul3A_58 : i32
      %multiple_of3A_60 = tpu.assume_multiple %mul3A_59, 32 : i32
      %dma_wait3A_61 = tpu.memref_slice %arg10[%multiple_of3A_60] : memref<512xi32, #tpu.memory_space<vmem>> -> memref<32xi32, #tpu.memory_space<vmem>>
      %dma_wait3A_62 = arith.constant 0 : i32
      %dma_wait3A_63 = arith.constant 0 : i32
      %dma_wait3A_64 = tpu.memref_slice %arg8[%dma_wait3A_62, %dma_wait3A_63] : memref<8192x256xf32, #tpu.memory_space<hbm>> -> memref<8192x256xf32, #tpu.memory_space<hbm>>
      tpu.wait_indirect_dma semaphore(%arg24 : memref<!tpu.dma_semaphore, #tpu.memory_space<semaphore_mem>>) src(%dma_wait3A_64 : memref<8192x256xf32, #tpu.memory_space<hbm>>) dst(%arg16 : memref<32x256xf32, #tpu.memory_space<vmem>>)
      %dma_wait3A_65 = tpu.memref_slice %arg11[%multiple_of3A_60] : memref<512xi32, #tpu.memory_space<vmem>> -> memref<32xi32, #tpu.memory_space<vmem>>
      %dma_wait3A_66 = arith.constant 0 : i32
      %dma_wait3A_67 = arith.constant 0 : i32
      %dma_wait3A_68 = tpu.memref_slice %arg8[%dma_wait3A_66, %dma_wait3A_67] : memref<8192x256xf32, #tpu.memory_space<hbm>> -> memref<8192x256xf32, #tpu.memory_space<hbm>>
      tpu.wait_indirect_dma semaphore(%arg25 : memref<!tpu.dma_semaphore, #tpu.memory_space<semaphore_mem>>) src(%dma_wait3A_68 : memref<8192x256xf32, #tpu.memory_space<hbm>>) dst(%arg17 : memref<32x256xf32, #tpu.memory_space<vmem>>)
      %dma_wait3A_69 = tpu.memref_slice %arg12[%multiple_of3A_60] : memref<512xi32, #tpu.memory_space<vmem>> -> memref<32xi32, #tpu.memory_space<vmem>>
      %dma_wait3A_70 = arith.constant 0 : i32
      %dma_wait3A_71 = arith.constant 0 : i32
      %dma_wait3A_72 = tpu.memref_slice %arg8[%dma_wait3A_70, %dma_wait3A_71] : memref<8192x256xf32, #tpu.memory_space<hbm>> -> memref<8192x256xf32, #tpu.memory_space<hbm>>
      tpu.wait_indirect_dma semaphore(%arg26 : memref<!tpu.dma_semaphore, #tpu.memory_space<semaphore_mem>>) src(%dma_wait3A_72 : memref<8192x256xf32, #tpu.memory_space<hbm>>) dst(%arg18 : memref<32x256xf32, #tpu.memory_space<vmem>>)
      %gt3A = arith.constant 0 : i32
      %gt3A_73 = arith.cmpi sgt, %scan3A_37, %gt3A : i32
      %convert_element_type3A = arith.extui %gt3A_73 : i1 to i32
      %cond3A = arith.constant 0 : i32
      %cond3A_74 = arith.cmpi ne, %convert_element_type3A, %cond3A : i32
      scf.if %cond3A_74 {
        %mul3A_138 = arith.constant 32 : i32
        %mul3A_139 = arith.muli %mul3A_40, %mul3A_138 : i32
        %add3A_140 = arith.addi %multiple_of3A, %mul3A_139 : i32
        %multiple_of3A_141 = tpu.assume_multiple %add3A_140, 32 : i32
        %dma_wait3A_142 = arith.constant 0 : i32
        %dma_wait3A_143 = tpu.memref_slice %arg9[%multiple_of3A_141, %dma_wait3A_142] : memref<16384x256xf32, #tpu.memory_space<hbm>> -> memref<32x256xf32, #tpu.memory_space<hbm>>
        %dma_wait3A_144 = arith.constant 0 : i32
        %dma_wait3A_145 = tpu.memref_slice %arg9[%multiple_of3A_141, %dma_wait3A_144] : memref<16384x256xf32, #tpu.memory_space<hbm>> -> memref<32x256xf32, #tpu.memory_space<hbm>>
        tpu.wait_dma2 semaphore(%arg30 : memref<!tpu.dma_semaphore, #tpu.memory_space<semaphore_mem>>) src(%arg22 : memref<32x256xf32, #tpu.memory_space<vmem>>) dst(%dma_wait3A_145 : memref<32x256xf32, #tpu.memory_space<hbm>>)
      } else {
      }
      %mul3A_75 = arith.constant 32 : i32
      %mul3A_76 = arith.muli %mul3A_40, %mul3A_75 : i32
      %scan3A_77 = arith.constant 0 : i32
      %scan3A_78 = arith.constant 0 : i32
      %scan3A_79 = arith.constant 32 : i32
      %scan3A_80 = arith.addi %scan3A_78, %scan3A_79 : i32
      %scan3A_81 = arith.constant 1 : i32
      %scan3A_82 = scf.for %scan3A_138 = %scan3A_78 to %scan3A_80 step %scan3A_81 iter_args(%scan3A_139 = %scan3A_77) -> (i32)  : i32 {
        %add3A_140 = arith.addi %mul3A_76, %scan3A_138 : i32
        %jit3A = arith.constant 16 : i32
        %div3A = arith.divsi %add3A_140, %jit3A : i32
        %sign3A = arith.constant 0 : i32
        %sign3A_141 = arith.cmpi sgt, %add3A_140, %sign3A : i32
        %sign3A_142 = arith.extui %sign3A_141 : i1 to i32
        %sign3A_143 = arith.constant 0 : i32
        %sign3A_144 = arith.cmpi slt, %add3A_140, %sign3A_143 : i32
        %sign3A_145 = arith.extui %sign3A_144 : i1 to i32
        %sign3A_146 = arith.subi %sign3A_142, %sign3A_145 : i32
        %sign3A_147 = arith.constant 0 : i32
        %sign3A_148 = arith.cmpi sgt, %jit3A, %sign3A_147 : i32
        %sign3A_149 = arith.extui %sign3A_148 : i1 to i32
        %sign3A_150 = arith.constant 0 : i32
        %sign3A_151 = arith.cmpi slt, %jit3A, %sign3A_150 : i32
        %sign3A_152 = arith.extui %sign3A_151 : i1 to i32
        %sign3A_153 = arith.subi %sign3A_149, %sign3A_152 : i32
        %ne3A = arith.cmpi ne, %sign3A_146, %sign3A_153 : i32
        %rem3A = arith.remsi %add3A_140, %jit3A : i32
        %ne3A_154 = arith.constant 0 : i32
        %ne3A_155 = arith.cmpi ne, %rem3A, %ne3A_154 : i32
        %and3A = arith.andi %ne3A, %ne3A_155 : i1
        %sub3A = arith.constant 1 : i32
        %sub3A_156 = arith.subi %div3A, %sub3A : i32
        %select_n3A = arith.select %and3A, %sub3A_156, %div3A : i32
        %mul3A_157 = arith.constant 16 : i32
        %mul3A_158 = arith.muli %select_n3A, %mul3A_157 : i32
        %multiple_of3A_159 = tpu.assume_multiple %mul3A_158, 16 : i32
        %sub3A_160 = arith.subi %add3A_140, %multiple_of3A_159 : i32
        %broadcast_in_dim3A = vector.broadcast %sub3A_160 : i32 to vector<16xi32>
        %get3A = arith.index_cast %multiple_of3A_159 : i32 to index
        %get3A_161 = tpu.vector_load %arg13[%get3A] {strides = array<i32>} : memref<512xf32, #tpu.memory_space<vmem>>, vector<16xf32>,
        %get3A_162 = vector.shape_cast %get3A_161 : vector<16xf32> to vector<16xf32>
        %lt3A_163 = arith.constant 0 : i32
        %lt3A_164 = vector.broadcast %lt3A_163 : i32 to vector<16xi32>
        %lt3A_165 = arith.cmpi slt, %broadcast_in_dim3A, %lt3A_164 : vector<16xi32>
        %add3A_166 = arith.constant 16 : i32
        %add3A_167 = vector.broadcast %add3A_166 : i32 to vector<16xi32>
        %add3A_168 = arith.addi %broadcast_in_dim3A, %add3A_167 : vector<16xi32>
        %select_n3A_169 = arith.select %lt3A_165, %add3A_168, %broadcast_in_dim3A : vector<16xi1>, vector<16xi32>
        %broadcast_in_dim3A_170 = vector.shape_cast %select_n3A_169 : vector<16xi32> to vector<16x1xi32>
        %gather3A = vector.shape_cast %broadcast_in_dim3A_170 : vector<16x1xi32> to vector<16xi32>
        %gather3A_171 = tpu.dynamic_gather %get3A_162[%gather3A] in [0] : vector<16xf32>, vector<16xi32> -> vector<16xf32>
        %get3A_172 = arith.index_cast %multiple_of3A_159 : i32 to index
        %get3A_173 = tpu.vector_load %arg14[%get3A_172] {strides = array<i32>} : memref<512xf32, #tpu.memory_space<vmem>>, vector<16xf32>,
        %get3A_174 = vector.shape_cast %get3A_173 : vector<16xf32> to vector<16xf32>
        %lt3A_175 = arith.constant 0 : i32
        %lt3A_176 = vector.broadcast %lt3A_175 : i32 to vector<16xi32>
        %lt3A_177 = arith.cmpi slt, %broadcast_in_dim3A, %lt3A_176 : vector<16xi32>
        %add3A_178 = arith.constant 16 : i32
        %add3A_179 = vector.broadcast %add3A_178 : i32 to vector<16xi32>
        %add3A_180 = arith.addi %broadcast_in_dim3A, %add3A_179 : vector<16xi32>
        %select_n3A_181 = arith.select %lt3A_177, %add3A_180, %broadcast_in_dim3A : vector<16xi1>, vector<16xi32>
        %broadcast_in_dim3A_182 = vector.shape_cast %select_n3A_181 : vector<16xi32> to vector<16x1xi32>
        %gather3A_183 = vector.shape_cast %broadcast_in_dim3A_182 : vector<16x1xi32> to vector<16xi32>
        %gather3A_184 = tpu.dynamic_gather %get3A_174[%gather3A_183] in [0] : vector<16xf32>, vector<16xi32> -> vector<16xf32>
        %get3A_185 = arith.index_cast %multiple_of3A_159 : i32 to index
        %get3A_186 = tpu.vector_load %arg15[%get3A_185] {strides = array<i32>} : memref<512xf32, #tpu.memory_space<vmem>>, vector<16xf32>,
        %get3A_187 = vector.shape_cast %get3A_186 : vector<16xf32> to vector<16xf32>
        %lt3A_188 = arith.constant 0 : i32
        %lt3A_189 = vector.broadcast %lt3A_188 : i32 to vector<16xi32>
        %lt3A_190 = arith.cmpi slt, %broadcast_in_dim3A, %lt3A_189 : vector<16xi32>
        %add3A_191 = arith.constant 16 : i32
        %add3A_192 = vector.broadcast %add3A_191 : i32 to vector<16xi32>
        %add3A_193 = arith.addi %broadcast_in_dim3A, %add3A_192 : vector<16xi32>
        %select_n3A_194 = arith.select %lt3A_190, %add3A_193, %broadcast_in_dim3A : vector<16xi1>, vector<16xi32>
        %broadcast_in_dim3A_195 = vector.shape_cast %select_n3A_194 : vector<16xi32> to vector<16x1xi32>
        %gather3A_196 = vector.shape_cast %broadcast_in_dim3A_195 : vector<16x1xi32> to vector<16xi32>
        %gather3A_197 = tpu.dynamic_gather %get3A_187[%gather3A_196] in [0] : vector<16xf32>, vector<16xi32> -> vector<16xf32>
        %get3A_198 = arith.index_cast %scan3A_138 : i32 to index
        %get3A_199 = arith.constant 0 : index
        %get3A_200 = tpu.vector_load %arg16[%get3A_198, %get3A_199] {strides = array<i32>} : memref<32x256xf32, #tpu.memory_space<vmem>>, vector<1x16xf32>,
        %get3A_201 = vector.shape_cast %get3A_200 : vector<1x16xf32> to vector<16xf32>
        %mul3A_202 = arith.mulf %get3A_201, %gather3A_171 : vector<16xf32>
        %get3A_203 = arith.index_cast %scan3A_138 : i32 to index
        %get3A_204 = arith.constant 0 : index
        %get3A_205 = tpu.vector_load %arg17[%get3A_203, %get3A_204] {strides = array<i32>} : memref<32x256xf32, #tpu.memory_space<vmem>>, vector<1x16xf32>,
        %get3A_206 = vector.shape_cast %get3A_205 : vector<1x16xf32> to vector<16xf32>
        %mul3A_207 = arith.mulf %get3A_206, %gather3A_184 : vector<16xf32>
        %add3A_208 = arith.addf %mul3A_202, %mul3A_207 : vector<16xf32>
        %get3A_209 = arith.index_cast %scan3A_138 : i32 to index
        %get3A_210 = arith.constant 0 : index
        %get3A_211 = tpu.vector_load %arg18[%get3A_209, %get3A_210] {strides = array<i32>} : memref<32x256xf32, #tpu.memory_space<vmem>>, vector<1x16xf32>,
        %get3A_212 = vector.shape_cast %get3A_211 : vector<1x16xf32> to vector<16xf32>
        %mul3A_213 = arith.mulf %get3A_212, %gather3A_197 : vector<16xf32>
        %add3A_214 = arith.addf %add3A_208, %mul3A_213 : vector<16xf32>
        %swap3A = arith.index_cast %scan3A_138 : i32 to index
        %swap3A_215 = arith.constant 0 : index
        %swap3A_216 = tpu.vector_load %arg22[%swap3A, %swap3A_215] {strides = array<i32>} : memref<32x256xf32, #tpu.memory_space<vmem>>, vector<1x16xf32>,
        %swap3A_217 = vector.shape_cast %swap3A_216 : vector<1x16xf32> to vector<16xf32>
        %swap3A_218 = vector.shape_cast %add3A_214 : vector<16xf32> to vector<1x16xf32>
        tpu.vector_store %arg22[%swap3A, %swap3A_215], %swap3A_218 {strides = array<i32>} : memref<32x256xf32, #tpu.memory_space<vmem>>, vector<1x16xf32>,
        %get3A_219 = arith.index_cast %scan3A_138 : i32 to index
        %get3A_220 = arith.constant 16 : index
        %get3A_221 = tpu.vector_load %arg16[%get3A_219, %get3A_220] {strides = array<i32>} : memref<32x256xf32, #tpu.memory_space<vmem>>, vector<1x16xf32>,
        %get3A_222 = vector.shape_cast %get3A_221 : vector<1x16xf32> to vector<16xf32>
        %mul3A_223 = arith.mulf %get3A_222, %gather3A_171 : vector<16xf32>
        %get3A_224 = arith.index_cast %scan3A_138 : i32 to index
        %get3A_225 = arith.constant 16 : index
        %get3A_226 = tpu.vector_load %arg17[%get3A_224, %get3A_225] {strides = array<i32>} : memref<32x256xf32, #tpu.memory_space<vmem>>, vector<1x16xf32>,
        %get3A_227 = vector.shape_cast %get3A_226 : vector<1x16xf32> to vector<16xf32>
        %mul3A_228 = arith.mulf %get3A_227, %gather3A_184 : vector<16xf32>
        %add3A_229 = arith.addf %mul3A_223, %mul3A_228 : vector<16xf32>
        %get3A_230 = arith.index_cast %scan3A_138 : i32 to index
        %get3A_231 = arith.constant 16 : index
        %get3A_232 = tpu.vector_load %arg18[%get3A_230, %get3A_231] {strides = array<i32>} : memref<32x256xf32, #tpu.memory_space<vmem>>, vector<1x16xf32>,
        %get3A_233 = vector.shape_cast %get3A_232 : vector<1x16xf32> to vector<16xf32>
        %mul3A_234 = arith.mulf %get3A_233, %gather3A_197 : vector<16xf32>
        %add3A_235 = arith.addf %add3A_229, %mul3A_234 : vector<16xf32>
        %swap3A_236 = arith.index_cast %scan3A_138 : i32 to index
        %swap3A_237 = arith.constant 16 : index
        %swap3A_238 = tpu.vector_load %arg22[%swap3A_236, %swap3A_237] {strides = array<i32>} : memref<32x256xf32, #tpu.memory_space<vmem>>, vector<1x16xf32>,
        %swap3A_239 = vector.shape_cast %swap3A_238 : vector<1x16xf32> to vector<16xf32>
        %swap3A_240 = vector.shape_cast %add3A_235 : vector<16xf32> to vector<1x16xf32>
        tpu.vector_store %arg22[%swap3A_236, %swap3A_237], %swap3A_240 {strides = array<i32>} : memref<32x256xf32, #tpu.memory_space<vmem>>, vector<1x16xf32>,
        %get3A_241 = arith.index_cast %scan3A_138 : i32 to index
        %get3A_242 = arith.constant 32 : index
        %get3A_243 = tpu.vector_load %arg16[%get3A_241, %get3A_242] {strides = array<i32>} : memref<32x256xf32, #tpu.memory_space<vmem>>, vector<1x16xf32>,
        %get3A_244 = vector.shape_cast %get3A_243 : vector<1x16xf32> to vector<16xf32>
        %mul3A_245 = arith.mulf %get3A_244, %gather3A_171 : vector<16xf32>
        %get3A_246 = arith.index_cast %scan3A_138 : i32 to index
        %get3A_247 = arith.constant 32 : index
        %get3A_248 = tpu.vector_load %arg17[%get3A_246, %get3A_247] {strides = array<i32>} : memref<32x256xf32, #tpu.memory_space<vmem>>, vector<1x16xf32>,
        %get3A_249 = vector.shape_cast %get3A_248 : vector<1x16xf32> to vector<16xf32>
        %mul3A_250 = arith.mulf %get3A_249, %gather3A_184 : vector<16xf32>
        %add3A_251 = arith.addf %mul3A_245, %mul3A_250 : vector<16xf32>
        %get3A_252 = arith.index_cast %scan3A_138 : i32 to index
        %get3A_253 = arith.constant 32 : index
        %get3A_254 = tpu.vector_load %arg18[%get3A_252, %get3A_253] {strides = array<i32>} : memref<32x256xf32, #tpu.memory_space<vmem>>, vector<1x16xf32>,
        %get3A_255 = vector.shape_cast %get3A_254 : vector<1x16xf32> to vector<16xf32>
        %mul3A_256 = arith.mulf %get3A_255, %gather3A_197 : vector<16xf32>
        %add3A_257 = arith.addf %add3A_251, %mul3A_256 : vector<16xf32>
        %swap3A_258 = arith.index_cast %scan3A_138 : i32 to index
        %swap3A_259 = arith.constant 32 : index
        %swap3A_260 = tpu.vector_load %arg22[%swap3A_258, %swap3A_259] {strides = array<i32>} : memref<32x256xf32, #tpu.memory_space<vmem>>, vector<1x16xf32>,
        %swap3A_261 = vector.shape_cast %swap3A_260 : vector<1x16xf32> to vector<16xf32>
        %swap3A_262 = vector.shape_cast %add3A_257 : vector<16xf32> to vector<1x16xf32>
        tpu.vector_store %arg22[%swap3A_258, %swap3A_259], %swap3A_262 {strides = array<i32>} : memref<32x256xf32, #tpu.memory_space<vmem>>, vector<1x16xf32>,
        %get3A_263 = arith.index_cast %scan3A_138 : i32 to index
        %get3A_264 = arith.constant 48 : index
        %get3A_265 = tpu.vector_load %arg16[%get3A_263, %get3A_264] {strides = array<i32>} : memref<32x256xf32, #tpu.memory_space<vmem>>, vector<1x16xf32>,
        %get3A_266 = vector.shape_cast %get3A_265 : vector<1x16xf32> to vector<16xf32>
        %mul3A_267 = arith.mulf %get3A_266, %gather3A_171 : vector<16xf32>
        %get3A_268 = arith.index_cast %scan3A_138 : i32 to index
        %get3A_269 = arith.constant 48 : index
        %get3A_270 = tpu.vector_load %arg17[%get3A_268, %get3A_269] {strides = array<i32>} : memref<32x256xf32, #tpu.memory_space<vmem>>, vector<1x16xf32>,
        %get3A_271 = vector.shape_cast %get3A_270 : vector<1x16xf32> to vector<16xf32>
        %mul3A_272 = arith.mulf %get3A_271, %gather3A_184 : vector<16xf32>
        %add3A_273 = arith.addf %mul3A_267, %mul3A_272 : vector<16xf32>
        %get3A_274 = arith.index_cast %scan3A_138 : i32 to index
        %get3A_275 = arith.constant 48 : index
        %get3A_276 = tpu.vector_load %arg18[%get3A_274, %get3A_275] {strides = array<i32>} : memref<32x256xf32, #tpu.memory_space<vmem>>, vector<1x16xf32>,
        %get3A_277 = vector.shape_cast %get3A_276 : vector<1x16xf32> to vector<16xf32>
        %mul3A_278 = arith.mulf %get3A_277, %gather3A_197 : vector<16xf32>
        %add3A_279 = arith.addf %add3A_273, %mul3A_278 : vector<16xf32>
        %swap3A_280 = arith.index_cast %scan3A_138 : i32 to index
        %swap3A_281 = arith.constant 48 : index
        %swap3A_282 = tpu.vector_load %arg22[%swap3A_280, %swap3A_281] {strides = array<i32>} : memref<32x256xf32, #tpu.memory_space<vmem>>, vector<1x16xf32>,
        %swap3A_283 = vector.shape_cast %swap3A_282 : vector<1x16xf32> to vector<16xf32>
        %swap3A_284 = vector.shape_cast %add3A_279 : vector<16xf32> to vector<1x16xf32>
        tpu.vector_store %arg22[%swap3A_280, %swap3A_281], %swap3A_284 {strides = array<i32>} : memref<32x256xf32, #tpu.memory_space<vmem>>, vector<1x16xf32>,
        %get3A_285 = arith.index_cast %scan3A_138 : i32 to index
        %get3A_286 = arith.constant 64 : index
        %get3A_287 = tpu.vector_load %arg16[%get3A_285, %get3A_286] {strides = array<i32>} : memref<32x256xf32, #tpu.memory_space<vmem>>, vector<1x16xf32>,
        %get3A_288 = vector.shape_cast %get3A_287 : vector<1x16xf32> to vector<16xf32>
        %mul3A_289 = arith.mulf %get3A_288, %gather3A_171 : vector<16xf32>
        %get3A_290 = arith.index_cast %scan3A_138 : i32 to index
        %get3A_291 = arith.constant 64 : index
        %get3A_292 = tpu.vector_load %arg17[%get3A_290, %get3A_291] {strides = array<i32>} : memref<32x256xf32, #tpu.memory_space<vmem>>, vector<1x16xf32>,
        %get3A_293 = vector.shape_cast %get3A_292 : vector<1x16xf32> to vector<16xf32>
        %mul3A_294 = arith.mulf %get3A_293, %gather3A_184 : vector<16xf32>
        %add3A_295 = arith.addf %mul3A_289, %mul3A_294 : vector<16xf32>
        %get3A_296 = arith.index_cast %scan3A_138 : i32 to index
        %get3A_297 = arith.constant 64 : index
        %get3A_298 = tpu.vector_load %arg18[%get3A_296, %get3A_297] {strides = array<i32>} : memref<32x256xf32, #tpu.memory_space<vmem>>, vector<1x16xf32>,
        %get3A_299 = vector.shape_cast %get3A_298 : vector<1x16xf32> to vector<16xf32>
        %mul3A_300 = arith.mulf %get3A_299, %gather3A_197 : vector<16xf32>
        %add3A_301 = arith.addf %add3A_295, %mul3A_300 : vector<16xf32>
        %swap3A_302 = arith.index_cast %scan3A_138 : i32 to index
        %swap3A_303 = arith.constant 64 : index
        %swap3A_304 = tpu.vector_load %arg22[%swap3A_302, %swap3A_303] {strides = array<i32>} : memref<32x256xf32, #tpu.memory_space<vmem>>, vector<1x16xf32>,
        %swap3A_305 = vector.shape_cast %swap3A_304 : vector<1x16xf32> to vector<16xf32>
        %swap3A_306 = vector.shape_cast %add3A_301 : vector<16xf32> to vector<1x16xf32>
        tpu.vector_store %arg22[%swap3A_302, %swap3A_303], %swap3A_306 {strides = array<i32>} : memref<32x256xf32, #tpu.memory_space<vmem>>, vector<1x16xf32>,
        %get3A_307 = arith.index_cast %scan3A_138 : i32 to index
        %get3A_308 = arith.constant 80 : index
        %get3A_309 = tpu.vector_load %arg16[%get3A_307, %get3A_308] {strides = array<i32>} : memref<32x256xf32, #tpu.memory_space<vmem>>, vector<1x16xf32>,
        %get3A_310 = vector.shape_cast %get3A_309 : vector<1x16xf32> to vector<16xf32>
        %mul3A_311 = arith.mulf %get3A_310, %gather3A_171 : vector<16xf32>
        %get3A_312 = arith.index_cast %scan3A_138 : i32 to index
        %get3A_313 = arith.constant 80 : index
        %get3A_314 = tpu.vector_load %arg17[%get3A_312, %get3A_313] {strides = array<i32>} : memref<32x256xf32, #tpu.memory_space<vmem>>, vector<1x16xf32>,
        %get3A_315 = vector.shape_cast %get3A_314 : vector<1x16xf32> to vector<16xf32>
        %mul3A_316 = arith.mulf %get3A_315, %gather3A_184 : vector<16xf32>
        %add3A_317 = arith.addf %mul3A_311, %mul3A_316 : vector<16xf32>
        %get3A_318 = arith.index_cast %scan3A_138 : i32 to index
        %get3A_319 = arith.constant 80 : index
        %get3A_320 = tpu.vector_load %arg18[%get3A_318, %get3A_319] {strides = array<i32>} : memref<32x256xf32, #tpu.memory_space<vmem>>, vector<1x16xf32>,
        %get3A_321 = vector.shape_cast %get3A_320 : vector<1x16xf32> to vector<16xf32>
        %mul3A_322 = arith.mulf %get3A_321, %gather3A_197 : vector<16xf32>
        %add3A_323 = arith.addf %add3A_317, %mul3A_322 : vector<16xf32>
        %swap3A_324 = arith.index_cast %scan3A_138 : i32 to index
        %swap3A_325 = arith.constant 80 : index
        %swap3A_326 = tpu.vector_load %arg22[%swap3A_324, %swap3A_325] {strides = array<i32>} : memref<32x256xf32, #tpu.memory_space<vmem>>, vector<1x16xf32>,
        %swap3A_327 = vector.shape_cast %swap3A_326 : vector<1x16xf32> to vector<16xf32>
        %swap3A_328 = vector.shape_cast %add3A_323 : vector<16xf32> to vector<1x16xf32>
        tpu.vector_store %arg22[%swap3A_324, %swap3A_325], %swap3A_328 {strides = array<i32>} : memref<32x256xf32, #tpu.memory_space<vmem>>, vector<1x16xf32>,
        %get3A_329 = arith.index_cast %scan3A_138 : i32 to index
        %get3A_330 = arith.constant 96 : index
        %get3A_331 = tpu.vector_load %arg16[%get3A_329, %get3A_330] {strides = array<i32>} : memref<32x256xf32, #tpu.memory_space<vmem>>, vector<1x16xf32>,
        %get3A_332 = vector.shape_cast %get3A_331 : vector<1x16xf32> to vector<16xf32>
        %mul3A_333 = arith.mulf %get3A_332, %gather3A_171 : vector<16xf32>
        %get3A_334 = arith.index_cast %scan3A_138 : i32 to index
        %get3A_335 = arith.constant 96 : index
        %get3A_336 = tpu.vector_load %arg17[%get3A_334, %get3A_335] {strides = array<i32>} : memref<32x256xf32, #tpu.memory_space<vmem>>, vector<1x16xf32>,
        %get3A_337 = vector.shape_cast %get3A_336 : vector<1x16xf32> to vector<16xf32>
        %mul3A_338 = arith.mulf %get3A_337, %gather3A_184 : vector<16xf32>
        %add3A_339 = arith.addf %mul3A_333, %mul3A_338 : vector<16xf32>
        %get3A_340 = arith.index_cast %scan3A_138 : i32 to index
        %get3A_341 = arith.constant 96 : index
        %get3A_342 = tpu.vector_load %arg18[%get3A_340, %get3A_341] {strides = array<i32>} : memref<32x256xf32, #tpu.memory_space<vmem>>, vector<1x16xf32>,
        %get3A_343 = vector.shape_cast %get3A_342 : vector<1x16xf32> to vector<16xf32>
        %mul3A_344 = arith.mulf %get3A_343, %gather3A_197 : vector<16xf32>
        %add3A_345 = arith.addf %add3A_339, %mul3A_344 : vector<16xf32>
        %swap3A_346 = arith.index_cast %scan3A_138 : i32 to index
        %swap3A_347 = arith.constant 96 : index
        %swap3A_348 = tpu.vector_load %arg22[%swap3A_346, %swap3A_347] {strides = array<i32>} : memref<32x256xf32, #tpu.memory_space<vmem>>, vector<1x16xf32>,
        %swap3A_349 = vector.shape_cast %swap3A_348 : vector<1x16xf32> to vector<16xf32>
        %swap3A_350 = vector.shape_cast %add3A_345 : vector<16xf32> to vector<1x16xf32>
        tpu.vector_store %arg22[%swap3A_346, %swap3A_347], %swap3A_350 {strides = array<i32>} : memref<32x256xf32, #tpu.memory_space<vmem>>, vector<1x16xf32>,
        %get3A_351 = arith.index_cast %scan3A_138 : i32 to index
        %get3A_352 = arith.constant 112 : index
        %get3A_353 = tpu.vector_load %arg16[%get3A_351, %get3A_352] {strides = array<i32>} : memref<32x256xf32, #tpu.memory_space<vmem>>, vector<1x16xf32>,
        %get3A_354 = vector.shape_cast %get3A_353 : vector<1x16xf32> to vector<16xf32>
        %mul3A_355 = arith.mulf %get3A_354, %gather3A_171 : vector<16xf32>
        %get3A_356 = arith.index_cast %scan3A_138 : i32 to index
        %get3A_357 = arith.constant 112 : index
        %get3A_358 = tpu.vector_load %arg17[%get3A_356, %get3A_357] {strides = array<i32>} : memref<32x256xf32, #tpu.memory_space<vmem>>, vector<1x16xf32>,
        %get3A_359 = vector.shape_cast %get3A_358 : vector<1x16xf32> to vector<16xf32>
        %mul3A_360 = arith.mulf %get3A_359, %gather3A_184 : vector<16xf32>
        %add3A_361 = arith.addf %mul3A_355, %mul3A_360 : vector<16xf32>
        %get3A_362 = arith.index_cast %scan3A_138 : i32 to index
        %get3A_363 = arith.constant 112 : index
        %get3A_364 = tpu.vector_load %arg18[%get3A_362, %get3A_363] {strides = array<i32>} : memref<32x256xf32, #tpu.memory_space<vmem>>, vector<1x16xf32>,
        %get3A_365 = vector.shape_cast %get3A_364 : vector<1x16xf32> to vector<16xf32>
        %mul3A_366 = arith.mulf %get3A_365, %gather3A_197 : vector<16xf32>
        %add3A_367 = arith.addf %add3A_361, %mul3A_366 : vector<16xf32>
        %swap3A_368 = arith.index_cast %scan3A_138 : i32 to index
        %swap3A_369 = arith.constant 112 : index
        %swap3A_370 = tpu.vector_load %arg22[%swap3A_368, %swap3A_369] {strides = array<i32>} : memref<32x256xf32, #tpu.memory_space<vmem>>, vector<1x16xf32>,
        %swap3A_371 = vector.shape_cast %swap3A_370 : vector<1x16xf32> to vector<16xf32>
        %swap3A_372 = vector.shape_cast %add3A_367 : vector<16xf32> to vector<1x16xf32>
        tpu.vector_store %arg22[%swap3A_368, %swap3A_369], %swap3A_372 {strides = array<i32>} : memref<32x256xf32, #tpu.memory_space<vmem>>, vector<1x16xf32>,
        %get3A_373 = arith.index_cast %scan3A_138 : i32 to index
        %get3A_374 = arith.constant 128 : index
        %get3A_375 = tpu.vector_load %arg16[%get3A_373, %get3A_374] {strides = array<i32>} : memref<32x256xf32, #tpu.memory_space<vmem>>, vector<1x16xf32>,
        %get3A_376 = vector.shape_cast %get3A_375 : vector<1x16xf32> to vector<16xf32>
        %mul3A_377 = arith.mulf %get3A_376, %gather3A_171 : vector<16xf32>
        %get3A_378 = arith.index_cast %scan3A_138 : i32 to index
        %get3A_379 = arith.constant 128 : index
        %get3A_380 = tpu.vector_load %arg17[%get3A_378, %get3A_379] {strides = array<i32>} : memref<32x256xf32, #tpu.memory_space<vmem>>, vector<1x16xf32>,
        %get3A_381 = vector.shape_cast %get3A_380 : vector<1x16xf32> to vector<16xf32>
        %mul3A_382 = arith.mulf %get3A_381, %gather3A_184 : vector<16xf32>
        %add3A_383 = arith.addf %mul3A_377, %mul3A_382 : vector<16xf32>
        %get3A_384 = arith.index_cast %scan3A_138 : i32 to index
        %get3A_385 = arith.constant 128 : index
        %get3A_386 = tpu.vector_load %arg18[%get3A_384, %get3A_385] {strides = array<i32>} : memref<32x256xf32, #tpu.memory_space<vmem>>, vector<1x16xf32>,
        %get3A_387 = vector.shape_cast %get3A_386 : vector<1x16xf32> to vector<16xf32>
        %mul3A_388 = arith.mulf %get3A_387, %gather3A_197 : vector<16xf32>
        %add3A_389 = arith.addf %add3A_383, %mul3A_388 : vector<16xf32>
        %swap3A_390 = arith.index_cast %scan3A_138 : i32 to index
        %swap3A_391 = arith.constant 128 : index
        %swap3A_392 = tpu.vector_load %arg22[%swap3A_390, %swap3A_391] {strides = array<i32>} : memref<32x256xf32, #tpu.memory_space<vmem>>, vector<1x16xf32>,
        %swap3A_393 = vector.shape_cast %swap3A_392 : vector<1x16xf32> to vector<16xf32>
        %swap3A_394 = vector.shape_cast %add3A_389 : vector<16xf32> to vector<1x16xf32>
        tpu.vector_store %arg22[%swap3A_390, %swap3A_391], %swap3A_394 {strides = array<i32>} : memref<32x256xf32, #tpu.memory_space<vmem>>, vector<1x16xf32>,
        %get3A_395 = arith.index_cast %scan3A_138 : i32 to index
        %get3A_396 = arith.constant 144 : index
        %get3A_397 = tpu.vector_load %arg16[%get3A_395, %get3A_396] {strides = array<i32>} : memref<32x256xf32, #tpu.memory_space<vmem>>, vector<1x16xf32>,
        %get3A_398 = vector.shape_cast %get3A_397 : vector<1x16xf32> to vector<16xf32>
        %mul3A_399 = arith.mulf %get3A_398, %gather3A_171 : vector<16xf32>
        %get3A_400 = arith.index_cast %scan3A_138 : i32 to index
        %get3A_401 = arith.constant 144 : index
        %get3A_402 = tpu.vector_load %arg17[%get3A_400, %get3A_401] {strides = array<i32>} : memref<32x256xf32, #tpu.memory_space<vmem>>, vector<1x16xf32>,
        %get3A_403 = vector.shape_cast %get3A_402 : vector<1x16xf32> to vector<16xf32>
        %mul3A_404 = arith.mulf %get3A_403, %gather3A_184 : vector<16xf32>
        %add3A_405 = arith.addf %mul3A_399, %mul3A_404 : vector<16xf32>
        %get3A_406 = arith.index_cast %scan3A_138 : i32 to index
        %get3A_407 = arith.constant 144 : index
        %get3A_408 = tpu.vector_load %arg18[%get3A_406, %get3A_407] {strides = array<i32>} : memref<32x256xf32, #tpu.memory_space<vmem>>, vector<1x16xf32>,
        %get3A_409 = vector.shape_cast %get3A_408 : vector<1x16xf32> to vector<16xf32>
        %mul3A_410 = arith.mulf %get3A_409, %gather3A_197 : vector<16xf32>
        %add3A_411 = arith.addf %add3A_405, %mul3A_410 : vector<16xf32>
        %swap3A_412 = arith.index_cast %scan3A_138 : i32 to index
        %swap3A_413 = arith.constant 144 : index
        %swap3A_414 = tpu.vector_load %arg22[%swap3A_412, %swap3A_413] {strides = array<i32>} : memref<32x256xf32, #tpu.memory_space<vmem>>, vector<1x16xf32>,
        %swap3A_415 = vector.shape_cast %swap3A_414 : vector<1x16xf32> to vector<16xf32>
        %swap3A_416 = vector.shape_cast %add3A_411 : vector<16xf32> to vector<1x16xf32>
        tpu.vector_store %arg22[%swap3A_412, %swap3A_413], %swap3A_416 {strides = array<i32>} : memref<32x256xf32, #tpu.memory_space<vmem>>, vector<1x16xf32>,
        %get3A_417 = arith.index_cast %scan3A_138 : i32 to index
        %get3A_418 = arith.constant 160 : index
        %get3A_419 = tpu.vector_load %arg16[%get3A_417, %get3A_418] {strides = array<i32>} : memref<32x256xf32, #tpu.memory_space<vmem>>, vector<1x16xf32>,
        %get3A_420 = vector.shape_cast %get3A_419 : vector<1x16xf32> to vector<16xf32>
        %mul3A_421 = arith.mulf %get3A_420, %gather3A_171 : vector<16xf32>
        %get3A_422 = arith.index_cast %scan3A_138 : i32 to index
        %get3A_423 = arith.constant 160 : index
        %get3A_424 = tpu.vector_load %arg17[%get3A_422, %get3A_423] {strides = array<i32>} : memref<32x256xf32, #tpu.memory_space<vmem>>, vector<1x16xf32>,
        %get3A_425 = vector.shape_cast %get3A_424 : vector<1x16xf32> to vector<16xf32>
        %mul3A_426 = arith.mulf %get3A_425, %gather3A_184 : vector<16xf32>
        %add3A_427 = arith.addf %mul3A_421, %mul3A_426 : vector<16xf32>
        %get3A_428 = arith.index_cast %scan3A_138 : i32 to index
        %get3A_429 = arith.constant 160 : index
        %get3A_430 = tpu.vector_load %arg18[%get3A_428, %get3A_429] {strides = array<i32>} : memref<32x256xf32, #tpu.memory_space<vmem>>, vector<1x16xf32>,
        %get3A_431 = vector.shape_cast %get3A_430 : vector<1x16xf32> to vector<16xf32>
        %mul3A_432 = arith.mulf %get3A_431, %gather3A_197 : vector<16xf32>
        %add3A_433 = arith.addf %add3A_427, %mul3A_432 : vector<16xf32>
        %swap3A_434 = arith.index_cast %scan3A_138 : i32 to index
        %swap3A_435 = arith.constant 160 : index
        %swap3A_436 = tpu.vector_load %arg22[%swap3A_434, %swap3A_435] {strides = array<i32>} : memref<32x256xf32, #tpu.memory_space<vmem>>, vector<1x16xf32>,
        %swap3A_437 = vector.shape_cast %swap3A_436 : vector<1x16xf32> to vector<16xf32>
        %swap3A_438 = vector.shape_cast %add3A_433 : vector<16xf32> to vector<1x16xf32>
        tpu.vector_store %arg22[%swap3A_434, %swap3A_435], %swap3A_438 {strides = array<i32>} : memref<32x256xf32, #tpu.memory_space<vmem>>, vector<1x16xf32>,
        %get3A_439 = arith.index_cast %scan3A_138 : i32 to index
        %get3A_440 = arith.constant 176 : index
        %get3A_441 = tpu.vector_load %arg16[%get3A_439, %get3A_440] {strides = array<i32>} : memref<32x256xf32, #tpu.memory_space<vmem>>, vector<1x16xf32>,
        %get3A_442 = vector.shape_cast %get3A_441 : vector<1x16xf32> to vector<16xf32>
        %mul3A_443 = arith.mulf %get3A_442, %gather3A_171 : vector<16xf32>
        %get3A_444 = arith.index_cast %scan3A_138 : i32 to index
        %get3A_445 = arith.constant 176 : index
        %get3A_446 = tpu.vector_load %arg17[%get3A_444, %get3A_445] {strides = array<i32>} : memref<32x256xf32, #tpu.memory_space<vmem>>, vector<1x16xf32>,
        %get3A_447 = vector.shape_cast %get3A_446 : vector<1x16xf32> to vector<16xf32>
        %mul3A_448 = arith.mulf %get3A_447, %gather3A_184 : vector<16xf32>
        %add3A_449 = arith.addf %mul3A_443, %mul3A_448 : vector<16xf32>
        %get3A_450 = arith.index_cast %scan3A_138 : i32 to index
        %get3A_451 = arith.constant 176 : index
        %get3A_452 = tpu.vector_load %arg18[%get3A_450, %get3A_451] {strides = array<i32>} : memref<32x256xf32, #tpu.memory_space<vmem>>, vector<1x16xf32>,
        %get3A_453 = vector.shape_cast %get3A_452 : vector<1x16xf32> to vector<16xf32>
        %mul3A_454 = arith.mulf %get3A_453, %gather3A_197 : vector<16xf32>
        %add3A_455 = arith.addf %add3A_449, %mul3A_454 : vector<16xf32>
        %swap3A_456 = arith.index_cast %scan3A_138 : i32 to index
        %swap3A_457 = arith.constant 176 : index
        %swap3A_458 = tpu.vector_load %arg22[%swap3A_456, %swap3A_457] {strides = array<i32>} : memref<32x256xf32, #tpu.memory_space<vmem>>, vector<1x16xf32>,
        %swap3A_459 = vector.shape_cast %swap3A_458 : vector<1x16xf32> to vector<16xf32>
        %swap3A_460 = vector.shape_cast %add3A_455 : vector<16xf32> to vector<1x16xf32>
        tpu.vector_store %arg22[%swap3A_456, %swap3A_457], %swap3A_460 {strides = array<i32>} : memref<32x256xf32, #tpu.memory_space<vmem>>, vector<1x16xf32>,
        %get3A_461 = arith.index_cast %scan3A_138 : i32 to index
        %get3A_462 = arith.constant 192 : index
        %get3A_463 = tpu.vector_load %arg16[%get3A_461, %get3A_462] {strides = array<i32>} : memref<32x256xf32, #tpu.memory_space<vmem>>, vector<1x16xf32>,
        %get3A_464 = vector.shape_cast %get3A_463 : vector<1x16xf32> to vector<16xf32>
        %mul3A_465 = arith.mulf %get3A_464, %gather3A_171 : vector<16xf32>
        %get3A_466 = arith.index_cast %scan3A_138 : i32 to index
        %get3A_467 = arith.constant 192 : index
        %get3A_468 = tpu.vector_load %arg17[%get3A_466, %get3A_467] {strides = array<i32>} : memref<32x256xf32, #tpu.memory_space<vmem>>, vector<1x16xf32>,
        %get3A_469 = vector.shape_cast %get3A_468 : vector<1x16xf32> to vector<16xf32>
        %mul3A_470 = arith.mulf %get3A_469, %gather3A_184 : vector<16xf32>
        %add3A_471 = arith.addf %mul3A_465, %mul3A_470 : vector<16xf32>
        %get3A_472 = arith.index_cast %scan3A_138 : i32 to index
        %get3A_473 = arith.constant 192 : index
        %get3A_474 = tpu.vector_load %arg18[%get3A_472, %get3A_473] {strides = array<i32>} : memref<32x256xf32, #tpu.memory_space<vmem>>, vector<1x16xf32>,
        %get3A_475 = vector.shape_cast %get3A_474 : vector<1x16xf32> to vector<16xf32>
        %mul3A_476 = arith.mulf %get3A_475, %gather3A_197 : vector<16xf32>
        %add3A_477 = arith.addf %add3A_471, %mul3A_476 : vector<16xf32>
        %swap3A_478 = arith.index_cast %scan3A_138 : i32 to index
        %swap3A_479 = arith.constant 192 : index
        %swap3A_480 = tpu.vector_load %arg22[%swap3A_478, %swap3A_479] {strides = array<i32>} : memref<32x256xf32, #tpu.memory_space<vmem>>, vector<1x16xf32>,
        %swap3A_481 = vector.shape_cast %swap3A_480 : vector<1x16xf32> to vector<16xf32>
        %swap3A_482 = vector.shape_cast %add3A_477 : vector<16xf32> to vector<1x16xf32>
        tpu.vector_store %arg22[%swap3A_478, %swap3A_479], %swap3A_482 {strides = array<i32>} : memref<32x256xf32, #tpu.memory_space<vmem>>, vector<1x16xf32>,
        %get3A_483 = arith.index_cast %scan3A_138 : i32 to index
        %get3A_484 = arith.constant 208 : index
        %get3A_485 = tpu.vector_load %arg16[%get3A_483, %get3A_484] {strides = array<i32>} : memref<32x256xf32, #tpu.memory_space<vmem>>, vector<1x16xf32>,
        %get3A_486 = vector.shape_cast %get3A_485 : vector<1x16xf32> to vector<16xf32>
        %mul3A_487 = arith.mulf %get3A_486, %gather3A_171 : vector<16xf32>
        %get3A_488 = arith.index_cast %scan3A_138 : i32 to index
        %get3A_489 = arith.constant 208 : index
        %get3A_490 = tpu.vector_load %arg17[%get3A_488, %get3A_489] {strides = array<i32>} : memref<32x256xf32, #tpu.memory_space<vmem>>, vector<1x16xf32>,
        %get3A_491 = vector.shape_cast %get3A_490 : vector<1x16xf32> to vector<16xf32>
        %mul3A_492 = arith.mulf %get3A_491, %gather3A_184 : vector<16xf32>
        %add3A_493 = arith.addf %mul3A_487, %mul3A_492 : vector<16xf32>
        %get3A_494 = arith.index_cast %scan3A_138 : i32 to index
        %get3A_495 = arith.constant 208 : index
        %get3A_496 = tpu.vector_load %arg18[%get3A_494, %get3A_495] {strides = array<i32>} : memref<32x256xf32, #tpu.memory_space<vmem>>, vector<1x16xf32>,
        %get3A_497 = vector.shape_cast %get3A_496 : vector<1x16xf32> to vector<16xf32>
        %mul3A_498 = arith.mulf %get3A_497, %gather3A_197 : vector<16xf32>
        %add3A_499 = arith.addf %add3A_493, %mul3A_498 : vector<16xf32>
        %swap3A_500 = arith.index_cast %scan3A_138 : i32 to index
        %swap3A_501 = arith.constant 208 : index
        %swap3A_502 = tpu.vector_load %arg22[%swap3A_500, %swap3A_501] {strides = array<i32>} : memref<32x256xf32, #tpu.memory_space<vmem>>, vector<1x16xf32>,
        %swap3A_503 = vector.shape_cast %swap3A_502 : vector<1x16xf32> to vector<16xf32>
        %swap3A_504 = vector.shape_cast %add3A_499 : vector<16xf32> to vector<1x16xf32>
        tpu.vector_store %arg22[%swap3A_500, %swap3A_501], %swap3A_504 {strides = array<i32>} : memref<32x256xf32, #tpu.memory_space<vmem>>, vector<1x16xf32>,
        %get3A_505 = arith.index_cast %scan3A_138 : i32 to index
        %get3A_506 = arith.constant 224 : index
        %get3A_507 = tpu.vector_load %arg16[%get3A_505, %get3A_506] {strides = array<i32>} : memref<32x256xf32, #tpu.memory_space<vmem>>, vector<1x16xf32>,
        %get3A_508 = vector.shape_cast %get3A_507 : vector<1x16xf32> to vector<16xf32>
        %mul3A_509 = arith.mulf %get3A_508, %gather3A_171 : vector<16xf32>
        %get3A_510 = arith.index_cast %scan3A_138 : i32 to index
        %get3A_511 = arith.constant 224 : index
        %get3A_512 = tpu.vector_load %arg17[%get3A_510, %get3A_511] {strides = array<i32>} : memref<32x256xf32, #tpu.memory_space<vmem>>, vector<1x16xf32>,
        %get3A_513 = vector.shape_cast %get3A_512 : vector<1x16xf32> to vector<16xf32>
        %mul3A_514 = arith.mulf %get3A_513, %gather3A_184 : vector<16xf32>
        %add3A_515 = arith.addf %mul3A_509, %mul3A_514 : vector<16xf32>
        %get3A_516 = arith.index_cast %scan3A_138 : i32 to index
        %get3A_517 = arith.constant 224 : index
        %get3A_518 = tpu.vector_load %arg18[%get3A_516, %get3A_517] {strides = array<i32>} : memref<32x256xf32, #tpu.memory_space<vmem>>, vector<1x16xf32>,
        %get3A_519 = vector.shape_cast %get3A_518 : vector<1x16xf32> to vector<16xf32>
        %mul3A_520 = arith.mulf %get3A_519, %gather3A_197 : vector<16xf32>
        %add3A_521 = arith.addf %add3A_515, %mul3A_520 : vector<16xf32>
        %swap3A_522 = arith.index_cast %scan3A_138 : i32 to index
        %swap3A_523 = arith.constant 224 : index
        %swap3A_524 = tpu.vector_load %arg22[%swap3A_522, %swap3A_523] {strides = array<i32>} : memref<32x256xf32, #tpu.memory_space<vmem>>, vector<1x16xf32>,
        %swap3A_525 = vector.shape_cast %swap3A_524 : vector<1x16xf32> to vector<16xf32>
        %swap3A_526 = vector.shape_cast %add3A_521 : vector<16xf32> to vector<1x16xf32>
        tpu.vector_store %arg22[%swap3A_522, %swap3A_523], %swap3A_526 {strides = array<i32>} : memref<32x256xf32, #tpu.memory_space<vmem>>, vector<1x16xf32>,
        %get3A_527 = arith.index_cast %scan3A_138 : i32 to index
        %get3A_528 = arith.constant 240 : index
        %get3A_529 = tpu.vector_load %arg16[%get3A_527, %get3A_528] {strides = array<i32>} : memref<32x256xf32, #tpu.memory_space<vmem>>, vector<1x16xf32>,
        %get3A_530 = vector.shape_cast %get3A_529 : vector<1x16xf32> to vector<16xf32>
        %mul3A_531 = arith.mulf %get3A_530, %gather3A_171 : vector<16xf32>
        %get3A_532 = arith.index_cast %scan3A_138 : i32 to index
        %get3A_533 = arith.constant 240 : index
        %get3A_534 = tpu.vector_load %arg17[%get3A_532, %get3A_533] {strides = array<i32>} : memref<32x256xf32, #tpu.memory_space<vmem>>, vector<1x16xf32>,
        %get3A_535 = vector.shape_cast %get3A_534 : vector<1x16xf32> to vector<16xf32>
        %mul3A_536 = arith.mulf %get3A_535, %gather3A_184 : vector<16xf32>
        %add3A_537 = arith.addf %mul3A_531, %mul3A_536 : vector<16xf32>
        %get3A_538 = arith.index_cast %scan3A_138 : i32 to index
        %get3A_539 = arith.constant 240 : index
        %get3A_540 = tpu.vector_load %arg18[%get3A_538, %get3A_539] {strides = array<i32>} : memref<32x256xf32, #tpu.memory_space<vmem>>, vector<1x16xf32>,
        %get3A_541 = vector.shape_cast %get3A_540 : vector<1x16xf32> to vector<16xf32>
        %mul3A_542 = arith.mulf %get3A_541, %gather3A_197 : vector<16xf32>
        %add3A_543 = arith.addf %add3A_537, %mul3A_542 : vector<16xf32>
        %swap3A_544 = arith.index_cast %scan3A_138 : i32 to index
        %swap3A_545 = arith.constant 240 : index
        %swap3A_546 = tpu.vector_load %arg22[%swap3A_544, %swap3A_545] {strides = array<i32>} : memref<32x256xf32, #tpu.memory_space<vmem>>, vector<1x16xf32>,
        %swap3A_547 = vector.shape_cast %swap3A_546 : vector<1x16xf32> to vector<16xf32>
        %swap3A_548 = vector.shape_cast %add3A_543 : vector<16xf32> to vector<1x16xf32>
        tpu.vector_store %arg22[%swap3A_544, %swap3A_545], %swap3A_548 {strides = array<i32>} : memref<32x256xf32, #tpu.memory_space<vmem>>, vector<1x16xf32>,
        %scan3A_549 = arith.constant 0 : i32
        scf.yield %scan3A_549 : i32
      }
      %scan3A_83 = arith.constant 32 : i32
      %mul3A_84 = arith.constant 32 : i32
      %mul3A_85 = arith.muli %mul3A_40, %mul3A_84 : i32
      %add3A_86 = arith.addi %multiple_of3A, %mul3A_85 : i32
      %multiple_of3A_87 = tpu.assume_multiple %add3A_86, 32 : i32
      %dma_start3A_88 = arith.constant 0 : i32
      %dma_start3A_89 = tpu.memref_slice %arg9[%multiple_of3A_87, %dma_start3A_88] : memref<16384x256xf32, #tpu.memory_space<hbm>> -> memref<32x256xf32, #tpu.memory_space<hbm>>
      %dma_start3A_90 = arith.constant 0 : i32
      %dma_start3A_91 = tpu.memref_slice %arg9[%multiple_of3A_87, %dma_start3A_90] : memref<16384x256xf32, #tpu.memory_space<hbm>> -> memref<32x256xf32, #tpu.memory_space<hbm>>
      tpu.enqueue_dma source(%arg22 : memref<32x256xf32, #tpu.memory_space<vmem>>) target(%dma_start3A_91 : memref<32x256xf32, #tpu.memory_space<hbm>>) target_semaphore(%arg30 : memref<!tpu.dma_semaphore, #tpu.memory_space<semaphore_mem>>)
      %add3A_92 = arith.constant 1 : i32
      %add3A_93 = arith.addi %scan3A_37, %add3A_92 : i32
      %lt3A = arith.constant 8 : i32
      %lt3A_94 = arith.cmpi slt, %add3A_93, %lt3A : i32
      %convert_element_type3A_95 = arith.extui %lt3A_94 : i1 to i32
      %cond3A_96 = arith.constant 0 : i32
      %cond3A_97 = arith.cmpi ne, %convert_element_type3A_95, %cond3A_96 : i32
      scf.if %cond3A_97 {
        %add3A_138 = arith.constant 2 : i32
        %add3A_139 = arith.addi %mul3A_40, %add3A_138 : i32
        %mul3A_140 = arith.constant 32 : i32
        %mul3A_141 = arith.muli %add3A_139, %mul3A_140 : i32
        %multiple_of3A_142 = tpu.assume_multiple %mul3A_141, 32 : i32
        %dma_start3A_143 = tpu.memref_slice %arg10[%multiple_of3A_142] : memref<512xi32, #tpu.memory_space<vmem>> -> memref<32xi32, #tpu.memory_space<vmem>>
        %dma_start3A_144 = arith.constant 0 : i32
        %dma_start3A_145 = arith.constant 0 : i32
        %dma_start3A_146 = tpu.memref_slice %arg8[%dma_start3A_144, %dma_start3A_145] : memref<8192x256xf32, #tpu.memory_space<hbm>> -> memref<8192x256xf32, #tpu.memory_space<hbm>>
        tpu.enqueue_indirect_dma source(%dma_start3A_146 : memref<8192x256xf32, #tpu.memory_space<hbm>>) target(%arg16 : memref<32x256xf32, #tpu.memory_space<vmem>>) offsets(%dma_start3A_143 : memref<32xi32, #tpu.memory_space<vmem>>) semaphore(%arg24 : memref<!tpu.dma_semaphore, #tpu.memory_space<semaphore_mem>>)
        %dma_start3A_147 = tpu.memref_slice %arg11[%multiple_of3A_142] : memref<512xi32, #tpu.memory_space<vmem>> -> memref<32xi32, #tpu.memory_space<vmem>>
        %dma_start3A_148 = arith.constant 0 : i32
        %dma_start3A_149 = arith.constant 0 : i32
        %dma_start3A_150 = tpu.memref_slice %arg8[%dma_start3A_148, %dma_start3A_149] : memref<8192x256xf32, #tpu.memory_space<hbm>> -> memref<8192x256xf32, #tpu.memory_space<hbm>>
        tpu.enqueue_indirect_dma source(%dma_start3A_150 : memref<8192x256xf32, #tpu.memory_space<hbm>>) target(%arg17 : memref<32x256xf32, #tpu.memory_space<vmem>>) offsets(%dma_start3A_147 : memref<32xi32, #tpu.memory_space<vmem>>) semaphore(%arg25 : memref<!tpu.dma_semaphore, #tpu.memory_space<semaphore_mem>>)
        %dma_start3A_151 = tpu.memref_slice %arg12[%multiple_of3A_142] : memref<512xi32, #tpu.memory_space<vmem>> -> memref<32xi32, #tpu.memory_space<vmem>>
        %dma_start3A_152 = arith.constant 0 : i32
        %dma_start3A_153 = arith.constant 0 : i32
        %dma_start3A_154 = tpu.memref_slice %arg8[%dma_start3A_152, %dma_start3A_153] : memref<8192x256xf32, #tpu.memory_space<hbm>> -> memref<8192x256xf32, #tpu.memory_space<hbm>>
        tpu.enqueue_indirect_dma source(%dma_start3A_154 : memref<8192x256xf32, #tpu.memory_space<hbm>>) target(%arg18 : memref<32x256xf32, #tpu.memory_space<vmem>>) offsets(%dma_start3A_151 : memref<32xi32, #tpu.memory_space<vmem>>) semaphore(%arg26 : memref<!tpu.dma_semaphore, #tpu.memory_space<semaphore_mem>>)
      } else {
      }
      %add3A_98 = arith.constant 1 : i32
      %add3A_99 = arith.addi %mul3A_40, %add3A_98 : i32
      %mul3A_100 = arith.constant 32 : i32
      %mul3A_101 = arith.muli %add3A_99, %mul3A_100 : i32
      %multiple_of3A_102 = tpu.assume_multiple %mul3A_101, 32 : i32
      %dma_wait3A_103 = tpu.memref_slice %arg10[%multiple_of3A_102] : memref<512xi32, #tpu.memory_space<vmem>> -> memref<32xi32, #tpu.memory_space<vmem>>
      %dma_wait3A_104 = arith.constant 0 : i32
      %dma_wait3A_105 = arith.constant 0 : i32
      %dma_wait3A_106 = tpu.memref_slice %arg8[%dma_wait3A_104, %dma_wait3A_105] : memref<8192x256xf32, #tpu.memory_space<hbm>> -> memref<8192x256xf32, #tpu.memory_space<hbm>>
      tpu.wait_indirect_dma semaphore(%arg27 : memref<!tpu.dma_semaphore, #tpu.memory_space<semaphore_mem>>) src(%dma_wait3A_106 : memref<8192x256xf32, #tpu.memory_space<hbm>>) dst(%arg19 : memref<32x256xf32, #tpu.memory_space<vmem>>)
      %dma_wait3A_107 = tpu.memref_slice %arg11[%multiple_of3A_102] : memref<512xi32, #tpu.memory_space<vmem>> -> memref<32xi32, #tpu.memory_space<vmem>>
      %dma_wait3A_108 = arith.constant 0 : i32
      %dma_wait3A_109 = arith.constant 0 : i32
      %dma_wait3A_110 = tpu.memref_slice %arg8[%dma_wait3A_108, %dma_wait3A_109] : memref<8192x256xf32, #tpu.memory_space<hbm>> -> memref<8192x256xf32, #tpu.memory_space<hbm>>
      tpu.wait_indirect_dma semaphore(%arg28 : memref<!tpu.dma_semaphore, #tpu.memory_space<semaphore_mem>>) src(%dma_wait3A_110 : memref<8192x256xf32, #tpu.memory_space<hbm>>) dst(%arg20 : memref<32x256xf32, #tpu.memory_space<vmem>>)
      %dma_wait3A_111 = tpu.memref_slice %arg12[%multiple_of3A_102] : memref<512xi32, #tpu.memory_space<vmem>> -> memref<32xi32, #tpu.memory_space<vmem>>
      %dma_wait3A_112 = arith.constant 0 : i32
      %dma_wait3A_113 = arith.constant 0 : i32
      %dma_wait3A_114 = tpu.memref_slice %arg8[%dma_wait3A_112, %dma_wait3A_113] : memref<8192x256xf32, #tpu.memory_space<hbm>> -> memref<8192x256xf32, #tpu.memory_space<hbm>>
      tpu.wait_indirect_dma semaphore(%arg29 : memref<!tpu.dma_semaphore, #tpu.memory_space<semaphore_mem>>) src(%dma_wait3A_114 : memref<8192x256xf32, #tpu.memory_space<hbm>>) dst(%arg21 : memref<32x256xf32, #tpu.memory_space<vmem>>)
      %gt3A_115 = arith.constant 0 : i32
      %gt3A_116 = arith.cmpi sgt, %scan3A_37, %gt3A_115 : i32
      %convert_element_type3A_117 = arith.extui %gt3A_116 : i1 to i32
      %cond3A_118 = arith.constant 0 : i32
      %cond3A_119 = arith.cmpi ne, %convert_element_type3A_117, %cond3A_118 : i32
      scf.if %cond3A_119 {
        %mul3A_138 = arith.constant 32 : i32
        %mul3A_139 = arith.muli %add3A_99, %mul3A_138 : i32
        %add3A_140 = arith.addi %multiple_of3A, %mul3A_139 : i32
        %multiple_of3A_141 = tpu.assume_multiple %add3A_140, 32 : i32
        %dma_wait3A_142 = arith.constant 0 : i32
        %dma_wait3A_143 = tpu.memref_slice %arg9[%multiple_of3A_141, %dma_wait3A_142] : memref<16384x256xf32, #tpu.memory_space<hbm>> -> memref<32x256xf32, #tpu.memory_space<hbm>>
        %dma_wait3A_144 = arith.constant 0 : i32
        %dma_wait3A_145 = tpu.memref_slice %arg9[%multiple_of3A_141, %dma_wait3A_144] : memref<16384x256xf32, #tpu.memory_space<hbm>> -> memref<32x256xf32, #tpu.memory_space<hbm>>
        tpu.wait_dma2 semaphore(%arg31 : memref<!tpu.dma_semaphore, #tpu.memory_space<semaphore_mem>>) src(%arg23 : memref<32x256xf32, #tpu.memory_space<vmem>>) dst(%dma_wait3A_145 : memref<32x256xf32, #tpu.memory_space<hbm>>)
      } else {
      }
      %mul3A_120 = arith.constant 32 : i32
      %mul3A_121 = arith.muli %add3A_99, %mul3A_120 : i32
      %scan3A_122 = arith.constant 0 : i32
      %scan3A_123 = arith.constant 0 : i32
      %scan3A_124 = arith.constant 32 : i32
      %scan3A_125 = arith.addi %scan3A_123, %scan3A_124 : i32
      %scan3A_126 = arith.constant 1 : i32
      %scan3A_127 = scf.for %scan3A_138 = %scan3A_123 to %scan3A_125 step %scan3A_126 iter_args(%scan3A_139 = %scan3A_122) -> (i32)  : i32 {
        %add3A_140 = arith.addi %mul3A_121, %scan3A_138 : i32
        %jit3A = arith.constant 16 : i32
        %div3A = arith.divsi %add3A_140, %jit3A : i32
        %sign3A = arith.constant 0 : i32
        %sign3A_141 = arith.cmpi sgt, %add3A_140, %sign3A : i32
        %sign3A_142 = arith.extui %sign3A_141 : i1 to i32
        %sign3A_143 = arith.constant 0 : i32
        %sign3A_144 = arith.cmpi slt, %add3A_140, %sign3A_143 : i32
        %sign3A_145 = arith.extui %sign3A_144 : i1 to i32
        %sign3A_146 = arith.subi %sign3A_142, %sign3A_145 : i32
        %sign3A_147 = arith.constant 0 : i32
        %sign3A_148 = arith.cmpi sgt, %jit3A, %sign3A_147 : i32
        %sign3A_149 = arith.extui %sign3A_148 : i1 to i32
        %sign3A_150 = arith.constant 0 : i32
        %sign3A_151 = arith.cmpi slt, %jit3A, %sign3A_150 : i32
        %sign3A_152 = arith.extui %sign3A_151 : i1 to i32
        %sign3A_153 = arith.subi %sign3A_149, %sign3A_152 : i32
        %ne3A = arith.cmpi ne, %sign3A_146, %sign3A_153 : i32
        %rem3A = arith.remsi %add3A_140, %jit3A : i32
        %ne3A_154 = arith.constant 0 : i32
        %ne3A_155 = arith.cmpi ne, %rem3A, %ne3A_154 : i32
        %and3A = arith.andi %ne3A, %ne3A_155 : i1
        %sub3A = arith.constant 1 : i32
        %sub3A_156 = arith.subi %div3A, %sub3A : i32
        %select_n3A = arith.select %and3A, %sub3A_156, %div3A : i32
        %mul3A_157 = arith.constant 16 : i32
        %mul3A_158 = arith.muli %select_n3A, %mul3A_157 : i32
        %multiple_of3A_159 = tpu.assume_multiple %mul3A_158, 16 : i32
        %sub3A_160 = arith.subi %add3A_140, %multiple_of3A_159 : i32
        %broadcast_in_dim3A = vector.broadcast %sub3A_160 : i32 to vector<16xi32>
        %get3A = arith.index_cast %multiple_of3A_159 : i32 to index
        %get3A_161 = tpu.vector_load %arg13[%get3A] {strides = array<i32>} : memref<512xf32, #tpu.memory_space<vmem>>, vector<16xf32>,
        %get3A_162 = vector.shape_cast %get3A_161 : vector<16xf32> to vector<16xf32>
        %lt3A_163 = arith.constant 0 : i32
        %lt3A_164 = vector.broadcast %lt3A_163 : i32 to vector<16xi32>
        %lt3A_165 = arith.cmpi slt, %broadcast_in_dim3A, %lt3A_164 : vector<16xi32>
        %add3A_166 = arith.constant 16 : i32
        %add3A_167 = vector.broadcast %add3A_166 : i32 to vector<16xi32>
        %add3A_168 = arith.addi %broadcast_in_dim3A, %add3A_167 : vector<16xi32>
        %select_n3A_169 = arith.select %lt3A_165, %add3A_168, %broadcast_in_dim3A : vector<16xi1>, vector<16xi32>
        %broadcast_in_dim3A_170 = vector.shape_cast %select_n3A_169 : vector<16xi32> to vector<16x1xi32>
        %gather3A = vector.shape_cast %broadcast_in_dim3A_170 : vector<16x1xi32> to vector<16xi32>
        %gather3A_171 = tpu.dynamic_gather %get3A_162[%gather3A] in [0] : vector<16xf32>, vector<16xi32> -> vector<16xf32>
        %get3A_172 = arith.index_cast %multiple_of3A_159 : i32 to index
        %get3A_173 = tpu.vector_load %arg14[%get3A_172] {strides = array<i32>} : memref<512xf32, #tpu.memory_space<vmem>>, vector<16xf32>,
        %get3A_174 = vector.shape_cast %get3A_173 : vector<16xf32> to vector<16xf32>
        %lt3A_175 = arith.constant 0 : i32
        %lt3A_176 = vector.broadcast %lt3A_175 : i32 to vector<16xi32>
        %lt3A_177 = arith.cmpi slt, %broadcast_in_dim3A, %lt3A_176 : vector<16xi32>
        %add3A_178 = arith.constant 16 : i32
        %add3A_179 = vector.broadcast %add3A_178 : i32 to vector<16xi32>
        %add3A_180 = arith.addi %broadcast_in_dim3A, %add3A_179 : vector<16xi32>
        %select_n3A_181 = arith.select %lt3A_177, %add3A_180, %broadcast_in_dim3A : vector<16xi1>, vector<16xi32>
        %broadcast_in_dim3A_182 = vector.shape_cast %select_n3A_181 : vector<16xi32> to vector<16x1xi32>
        %gather3A_183 = vector.shape_cast %broadcast_in_dim3A_182 : vector<16x1xi32> to vector<16xi32>
        %gather3A_184 = tpu.dynamic_gather %get3A_174[%gather3A_183] in [0] : vector<16xf32>, vector<16xi32> -> vector<16xf32>
        %get3A_185 = arith.index_cast %multiple_of3A_159 : i32 to index
        %get3A_186 = tpu.vector_load %arg15[%get3A_185] {strides = array<i32>} : memref<512xf32, #tpu.memory_space<vmem>>, vector<16xf32>,
        %get3A_187 = vector.shape_cast %get3A_186 : vector<16xf32> to vector<16xf32>
        %lt3A_188 = arith.constant 0 : i32
        %lt3A_189 = vector.broadcast %lt3A_188 : i32 to vector<16xi32>
        %lt3A_190 = arith.cmpi slt, %broadcast_in_dim3A, %lt3A_189 : vector<16xi32>
        %add3A_191 = arith.constant 16 : i32
        %add3A_192 = vector.broadcast %add3A_191 : i32 to vector<16xi32>
        %add3A_193 = arith.addi %broadcast_in_dim3A, %add3A_192 : vector<16xi32>
        %select_n3A_194 = arith.select %lt3A_190, %add3A_193, %broadcast_in_dim3A : vector<16xi1>, vector<16xi32>
        %broadcast_in_dim3A_195 = vector.shape_cast %select_n3A_194 : vector<16xi32> to vector<16x1xi32>
        %gather3A_196 = vector.shape_cast %broadcast_in_dim3A_195 : vector<16x1xi32> to vector<16xi32>
        %gather3A_197 = tpu.dynamic_gather %get3A_187[%gather3A_196] in [0] : vector<16xf32>, vector<16xi32> -> vector<16xf32>
        %get3A_198 = arith.index_cast %scan3A_138 : i32 to index
        %get3A_199 = arith.constant 0 : index
        %get3A_200 = tpu.vector_load %arg19[%get3A_198, %get3A_199] {strides = array<i32>} : memref<32x256xf32, #tpu.memory_space<vmem>>, vector<1x16xf32>,
        %get3A_201 = vector.shape_cast %get3A_200 : vector<1x16xf32> to vector<16xf32>
        %mul3A_202 = arith.mulf %get3A_201, %gather3A_171 : vector<16xf32>
        %get3A_203 = arith.index_cast %scan3A_138 : i32 to index
        %get3A_204 = arith.constant 0 : index
        %get3A_205 = tpu.vector_load %arg20[%get3A_203, %get3A_204] {strides = array<i32>} : memref<32x256xf32, #tpu.memory_space<vmem>>, vector<1x16xf32>,
        %get3A_206 = vector.shape_cast %get3A_205 : vector<1x16xf32> to vector<16xf32>
        %mul3A_207 = arith.mulf %get3A_206, %gather3A_184 : vector<16xf32>
        %add3A_208 = arith.addf %mul3A_202, %mul3A_207 : vector<16xf32>
        %get3A_209 = arith.index_cast %scan3A_138 : i32 to index
        %get3A_210 = arith.constant 0 : index
        %get3A_211 = tpu.vector_load %arg21[%get3A_209, %get3A_210] {strides = array<i32>} : memref<32x256xf32, #tpu.memory_space<vmem>>, vector<1x16xf32>,
        %get3A_212 = vector.shape_cast %get3A_211 : vector<1x16xf32> to vector<16xf32>
        %mul3A_213 = arith.mulf %get3A_212, %gather3A_197 : vector<16xf32>
        %add3A_214 = arith.addf %add3A_208, %mul3A_213 : vector<16xf32>
        %swap3A = arith.index_cast %scan3A_138 : i32 to index
        %swap3A_215 = arith.constant 0 : index
        %swap3A_216 = tpu.vector_load %arg23[%swap3A, %swap3A_215] {strides = array<i32>} : memref<32x256xf32, #tpu.memory_space<vmem>>, vector<1x16xf32>,
        %swap3A_217 = vector.shape_cast %swap3A_216 : vector<1x16xf32> to vector<16xf32>
        %swap3A_218 = vector.shape_cast %add3A_214 : vector<16xf32> to vector<1x16xf32>
        tpu.vector_store %arg23[%swap3A, %swap3A_215], %swap3A_218 {strides = array<i32>} : memref<32x256xf32, #tpu.memory_space<vmem>>, vector<1x16xf32>,
        %get3A_219 = arith.index_cast %scan3A_138 : i32 to index
        %get3A_220 = arith.constant 16 : index
        %get3A_221 = tpu.vector_load %arg19[%get3A_219, %get3A_220] {strides = array<i32>} : memref<32x256xf32, #tpu.memory_space<vmem>>, vector<1x16xf32>,
        %get3A_222 = vector.shape_cast %get3A_221 : vector<1x16xf32> to vector<16xf32>
        %mul3A_223 = arith.mulf %get3A_222, %gather3A_171 : vector<16xf32>
        %get3A_224 = arith.index_cast %scan3A_138 : i32 to index
        %get3A_225 = arith.constant 16 : index
        %get3A_226 = tpu.vector_load %arg20[%get3A_224, %get3A_225] {strides = array<i32>} : memref<32x256xf32, #tpu.memory_space<vmem>>, vector<1x16xf32>,
        %get3A_227 = vector.shape_cast %get3A_226 : vector<1x16xf32> to vector<16xf32>
        %mul3A_228 = arith.mulf %get3A_227, %gather3A_184 : vector<16xf32>
        %add3A_229 = arith.addf %mul3A_223, %mul3A_228 : vector<16xf32>
        %get3A_230 = arith.index_cast %scan3A_138 : i32 to index
        %get3A_231 = arith.constant 16 : index
        %get3A_232 = tpu.vector_load %arg21[%get3A_230, %get3A_231] {strides = array<i32>} : memref<32x256xf32, #tpu.memory_space<vmem>>, vector<1x16xf32>,
        %get3A_233 = vector.shape_cast %get3A_232 : vector<1x16xf32> to vector<16xf32>
        %mul3A_234 = arith.mulf %get3A_233, %gather3A_197 : vector<16xf32>
        %add3A_235 = arith.addf %add3A_229, %mul3A_234 : vector<16xf32>
        %swap3A_236 = arith.index_cast %scan3A_138 : i32 to index
        %swap3A_237 = arith.constant 16 : index
        %swap3A_238 = tpu.vector_load %arg23[%swap3A_236, %swap3A_237] {strides = array<i32>} : memref<32x256xf32, #tpu.memory_space<vmem>>, vector<1x16xf32>,
        %swap3A_239 = vector.shape_cast %swap3A_238 : vector<1x16xf32> to vector<16xf32>
        %swap3A_240 = vector.shape_cast %add3A_235 : vector<16xf32> to vector<1x16xf32>
        tpu.vector_store %arg23[%swap3A_236, %swap3A_237], %swap3A_240 {strides = array<i32>} : memref<32x256xf32, #tpu.memory_space<vmem>>, vector<1x16xf32>,
        %get3A_241 = arith.index_cast %scan3A_138 : i32 to index
        %get3A_242 = arith.constant 32 : index
        %get3A_243 = tpu.vector_load %arg19[%get3A_241, %get3A_242] {strides = array<i32>} : memref<32x256xf32, #tpu.memory_space<vmem>>, vector<1x16xf32>,
        %get3A_244 = vector.shape_cast %get3A_243 : vector<1x16xf32> to vector<16xf32>
        %mul3A_245 = arith.mulf %get3A_244, %gather3A_171 : vector<16xf32>
        %get3A_246 = arith.index_cast %scan3A_138 : i32 to index
        %get3A_247 = arith.constant 32 : index
        %get3A_248 = tpu.vector_load %arg20[%get3A_246, %get3A_247] {strides = array<i32>} : memref<32x256xf32, #tpu.memory_space<vmem>>, vector<1x16xf32>,
        %get3A_249 = vector.shape_cast %get3A_248 : vector<1x16xf32> to vector<16xf32>
        %mul3A_250 = arith.mulf %get3A_249, %gather3A_184 : vector<16xf32>
        %add3A_251 = arith.addf %mul3A_245, %mul3A_250 : vector<16xf32>
        %get3A_252 = arith.index_cast %scan3A_138 : i32 to index
        %get3A_253 = arith.constant 32 : index
        %get3A_254 = tpu.vector_load %arg21[%get3A_252, %get3A_253] {strides = array<i32>} : memref<32x256xf32, #tpu.memory_space<vmem>>, vector<1x16xf32>,
        %get3A_255 = vector.shape_cast %get3A_254 : vector<1x16xf32> to vector<16xf32>
        %mul3A_256 = arith.mulf %get3A_255, %gather3A_197 : vector<16xf32>
        %add3A_257 = arith.addf %add3A_251, %mul3A_256 : vector<16xf32>
        %swap3A_258 = arith.index_cast %scan3A_138 : i32 to index
        %swap3A_259 = arith.constant 32 : index
        %swap3A_260 = tpu.vector_load %arg23[%swap3A_258, %swap3A_259] {strides = array<i32>} : memref<32x256xf32, #tpu.memory_space<vmem>>, vector<1x16xf32>,
        %swap3A_261 = vector.shape_cast %swap3A_260 : vector<1x16xf32> to vector<16xf32>
        %swap3A_262 = vector.shape_cast %add3A_257 : vector<16xf32> to vector<1x16xf32>
        tpu.vector_store %arg23[%swap3A_258, %swap3A_259], %swap3A_262 {strides = array<i32>} : memref<32x256xf32, #tpu.memory_space<vmem>>, vector<1x16xf32>,
        %get3A_263 = arith.index_cast %scan3A_138 : i32 to index
        %get3A_264 = arith.constant 48 : index
        %get3A_265 = tpu.vector_load %arg19[%get3A_263, %get3A_264] {strides = array<i32>} : memref<32x256xf32, #tpu.memory_space<vmem>>, vector<1x16xf32>,
        %get3A_266 = vector.shape_cast %get3A_265 : vector<1x16xf32> to vector<16xf32>
        %mul3A_267 = arith.mulf %get3A_266, %gather3A_171 : vector<16xf32>
        %get3A_268 = arith.index_cast %scan3A_138 : i32 to index
        %get3A_269 = arith.constant 48 : index
        %get3A_270 = tpu.vector_load %arg20[%get3A_268, %get3A_269] {strides = array<i32>} : memref<32x256xf32, #tpu.memory_space<vmem>>, vector<1x16xf32>,
        %get3A_271 = vector.shape_cast %get3A_270 : vector<1x16xf32> to vector<16xf32>
        %mul3A_272 = arith.mulf %get3A_271, %gather3A_184 : vector<16xf32>
        %add3A_273 = arith.addf %mul3A_267, %mul3A_272 : vector<16xf32>
        %get3A_274 = arith.index_cast %scan3A_138 : i32 to index
        %get3A_275 = arith.constant 48 : index
        %get3A_276 = tpu.vector_load %arg21[%get3A_274, %get3A_275] {strides = array<i32>} : memref<32x256xf32, #tpu.memory_space<vmem>>, vector<1x16xf32>,
        %get3A_277 = vector.shape_cast %get3A_276 : vector<1x16xf32> to vector<16xf32>
        %mul3A_278 = arith.mulf %get3A_277, %gather3A_197 : vector<16xf32>
        %add3A_279 = arith.addf %add3A_273, %mul3A_278 : vector<16xf32>
        %swap3A_280 = arith.index_cast %scan3A_138 : i32 to index
        %swap3A_281 = arith.constant 48 : index
        %swap3A_282 = tpu.vector_load %arg23[%swap3A_280, %swap3A_281] {strides = array<i32>} : memref<32x256xf32, #tpu.memory_space<vmem>>, vector<1x16xf32>,
        %swap3A_283 = vector.shape_cast %swap3A_282 : vector<1x16xf32> to vector<16xf32>
        %swap3A_284 = vector.shape_cast %add3A_279 : vector<16xf32> to vector<1x16xf32>
        tpu.vector_store %arg23[%swap3A_280, %swap3A_281], %swap3A_284 {strides = array<i32>} : memref<32x256xf32, #tpu.memory_space<vmem>>, vector<1x16xf32>,
        %get3A_285 = arith.index_cast %scan3A_138 : i32 to index
        %get3A_286 = arith.constant 64 : index
        %get3A_287 = tpu.vector_load %arg19[%get3A_285, %get3A_286] {strides = array<i32>} : memref<32x256xf32, #tpu.memory_space<vmem>>, vector<1x16xf32>,
        %get3A_288 = vector.shape_cast %get3A_287 : vector<1x16xf32> to vector<16xf32>
        %mul3A_289 = arith.mulf %get3A_288, %gather3A_171 : vector<16xf32>
        %get3A_290 = arith.index_cast %scan3A_138 : i32 to index
        %get3A_291 = arith.constant 64 : index
        %get3A_292 = tpu.vector_load %arg20[%get3A_290, %get3A_291] {strides = array<i32>} : memref<32x256xf32, #tpu.memory_space<vmem>>, vector<1x16xf32>,
        %get3A_293 = vector.shape_cast %get3A_292 : vector<1x16xf32> to vector<16xf32>
        %mul3A_294 = arith.mulf %get3A_293, %gather3A_184 : vector<16xf32>
        %add3A_295 = arith.addf %mul3A_289, %mul3A_294 : vector<16xf32>
        %get3A_296 = arith.index_cast %scan3A_138 : i32 to index
        %get3A_297 = arith.constant 64 : index
        %get3A_298 = tpu.vector_load %arg21[%get3A_296, %get3A_297] {strides = array<i32>} : memref<32x256xf32, #tpu.memory_space<vmem>>, vector<1x16xf32>,
        %get3A_299 = vector.shape_cast %get3A_298 : vector<1x16xf32> to vector<16xf32>
        %mul3A_300 = arith.mulf %get3A_299, %gather3A_197 : vector<16xf32>
        %add3A_301 = arith.addf %add3A_295, %mul3A_300 : vector<16xf32>
        %swap3A_302 = arith.index_cast %scan3A_138 : i32 to index
        %swap3A_303 = arith.constant 64 : index
        %swap3A_304 = tpu.vector_load %arg23[%swap3A_302, %swap3A_303] {strides = array<i32>} : memref<32x256xf32, #tpu.memory_space<vmem>>, vector<1x16xf32>,
        %swap3A_305 = vector.shape_cast %swap3A_304 : vector<1x16xf32> to vector<16xf32>
        %swap3A_306 = vector.shape_cast %add3A_301 : vector<16xf32> to vector<1x16xf32>
        tpu.vector_store %arg23[%swap3A_302, %swap3A_303], %swap3A_306 {strides = array<i32>} : memref<32x256xf32, #tpu.memory_space<vmem>>, vector<1x16xf32>,
        %get3A_307 = arith.index_cast %scan3A_138 : i32 to index
        %get3A_308 = arith.constant 80 : index
        %get3A_309 = tpu.vector_load %arg19[%get3A_307, %get3A_308] {strides = array<i32>} : memref<32x256xf32, #tpu.memory_space<vmem>>, vector<1x16xf32>,
        %get3A_310 = vector.shape_cast %get3A_309 : vector<1x16xf32> to vector<16xf32>
        %mul3A_311 = arith.mulf %get3A_310, %gather3A_171 : vector<16xf32>
        %get3A_312 = arith.index_cast %scan3A_138 : i32 to index
        %get3A_313 = arith.constant 80 : index
        %get3A_314 = tpu.vector_load %arg20[%get3A_312, %get3A_313] {strides = array<i32>} : memref<32x256xf32, #tpu.memory_space<vmem>>, vector<1x16xf32>,
        %get3A_315 = vector.shape_cast %get3A_314 : vector<1x16xf32> to vector<16xf32>
        %mul3A_316 = arith.mulf %get3A_315, %gather3A_184 : vector<16xf32>
        %add3A_317 = arith.addf %mul3A_311, %mul3A_316 : vector<16xf32>
        %get3A_318 = arith.index_cast %scan3A_138 : i32 to index
        %get3A_319 = arith.constant 80 : index
        %get3A_320 = tpu.vector_load %arg21[%get3A_318, %get3A_319] {strides = array<i32>} : memref<32x256xf32, #tpu.memory_space<vmem>>, vector<1x16xf32>,
        %get3A_321 = vector.shape_cast %get3A_320 : vector<1x16xf32> to vector<16xf32>
        %mul3A_322 = arith.mulf %get3A_321, %gather3A_197 : vector<16xf32>
        %add3A_323 = arith.addf %add3A_317, %mul3A_322 : vector<16xf32>
        %swap3A_324 = arith.index_cast %scan3A_138 : i32 to index
        %swap3A_325 = arith.constant 80 : index
        %swap3A_326 = tpu.vector_load %arg23[%swap3A_324, %swap3A_325] {strides = array<i32>} : memref<32x256xf32, #tpu.memory_space<vmem>>, vector<1x16xf32>,
        %swap3A_327 = vector.shape_cast %swap3A_326 : vector<1x16xf32> to vector<16xf32>
        %swap3A_328 = vector.shape_cast %add3A_323 : vector<16xf32> to vector<1x16xf32>
        tpu.vector_store %arg23[%swap3A_324, %swap3A_325], %swap3A_328 {strides = array<i32>} : memref<32x256xf32, #tpu.memory_space<vmem>>, vector<1x16xf32>,
        %get3A_329 = arith.index_cast %scan3A_138 : i32 to index
        %get3A_330 = arith.constant 96 : index
        %get3A_331 = tpu.vector_load %arg19[%get3A_329, %get3A_330] {strides = array<i32>} : memref<32x256xf32, #tpu.memory_space<vmem>>, vector<1x16xf32>,
        %get3A_332 = vector.shape_cast %get3A_331 : vector<1x16xf32> to vector<16xf32>
        %mul3A_333 = arith.mulf %get3A_332, %gather3A_171 : vector<16xf32>
        %get3A_334 = arith.index_cast %scan3A_138 : i32 to index
        %get3A_335 = arith.constant 96 : index
        %get3A_336 = tpu.vector_load %arg20[%get3A_334, %get3A_335] {strides = array<i32>} : memref<32x256xf32, #tpu.memory_space<vmem>>, vector<1x16xf32>,
        %get3A_337 = vector.shape_cast %get3A_336 : vector<1x16xf32> to vector<16xf32>
        %mul3A_338 = arith.mulf %get3A_337, %gather3A_184 : vector<16xf32>
        %add3A_339 = arith.addf %mul3A_333, %mul3A_338 : vector<16xf32>
        %get3A_340 = arith.index_cast %scan3A_138 : i32 to index
        %get3A_341 = arith.constant 96 : index
        %get3A_342 = tpu.vector_load %arg21[%get3A_340, %get3A_341] {strides = array<i32>} : memref<32x256xf32, #tpu.memory_space<vmem>>, vector<1x16xf32>,
        %get3A_343 = vector.shape_cast %get3A_342 : vector<1x16xf32> to vector<16xf32>
        %mul3A_344 = arith.mulf %get3A_343, %gather3A_197 : vector<16xf32>
        %add3A_345 = arith.addf %add3A_339, %mul3A_344 : vector<16xf32>
        %swap3A_346 = arith.index_cast %scan3A_138 : i32 to index
        %swap3A_347 = arith.constant 96 : index
        %swap3A_348 = tpu.vector_load %arg23[%swap3A_346, %swap3A_347] {strides = array<i32>} : memref<32x256xf32, #tpu.memory_space<vmem>>, vector<1x16xf32>,
        %swap3A_349 = vector.shape_cast %swap3A_348 : vector<1x16xf32> to vector<16xf32>
        %swap3A_350 = vector.shape_cast %add3A_345 : vector<16xf32> to vector<1x16xf32>
        tpu.vector_store %arg23[%swap3A_346, %swap3A_347], %swap3A_350 {strides = array<i32>} : memref<32x256xf32, #tpu.memory_space<vmem>>, vector<1x16xf32>,
        %get3A_351 = arith.index_cast %scan3A_138 : i32 to index
        %get3A_352 = arith.constant 112 : index
        %get3A_353 = tpu.vector_load %arg19[%get3A_351, %get3A_352] {strides = array<i32>} : memref<32x256xf32, #tpu.memory_space<vmem>>, vector<1x16xf32>,
        %get3A_354 = vector.shape_cast %get3A_353 : vector<1x16xf32> to vector<16xf32>
        %mul3A_355 = arith.mulf %get3A_354, %gather3A_171 : vector<16xf32>
        %get3A_356 = arith.index_cast %scan3A_138 : i32 to index
        %get3A_357 = arith.constant 112 : index
        %get3A_358 = tpu.vector_load %arg20[%get3A_356, %get3A_357] {strides = array<i32>} : memref<32x256xf32, #tpu.memory_space<vmem>>, vector<1x16xf32>,
        %get3A_359 = vector.shape_cast %get3A_358 : vector<1x16xf32> to vector<16xf32>
        %mul3A_360 = arith.mulf %get3A_359, %gather3A_184 : vector<16xf32>
        %add3A_361 = arith.addf %mul3A_355, %mul3A_360 : vector<16xf32>
        %get3A_362 = arith.index_cast %scan3A_138 : i32 to index
        %get3A_363 = arith.constant 112 : index
        %get3A_364 = tpu.vector_load %arg21[%get3A_362, %get3A_363] {strides = array<i32>} : memref<32x256xf32, #tpu.memory_space<vmem>>, vector<1x16xf32>,
        %get3A_365 = vector.shape_cast %get3A_364 : vector<1x16xf32> to vector<16xf32>
        %mul3A_366 = arith.mulf %get3A_365, %gather3A_197 : vector<16xf32>
        %add3A_367 = arith.addf %add3A_361, %mul3A_366 : vector<16xf32>
        %swap3A_368 = arith.index_cast %scan3A_138 : i32 to index
        %swap3A_369 = arith.constant 112 : index
        %swap3A_370 = tpu.vector_load %arg23[%swap3A_368, %swap3A_369] {strides = array<i32>} : memref<32x256xf32, #tpu.memory_space<vmem>>, vector<1x16xf32>,
        %swap3A_371 = vector.shape_cast %swap3A_370 : vector<1x16xf32> to vector<16xf32>
        %swap3A_372 = vector.shape_cast %add3A_367 : vector<16xf32> to vector<1x16xf32>
        tpu.vector_store %arg23[%swap3A_368, %swap3A_369], %swap3A_372 {strides = array<i32>} : memref<32x256xf32, #tpu.memory_space<vmem>>, vector<1x16xf32>,
        %get3A_373 = arith.index_cast %scan3A_138 : i32 to index
        %get3A_374 = arith.constant 128 : index
        %get3A_375 = tpu.vector_load %arg19[%get3A_373, %get3A_374] {strides = array<i32>} : memref<32x256xf32, #tpu.memory_space<vmem>>, vector<1x16xf32>,
        %get3A_376 = vector.shape_cast %get3A_375 : vector<1x16xf32> to vector<16xf32>
        %mul3A_377 = arith.mulf %get3A_376, %gather3A_171 : vector<16xf32>
        %get3A_378 = arith.index_cast %scan3A_138 : i32 to index
        %get3A_379 = arith.constant 128 : index
        %get3A_380 = tpu.vector_load %arg20[%get3A_378, %get3A_379] {strides = array<i32>} : memref<32x256xf32, #tpu.memory_space<vmem>>, vector<1x16xf32>,
        %get3A_381 = vector.shape_cast %get3A_380 : vector<1x16xf32> to vector<16xf32>
        %mul3A_382 = arith.mulf %get3A_381, %gather3A_184 : vector<16xf32>
        %add3A_383 = arith.addf %mul3A_377, %mul3A_382 : vector<16xf32>
        %get3A_384 = arith.index_cast %scan3A_138 : i32 to index
        %get3A_385 = arith.constant 128 : index
        %get3A_386 = tpu.vector_load %arg21[%get3A_384, %get3A_385] {strides = array<i32>} : memref<32x256xf32, #tpu.memory_space<vmem>>, vector<1x16xf32>,
        %get3A_387 = vector.shape_cast %get3A_386 : vector<1x16xf32> to vector<16xf32>
        %mul3A_388 = arith.mulf %get3A_387, %gather3A_197 : vector<16xf32>
        %add3A_389 = arith.addf %add3A_383, %mul3A_388 : vector<16xf32>
        %swap3A_390 = arith.index_cast %scan3A_138 : i32 to index
        %swap3A_391 = arith.constant 128 : index
        %swap3A_392 = tpu.vector_load %arg23[%swap3A_390, %swap3A_391] {strides = array<i32>} : memref<32x256xf32, #tpu.memory_space<vmem>>, vector<1x16xf32>,
        %swap3A_393 = vector.shape_cast %swap3A_392 : vector<1x16xf32> to vector<16xf32>
        %swap3A_394 = vector.shape_cast %add3A_389 : vector<16xf32> to vector<1x16xf32>
        tpu.vector_store %arg23[%swap3A_390, %swap3A_391], %swap3A_394 {strides = array<i32>} : memref<32x256xf32, #tpu.memory_space<vmem>>, vector<1x16xf32>,
        %get3A_395 = arith.index_cast %scan3A_138 : i32 to index
        %get3A_396 = arith.constant 144 : index
        %get3A_397 = tpu.vector_load %arg19[%get3A_395, %get3A_396] {strides = array<i32>} : memref<32x256xf32, #tpu.memory_space<vmem>>, vector<1x16xf32>,
        %get3A_398 = vector.shape_cast %get3A_397 : vector<1x16xf32> to vector<16xf32>
        %mul3A_399 = arith.mulf %get3A_398, %gather3A_171 : vector<16xf32>
        %get3A_400 = arith.index_cast %scan3A_138 : i32 to index
        %get3A_401 = arith.constant 144 : index
        %get3A_402 = tpu.vector_load %arg20[%get3A_400, %get3A_401] {strides = array<i32>} : memref<32x256xf32, #tpu.memory_space<vmem>>, vector<1x16xf32>,
        %get3A_403 = vector.shape_cast %get3A_402 : vector<1x16xf32> to vector<16xf32>
        %mul3A_404 = arith.mulf %get3A_403, %gather3A_184 : vector<16xf32>
        %add3A_405 = arith.addf %mul3A_399, %mul3A_404 : vector<16xf32>
        %get3A_406 = arith.index_cast %scan3A_138 : i32 to index
        %get3A_407 = arith.constant 144 : index
        %get3A_408 = tpu.vector_load %arg21[%get3A_406, %get3A_407] {strides = array<i32>} : memref<32x256xf32, #tpu.memory_space<vmem>>, vector<1x16xf32>,
        %get3A_409 = vector.shape_cast %get3A_408 : vector<1x16xf32> to vector<16xf32>
        %mul3A_410 = arith.mulf %get3A_409, %gather3A_197 : vector<16xf32>
        %add3A_411 = arith.addf %add3A_405, %mul3A_410 : vector<16xf32>
        %swap3A_412 = arith.index_cast %scan3A_138 : i32 to index
        %swap3A_413 = arith.constant 144 : index
        %swap3A_414 = tpu.vector_load %arg23[%swap3A_412, %swap3A_413] {strides = array<i32>} : memref<32x256xf32, #tpu.memory_space<vmem>>, vector<1x16xf32>,
        %swap3A_415 = vector.shape_cast %swap3A_414 : vector<1x16xf32> to vector<16xf32>
        %swap3A_416 = vector.shape_cast %add3A_411 : vector<16xf32> to vector<1x16xf32>
        tpu.vector_store %arg23[%swap3A_412, %swap3A_413], %swap3A_416 {strides = array<i32>} : memref<32x256xf32, #tpu.memory_space<vmem>>, vector<1x16xf32>,
        %get3A_417 = arith.index_cast %scan3A_138 : i32 to index
        %get3A_418 = arith.constant 160 : index
        %get3A_419 = tpu.vector_load %arg19[%get3A_417, %get3A_418] {strides = array<i32>} : memref<32x256xf32, #tpu.memory_space<vmem>>, vector<1x16xf32>,
        %get3A_420 = vector.shape_cast %get3A_419 : vector<1x16xf32> to vector<16xf32>
        %mul3A_421 = arith.mulf %get3A_420, %gather3A_171 : vector<16xf32>
        %get3A_422 = arith.index_cast %scan3A_138 : i32 to index
        %get3A_423 = arith.constant 160 : index
        %get3A_424 = tpu.vector_load %arg20[%get3A_422, %get3A_423] {strides = array<i32>} : memref<32x256xf32, #tpu.memory_space<vmem>>, vector<1x16xf32>,
        %get3A_425 = vector.shape_cast %get3A_424 : vector<1x16xf32> to vector<16xf32>
        %mul3A_426 = arith.mulf %get3A_425, %gather3A_184 : vector<16xf32>
        %add3A_427 = arith.addf %mul3A_421, %mul3A_426 : vector<16xf32>
        %get3A_428 = arith.index_cast %scan3A_138 : i32 to index
        %get3A_429 = arith.constant 160 : index
        %get3A_430 = tpu.vector_load %arg21[%get3A_428, %get3A_429] {strides = array<i32>} : memref<32x256xf32, #tpu.memory_space<vmem>>, vector<1x16xf32>,
        %get3A_431 = vector.shape_cast %get3A_430 : vector<1x16xf32> to vector<16xf32>
        %mul3A_432 = arith.mulf %get3A_431, %gather3A_197 : vector<16xf32>
        %add3A_433 = arith.addf %add3A_427, %mul3A_432 : vector<16xf32>
        %swap3A_434 = arith.index_cast %scan3A_138 : i32 to index
        %swap3A_435 = arith.constant 160 : index
        %swap3A_436 = tpu.vector_load %arg23[%swap3A_434, %swap3A_435] {strides = array<i32>} : memref<32x256xf32, #tpu.memory_space<vmem>>, vector<1x16xf32>,
        %swap3A_437 = vector.shape_cast %swap3A_436 : vector<1x16xf32> to vector<16xf32>
        %swap3A_438 = vector.shape_cast %add3A_433 : vector<16xf32> to vector<1x16xf32>
        tpu.vector_store %arg23[%swap3A_434, %swap3A_435], %swap3A_438 {strides = array<i32>} : memref<32x256xf32, #tpu.memory_space<vmem>>, vector<1x16xf32>,
        %get3A_439 = arith.index_cast %scan3A_138 : i32 to index
        %get3A_440 = arith.constant 176 : index
        %get3A_441 = tpu.vector_load %arg19[%get3A_439, %get3A_440] {strides = array<i32>} : memref<32x256xf32, #tpu.memory_space<vmem>>, vector<1x16xf32>,
        %get3A_442 = vector.shape_cast %get3A_441 : vector<1x16xf32> to vector<16xf32>
        %mul3A_443 = arith.mulf %get3A_442, %gather3A_171 : vector<16xf32>
        %get3A_444 = arith.index_cast %scan3A_138 : i32 to index
        %get3A_445 = arith.constant 176 : index
        %get3A_446 = tpu.vector_load %arg20[%get3A_444, %get3A_445] {strides = array<i32>} : memref<32x256xf32, #tpu.memory_space<vmem>>, vector<1x16xf32>,
        %get3A_447 = vector.shape_cast %get3A_446 : vector<1x16xf32> to vector<16xf32>
        %mul3A_448 = arith.mulf %get3A_447, %gather3A_184 : vector<16xf32>
        %add3A_449 = arith.addf %mul3A_443, %mul3A_448 : vector<16xf32>
        %get3A_450 = arith.index_cast %scan3A_138 : i32 to index
        %get3A_451 = arith.constant 176 : index
        %get3A_452 = tpu.vector_load %arg21[%get3A_450, %get3A_451] {strides = array<i32>} : memref<32x256xf32, #tpu.memory_space<vmem>>, vector<1x16xf32>,
        %get3A_453 = vector.shape_cast %get3A_452 : vector<1x16xf32> to vector<16xf32>
        %mul3A_454 = arith.mulf %get3A_453, %gather3A_197 : vector<16xf32>
        %add3A_455 = arith.addf %add3A_449, %mul3A_454 : vector<16xf32>
        %swap3A_456 = arith.index_cast %scan3A_138 : i32 to index
        %swap3A_457 = arith.constant 176 : index
        %swap3A_458 = tpu.vector_load %arg23[%swap3A_456, %swap3A_457] {strides = array<i32>} : memref<32x256xf32, #tpu.memory_space<vmem>>, vector<1x16xf32>,
        %swap3A_459 = vector.shape_cast %swap3A_458 : vector<1x16xf32> to vector<16xf32>
        %swap3A_460 = vector.shape_cast %add3A_455 : vector<16xf32> to vector<1x16xf32>
        tpu.vector_store %arg23[%swap3A_456, %swap3A_457], %swap3A_460 {strides = array<i32>} : memref<32x256xf32, #tpu.memory_space<vmem>>, vector<1x16xf32>,
        %get3A_461 = arith.index_cast %scan3A_138 : i32 to index
        %get3A_462 = arith.constant 192 : index
        %get3A_463 = tpu.vector_load %arg19[%get3A_461, %get3A_462] {strides = array<i32>} : memref<32x256xf32, #tpu.memory_space<vmem>>, vector<1x16xf32>,
        %get3A_464 = vector.shape_cast %get3A_463 : vector<1x16xf32> to vector<16xf32>
        %mul3A_465 = arith.mulf %get3A_464, %gather3A_171 : vector<16xf32>
        %get3A_466 = arith.index_cast %scan3A_138 : i32 to index
        %get3A_467 = arith.constant 192 : index
        %get3A_468 = tpu.vector_load %arg20[%get3A_466, %get3A_467] {strides = array<i32>} : memref<32x256xf32, #tpu.memory_space<vmem>>, vector<1x16xf32>,
        %get3A_469 = vector.shape_cast %get3A_468 : vector<1x16xf32> to vector<16xf32>
        %mul3A_470 = arith.mulf %get3A_469, %gather3A_184 : vector<16xf32>
        %add3A_471 = arith.addf %mul3A_465, %mul3A_470 : vector<16xf32>
        %get3A_472 = arith.index_cast %scan3A_138 : i32 to index
        %get3A_473 = arith.constant 192 : index
        %get3A_474 = tpu.vector_load %arg21[%get3A_472, %get3A_473] {strides = array<i32>} : memref<32x256xf32, #tpu.memory_space<vmem>>, vector<1x16xf32>,
        %get3A_475 = vector.shape_cast %get3A_474 : vector<1x16xf32> to vector<16xf32>
        %mul3A_476 = arith.mulf %get3A_475, %gather3A_197 : vector<16xf32>
        %add3A_477 = arith.addf %add3A_471, %mul3A_476 : vector<16xf32>
        %swap3A_478 = arith.index_cast %scan3A_138 : i32 to index
        %swap3A_479 = arith.constant 192 : index
        %swap3A_480 = tpu.vector_load %arg23[%swap3A_478, %swap3A_479] {strides = array<i32>} : memref<32x256xf32, #tpu.memory_space<vmem>>, vector<1x16xf32>,
        %swap3A_481 = vector.shape_cast %swap3A_480 : vector<1x16xf32> to vector<16xf32>
        %swap3A_482 = vector.shape_cast %add3A_477 : vector<16xf32> to vector<1x16xf32>
        tpu.vector_store %arg23[%swap3A_478, %swap3A_479], %swap3A_482 {strides = array<i32>} : memref<32x256xf32, #tpu.memory_space<vmem>>, vector<1x16xf32>,
        %get3A_483 = arith.index_cast %scan3A_138 : i32 to index
        %get3A_484 = arith.constant 208 : index
        %get3A_485 = tpu.vector_load %arg19[%get3A_483, %get3A_484] {strides = array<i32>} : memref<32x256xf32, #tpu.memory_space<vmem>>, vector<1x16xf32>,
        %get3A_486 = vector.shape_cast %get3A_485 : vector<1x16xf32> to vector<16xf32>
        %mul3A_487 = arith.mulf %get3A_486, %gather3A_171 : vector<16xf32>
        %get3A_488 = arith.index_cast %scan3A_138 : i32 to index
        %get3A_489 = arith.constant 208 : index
        %get3A_490 = tpu.vector_load %arg20[%get3A_488, %get3A_489] {strides = array<i32>} : memref<32x256xf32, #tpu.memory_space<vmem>>, vector<1x16xf32>,
        %get3A_491 = vector.shape_cast %get3A_490 : vector<1x16xf32> to vector<16xf32>
        %mul3A_492 = arith.mulf %get3A_491, %gather3A_184 : vector<16xf32>
        %add3A_493 = arith.addf %mul3A_487, %mul3A_492 : vector<16xf32>
        %get3A_494 = arith.index_cast %scan3A_138 : i32 to index
        %get3A_495 = arith.constant 208 : index
        %get3A_496 = tpu.vector_load %arg21[%get3A_494, %get3A_495] {strides = array<i32>} : memref<32x256xf32, #tpu.memory_space<vmem>>, vector<1x16xf32>,
        %get3A_497 = vector.shape_cast %get3A_496 : vector<1x16xf32> to vector<16xf32>
        %mul3A_498 = arith.mulf %get3A_497, %gather3A_197 : vector<16xf32>
        %add3A_499 = arith.addf %add3A_493, %mul3A_498 : vector<16xf32>
        %swap3A_500 = arith.index_cast %scan3A_138 : i32 to index
        %swap3A_501 = arith.constant 208 : index
        %swap3A_502 = tpu.vector_load %arg23[%swap3A_500, %swap3A_501] {strides = array<i32>} : memref<32x256xf32, #tpu.memory_space<vmem>>, vector<1x16xf32>,
        %swap3A_503 = vector.shape_cast %swap3A_502 : vector<1x16xf32> to vector<16xf32>
        %swap3A_504 = vector.shape_cast %add3A_499 : vector<16xf32> to vector<1x16xf32>
        tpu.vector_store %arg23[%swap3A_500, %swap3A_501], %swap3A_504 {strides = array<i32>} : memref<32x256xf32, #tpu.memory_space<vmem>>, vector<1x16xf32>,
        %get3A_505 = arith.index_cast %scan3A_138 : i32 to index
        %get3A_506 = arith.constant 224 : index
        %get3A_507 = tpu.vector_load %arg19[%get3A_505, %get3A_506] {strides = array<i32>} : memref<32x256xf32, #tpu.memory_space<vmem>>, vector<1x16xf32>,
        %get3A_508 = vector.shape_cast %get3A_507 : vector<1x16xf32> to vector<16xf32>
        %mul3A_509 = arith.mulf %get3A_508, %gather3A_171 : vector<16xf32>
        %get3A_510 = arith.index_cast %scan3A_138 : i32 to index
        %get3A_511 = arith.constant 224 : index
        %get3A_512 = tpu.vector_load %arg20[%get3A_510, %get3A_511] {strides = array<i32>} : memref<32x256xf32, #tpu.memory_space<vmem>>, vector<1x16xf32>,
        %get3A_513 = vector.shape_cast %get3A_512 : vector<1x16xf32> to vector<16xf32>
        %mul3A_514 = arith.mulf %get3A_513, %gather3A_184 : vector<16xf32>
        %add3A_515 = arith.addf %mul3A_509, %mul3A_514 : vector<16xf32>
        %get3A_516 = arith.index_cast %scan3A_138 : i32 to index
        %get3A_517 = arith.constant 224 : index
        %get3A_518 = tpu.vector_load %arg21[%get3A_516, %get3A_517] {strides = array<i32>} : memref<32x256xf32, #tpu.memory_space<vmem>>, vector<1x16xf32>,
        %get3A_519 = vector.shape_cast %get3A_518 : vector<1x16xf32> to vector<16xf32>
        %mul3A_520 = arith.mulf %get3A_519, %gather3A_197 : vector<16xf32>
        %add3A_521 = arith.addf %add3A_515, %mul3A_520 : vector<16xf32>
        %swap3A_522 = arith.index_cast %scan3A_138 : i32 to index
        %swap3A_523 = arith.constant 224 : index
        %swap3A_524 = tpu.vector_load %arg23[%swap3A_522, %swap3A_523] {strides = array<i32>} : memref<32x256xf32, #tpu.memory_space<vmem>>, vector<1x16xf32>,
        %swap3A_525 = vector.shape_cast %swap3A_524 : vector<1x16xf32> to vector<16xf32>
        %swap3A_526 = vector.shape_cast %add3A_521 : vector<16xf32> to vector<1x16xf32>
        tpu.vector_store %arg23[%swap3A_522, %swap3A_523], %swap3A_526 {strides = array<i32>} : memref<32x256xf32, #tpu.memory_space<vmem>>, vector<1x16xf32>,
        %get3A_527 = arith.index_cast %scan3A_138 : i32 to index
        %get3A_528 = arith.constant 240 : index
        %get3A_529 = tpu.vector_load %arg19[%get3A_527, %get3A_528] {strides = array<i32>} : memref<32x256xf32, #tpu.memory_space<vmem>>, vector<1x16xf32>,
        %get3A_530 = vector.shape_cast %get3A_529 : vector<1x16xf32> to vector<16xf32>
        %mul3A_531 = arith.mulf %get3A_530, %gather3A_171 : vector<16xf32>
        %get3A_532 = arith.index_cast %scan3A_138 : i32 to index
        %get3A_533 = arith.constant 240 : index
        %get3A_534 = tpu.vector_load %arg20[%get3A_532, %get3A_533] {strides = array<i32>} : memref<32x256xf32, #tpu.memory_space<vmem>>, vector<1x16xf32>,
        %get3A_535 = vector.shape_cast %get3A_534 : vector<1x16xf32> to vector<16xf32>
        %mul3A_536 = arith.mulf %get3A_535, %gather3A_184 : vector<16xf32>
        %add3A_537 = arith.addf %mul3A_531, %mul3A_536 : vector<16xf32>
        %get3A_538 = arith.index_cast %scan3A_138 : i32 to index
        %get3A_539 = arith.constant 240 : index
        %get3A_540 = tpu.vector_load %arg21[%get3A_538, %get3A_539] {strides = array<i32>} : memref<32x256xf32, #tpu.memory_space<vmem>>, vector<1x16xf32>,
        %get3A_541 = vector.shape_cast %get3A_540 : vector<1x16xf32> to vector<16xf32>
        %mul3A_542 = arith.mulf %get3A_541, %gather3A_197 : vector<16xf32>
        %add3A_543 = arith.addf %add3A_537, %mul3A_542 : vector<16xf32>
        %swap3A_544 = arith.index_cast %scan3A_138 : i32 to index
        %swap3A_545 = arith.constant 240 : index
        %swap3A_546 = tpu.vector_load %arg23[%swap3A_544, %swap3A_545] {strides = array<i32>} : memref<32x256xf32, #tpu.memory_space<vmem>>, vector<1x16xf32>,
        %swap3A_547 = vector.shape_cast %swap3A_546 : vector<1x16xf32> to vector<16xf32>
        %swap3A_548 = vector.shape_cast %add3A_543 : vector<16xf32> to vector<1x16xf32>
        tpu.vector_store %arg23[%swap3A_544, %swap3A_545], %swap3A_548 {strides = array<i32>} : memref<32x256xf32, #tpu.memory_space<vmem>>, vector<1x16xf32>,
        %scan3A_549 = arith.constant 0 : i32
        scf.yield %scan3A_549 : i32
      }
      %scan3A_128 = arith.constant 32 : i32
      %mul3A_129 = arith.constant 32 : i32
      %mul3A_130 = arith.muli %add3A_99, %mul3A_129 : i32
      %add3A_131 = arith.addi %multiple_of3A, %mul3A_130 : i32
      %multiple_of3A_132 = tpu.assume_multiple %add3A_131, 32 : i32
      %dma_start3A_133 = arith.constant 0 : i32
      %dma_start3A_134 = tpu.memref_slice %arg9[%multiple_of3A_132, %dma_start3A_133] : memref<16384x256xf32, #tpu.memory_space<hbm>> -> memref<32x256xf32, #tpu.memory_space<hbm>>
      %dma_start3A_135 = arith.constant 0 : i32
      %dma_start3A_136 = tpu.memref_slice %arg9[%multiple_of3A_132, %dma_start3A_135] : memref<16384x256xf32, #tpu.memory_space<hbm>> -> memref<32x256xf32, #tpu.memory_space<hbm>>
      tpu.enqueue_dma source(%arg23 : memref<32x256xf32, #tpu.memory_space<vmem>>) target(%dma_start3A_136 : memref<32x256xf32, #tpu.memory_space<hbm>>) target_semaphore(%arg31 : memref<!tpu.dma_semaphore, #tpu.memory_space<semaphore_mem>>)
      %scan3A_137 = arith.constant 0 : i32
      scf.yield %scan3A_137 : i32
    }
    %scan3A_23 = arith.constant 8 : i32
    %add3A_24 = arith.constant 448 : i32
    %add3A_25 = arith.addi %multiple_of3A, %add3A_24 : i32
    %multiple_of3A_26 = tpu.assume_multiple %add3A_25, 32 : i32
    %dma_wait3A = arith.constant 0 : i32
    %dma_wait3A_27 = tpu.memref_slice %arg9[%multiple_of3A_26, %dma_wait3A] : memref<16384x256xf32, #tpu.memory_space<hbm>> -> memref<32x256xf32, #tpu.memory_space<hbm>>
    %dma_wait3A_28 = arith.constant 0 : i32
    %dma_wait3A_29 = tpu.memref_slice %arg9[%multiple_of3A_26, %dma_wait3A_28] : memref<16384x256xf32, #tpu.memory_space<hbm>> -> memref<32x256xf32, #tpu.memory_space<hbm>>
    tpu.wait_dma2 semaphore(%arg30 : memref<!tpu.dma_semaphore, #tpu.memory_space<semaphore_mem>>) src(%arg22 : memref<32x256xf32, #tpu.memory_space<vmem>>) dst(%dma_wait3A_29 : memref<32x256xf32, #tpu.memory_space<hbm>>)
    %add3A_30 = arith.constant 480 : i32
    %add3A_31 = arith.addi %multiple_of3A, %add3A_30 : i32
    %multiple_of3A_32 = tpu.assume_multiple %add3A_31, 32 : i32
    %dma_wait3A_33 = arith.constant 0 : i32
    %dma_wait3A_34 = tpu.memref_slice %arg9[%multiple_of3A_32, %dma_wait3A_33] : memref<16384x256xf32, #tpu.memory_space<hbm>> -> memref<32x256xf32, #tpu.memory_space<hbm>>
    %dma_wait3A_35 = arith.constant 0 : i32
    %dma_wait3A_36 = tpu.memref_slice %arg9[%multiple_of3A_32, %dma_wait3A_35] : memref<16384x256xf32, #tpu.memory_space<hbm>> -> memref<32x256xf32, #tpu.memory_space<hbm>>
    tpu.wait_dma2 semaphore(%arg31 : memref<!tpu.dma_semaphore, #tpu.memory_space<semaphore_mem>>) src(%arg23 : memref<32x256xf32, #tpu.memory_space<vmem>>) dst(%dma_wait3A_36 : memref<32x256xf32, #tpu.memory_space<hbm>>)
    return
  }
}

#map = affine_map<(d0, d1) -> (0)>
#map1 = affine_map<(d0, d1) -> (0, 0)>
module attributes {stable_mosaic.version = 14 : i64} {
  func.func @interp(%arg0: i32, %arg1: i32, %arg2: memref<16384xi32, #tpu.memory_space<hbm>>, %arg3: memref<16384xi32, #tpu.memory_space<hbm>>, %arg4: memref<16384xi32, #tpu.memory_space<hbm>>, %arg5: memref<16384xf32, #tpu.memory_space<hbm>>, %arg6: memref<16384xf32, #tpu.memory_space<hbm>>, %arg7: memref<16384xf32, #tpu.memory_space<hbm>>, %arg8: memref<8192x256xf32, #tpu.memory_space<hbm>>, %arg9: memref<16384x256xf32, #tpu.memory_space<hbm>>, %arg10: memref<512xi32, #tpu.memory_space<vmem>>, %arg11: memref<512xi32, #tpu.memory_space<vmem>>, %arg12: memref<512xi32, #tpu.memory_space<vmem>>, %arg13: memref<512xf32, #tpu.memory_space<vmem>>, %arg14: memref<512xf32, #tpu.memory_space<vmem>>, %arg15: memref<512xf32, #tpu.memory_space<vmem>>, %arg16: memref<32x256xf32, #tpu.memory_space<vmem>>, %arg17: memref<32x256xf32, #tpu.memory_space<vmem>>, %arg18: memref<32x256xf32, #tpu.memory_space<vmem>>, %arg19: memref<32x256xf32, #tpu.memory_space<vmem>>, %arg20: memref<32x256xf32, #tpu.memory_space<vmem>>, %arg21: memref<32x256xf32, #tpu.memory_space<vmem>>, %arg22: memref<32x256xf32, #tpu.memory_space<vmem>>, %arg23: memref<32x256xf32, #tpu.memory_space<vmem>>, %arg24: memref<!tpu.dma_semaphore, #tpu.memory_space<semaphore_mem>>, %arg25: memref<!tpu.dma_semaphore, #tpu.memory_space<semaphore_mem>>, %arg26: memref<!tpu.dma_semaphore, #tpu.memory_space<semaphore_mem>>, %arg27: memref<!tpu.dma_semaphore, #tpu.memory_space<semaphore_mem>>, %arg28: memref<!tpu.dma_semaphore, #tpu.memory_space<semaphore_mem>>, %arg29: memref<!tpu.dma_semaphore, #tpu.memory_space<semaphore_mem>>, %arg30: memref<!tpu.dma_semaphore, #tpu.memory_space<semaphore_mem>>, %arg31: memref<!tpu.dma_semaphore, #tpu.memory_space<semaphore_mem>>) attributes {dimension_semantics = [#tpu.dimension_semantics<core_parallel>, #tpu.dimension_semantics<subcore_parallel>], iteration_bounds = array<i64: 2, 16>, scalar_prefetch = 0 : i64, scratch_operands = 22 : i64, tpu.core_type = #tpu.core_type<sc_vector_subcore>, window_params = [{transform_indices = #map}, {transform_indices = #map}, {transform_indices = #map}, {transform_indices = #map}, {transform_indices = #map}, {transform_indices = #map}, {transform_indices = #map1}, {transform_indices = #map1}]} {
    %mul3A = arith.constant 2 : i32
    %mul3A_0 = arith.muli %arg1, %mul3A : i32
    %add3A = arith.addi %mul3A_0, %arg0 : i32
    %mul3A_1 = arith.constant 512 : i32
    %mul3A_2 = arith.muli %add3A, %mul3A_1 : i32
    %multiple_of3A = tpu.assume_multiple %mul3A_2, 32 : i32
    "tpu.region"() ({
      %run_scoped3A = tpu.sem_alloc : memref<!tpu.dma_semaphore, #tpu.memory_space<semaphore_mem>>
      %dma_start3A_37 = tpu.memref_slice %arg2[%multiple_of3A] : memref<16384xi32, #tpu.memory_space<hbm>> -> memref<512xi32, #tpu.memory_space<hbm>>
      %dma_start3A_38 = tpu.memref_slice %arg2[%multiple_of3A] : memref<16384xi32, #tpu.memory_space<hbm>> -> memref<512xi32, #tpu.memory_space<hbm>>
      tpu.enqueue_dma source(%dma_start3A_38 : memref<512xi32, #tpu.memory_space<hbm>>) target(%arg10 : memref<512xi32, #tpu.memory_space<vmem>>) target_semaphore(%run_scoped3A : memref<!tpu.dma_semaphore, #tpu.memory_space<semaphore_mem>>)
      %dma_wait3A_39 = tpu.memref_slice %arg2[%multiple_of3A] : memref<16384xi32, #tpu.memory_space<hbm>> -> memref<512xi32, #tpu.memory_space<hbm>>
      %dma_wait3A_40 = tpu.memref_slice %arg2[%multiple_of3A] : memref<16384xi32, #tpu.memory_space<hbm>> -> memref<512xi32, #tpu.memory_space<hbm>>
      tpu.wait_dma2 semaphore(%run_scoped3A : memref<!tpu.dma_semaphore, #tpu.memory_space<semaphore_mem>>) src(%dma_wait3A_40 : memref<512xi32, #tpu.memory_space<hbm>>) dst(%arg10 : memref<512xi32, #tpu.memory_space<vmem>>)
      tpu.yield
    }) : () -> ()
    "tpu.region"() ({
      %run_scoped3A = tpu.sem_alloc : memref<!tpu.dma_semaphore, #tpu.memory_space<semaphore_mem>>
      %dma_start3A_37 = tpu.memref_slice %arg3[%multiple_of3A] : memref<16384xi32, #tpu.memory_space<hbm>> -> memref<512xi32, #tpu.memory_space<hbm>>
      %dma_start3A_38 = tpu.memref_slice %arg3[%multiple_of3A] : memref<16384xi32, #tpu.memory_space<hbm>> -> memref<512xi32, #tpu.memory_space<hbm>>
      tpu.enqueue_dma source(%dma_start3A_38 : memref<512xi32, #tpu.memory_space<hbm>>) target(%arg11 : memref<512xi32, #tpu.memory_space<vmem>>) target_semaphore(%run_scoped3A : memref<!tpu.dma_semaphore, #tpu.memory_space<semaphore_mem>>)
      %dma_wait3A_39 = tpu.memref_slice %arg3[%multiple_of3A] : memref<16384xi32, #tpu.memory_space<hbm>> -> memref<512xi32, #tpu.memory_space<hbm>>
      %dma_wait3A_40 = tpu.memref_slice %arg3[%multiple_of3A] : memref<16384xi32, #tpu.memory_space<hbm>> -> memref<512xi32, #tpu.memory_space<hbm>>
      tpu.wait_dma2 semaphore(%run_scoped3A : memref<!tpu.dma_semaphore, #tpu.memory_space<semaphore_mem>>) src(%dma_wait3A_40 : memref<512xi32, #tpu.memory_space<hbm>>) dst(%arg11 : memref<512xi32, #tpu.memory_space<vmem>>)
      tpu.yield
    }) : () -> ()
    "tpu.region"() ({
      %run_scoped3A = tpu.sem_alloc : memref<!tpu.dma_semaphore, #tpu.memory_space<semaphore_mem>>
      %dma_start3A_37 = tpu.memref_slice %arg4[%multiple_of3A] : memref<16384xi32, #tpu.memory_space<hbm>> -> memref<512xi32, #tpu.memory_space<hbm>>
      %dma_start3A_38 = tpu.memref_slice %arg4[%multiple_of3A] : memref<16384xi32, #tpu.memory_space<hbm>> -> memref<512xi32, #tpu.memory_space<hbm>>
      tpu.enqueue_dma source(%dma_start3A_38 : memref<512xi32, #tpu.memory_space<hbm>>) target(%arg12 : memref<512xi32, #tpu.memory_space<vmem>>) target_semaphore(%run_scoped3A : memref<!tpu.dma_semaphore, #tpu.memory_space<semaphore_mem>>)
      %dma_wait3A_39 = tpu.memref_slice %arg4[%multiple_of3A] : memref<16384xi32, #tpu.memory_space<hbm>> -> memref<512xi32, #tpu.memory_space<hbm>>
      %dma_wait3A_40 = tpu.memref_slice %arg4[%multiple_of3A] : memref<16384xi32, #tpu.memory_space<hbm>> -> memref<512xi32, #tpu.memory_space<hbm>>
      tpu.wait_dma2 semaphore(%run_scoped3A : memref<!tpu.dma_semaphore, #tpu.memory_space<semaphore_mem>>) src(%dma_wait3A_40 : memref<512xi32, #tpu.memory_space<hbm>>) dst(%arg12 : memref<512xi32, #tpu.memory_space<vmem>>)
      tpu.yield
    }) : () -> ()
    "tpu.region"() ({
      %run_scoped3A = tpu.sem_alloc : memref<!tpu.dma_semaphore, #tpu.memory_space<semaphore_mem>>
      %dma_start3A_37 = tpu.memref_slice %arg5[%multiple_of3A] : memref<16384xf32, #tpu.memory_space<hbm>> -> memref<512xf32, #tpu.memory_space<hbm>>
      %dma_start3A_38 = tpu.memref_slice %arg5[%multiple_of3A] : memref<16384xf32, #tpu.memory_space<hbm>> -> memref<512xf32, #tpu.memory_space<hbm>>
      tpu.enqueue_dma source(%dma_start3A_38 : memref<512xf32, #tpu.memory_space<hbm>>) target(%arg13 : memref<512xf32, #tpu.memory_space<vmem>>) target_semaphore(%run_scoped3A : memref<!tpu.dma_semaphore, #tpu.memory_space<semaphore_mem>>)
      %dma_wait3A_39 = tpu.memref_slice %arg5[%multiple_of3A] : memref<16384xf32, #tpu.memory_space<hbm>> -> memref<512xf32, #tpu.memory_space<hbm>>
      %dma_wait3A_40 = tpu.memref_slice %arg5[%multiple_of3A] : memref<16384xf32, #tpu.memory_space<hbm>> -> memref<512xf32, #tpu.memory_space<hbm>>
      tpu.wait_dma2 semaphore(%run_scoped3A : memref<!tpu.dma_semaphore, #tpu.memory_space<semaphore_mem>>) src(%dma_wait3A_40 : memref<512xf32, #tpu.memory_space<hbm>>) dst(%arg13 : memref<512xf32, #tpu.memory_space<vmem>>)
      tpu.yield
    }) : () -> ()
    "tpu.region"() ({
      %run_scoped3A = tpu.sem_alloc : memref<!tpu.dma_semaphore, #tpu.memory_space<semaphore_mem>>
      %dma_start3A_37 = tpu.memref_slice %arg6[%multiple_of3A] : memref<16384xf32, #tpu.memory_space<hbm>> -> memref<512xf32, #tpu.memory_space<hbm>>
      %dma_start3A_38 = tpu.memref_slice %arg6[%multiple_of3A] : memref<16384xf32, #tpu.memory_space<hbm>> -> memref<512xf32, #tpu.memory_space<hbm>>
      tpu.enqueue_dma source(%dma_start3A_38 : memref<512xf32, #tpu.memory_space<hbm>>) target(%arg14 : memref<512xf32, #tpu.memory_space<vmem>>) target_semaphore(%run_scoped3A : memref<!tpu.dma_semaphore, #tpu.memory_space<semaphore_mem>>)
      %dma_wait3A_39 = tpu.memref_slice %arg6[%multiple_of3A] : memref<16384xf32, #tpu.memory_space<hbm>> -> memref<512xf32, #tpu.memory_space<hbm>>
      %dma_wait3A_40 = tpu.memref_slice %arg6[%multiple_of3A] : memref<16384xf32, #tpu.memory_space<hbm>> -> memref<512xf32, #tpu.memory_space<hbm>>
      tpu.wait_dma2 semaphore(%run_scoped3A : memref<!tpu.dma_semaphore, #tpu.memory_space<semaphore_mem>>) src(%dma_wait3A_40 : memref<512xf32, #tpu.memory_space<hbm>>) dst(%arg14 : memref<512xf32, #tpu.memory_space<vmem>>)
      tpu.yield
    }) : () -> ()
    "tpu.region"() ({
      %run_scoped3A = tpu.sem_alloc : memref<!tpu.dma_semaphore, #tpu.memory_space<semaphore_mem>>
      %dma_start3A_37 = tpu.memref_slice %arg7[%multiple_of3A] : memref<16384xf32, #tpu.memory_space<hbm>> -> memref<512xf32, #tpu.memory_space<hbm>>
      %dma_start3A_38 = tpu.memref_slice %arg7[%multiple_of3A] : memref<16384xf32, #tpu.memory_space<hbm>> -> memref<512xf32, #tpu.memory_space<hbm>>
      tpu.enqueue_dma source(%dma_start3A_38 : memref<512xf32, #tpu.memory_space<hbm>>) target(%arg15 : memref<512xf32, #tpu.memory_space<vmem>>) target_semaphore(%run_scoped3A : memref<!tpu.dma_semaphore, #tpu.memory_space<semaphore_mem>>)
      %dma_wait3A_39 = tpu.memref_slice %arg7[%multiple_of3A] : memref<16384xf32, #tpu.memory_space<hbm>> -> memref<512xf32, #tpu.memory_space<hbm>>
      %dma_wait3A_40 = tpu.memref_slice %arg7[%multiple_of3A] : memref<16384xf32, #tpu.memory_space<hbm>> -> memref<512xf32, #tpu.memory_space<hbm>>
      tpu.wait_dma2 semaphore(%run_scoped3A : memref<!tpu.dma_semaphore, #tpu.memory_space<semaphore_mem>>) src(%dma_wait3A_40 : memref<512xf32, #tpu.memory_space<hbm>>) dst(%arg15 : memref<512xf32, #tpu.memory_space<vmem>>)
      tpu.yield
    }) : () -> ()
    %parallel_loop3A = arith.constant 0 : i32
    %parallel_loop3A_3 = arith.constant 32 : i32
    %parallel_loop3A_4 = arith.constant 1 : i32
    scf.for %parallel_loop3A_37 = %parallel_loop3A to %parallel_loop3A_3 step %parallel_loop3A_4  : i32 {
      %parallel_loop3A_38 = arith.constant 16 : i32
      %parallel_loop3A_39 = arith.muli %parallel_loop3A_37, %parallel_loop3A_38 : i32
      %parallel_loop3A_40 = tpu.assume_multiple %parallel_loop3A_39, 16 : i32
      %parallel_loop3A_41 = arith.index_cast %parallel_loop3A_40 : i32 to index
      %parallel_loop3A_42 = tpu.vector_load %arg13[%parallel_loop3A_41] {strides = array<i32>} : memref<512xf32, #tpu.memory_space<vmem>>, vector<16xf32>,
      %parallel_loop3A_43 = vector.shape_cast %parallel_loop3A_42 : vector<16xf32> to vector<16xf32>
      %parallel_loop3A_44 = arith.constant 9.99999993E-9 : f32
      %parallel_loop3A_45 = vector.broadcast %parallel_loop3A_44 : f32 to vector<16xf32>
      %parallel_loop3A_46 = arith.addf %parallel_loop3A_43, %parallel_loop3A_45 : vector<16xf32>
      %parallel_loop3A_47 = arith.constant 1.000000e+00 : f32
      %parallel_loop3A_48 = vector.broadcast %parallel_loop3A_47 : f32 to vector<16xf32>
      %parallel_loop3A_49 = arith.divf %parallel_loop3A_48, %parallel_loop3A_46 : vector<16xf32>
      %parallel_loop3A_50 = arith.index_cast %parallel_loop3A_40 : i32 to index
      %parallel_loop3A_51 = tpu.vector_load %arg14[%parallel_loop3A_50] {strides = array<i32>} : memref<512xf32, #tpu.memory_space<vmem>>, vector<16xf32>,
      %parallel_loop3A_52 = vector.shape_cast %parallel_loop3A_51 : vector<16xf32> to vector<16xf32>
      %parallel_loop3A_53 = arith.constant 9.99999993E-9 : f32
      %parallel_loop3A_54 = vector.broadcast %parallel_loop3A_53 : f32 to vector<16xf32>
      %parallel_loop3A_55 = arith.addf %parallel_loop3A_52, %parallel_loop3A_54 : vector<16xf32>
      %parallel_loop3A_56 = arith.constant 1.000000e+00 : f32
      %parallel_loop3A_57 = vector.broadcast %parallel_loop3A_56 : f32 to vector<16xf32>
      %parallel_loop3A_58 = arith.divf %parallel_loop3A_57, %parallel_loop3A_55 : vector<16xf32>
      %parallel_loop3A_59 = arith.index_cast %parallel_loop3A_40 : i32 to index
      %parallel_loop3A_60 = tpu.vector_load %arg15[%parallel_loop3A_59] {strides = array<i32>} : memref<512xf32, #tpu.memory_space<vmem>>, vector<16xf32>,
      %parallel_loop3A_61 = vector.shape_cast %parallel_loop3A_60 : vector<16xf32> to vector<16xf32>
      %parallel_loop3A_62 = arith.constant 9.99999993E-9 : f32
      %parallel_loop3A_63 = vector.broadcast %parallel_loop3A_62 : f32 to vector<16xf32>
      %parallel_loop3A_64 = arith.addf %parallel_loop3A_61, %parallel_loop3A_63 : vector<16xf32>
      %parallel_loop3A_65 = arith.constant 1.000000e+00 : f32
      %parallel_loop3A_66 = vector.broadcast %parallel_loop3A_65 : f32 to vector<16xf32>
      %parallel_loop3A_67 = arith.divf %parallel_loop3A_66, %parallel_loop3A_64 : vector<16xf32>
      %parallel_loop3A_68 = arith.addf %parallel_loop3A_49, %parallel_loop3A_58 : vector<16xf32>
      %parallel_loop3A_69 = arith.addf %parallel_loop3A_68, %parallel_loop3A_67 : vector<16xf32>
      %parallel_loop3A_70 = arith.divf %parallel_loop3A_49, %parallel_loop3A_69 : vector<16xf32>
      %parallel_loop3A_71 = arith.index_cast %parallel_loop3A_40 : i32 to index
      %parallel_loop3A_72 = tpu.vector_load %arg13[%parallel_loop3A_71] {strides = array<i32>} : memref<512xf32, #tpu.memory_space<vmem>>, vector<16xf32>,
      %parallel_loop3A_73 = vector.shape_cast %parallel_loop3A_72 : vector<16xf32> to vector<16xf32>
      %parallel_loop3A_74 = vector.shape_cast %parallel_loop3A_70 : vector<16xf32> to vector<16xf32>
      tpu.vector_store %arg13[%parallel_loop3A_71], %parallel_loop3A_74 {strides = array<i32>} : memref<512xf32, #tpu.memory_space<vmem>>, vector<16xf32>,
      %parallel_loop3A_75 = arith.divf %parallel_loop3A_58, %parallel_loop3A_69 : vector<16xf32>
      %parallel_loop3A_76 = arith.index_cast %parallel_loop3A_40 : i32 to index
      %parallel_loop3A_77 = tpu.vector_load %arg14[%parallel_loop3A_76] {strides = array<i32>} : memref<512xf32, #tpu.memory_space<vmem>>, vector<16xf32>,
      %parallel_loop3A_78 = vector.shape_cast %parallel_loop3A_77 : vector<16xf32> to vector<16xf32>
      %parallel_loop3A_79 = vector.shape_cast %parallel_loop3A_75 : vector<16xf32> to vector<16xf32>
      tpu.vector_store %arg14[%parallel_loop3A_76], %parallel_loop3A_79 {strides = array<i32>} : memref<512xf32, #tpu.memory_space<vmem>>, vector<16xf32>,
      %parallel_loop3A_80 = arith.divf %parallel_loop3A_67, %parallel_loop3A_69 : vector<16xf32>
      %parallel_loop3A_81 = arith.index_cast %parallel_loop3A_40 : i32 to index
      %parallel_loop3A_82 = tpu.vector_load %arg15[%parallel_loop3A_81] {strides = array<i32>} : memref<512xf32, #tpu.memory_space<vmem>>, vector<16xf32>,
      %parallel_loop3A_83 = vector.shape_cast %parallel_loop3A_82 : vector<16xf32> to vector<16xf32>
      %parallel_loop3A_84 = vector.shape_cast %parallel_loop3A_80 : vector<16xf32> to vector<16xf32>
      tpu.vector_store %arg15[%parallel_loop3A_81], %parallel_loop3A_84 {strides = array<i32>} : memref<512xf32, #tpu.memory_space<vmem>>, vector<16xf32>,
    } {sc.loop_unroll_factor = 2 : i64, sc.parallel_access}
    %multiple_of3A_5 = arith.constant 0 : i32
    %multiple_of3A_6 = tpu.assume_multiple %multiple_of3A_5, 32 : i32
    %dma_start3A = tpu.memref_slice %arg10[%multiple_of3A_6] : memref<512xi32, #tpu.memory_space<vmem>> -> memref<32xi32, #tpu.memory_space<vmem>>
    %dma_start3A_7 = arith.constant 0 : i32
    %dma_start3A_8 = arith.constant 0 : i32
    %dma_start3A_9 = tpu.memref_slice %arg8[%dma_start3A_7, %dma_start3A_8] : memref<8192x256xf32, #tpu.memory_space<hbm>> -> memref<8192x256xf32, #tpu.memory_space<hbm>>
    tpu.enqueue_indirect_dma source(%dma_start3A_9 : memref<8192x256xf32, #tpu.memory_space<hbm>>) target(%arg16 : memref<32x256xf32, #tpu.memory_space<vmem>>) offsets(%dma_start3A : memref<32xi32, #tpu.memory_space<vmem>>) semaphore(%arg24 : memref<!tpu.dma_semaphore, #tpu.memory_space<semaphore_mem>>)
    %dma_start3A_10 = tpu.memref_slice %arg11[%multiple_of3A_6] : memref<512xi32, #tpu.memory_space<vmem>> -> memref<32xi32, #tpu.memory_space<vmem>>
    %dma_start3A_11 = arith.constant 0 : i32
    %dma_start3A_12 = arith.constant 0 : i32
    %dma_start3A_13 = tpu.memref_slice %arg8[%dma_start3A_11, %dma_start3A_12] : memref<8192x256xf32, #tpu.memory_space<hbm>> -> memref<8192x256xf32, #tpu.memory_space<hbm>>
    tpu.enqueue_indirect_dma source(%dma_start3A_13 : memref<8192x256xf32, #tpu.memory_space<hbm>>) target(%arg17 : memref<32x256xf32, #tpu.memory_space<vmem>>) offsets(%dma_start3A_10 : memref<32xi32, #tpu.memory_space<vmem>>) semaphore(%arg25 : memref<!tpu.dma_semaphore, #tpu.memory_space<semaphore_mem>>)
    %dma_start3A_14 = tpu.memref_slice %arg12[%multiple_of3A_6] : memref<512xi32, #tpu.memory_space<vmem>> -> memref<32xi32, #tpu.memory_space<vmem>>
    %dma_start3A_15 = arith.constant 0 : i32
    %dma_start3A_16 = arith.constant 0 : i32
    %dma_start3A_17 = tpu.memref_slice %arg8[%dma_start3A_15, %dma_start3A_16] : memref<8192x256xf32, #tpu.memory_space<hbm>> -> memref<8192x256xf32, #tpu.memory_space<hbm>>
    tpu.enqueue_indirect_dma source(%dma_start3A_17 : memref<8192x256xf32, #tpu.memory_space<hbm>>) target(%arg18 : memref<32x256xf32, #tpu.memory_space<vmem>>) offsets(%dma_start3A_14 : memref<32xi32, #tpu.memory_space<vmem>>) semaphore(%arg26 : memref<!tpu.dma_semaphore, #tpu.memory_space<semaphore_mem>>)
    %scan3A = arith.constant 0 : i32
    %scan3A_18 = arith.constant 0 : i32
    %scan3A_19 = arith.constant 8 : i32
    %scan3A_20 = arith.addi %scan3A_18, %scan3A_19 : i32
    %scan3A_21 = arith.constant 1 : i32
    %scan3A_22 = scf.for %scan3A_37 = %scan3A_18 to %scan3A_20 step %scan3A_21 iter_args(%scan3A_38 = %scan3A) -> (i32)  : i32 {
      %mul3A_39 = arith.constant 2 : i32
      %mul3A_40 = arith.muli %mul3A_39, %scan3A_37 : i32
      %add3A_41 = arith.constant 1 : i32
      %add3A_42 = arith.addi %mul3A_40, %add3A_41 : i32
      %mul3A_43 = arith.constant 32 : i32
      %mul3A_44 = arith.muli %add3A_42, %mul3A_43 : i32
      %multiple_of3A_45 = tpu.assume_multiple %mul3A_44, 32 : i32
      %dma_start3A_46 = tpu.memref_slice %arg10[%multiple_of3A_45] : memref<512xi32, #tpu.memory_space<vmem>> -> memref<32xi32, #tpu.memory_space<vmem>>
      %dma_start3A_47 = arith.constant 0 : i32
      %dma_start3A_48 = arith.constant 0 : i32
      %dma_start3A_49 = tpu.memref_slice %arg8[%dma_start3A_47, %dma_start3A_48] : memref<8192x256xf32, #tpu.memory_space<hbm>> -> memref<8192x256xf32, #tpu.memory_space<hbm>>
      tpu.enqueue_indirect_dma source(%dma_start3A_49 : memref<8192x256xf32, #tpu.memory_space<hbm>>) target(%arg19 : memref<32x256xf32, #tpu.memory_space<vmem>>) offsets(%dma_start3A_46 : memref<32xi32, #tpu.memory_space<vmem>>) semaphore(%arg27 : memref<!tpu.dma_semaphore, #tpu.memory_space<semaphore_mem>>)
      %dma_start3A_50 = tpu.memref_slice %arg11[%multiple_of3A_45] : memref<512xi32, #tpu.memory_space<vmem>> -> memref<32xi32, #tpu.memory_space<vmem>>
      %dma_start3A_51 = arith.constant 0 : i32
      %dma_start3A_52 = arith.constant 0 : i32
      %dma_start3A_53 = tpu.memref_slice %arg8[%dma_start3A_51, %dma_start3A_52] : memref<8192x256xf32, #tpu.memory_space<hbm>> -> memref<8192x256xf32, #tpu.memory_space<hbm>>
      tpu.enqueue_indirect_dma source(%dma_start3A_53 : memref<8192x256xf32, #tpu.memory_space<hbm>>) target(%arg20 : memref<32x256xf32, #tpu.memory_space<vmem>>) offsets(%dma_start3A_50 : memref<32xi32, #tpu.memory_space<vmem>>) semaphore(%arg28 : memref<!tpu.dma_semaphore, #tpu.memory_space<semaphore_mem>>)
      %dma_start3A_54 = tpu.memref_slice %arg12[%multiple_of3A_45] : memref<512xi32, #tpu.memory_space<vmem>> -> memref<32xi32, #tpu.memory_space<vmem>>
      %dma_start3A_55 = arith.constant 0 : i32
      %dma_start3A_56 = arith.constant 0 : i32
      %dma_start3A_57 = tpu.memref_slice %arg8[%dma_start3A_55, %dma_start3A_56] : memref<8192x256xf32, #tpu.memory_space<hbm>> -> memref<8192x256xf32, #tpu.memory_space<hbm>>
      tpu.enqueue_indirect_dma source(%dma_start3A_57 : memref<8192x256xf32, #tpu.memory_space<hbm>>) target(%arg21 : memref<32x256xf32, #tpu.memory_space<vmem>>) offsets(%dma_start3A_54 : memref<32xi32, #tpu.memory_space<vmem>>) semaphore(%arg29 : memref<!tpu.dma_semaphore, #tpu.memory_space<semaphore_mem>>)
      %mul3A_58 = arith.constant 32 : i32
      %mul3A_59 = arith.muli %mul3A_40, %mul3A_58 : i32
      %multiple_of3A_60 = tpu.assume_multiple %mul3A_59, 32 : i32
      %dma_wait3A_61 = tpu.memref_slice %arg10[%multiple_of3A_60] : memref<512xi32, #tpu.memory_space<vmem>> -> memref<32xi32, #tpu.memory_space<vmem>>
      %dma_wait3A_62 = arith.constant 0 : i32
      %dma_wait3A_63 = arith.constant 0 : i32
      %dma_wait3A_64 = tpu.memref_slice %arg8[%dma_wait3A_62, %dma_wait3A_63] : memref<8192x256xf32, #tpu.memory_space<hbm>> -> memref<8192x256xf32, #tpu.memory_space<hbm>>
      tpu.wait_indirect_dma semaphore(%arg24 : memref<!tpu.dma_semaphore, #tpu.memory_space<semaphore_mem>>) src(%dma_wait3A_64 : memref<8192x256xf32, #tpu.memory_space<hbm>>) dst(%arg16 : memref<32x256xf32, #tpu.memory_space<vmem>>)
      %dma_wait3A_65 = tpu.memref_slice %arg11[%multiple_of3A_60] : memref<512xi32, #tpu.memory_space<vmem>> -> memref<32xi32, #tpu.memory_space<vmem>>
      %dma_wait3A_66 = arith.constant 0 : i32
      %dma_wait3A_67 = arith.constant 0 : i32
      %dma_wait3A_68 = tpu.memref_slice %arg8[%dma_wait3A_66, %dma_wait3A_67] : memref<8192x256xf32, #tpu.memory_space<hbm>> -> memref<8192x256xf32, #tpu.memory_space<hbm>>
      tpu.wait_indirect_dma semaphore(%arg25 : memref<!tpu.dma_semaphore, #tpu.memory_space<semaphore_mem>>) src(%dma_wait3A_68 : memref<8192x256xf32, #tpu.memory_space<hbm>>) dst(%arg17 : memref<32x256xf32, #tpu.memory_space<vmem>>)
      %dma_wait3A_69 = tpu.memref_slice %arg12[%multiple_of3A_60] : memref<512xi32, #tpu.memory_space<vmem>> -> memref<32xi32, #tpu.memory_space<vmem>>
      %dma_wait3A_70 = arith.constant 0 : i32
      %dma_wait3A_71 = arith.constant 0 : i32
      %dma_wait3A_72 = tpu.memref_slice %arg8[%dma_wait3A_70, %dma_wait3A_71] : memref<8192x256xf32, #tpu.memory_space<hbm>> -> memref<8192x256xf32, #tpu.memory_space<hbm>>
      tpu.wait_indirect_dma semaphore(%arg26 : memref<!tpu.dma_semaphore, #tpu.memory_space<semaphore_mem>>) src(%dma_wait3A_72 : memref<8192x256xf32, #tpu.memory_space<hbm>>) dst(%arg18 : memref<32x256xf32, #tpu.memory_space<vmem>>)
      %gt3A = arith.constant 0 : i32
      %gt3A_73 = arith.cmpi sgt, %scan3A_37, %gt3A : i32
      %convert_element_type3A = arith.extui %gt3A_73 : i1 to i32
      %cond3A = arith.constant 0 : i32
      %cond3A_74 = arith.cmpi ne, %convert_element_type3A, %cond3A : i32
      scf.if %cond3A_74 {
        %mul3A_138 = arith.constant 32 : i32
        %mul3A_139 = arith.muli %mul3A_40, %mul3A_138 : i32
        %add3A_140 = arith.addi %multiple_of3A, %mul3A_139 : i32
        %multiple_of3A_141 = tpu.assume_multiple %add3A_140, 32 : i32
        %dma_wait3A_142 = arith.constant 0 : i32
        %dma_wait3A_143 = tpu.memref_slice %arg9[%multiple_of3A_141, %dma_wait3A_142] : memref<16384x256xf32, #tpu.memory_space<hbm>> -> memref<32x256xf32, #tpu.memory_space<hbm>>
        %dma_wait3A_144 = arith.constant 0 : i32
        %dma_wait3A_145 = tpu.memref_slice %arg9[%multiple_of3A_141, %dma_wait3A_144] : memref<16384x256xf32, #tpu.memory_space<hbm>> -> memref<32x256xf32, #tpu.memory_space<hbm>>
        tpu.wait_dma2 semaphore(%arg30 : memref<!tpu.dma_semaphore, #tpu.memory_space<semaphore_mem>>) src(%arg22 : memref<32x256xf32, #tpu.memory_space<vmem>>) dst(%dma_wait3A_145 : memref<32x256xf32, #tpu.memory_space<hbm>>)
      } else {
      }
      %mul3A_75 = arith.constant 32 : i32
      %mul3A_76 = arith.muli %mul3A_40, %mul3A_75 : i32
      %scan3A_77 = arith.constant 0 : i32
      %scan3A_78 = arith.constant 0 : i32
      %scan3A_79 = arith.constant 32 : i32
      %scan3A_80 = arith.addi %scan3A_78, %scan3A_79 : i32
      %scan3A_81 = arith.constant 1 : i32
      %scan3A_82 = scf.for %scan3A_138 = %scan3A_78 to %scan3A_80 step %scan3A_81 iter_args(%scan3A_139 = %scan3A_77) -> (i32)  : i32 {
        %add3A_140 = arith.addi %mul3A_76, %scan3A_138 : i32
        %jit3A = arith.constant 16 : i32
        %div3A = arith.divsi %add3A_140, %jit3A : i32
        %sign3A = arith.constant 0 : i32
        %sign3A_141 = arith.cmpi sgt, %add3A_140, %sign3A : i32
        %sign3A_142 = arith.extui %sign3A_141 : i1 to i32
        %sign3A_143 = arith.constant 0 : i32
        %sign3A_144 = arith.cmpi slt, %add3A_140, %sign3A_143 : i32
        %sign3A_145 = arith.extui %sign3A_144 : i1 to i32
        %sign3A_146 = arith.subi %sign3A_142, %sign3A_145 : i32
        %sign3A_147 = arith.constant 0 : i32
        %sign3A_148 = arith.cmpi sgt, %jit3A, %sign3A_147 : i32
        %sign3A_149 = arith.extui %sign3A_148 : i1 to i32
        %sign3A_150 = arith.constant 0 : i32
        %sign3A_151 = arith.cmpi slt, %jit3A, %sign3A_150 : i32
        %sign3A_152 = arith.extui %sign3A_151 : i1 to i32
        %sign3A_153 = arith.subi %sign3A_149, %sign3A_152 : i32
        %ne3A = arith.cmpi ne, %sign3A_146, %sign3A_153 : i32
        %rem3A = arith.remsi %add3A_140, %jit3A : i32
        %ne3A_154 = arith.constant 0 : i32
        %ne3A_155 = arith.cmpi ne, %rem3A, %ne3A_154 : i32
        %and3A = arith.andi %ne3A, %ne3A_155 : i1
        %sub3A = arith.constant 1 : i32
        %sub3A_156 = arith.subi %div3A, %sub3A : i32
        %select_n3A = arith.select %and3A, %sub3A_156, %div3A : i32
        %mul3A_157 = arith.constant 16 : i32
        %mul3A_158 = arith.muli %select_n3A, %mul3A_157 : i32
        %multiple_of3A_159 = tpu.assume_multiple %mul3A_158, 16 : i32
        %sub3A_160 = arith.subi %add3A_140, %multiple_of3A_159 : i32
        %broadcast_in_dim3A = vector.broadcast %sub3A_160 : i32 to vector<16xi32>
        %get3A = arith.index_cast %multiple_of3A_159 : i32 to index
        %get3A_161 = tpu.vector_load %arg13[%get3A] {strides = array<i32>} : memref<512xf32, #tpu.memory_space<vmem>>, vector<16xf32>,
        %get3A_162 = vector.shape_cast %get3A_161 : vector<16xf32> to vector<16xf32>
        %lt3A_163 = arith.constant 0 : i32
        %lt3A_164 = vector.broadcast %lt3A_163 : i32 to vector<16xi32>
        %lt3A_165 = arith.cmpi slt, %broadcast_in_dim3A, %lt3A_164 : vector<16xi32>
        %add3A_166 = arith.constant 16 : i32
        %add3A_167 = vector.broadcast %add3A_166 : i32 to vector<16xi32>
        %add3A_168 = arith.addi %broadcast_in_dim3A, %add3A_167 : vector<16xi32>
        %select_n3A_169 = arith.select %lt3A_165, %add3A_168, %broadcast_in_dim3A : vector<16xi1>, vector<16xi32>
        %broadcast_in_dim3A_170 = vector.shape_cast %select_n3A_169 : vector<16xi32> to vector<16x1xi32>
        %gather3A = vector.shape_cast %broadcast_in_dim3A_170 : vector<16x1xi32> to vector<16xi32>
        %gather3A_171 = tpu.dynamic_gather %get3A_162[%gather3A] in [0] : vector<16xf32>, vector<16xi32> -> vector<16xf32>
        %get3A_172 = arith.index_cast %multiple_of3A_159 : i32 to index
        %get3A_173 = tpu.vector_load %arg14[%get3A_172] {strides = array<i32>} : memref<512xf32, #tpu.memory_space<vmem>>, vector<16xf32>,
        %get3A_174 = vector.shape_cast %get3A_173 : vector<16xf32> to vector<16xf32>
        %lt3A_175 = arith.constant 0 : i32
        %lt3A_176 = vector.broadcast %lt3A_175 : i32 to vector<16xi32>
        %lt3A_177 = arith.cmpi slt, %broadcast_in_dim3A, %lt3A_176 : vector<16xi32>
        %add3A_178 = arith.constant 16 : i32
        %add3A_179 = vector.broadcast %add3A_178 : i32 to vector<16xi32>
        %add3A_180 = arith.addi %broadcast_in_dim3A, %add3A_179 : vector<16xi32>
        %select_n3A_181 = arith.select %lt3A_177, %add3A_180, %broadcast_in_dim3A : vector<16xi1>, vector<16xi32>
        %broadcast_in_dim3A_182 = vector.shape_cast %select_n3A_181 : vector<16xi32> to vector<16x1xi32>
        %gather3A_183 = vector.shape_cast %broadcast_in_dim3A_182 : vector<16x1xi32> to vector<16xi32>
        %gather3A_184 = tpu.dynamic_gather %get3A_174[%gather3A_183] in [0] : vector<16xf32>, vector<16xi32> -> vector<16xf32>
        %get3A_185 = arith.index_cast %multiple_of3A_159 : i32 to index
        %get3A_186 = tpu.vector_load %arg15[%get3A_185] {strides = array<i32>} : memref<512xf32, #tpu.memory_space<vmem>>, vector<16xf32>,
        %get3A_187 = vector.shape_cast %get3A_186 : vector<16xf32> to vector<16xf32>
        %lt3A_188 = arith.constant 0 : i32
        %lt3A_189 = vector.broadcast %lt3A_188 : i32 to vector<16xi32>
        %lt3A_190 = arith.cmpi slt, %broadcast_in_dim3A, %lt3A_189 : vector<16xi32>
        %add3A_191 = arith.constant 16 : i32
        %add3A_192 = vector.broadcast %add3A_191 : i32 to vector<16xi32>
        %add3A_193 = arith.addi %broadcast_in_dim3A, %add3A_192 : vector<16xi32>
        %select_n3A_194 = arith.select %lt3A_190, %add3A_193, %broadcast_in_dim3A : vector<16xi1>, vector<16xi32>
        %broadcast_in_dim3A_195 = vector.shape_cast %select_n3A_194 : vector<16xi32> to vector<16x1xi32>
        %gather3A_196 = vector.shape_cast %broadcast_in_dim3A_195 : vector<16x1xi32> to vector<16xi32>
        %gather3A_197 = tpu.dynamic_gather %get3A_187[%gather3A_196] in [0] : vector<16xf32>, vector<16xi32> -> vector<16xf32>
        %get3A_198 = arith.index_cast %scan3A_138 : i32 to index
        %get3A_199 = arith.constant 0 : index
        %get3A_200 = tpu.vector_load %arg16[%get3A_198, %get3A_199] {strides = array<i32>} : memref<32x256xf32, #tpu.memory_space<vmem>>, vector<1x16xf32>,
        %get3A_201 = vector.shape_cast %get3A_200 : vector<1x16xf32> to vector<16xf32>
        %mul3A_202 = arith.mulf %get3A_201, %gather3A_171 : vector<16xf32>
        %get3A_203 = arith.index_cast %scan3A_138 : i32 to index
        %get3A_204 = arith.constant 0 : index
        %get3A_205 = tpu.vector_load %arg17[%get3A_203, %get3A_204] {strides = array<i32>} : memref<32x256xf32, #tpu.memory_space<vmem>>, vector<1x16xf32>,
        %get3A_206 = vector.shape_cast %get3A_205 : vector<1x16xf32> to vector<16xf32>
        %mul3A_207 = arith.mulf %get3A_206, %gather3A_184 : vector<16xf32>
        %add3A_208 = arith.addf %mul3A_202, %mul3A_207 : vector<16xf32>
        %get3A_209 = arith.index_cast %scan3A_138 : i32 to index
        %get3A_210 = arith.constant 0 : index
        %get3A_211 = tpu.vector_load %arg18[%get3A_209, %get3A_210] {strides = array<i32>} : memref<32x256xf32, #tpu.memory_space<vmem>>, vector<1x16xf32>,
        %get3A_212 = vector.shape_cast %get3A_211 : vector<1x16xf32> to vector<16xf32>
        %mul3A_213 = arith.mulf %get3A_212, %gather3A_197 : vector<16xf32>
        %add3A_214 = arith.addf %add3A_208, %mul3A_213 : vector<16xf32>
        %swap3A = arith.index_cast %scan3A_138 : i32 to index
        %swap3A_215 = arith.constant 0 : index
        %swap3A_216 = tpu.vector_load %arg22[%swap3A, %swap3A_215] {strides = array<i32>} : memref<32x256xf32, #tpu.memory_space<vmem>>, vector<1x16xf32>,
        %swap3A_217 = vector.shape_cast %swap3A_216 : vector<1x16xf32> to vector<16xf32>
        %swap3A_218 = vector.shape_cast %add3A_214 : vector<16xf32> to vector<1x16xf32>
        tpu.vector_store %arg22[%swap3A, %swap3A_215], %swap3A_218 {strides = array<i32>} : memref<32x256xf32, #tpu.memory_space<vmem>>, vector<1x16xf32>,
        %get3A_219 = arith.index_cast %scan3A_138 : i32 to index
        %get3A_220 = arith.constant 16 : index
        %get3A_221 = tpu.vector_load %arg16[%get3A_219, %get3A_220] {strides = array<i32>} : memref<32x256xf32, #tpu.memory_space<vmem>>, vector<1x16xf32>,
        %get3A_222 = vector.shape_cast %get3A_221 : vector<1x16xf32> to vector<16xf32>
        %mul3A_223 = arith.mulf %get3A_222, %gather3A_171 : vector<16xf32>
        %get3A_224 = arith.index_cast %scan3A_138 : i32 to index
        %get3A_225 = arith.constant 16 : index
        %get3A_226 = tpu.vector_load %arg17[%get3A_224, %get3A_225] {strides = array<i32>} : memref<32x256xf32, #tpu.memory_space<vmem>>, vector<1x16xf32>,
        %get3A_227 = vector.shape_cast %get3A_226 : vector<1x16xf32> to vector<16xf32>
        %mul3A_228 = arith.mulf %get3A_227, %gather3A_184 : vector<16xf32>
        %add3A_229 = arith.addf %mul3A_223, %mul3A_228 : vector<16xf32>
        %get3A_230 = arith.index_cast %scan3A_138 : i32 to index
        %get3A_231 = arith.constant 16 : index
        %get3A_232 = tpu.vector_load %arg18[%get3A_230, %get3A_231] {strides = array<i32>} : memref<32x256xf32, #tpu.memory_space<vmem>>, vector<1x16xf32>,
        %get3A_233 = vector.shape_cast %get3A_232 : vector<1x16xf32> to vector<16xf32>
        %mul3A_234 = arith.mulf %get3A_233, %gather3A_197 : vector<16xf32>
        %add3A_235 = arith.addf %add3A_229, %mul3A_234 : vector<16xf32>
        %swap3A_236 = arith.index_cast %scan3A_138 : i32 to index
        %swap3A_237 = arith.constant 16 : index
        %swap3A_238 = tpu.vector_load %arg22[%swap3A_236, %swap3A_237] {strides = array<i32>} : memref<32x256xf32, #tpu.memory_space<vmem>>, vector<1x16xf32>,
        %swap3A_239 = vector.shape_cast %swap3A_238 : vector<1x16xf32> to vector<16xf32>
        %swap3A_240 = vector.shape_cast %add3A_235 : vector<16xf32> to vector<1x16xf32>
        tpu.vector_store %arg22[%swap3A_236, %swap3A_237], %swap3A_240 {strides = array<i32>} : memref<32x256xf32, #tpu.memory_space<vmem>>, vector<1x16xf32>,
        %get3A_241 = arith.index_cast %scan3A_138 : i32 to index
        %get3A_242 = arith.constant 32 : index
        %get3A_243 = tpu.vector_load %arg16[%get3A_241, %get3A_242] {strides = array<i32>} : memref<32x256xf32, #tpu.memory_space<vmem>>, vector<1x16xf32>,
        %get3A_244 = vector.shape_cast %get3A_243 : vector<1x16xf32> to vector<16xf32>
        %mul3A_245 = arith.mulf %get3A_244, %gather3A_171 : vector<16xf32>
        %get3A_246 = arith.index_cast %scan3A_138 : i32 to index
        %get3A_247 = arith.constant 32 : index
        %get3A_248 = tpu.vector_load %arg17[%get3A_246, %get3A_247] {strides = array<i32>} : memref<32x256xf32, #tpu.memory_space<vmem>>, vector<1x16xf32>,
        %get3A_249 = vector.shape_cast %get3A_248 : vector<1x16xf32> to vector<16xf32>
        %mul3A_250 = arith.mulf %get3A_249, %gather3A_184 : vector<16xf32>
        %add3A_251 = arith.addf %mul3A_245, %mul3A_250 : vector<16xf32>
        %get3A_252 = arith.index_cast %scan3A_138 : i32 to index
        %get3A_253 = arith.constant 32 : index
        %get3A_254 = tpu.vector_load %arg18[%get3A_252, %get3A_253] {strides = array<i32>} : memref<32x256xf32, #tpu.memory_space<vmem>>, vector<1x16xf32>,
        %get3A_255 = vector.shape_cast %get3A_254 : vector<1x16xf32> to vector<16xf32>
        %mul3A_256 = arith.mulf %get3A_255, %gather3A_197 : vector<16xf32>
        %add3A_257 = arith.addf %add3A_251, %mul3A_256 : vector<16xf32>
        %swap3A_258 = arith.index_cast %scan3A_138 : i32 to index
        %swap3A_259 = arith.constant 32 : index
        %swap3A_260 = tpu.vector_load %arg22[%swap3A_258, %swap3A_259] {strides = array<i32>} : memref<32x256xf32, #tpu.memory_space<vmem>>, vector<1x16xf32>,
        %swap3A_261 = vector.shape_cast %swap3A_260 : vector<1x16xf32> to vector<16xf32>
        %swap3A_262 = vector.shape_cast %add3A_257 : vector<16xf32> to vector<1x16xf32>
        tpu.vector_store %arg22[%swap3A_258, %swap3A_259], %swap3A_262 {strides = array<i32>} : memref<32x256xf32, #tpu.memory_space<vmem>>, vector<1x16xf32>,
        %get3A_263 = arith.index_cast %scan3A_138 : i32 to index
        %get3A_264 = arith.constant 48 : index
        %get3A_265 = tpu.vector_load %arg16[%get3A_263, %get3A_264] {strides = array<i32>} : memref<32x256xf32, #tpu.memory_space<vmem>>, vector<1x16xf32>,
        %get3A_266 = vector.shape_cast %get3A_265 : vector<1x16xf32> to vector<16xf32>
        %mul3A_267 = arith.mulf %get3A_266, %gather3A_171 : vector<16xf32>
        %get3A_268 = arith.index_cast %scan3A_138 : i32 to index
        %get3A_269 = arith.constant 48 : index
        %get3A_270 = tpu.vector_load %arg17[%get3A_268, %get3A_269] {strides = array<i32>} : memref<32x256xf32, #tpu.memory_space<vmem>>, vector<1x16xf32>,
        %get3A_271 = vector.shape_cast %get3A_270 : vector<1x16xf32> to vector<16xf32>
        %mul3A_272 = arith.mulf %get3A_271, %gather3A_184 : vector<16xf32>
        %add3A_273 = arith.addf %mul3A_267, %mul3A_272 : vector<16xf32>
        %get3A_274 = arith.index_cast %scan3A_138 : i32 to index
        %get3A_275 = arith.constant 48 : index
        %get3A_276 = tpu.vector_load %arg18[%get3A_274, %get3A_275] {strides = array<i32>} : memref<32x256xf32, #tpu.memory_space<vmem>>, vector<1x16xf32>,
        %get3A_277 = vector.shape_cast %get3A_276 : vector<1x16xf32> to vector<16xf32>
        %mul3A_278 = arith.mulf %get3A_277, %gather3A_197 : vector<16xf32>
        %add3A_279 = arith.addf %add3A_273, %mul3A_278 : vector<16xf32>
        %swap3A_280 = arith.index_cast %scan3A_138 : i32 to index
        %swap3A_281 = arith.constant 48 : index
        %swap3A_282 = tpu.vector_load %arg22[%swap3A_280, %swap3A_281] {strides = array<i32>} : memref<32x256xf32, #tpu.memory_space<vmem>>, vector<1x16xf32>,
        %swap3A_283 = vector.shape_cast %swap3A_282 : vector<1x16xf32> to vector<16xf32>
        %swap3A_284 = vector.shape_cast %add3A_279 : vector<16xf32> to vector<1x16xf32>
        tpu.vector_store %arg22[%swap3A_280, %swap3A_281], %swap3A_284 {strides = array<i32>} : memref<32x256xf32, #tpu.memory_space<vmem>>, vector<1x16xf32>,
        %get3A_285 = arith.index_cast %scan3A_138 : i32 to index
        %get3A_286 = arith.constant 64 : index
        %get3A_287 = tpu.vector_load %arg16[%get3A_285, %get3A_286] {strides = array<i32>} : memref<32x256xf32, #tpu.memory_space<vmem>>, vector<1x16xf32>,
        %get3A_288 = vector.shape_cast %get3A_287 : vector<1x16xf32> to vector<16xf32>
        %mul3A_289 = arith.mulf %get3A_288, %gather3A_171 : vector<16xf32>
        %get3A_290 = arith.index_cast %scan3A_138 : i32 to index
        %get3A_291 = arith.constant 64 : index
        %get3A_292 = tpu.vector_load %arg17[%get3A_290, %get3A_291] {strides = array<i32>} : memref<32x256xf32, #tpu.memory_space<vmem>>, vector<1x16xf32>,
        %get3A_293 = vector.shape_cast %get3A_292 : vector<1x16xf32> to vector<16xf32>
        %mul3A_294 = arith.mulf %get3A_293, %gather3A_184 : vector<16xf32>
        %add3A_295 = arith.addf %mul3A_289, %mul3A_294 : vector<16xf32>
        %get3A_296 = arith.index_cast %scan3A_138 : i32 to index
        %get3A_297 = arith.constant 64 : index
        %get3A_298 = tpu.vector_load %arg18[%get3A_296, %get3A_297] {strides = array<i32>} : memref<32x256xf32, #tpu.memory_space<vmem>>, vector<1x16xf32>,
        %get3A_299 = vector.shape_cast %get3A_298 : vector<1x16xf32> to vector<16xf32>
        %mul3A_300 = arith.mulf %get3A_299, %gather3A_197 : vector<16xf32>
        %add3A_301 = arith.addf %add3A_295, %mul3A_300 : vector<16xf32>
        %swap3A_302 = arith.index_cast %scan3A_138 : i32 to index
        %swap3A_303 = arith.constant 64 : index
        %swap3A_304 = tpu.vector_load %arg22[%swap3A_302, %swap3A_303] {strides = array<i32>} : memref<32x256xf32, #tpu.memory_space<vmem>>, vector<1x16xf32>,
        %swap3A_305 = vector.shape_cast %swap3A_304 : vector<1x16xf32> to vector<16xf32>
        %swap3A_306 = vector.shape_cast %add3A_301 : vector<16xf32> to vector<1x16xf32>
        tpu.vector_store %arg22[%swap3A_302, %swap3A_303], %swap3A_306 {strides = array<i32>} : memref<32x256xf32, #tpu.memory_space<vmem>>, vector<1x16xf32>,
        %get3A_307 = arith.index_cast %scan3A_138 : i32 to index
        %get3A_308 = arith.constant 80 : index
        %get3A_309 = tpu.vector_load %arg16[%get3A_307, %get3A_308] {strides = array<i32>} : memref<32x256xf32, #tpu.memory_space<vmem>>, vector<1x16xf32>,
        %get3A_310 = vector.shape_cast %get3A_309 : vector<1x16xf32> to vector<16xf32>
        %mul3A_311 = arith.mulf %get3A_310, %gather3A_171 : vector<16xf32>
        %get3A_312 = arith.index_cast %scan3A_138 : i32 to index
        %get3A_313 = arith.constant 80 : index
        %get3A_314 = tpu.vector_load %arg17[%get3A_312, %get3A_313] {strides = array<i32>} : memref<32x256xf32, #tpu.memory_space<vmem>>, vector<1x16xf32>,
        %get3A_315 = vector.shape_cast %get3A_314 : vector<1x16xf32> to vector<16xf32>
        %mul3A_316 = arith.mulf %get3A_315, %gather3A_184 : vector<16xf32>
        %add3A_317 = arith.addf %mul3A_311, %mul3A_316 : vector<16xf32>
        %get3A_318 = arith.index_cast %scan3A_138 : i32 to index
        %get3A_319 = arith.constant 80 : index
        %get3A_320 = tpu.vector_load %arg18[%get3A_318, %get3A_319] {strides = array<i32>} : memref<32x256xf32, #tpu.memory_space<vmem>>, vector<1x16xf32>,
        %get3A_321 = vector.shape_cast %get3A_320 : vector<1x16xf32> to vector<16xf32>
        %mul3A_322 = arith.mulf %get3A_321, %gather3A_197 : vector<16xf32>
        %add3A_323 = arith.addf %add3A_317, %mul3A_322 : vector<16xf32>
        %swap3A_324 = arith.index_cast %scan3A_138 : i32 to index
        %swap3A_325 = arith.constant 80 : index
        %swap3A_326 = tpu.vector_load %arg22[%swap3A_324, %swap3A_325] {strides = array<i32>} : memref<32x256xf32, #tpu.memory_space<vmem>>, vector<1x16xf32>,
        %swap3A_327 = vector.shape_cast %swap3A_326 : vector<1x16xf32> to vector<16xf32>
        %swap3A_328 = vector.shape_cast %add3A_323 : vector<16xf32> to vector<1x16xf32>
        tpu.vector_store %arg22[%swap3A_324, %swap3A_325], %swap3A_328 {strides = array<i32>} : memref<32x256xf32, #tpu.memory_space<vmem>>, vector<1x16xf32>,
        %get3A_329 = arith.index_cast %scan3A_138 : i32 to index
        %get3A_330 = arith.constant 96 : index
        %get3A_331 = tpu.vector_load %arg16[%get3A_329, %get3A_330] {strides = array<i32>} : memref<32x256xf32, #tpu.memory_space<vmem>>, vector<1x16xf32>,
        %get3A_332 = vector.shape_cast %get3A_331 : vector<1x16xf32> to vector<16xf32>
        %mul3A_333 = arith.mulf %get3A_332, %gather3A_171 : vector<16xf32>
        %get3A_334 = arith.index_cast %scan3A_138 : i32 to index
        %get3A_335 = arith.constant 96 : index
        %get3A_336 = tpu.vector_load %arg17[%get3A_334, %get3A_335] {strides = array<i32>} : memref<32x256xf32, #tpu.memory_space<vmem>>, vector<1x16xf32>,
        %get3A_337 = vector.shape_cast %get3A_336 : vector<1x16xf32> to vector<16xf32>
        %mul3A_338 = arith.mulf %get3A_337, %gather3A_184 : vector<16xf32>
        %add3A_339 = arith.addf %mul3A_333, %mul3A_338 : vector<16xf32>
        %get3A_340 = arith.index_cast %scan3A_138 : i32 to index
        %get3A_341 = arith.constant 96 : index
        %get3A_342 = tpu.vector_load %arg18[%get3A_340, %get3A_341] {strides = array<i32>} : memref<32x256xf32, #tpu.memory_space<vmem>>, vector<1x16xf32>,
        %get3A_343 = vector.shape_cast %get3A_342 : vector<1x16xf32> to vector<16xf32>
        %mul3A_344 = arith.mulf %get3A_343, %gather3A_197 : vector<16xf32>
        %add3A_345 = arith.addf %add3A_339, %mul3A_344 : vector<16xf32>
        %swap3A_346 = arith.index_cast %scan3A_138 : i32 to index
        %swap3A_347 = arith.constant 96 : index
        %swap3A_348 = tpu.vector_load %arg22[%swap3A_346, %swap3A_347] {strides = array<i32>} : memref<32x256xf32, #tpu.memory_space<vmem>>, vector<1x16xf32>,
        %swap3A_349 = vector.shape_cast %swap3A_348 : vector<1x16xf32> to vector<16xf32>
        %swap3A_350 = vector.shape_cast %add3A_345 : vector<16xf32> to vector<1x16xf32>
        tpu.vector_store %arg22[%swap3A_346, %swap3A_347], %swap3A_350 {strides = array<i32>} : memref<32x256xf32, #tpu.memory_space<vmem>>, vector<1x16xf32>,
        %get3A_351 = arith.index_cast %scan3A_138 : i32 to index
        %get3A_352 = arith.constant 112 : index
        %get3A_353 = tpu.vector_load %arg16[%get3A_351, %get3A_352] {strides = array<i32>} : memref<32x256xf32, #tpu.memory_space<vmem>>, vector<1x16xf32>,
        %get3A_354 = vector.shape_cast %get3A_353 : vector<1x16xf32> to vector<16xf32>
        %mul3A_355 = arith.mulf %get3A_354, %gather3A_171 : vector<16xf32>
        %get3A_356 = arith.index_cast %scan3A_138 : i32 to index
        %get3A_357 = arith.constant 112 : index
        %get3A_358 = tpu.vector_load %arg17[%get3A_356, %get3A_357] {strides = array<i32>} : memref<32x256xf32, #tpu.memory_space<vmem>>, vector<1x16xf32>,
        %get3A_359 = vector.shape_cast %get3A_358 : vector<1x16xf32> to vector<16xf32>
        %mul3A_360 = arith.mulf %get3A_359, %gather3A_184 : vector<16xf32>
        %add3A_361 = arith.addf %mul3A_355, %mul3A_360 : vector<16xf32>
        %get3A_362 = arith.index_cast %scan3A_138 : i32 to index
        %get3A_363 = arith.constant 112 : index
        %get3A_364 = tpu.vector_load %arg18[%get3A_362, %get3A_363] {strides = array<i32>} : memref<32x256xf32, #tpu.memory_space<vmem>>, vector<1x16xf32>,
        %get3A_365 = vector.shape_cast %get3A_364 : vector<1x16xf32> to vector<16xf32>
        %mul3A_366 = arith.mulf %get3A_365, %gather3A_197 : vector<16xf32>
        %add3A_367 = arith.addf %add3A_361, %mul3A_366 : vector<16xf32>
        %swap3A_368 = arith.index_cast %scan3A_138 : i32 to index
        %swap3A_369 = arith.constant 112 : index
        %swap3A_370 = tpu.vector_load %arg22[%swap3A_368, %swap3A_369] {strides = array<i32>} : memref<32x256xf32, #tpu.memory_space<vmem>>, vector<1x16xf32>,
        %swap3A_371 = vector.shape_cast %swap3A_370 : vector<1x16xf32> to vector<16xf32>
        %swap3A_372 = vector.shape_cast %add3A_367 : vector<16xf32> to vector<1x16xf32>
        tpu.vector_store %arg22[%swap3A_368, %swap3A_369], %swap3A_372 {strides = array<i32>} : memref<32x256xf32, #tpu.memory_space<vmem>>, vector<1x16xf32>,
        %get3A_373 = arith.index_cast %scan3A_138 : i32 to index
        %get3A_374 = arith.constant 128 : index
        %get3A_375 = tpu.vector_load %arg16[%get3A_373, %get3A_374] {strides = array<i32>} : memref<32x256xf32, #tpu.memory_space<vmem>>, vector<1x16xf32>,
        %get3A_376 = vector.shape_cast %get3A_375 : vector<1x16xf32> to vector<16xf32>
        %mul3A_377 = arith.mulf %get3A_376, %gather3A_171 : vector<16xf32>
        %get3A_378 = arith.index_cast %scan3A_138 : i32 to index
        %get3A_379 = arith.constant 128 : index
        %get3A_380 = tpu.vector_load %arg17[%get3A_378, %get3A_379] {strides = array<i32>} : memref<32x256xf32, #tpu.memory_space<vmem>>, vector<1x16xf32>,
        %get3A_381 = vector.shape_cast %get3A_380 : vector<1x16xf32> to vector<16xf32>
        %mul3A_382 = arith.mulf %get3A_381, %gather3A_184 : vector<16xf32>
        %add3A_383 = arith.addf %mul3A_377, %mul3A_382 : vector<16xf32>
        %get3A_384 = arith.index_cast %scan3A_138 : i32 to index
        %get3A_385 = arith.constant 128 : index
        %get3A_386 = tpu.vector_load %arg18[%get3A_384, %get3A_385] {strides = array<i32>} : memref<32x256xf32, #tpu.memory_space<vmem>>, vector<1x16xf32>,
        %get3A_387 = vector.shape_cast %get3A_386 : vector<1x16xf32> to vector<16xf32>
        %mul3A_388 = arith.mulf %get3A_387, %gather3A_197 : vector<16xf32>
        %add3A_389 = arith.addf %add3A_383, %mul3A_388 : vector<16xf32>
        %swap3A_390 = arith.index_cast %scan3A_138 : i32 to index
        %swap3A_391 = arith.constant 128 : index
        %swap3A_392 = tpu.vector_load %arg22[%swap3A_390, %swap3A_391] {strides = array<i32>} : memref<32x256xf32, #tpu.memory_space<vmem>>, vector<1x16xf32>,
        %swap3A_393 = vector.shape_cast %swap3A_392 : vector<1x16xf32> to vector<16xf32>
        %swap3A_394 = vector.shape_cast %add3A_389 : vector<16xf32> to vector<1x16xf32>
        tpu.vector_store %arg22[%swap3A_390, %swap3A_391], %swap3A_394 {strides = array<i32>} : memref<32x256xf32, #tpu.memory_space<vmem>>, vector<1x16xf32>,
        %get3A_395 = arith.index_cast %scan3A_138 : i32 to index
        %get3A_396 = arith.constant 144 : index
        %get3A_397 = tpu.vector_load %arg16[%get3A_395, %get3A_396] {strides = array<i32>} : memref<32x256xf32, #tpu.memory_space<vmem>>, vector<1x16xf32>,
        %get3A_398 = vector.shape_cast %get3A_397 : vector<1x16xf32> to vector<16xf32>
        %mul3A_399 = arith.mulf %get3A_398, %gather3A_171 : vector<16xf32>
        %get3A_400 = arith.index_cast %scan3A_138 : i32 to index
        %get3A_401 = arith.constant 144 : index
        %get3A_402 = tpu.vector_load %arg17[%get3A_400, %get3A_401] {strides = array<i32>} : memref<32x256xf32, #tpu.memory_space<vmem>>, vector<1x16xf32>,
        %get3A_403 = vector.shape_cast %get3A_402 : vector<1x16xf32> to vector<16xf32>
        %mul3A_404 = arith.mulf %get3A_403, %gather3A_184 : vector<16xf32>
        %add3A_405 = arith.addf %mul3A_399, %mul3A_404 : vector<16xf32>
        %get3A_406 = arith.index_cast %scan3A_138 : i32 to index
        %get3A_407 = arith.constant 144 : index
        %get3A_408 = tpu.vector_load %arg18[%get3A_406, %get3A_407] {strides = array<i32>} : memref<32x256xf32, #tpu.memory_space<vmem>>, vector<1x16xf32>,
        %get3A_409 = vector.shape_cast %get3A_408 : vector<1x16xf32> to vector<16xf32>
        %mul3A_410 = arith.mulf %get3A_409, %gather3A_197 : vector<16xf32>
        %add3A_411 = arith.addf %add3A_405, %mul3A_410 : vector<16xf32>
        %swap3A_412 = arith.index_cast %scan3A_138 : i32 to index
        %swap3A_413 = arith.constant 144 : index
        %swap3A_414 = tpu.vector_load %arg22[%swap3A_412, %swap3A_413] {strides = array<i32>} : memref<32x256xf32, #tpu.memory_space<vmem>>, vector<1x16xf32>,
        %swap3A_415 = vector.shape_cast %swap3A_414 : vector<1x16xf32> to vector<16xf32>
        %swap3A_416 = vector.shape_cast %add3A_411 : vector<16xf32> to vector<1x16xf32>
        tpu.vector_store %arg22[%swap3A_412, %swap3A_413], %swap3A_416 {strides = array<i32>} : memref<32x256xf32, #tpu.memory_space<vmem>>, vector<1x16xf32>,
        %get3A_417 = arith.index_cast %scan3A_138 : i32 to index
        %get3A_418 = arith.constant 160 : index
        %get3A_419 = tpu.vector_load %arg16[%get3A_417, %get3A_418] {strides = array<i32>} : memref<32x256xf32, #tpu.memory_space<vmem>>, vector<1x16xf32>,
        %get3A_420 = vector.shape_cast %get3A_419 : vector<1x16xf32> to vector<16xf32>
        %mul3A_421 = arith.mulf %get3A_420, %gather3A_171 : vector<16xf32>
        %get3A_422 = arith.index_cast %scan3A_138 : i32 to index
        %get3A_423 = arith.constant 160 : index
        %get3A_424 = tpu.vector_load %arg17[%get3A_422, %get3A_423] {strides = array<i32>} : memref<32x256xf32, #tpu.memory_space<vmem>>, vector<1x16xf32>,
        %get3A_425 = vector.shape_cast %get3A_424 : vector<1x16xf32> to vector<16xf32>
        %mul3A_426 = arith.mulf %get3A_425, %gather3A_184 : vector<16xf32>
        %add3A_427 = arith.addf %mul3A_421, %mul3A_426 : vector<16xf32>
        %get3A_428 = arith.index_cast %scan3A_138 : i32 to index
        %get3A_429 = arith.constant 160 : index
        %get3A_430 = tpu.vector_load %arg18[%get3A_428, %get3A_429] {strides = array<i32>} : memref<32x256xf32, #tpu.memory_space<vmem>>, vector<1x16xf32>,
        %get3A_431 = vector.shape_cast %get3A_430 : vector<1x16xf32> to vector<16xf32>
        %mul3A_432 = arith.mulf %get3A_431, %gather3A_197 : vector<16xf32>
        %add3A_433 = arith.addf %add3A_427, %mul3A_432 : vector<16xf32>
        %swap3A_434 = arith.index_cast %scan3A_138 : i32 to index
        %swap3A_435 = arith.constant 160 : index
        %swap3A_436 = tpu.vector_load %arg22[%swap3A_434, %swap3A_435] {strides = array<i32>} : memref<32x256xf32, #tpu.memory_space<vmem>>, vector<1x16xf32>,
        %swap3A_437 = vector.shape_cast %swap3A_436 : vector<1x16xf32> to vector<16xf32>
        %swap3A_438 = vector.shape_cast %add3A_433 : vector<16xf32> to vector<1x16xf32>
        tpu.vector_store %arg22[%swap3A_434, %swap3A_435], %swap3A_438 {strides = array<i32>} : memref<32x256xf32, #tpu.memory_space<vmem>>, vector<1x16xf32>,
        %get3A_439 = arith.index_cast %scan3A_138 : i32 to index
        %get3A_440 = arith.constant 176 : index
        %get3A_441 = tpu.vector_load %arg16[%get3A_439, %get3A_440] {strides = array<i32>} : memref<32x256xf32, #tpu.memory_space<vmem>>, vector<1x16xf32>,
        %get3A_442 = vector.shape_cast %get3A_441 : vector<1x16xf32> to vector<16xf32>
        %mul3A_443 = arith.mulf %get3A_442, %gather3A_171 : vector<16xf32>
        %get3A_444 = arith.index_cast %scan3A_138 : i32 to index
        %get3A_445 = arith.constant 176 : index
        %get3A_446 = tpu.vector_load %arg17[%get3A_444, %get3A_445] {strides = array<i32>} : memref<32x256xf32, #tpu.memory_space<vmem>>, vector<1x16xf32>,
        %get3A_447 = vector.shape_cast %get3A_446 : vector<1x16xf32> to vector<16xf32>
        %mul3A_448 = arith.mulf %get3A_447, %gather3A_184 : vector<16xf32>
        %add3A_449 = arith.addf %mul3A_443, %mul3A_448 : vector<16xf32>
        %get3A_450 = arith.index_cast %scan3A_138 : i32 to index
        %get3A_451 = arith.constant 176 : index
        %get3A_452 = tpu.vector_load %arg18[%get3A_450, %get3A_451] {strides = array<i32>} : memref<32x256xf32, #tpu.memory_space<vmem>>, vector<1x16xf32>,
        %get3A_453 = vector.shape_cast %get3A_452 : vector<1x16xf32> to vector<16xf32>
        %mul3A_454 = arith.mulf %get3A_453, %gather3A_197 : vector<16xf32>
        %add3A_455 = arith.addf %add3A_449, %mul3A_454 : vector<16xf32>
        %swap3A_456 = arith.index_cast %scan3A_138 : i32 to index
        %swap3A_457 = arith.constant 176 : index
        %swap3A_458 = tpu.vector_load %arg22[%swap3A_456, %swap3A_457] {strides = array<i32>} : memref<32x256xf32, #tpu.memory_space<vmem>>, vector<1x16xf32>,
        %swap3A_459 = vector.shape_cast %swap3A_458 : vector<1x16xf32> to vector<16xf32>
        %swap3A_460 = vector.shape_cast %add3A_455 : vector<16xf32> to vector<1x16xf32>
        tpu.vector_store %arg22[%swap3A_456, %swap3A_457], %swap3A_460 {strides = array<i32>} : memref<32x256xf32, #tpu.memory_space<vmem>>, vector<1x16xf32>,
        %get3A_461 = arith.index_cast %scan3A_138 : i32 to index
        %get3A_462 = arith.constant 192 : index
        %get3A_463 = tpu.vector_load %arg16[%get3A_461, %get3A_462] {strides = array<i32>} : memref<32x256xf32, #tpu.memory_space<vmem>>, vector<1x16xf32>,
        %get3A_464 = vector.shape_cast %get3A_463 : vector<1x16xf32> to vector<16xf32>
        %mul3A_465 = arith.mulf %get3A_464, %gather3A_171 : vector<16xf32>
        %get3A_466 = arith.index_cast %scan3A_138 : i32 to index
        %get3A_467 = arith.constant 192 : index
        %get3A_468 = tpu.vector_load %arg17[%get3A_466, %get3A_467] {strides = array<i32>} : memref<32x256xf32, #tpu.memory_space<vmem>>, vector<1x16xf32>,
        %get3A_469 = vector.shape_cast %get3A_468 : vector<1x16xf32> to vector<16xf32>
        %mul3A_470 = arith.mulf %get3A_469, %gather3A_184 : vector<16xf32>
        %add3A_471 = arith.addf %mul3A_465, %mul3A_470 : vector<16xf32>
        %get3A_472 = arith.index_cast %scan3A_138 : i32 to index
        %get3A_473 = arith.constant 192 : index
        %get3A_474 = tpu.vector_load %arg18[%get3A_472, %get3A_473] {strides = array<i32>} : memref<32x256xf32, #tpu.memory_space<vmem>>, vector<1x16xf32>,
        %get3A_475 = vector.shape_cast %get3A_474 : vector<1x16xf32> to vector<16xf32>
        %mul3A_476 = arith.mulf %get3A_475, %gather3A_197 : vector<16xf32>
        %add3A_477 = arith.addf %add3A_471, %mul3A_476 : vector<16xf32>
        %swap3A_478 = arith.index_cast %scan3A_138 : i32 to index
        %swap3A_479 = arith.constant 192 : index
        %swap3A_480 = tpu.vector_load %arg22[%swap3A_478, %swap3A_479] {strides = array<i32>} : memref<32x256xf32, #tpu.memory_space<vmem>>, vector<1x16xf32>,
        %swap3A_481 = vector.shape_cast %swap3A_480 : vector<1x16xf32> to vector<16xf32>
        %swap3A_482 = vector.shape_cast %add3A_477 : vector<16xf32> to vector<1x16xf32>
        tpu.vector_store %arg22[%swap3A_478, %swap3A_479], %swap3A_482 {strides = array<i32>} : memref<32x256xf32, #tpu.memory_space<vmem>>, vector<1x16xf32>,
        %get3A_483 = arith.index_cast %scan3A_138 : i32 to index
        %get3A_484 = arith.constant 208 : index
        %get3A_485 = tpu.vector_load %arg16[%get3A_483, %get3A_484] {strides = array<i32>} : memref<32x256xf32, #tpu.memory_space<vmem>>, vector<1x16xf32>,
        %get3A_486 = vector.shape_cast %get3A_485 : vector<1x16xf32> to vector<16xf32>
        %mul3A_487 = arith.mulf %get3A_486, %gather3A_171 : vector<16xf32>
        %get3A_488 = arith.index_cast %scan3A_138 : i32 to index
        %get3A_489 = arith.constant 208 : index
        %get3A_490 = tpu.vector_load %arg17[%get3A_488, %get3A_489] {strides = array<i32>} : memref<32x256xf32, #tpu.memory_space<vmem>>, vector<1x16xf32>,
        %get3A_491 = vector.shape_cast %get3A_490 : vector<1x16xf32> to vector<16xf32>
        %mul3A_492 = arith.mulf %get3A_491, %gather3A_184 : vector<16xf32>
        %add3A_493 = arith.addf %mul3A_487, %mul3A_492 : vector<16xf32>
        %get3A_494 = arith.index_cast %scan3A_138 : i32 to index
        %get3A_495 = arith.constant 208 : index
        %get3A_496 = tpu.vector_load %arg18[%get3A_494, %get3A_495] {strides = array<i32>} : memref<32x256xf32, #tpu.memory_space<vmem>>, vector<1x16xf32>,
        %get3A_497 = vector.shape_cast %get3A_496 : vector<1x16xf32> to vector<16xf32>
        %mul3A_498 = arith.mulf %get3A_497, %gather3A_197 : vector<16xf32>
        %add3A_499 = arith.addf %add3A_493, %mul3A_498 : vector<16xf32>
        %swap3A_500 = arith.index_cast %scan3A_138 : i32 to index
        %swap3A_501 = arith.constant 208 : index
        %swap3A_502 = tpu.vector_load %arg22[%swap3A_500, %swap3A_501] {strides = array<i32>} : memref<32x256xf32, #tpu.memory_space<vmem>>, vector<1x16xf32>,
        %swap3A_503 = vector.shape_cast %swap3A_502 : vector<1x16xf32> to vector<16xf32>
        %swap3A_504 = vector.shape_cast %add3A_499 : vector<16xf32> to vector<1x16xf32>
        tpu.vector_store %arg22[%swap3A_500, %swap3A_501], %swap3A_504 {strides = array<i32>} : memref<32x256xf32, #tpu.memory_space<vmem>>, vector<1x16xf32>,
        %get3A_505 = arith.index_cast %scan3A_138 : i32 to index
        %get3A_506 = arith.constant 224 : index
        %get3A_507 = tpu.vector_load %arg16[%get3A_505, %get3A_506] {strides = array<i32>} : memref<32x256xf32, #tpu.memory_space<vmem>>, vector<1x16xf32>,
        %get3A_508 = vector.shape_cast %get3A_507 : vector<1x16xf32> to vector<16xf32>
        %mul3A_509 = arith.mulf %get3A_508, %gather3A_171 : vector<16xf32>
        %get3A_510 = arith.index_cast %scan3A_138 : i32 to index
        %get3A_511 = arith.constant 224 : index
        %get3A_512 = tpu.vector_load %arg17[%get3A_510, %get3A_511] {strides = array<i32>} : memref<32x256xf32, #tpu.memory_space<vmem>>, vector<1x16xf32>,
        %get3A_513 = vector.shape_cast %get3A_512 : vector<1x16xf32> to vector<16xf32>
        %mul3A_514 = arith.mulf %get3A_513, %gather3A_184 : vector<16xf32>
        %add3A_515 = arith.addf %mul3A_509, %mul3A_514 : vector<16xf32>
        %get3A_516 = arith.index_cast %scan3A_138 : i32 to index
        %get3A_517 = arith.constant 224 : index
        %get3A_518 = tpu.vector_load %arg18[%get3A_516, %get3A_517] {strides = array<i32>} : memref<32x256xf32, #tpu.memory_space<vmem>>, vector<1x16xf32>,
        %get3A_519 = vector.shape_cast %get3A_518 : vector<1x16xf32> to vector<16xf32>
        %mul3A_520 = arith.mulf %get3A_519, %gather3A_197 : vector<16xf32>
        %add3A_521 = arith.addf %add3A_515, %mul3A_520 : vector<16xf32>
        %swap3A_522 = arith.index_cast %scan3A_138 : i32 to index
        %swap3A_523 = arith.constant 224 : index
        %swap3A_524 = tpu.vector_load %arg22[%swap3A_522, %swap3A_523] {strides = array<i32>} : memref<32x256xf32, #tpu.memory_space<vmem>>, vector<1x16xf32>,
        %swap3A_525 = vector.shape_cast %swap3A_524 : vector<1x16xf32> to vector<16xf32>
        %swap3A_526 = vector.shape_cast %add3A_521 : vector<16xf32> to vector<1x16xf32>
        tpu.vector_store %arg22[%swap3A_522, %swap3A_523], %swap3A_526 {strides = array<i32>} : memref<32x256xf32, #tpu.memory_space<vmem>>, vector<1x16xf32>,
        %get3A_527 = arith.index_cast %scan3A_138 : i32 to index
        %get3A_528 = arith.constant 240 : index
        %get3A_529 = tpu.vector_load %arg16[%get3A_527, %get3A_528] {strides = array<i32>} : memref<32x256xf32, #tpu.memory_space<vmem>>, vector<1x16xf32>,
        %get3A_530 = vector.shape_cast %get3A_529 : vector<1x16xf32> to vector<16xf32>
        %mul3A_531 = arith.mulf %get3A_530, %gather3A_171 : vector<16xf32>
        %get3A_532 = arith.index_cast %scan3A_138 : i32 to index
        %get3A_533 = arith.constant 240 : index
        %get3A_534 = tpu.vector_load %arg17[%get3A_532, %get3A_533] {strides = array<i32>} : memref<32x256xf32, #tpu.memory_space<vmem>>, vector<1x16xf32>,
        %get3A_535 = vector.shape_cast %get3A_534 : vector<1x16xf32> to vector<16xf32>
        %mul3A_536 = arith.mulf %get3A_535, %gather3A_184 : vector<16xf32>
        %add3A_537 = arith.addf %mul3A_531, %mul3A_536 : vector<16xf32>
        %get3A_538 = arith.index_cast %scan3A_138 : i32 to index
        %get3A_539 = arith.constant 240 : index
        %get3A_540 = tpu.vector_load %arg18[%get3A_538, %get3A_539] {strides = array<i32>} : memref<32x256xf32, #tpu.memory_space<vmem>>, vector<1x16xf32>,
        %get3A_541 = vector.shape_cast %get3A_540 : vector<1x16xf32> to vector<16xf32>
        %mul3A_542 = arith.mulf %get3A_541, %gather3A_197 : vector<16xf32>
        %add3A_543 = arith.addf %add3A_537, %mul3A_542 : vector<16xf32>
        %swap3A_544 = arith.index_cast %scan3A_138 : i32 to index
        %swap3A_545 = arith.constant 240 : index
        %swap3A_546 = tpu.vector_load %arg22[%swap3A_544, %swap3A_545] {strides = array<i32>} : memref<32x256xf32, #tpu.memory_space<vmem>>, vector<1x16xf32>,
        %swap3A_547 = vector.shape_cast %swap3A_546 : vector<1x16xf32> to vector<16xf32>
        %swap3A_548 = vector.shape_cast %add3A_543 : vector<16xf32> to vector<1x16xf32>
        tpu.vector_store %arg22[%swap3A_544, %swap3A_545], %swap3A_548 {strides = array<i32>} : memref<32x256xf32, #tpu.memory_space<vmem>>, vector<1x16xf32>,
        %scan3A_549 = arith.constant 0 : i32
        scf.yield %scan3A_549 : i32
      }
      %scan3A_83 = arith.constant 32 : i32
      %mul3A_84 = arith.constant 32 : i32
      %mul3A_85 = arith.muli %mul3A_40, %mul3A_84 : i32
      %add3A_86 = arith.addi %multiple_of3A, %mul3A_85 : i32
      %multiple_of3A_87 = tpu.assume_multiple %add3A_86, 32 : i32
      %dma_start3A_88 = arith.constant 0 : i32
      %dma_start3A_89 = tpu.memref_slice %arg9[%multiple_of3A_87, %dma_start3A_88] : memref<16384x256xf32, #tpu.memory_space<hbm>> -> memref<32x256xf32, #tpu.memory_space<hbm>>
      %dma_start3A_90 = arith.constant 0 : i32
      %dma_start3A_91 = tpu.memref_slice %arg9[%multiple_of3A_87, %dma_start3A_90] : memref<16384x256xf32, #tpu.memory_space<hbm>> -> memref<32x256xf32, #tpu.memory_space<hbm>>
      tpu.enqueue_dma source(%arg22 : memref<32x256xf32, #tpu.memory_space<vmem>>) target(%dma_start3A_91 : memref<32x256xf32, #tpu.memory_space<hbm>>) target_semaphore(%arg30 : memref<!tpu.dma_semaphore, #tpu.memory_space<semaphore_mem>>)
      %add3A_92 = arith.constant 1 : i32
      %add3A_93 = arith.addi %scan3A_37, %add3A_92 : i32
      %lt3A = arith.constant 8 : i32
      %lt3A_94 = arith.cmpi slt, %add3A_93, %lt3A : i32
      %convert_element_type3A_95 = arith.extui %lt3A_94 : i1 to i32
      %cond3A_96 = arith.constant 0 : i32
      %cond3A_97 = arith.cmpi ne, %convert_element_type3A_95, %cond3A_96 : i32
      scf.if %cond3A_97 {
        %add3A_138 = arith.constant 2 : i32
        %add3A_139 = arith.addi %mul3A_40, %add3A_138 : i32
        %mul3A_140 = arith.constant 32 : i32
        %mul3A_141 = arith.muli %add3A_139, %mul3A_140 : i32
        %multiple_of3A_142 = tpu.assume_multiple %mul3A_141, 32 : i32
        %dma_start3A_143 = tpu.memref_slice %arg10[%multiple_of3A_142] : memref<512xi32, #tpu.memory_space<vmem>> -> memref<32xi32, #tpu.memory_space<vmem>>
        %dma_start3A_144 = arith.constant 0 : i32
        %dma_start3A_145 = arith.constant 0 : i32
        %dma_start3A_146 = tpu.memref_slice %arg8[%dma_start3A_144, %dma_start3A_145] : memref<8192x256xf32, #tpu.memory_space<hbm>> -> memref<8192x256xf32, #tpu.memory_space<hbm>>
        tpu.enqueue_indirect_dma source(%dma_start3A_146 : memref<8192x256xf32, #tpu.memory_space<hbm>>) target(%arg16 : memref<32x256xf32, #tpu.memory_space<vmem>>) offsets(%dma_start3A_143 : memref<32xi32, #tpu.memory_space<vmem>>) semaphore(%arg24 : memref<!tpu.dma_semaphore, #tpu.memory_space<semaphore_mem>>)
        %dma_start3A_147 = tpu.memref_slice %arg11[%multiple_of3A_142] : memref<512xi32, #tpu.memory_space<vmem>> -> memref<32xi32, #tpu.memory_space<vmem>>
        %dma_start3A_148 = arith.constant 0 : i32
        %dma_start3A_149 = arith.constant 0 : i32
        %dma_start3A_150 = tpu.memref_slice %arg8[%dma_start3A_148, %dma_start3A_149] : memref<8192x256xf32, #tpu.memory_space<hbm>> -> memref<8192x256xf32, #tpu.memory_space<hbm>>
        tpu.enqueue_indirect_dma source(%dma_start3A_150 : memref<8192x256xf32, #tpu.memory_space<hbm>>) target(%arg17 : memref<32x256xf32, #tpu.memory_space<vmem>>) offsets(%dma_start3A_147 : memref<32xi32, #tpu.memory_space<vmem>>) semaphore(%arg25 : memref<!tpu.dma_semaphore, #tpu.memory_space<semaphore_mem>>)
        %dma_start3A_151 = tpu.memref_slice %arg12[%multiple_of3A_142] : memref<512xi32, #tpu.memory_space<vmem>> -> memref<32xi32, #tpu.memory_space<vmem>>
        %dma_start3A_152 = arith.constant 0 : i32
        %dma_start3A_153 = arith.constant 0 : i32
        %dma_start3A_154 = tpu.memref_slice %arg8[%dma_start3A_152, %dma_start3A_153] : memref<8192x256xf32, #tpu.memory_space<hbm>> -> memref<8192x256xf32, #tpu.memory_space<hbm>>
        tpu.enqueue_indirect_dma source(%dma_start3A_154 : memref<8192x256xf32, #tpu.memory_space<hbm>>) target(%arg18 : memref<32x256xf32, #tpu.memory_space<vmem>>) offsets(%dma_start3A_151 : memref<32xi32, #tpu.memory_space<vmem>>) semaphore(%arg26 : memref<!tpu.dma_semaphore, #tpu.memory_space<semaphore_mem>>)
      } else {
      }
      %add3A_98 = arith.constant 1 : i32
      %add3A_99 = arith.addi %mul3A_40, %add3A_98 : i32
      %mul3A_100 = arith.constant 32 : i32
      %mul3A_101 = arith.muli %add3A_99, %mul3A_100 : i32
      %multiple_of3A_102 = tpu.assume_multiple %mul3A_101, 32 : i32
      %dma_wait3A_103 = tpu.memref_slice %arg10[%multiple_of3A_102] : memref<512xi32, #tpu.memory_space<vmem>> -> memref<32xi32, #tpu.memory_space<vmem>>
      %dma_wait3A_104 = arith.constant 0 : i32
      %dma_wait3A_105 = arith.constant 0 : i32
      %dma_wait3A_106 = tpu.memref_slice %arg8[%dma_wait3A_104, %dma_wait3A_105] : memref<8192x256xf32, #tpu.memory_space<hbm>> -> memref<8192x256xf32, #tpu.memory_space<hbm>>
      tpu.wait_indirect_dma semaphore(%arg27 : memref<!tpu.dma_semaphore, #tpu.memory_space<semaphore_mem>>) src(%dma_wait3A_106 : memref<8192x256xf32, #tpu.memory_space<hbm>>) dst(%arg19 : memref<32x256xf32, #tpu.memory_space<vmem>>)
      %dma_wait3A_107 = tpu.memref_slice %arg11[%multiple_of3A_102] : memref<512xi32, #tpu.memory_space<vmem>> -> memref<32xi32, #tpu.memory_space<vmem>>
      %dma_wait3A_108 = arith.constant 0 : i32
      %dma_wait3A_109 = arith.constant 0 : i32
      %dma_wait3A_110 = tpu.memref_slice %arg8[%dma_wait3A_108, %dma_wait3A_109] : memref<8192x256xf32, #tpu.memory_space<hbm>> -> memref<8192x256xf32, #tpu.memory_space<hbm>>
      tpu.wait_indirect_dma semaphore(%arg28 : memref<!tpu.dma_semaphore, #tpu.memory_space<semaphore_mem>>) src(%dma_wait3A_110 : memref<8192x256xf32, #tpu.memory_space<hbm>>) dst(%arg20 : memref<32x256xf32, #tpu.memory_space<vmem>>)
      %dma_wait3A_111 = tpu.memref_slice %arg12[%multiple_of3A_102] : memref<512xi32, #tpu.memory_space<vmem>> -> memref<32xi32, #tpu.memory_space<vmem>>
      %dma_wait3A_112 = arith.constant 0 : i32
      %dma_wait3A_113 = arith.constant 0 : i32
      %dma_wait3A_114 = tpu.memref_slice %arg8[%dma_wait3A_112, %dma_wait3A_113] : memref<8192x256xf32, #tpu.memory_space<hbm>> -> memref<8192x256xf32, #tpu.memory_space<hbm>>
      tpu.wait_indirect_dma semaphore(%arg29 : memref<!tpu.dma_semaphore, #tpu.memory_space<semaphore_mem>>) src(%dma_wait3A_114 : memref<8192x256xf32, #tpu.memory_space<hbm>>) dst(%arg21 : memref<32x256xf32, #tpu.memory_space<vmem>>)
      %gt3A_115 = arith.constant 0 : i32
      %gt3A_116 = arith.cmpi sgt, %scan3A_37, %gt3A_115 : i32
      %convert_element_type3A_117 = arith.extui %gt3A_116 : i1 to i32
      %cond3A_118 = arith.constant 0 : i32
      %cond3A_119 = arith.cmpi ne, %convert_element_type3A_117, %cond3A_118 : i32
      scf.if %cond3A_119 {
        %mul3A_138 = arith.constant 32 : i32
        %mul3A_139 = arith.muli %add3A_99, %mul3A_138 : i32
        %add3A_140 = arith.addi %multiple_of3A, %mul3A_139 : i32
        %multiple_of3A_141 = tpu.assume_multiple %add3A_140, 32 : i32
        %dma_wait3A_142 = arith.constant 0 : i32
        %dma_wait3A_143 = tpu.memref_slice %arg9[%multiple_of3A_141, %dma_wait3A_142] : memref<16384x256xf32, #tpu.memory_space<hbm>> -> memref<32x256xf32, #tpu.memory_space<hbm>>
        %dma_wait3A_144 = arith.constant 0 : i32
        %dma_wait3A_145 = tpu.memref_slice %arg9[%multiple_of3A_141, %dma_wait3A_144] : memref<16384x256xf32, #tpu.memory_space<hbm>> -> memref<32x256xf32, #tpu.memory_space<hbm>>
        tpu.wait_dma2 semaphore(%arg31 : memref<!tpu.dma_semaphore, #tpu.memory_space<semaphore_mem>>) src(%arg23 : memref<32x256xf32, #tpu.memory_space<vmem>>) dst(%dma_wait3A_145 : memref<32x256xf32, #tpu.memory_space<hbm>>)
      } else {
      }
      %mul3A_120 = arith.constant 32 : i32
      %mul3A_121 = arith.muli %add3A_99, %mul3A_120 : i32
      %scan3A_122 = arith.constant 0 : i32
      %scan3A_123 = arith.constant 0 : i32
      %scan3A_124 = arith.constant 32 : i32
      %scan3A_125 = arith.addi %scan3A_123, %scan3A_124 : i32
      %scan3A_126 = arith.constant 1 : i32
      %scan3A_127 = scf.for %scan3A_138 = %scan3A_123 to %scan3A_125 step %scan3A_126 iter_args(%scan3A_139 = %scan3A_122) -> (i32)  : i32 {
        %add3A_140 = arith.addi %mul3A_121, %scan3A_138 : i32
        %jit3A = arith.constant 16 : i32
        %div3A = arith.divsi %add3A_140, %jit3A : i32
        %sign3A = arith.constant 0 : i32
        %sign3A_141 = arith.cmpi sgt, %add3A_140, %sign3A : i32
        %sign3A_142 = arith.extui %sign3A_141 : i1 to i32
        %sign3A_143 = arith.constant 0 : i32
        %sign3A_144 = arith.cmpi slt, %add3A_140, %sign3A_143 : i32
        %sign3A_145 = arith.extui %sign3A_144 : i1 to i32
        %sign3A_146 = arith.subi %sign3A_142, %sign3A_145 : i32
        %sign3A_147 = arith.constant 0 : i32
        %sign3A_148 = arith.cmpi sgt, %jit3A, %sign3A_147 : i32
        %sign3A_149 = arith.extui %sign3A_148 : i1 to i32
        %sign3A_150 = arith.constant 0 : i32
        %sign3A_151 = arith.cmpi slt, %jit3A, %sign3A_150 : i32
        %sign3A_152 = arith.extui %sign3A_151 : i1 to i32
        %sign3A_153 = arith.subi %sign3A_149, %sign3A_152 : i32
        %ne3A = arith.cmpi ne, %sign3A_146, %sign3A_153 : i32
        %rem3A = arith.remsi %add3A_140, %jit3A : i32
        %ne3A_154 = arith.constant 0 : i32
        %ne3A_155 = arith.cmpi ne, %rem3A, %ne3A_154 : i32
        %and3A = arith.andi %ne3A, %ne3A_155 : i1
        %sub3A = arith.constant 1 : i32
        %sub3A_156 = arith.subi %div3A, %sub3A : i32
        %select_n3A = arith.select %and3A, %sub3A_156, %div3A : i32
        %mul3A_157 = arith.constant 16 : i32
        %mul3A_158 = arith.muli %select_n3A, %mul3A_157 : i32
        %multiple_of3A_159 = tpu.assume_multiple %mul3A_158, 16 : i32
        %sub3A_160 = arith.subi %add3A_140, %multiple_of3A_159 : i32
        %broadcast_in_dim3A = vector.broadcast %sub3A_160 : i32 to vector<16xi32>
        %get3A = arith.index_cast %multiple_of3A_159 : i32 to index
        %get3A_161 = tpu.vector_load %arg13[%get3A] {strides = array<i32>} : memref<512xf32, #tpu.memory_space<vmem>>, vector<16xf32>,
        %get3A_162 = vector.shape_cast %get3A_161 : vector<16xf32> to vector<16xf32>
        %lt3A_163 = arith.constant 0 : i32
        %lt3A_164 = vector.broadcast %lt3A_163 : i32 to vector<16xi32>
        %lt3A_165 = arith.cmpi slt, %broadcast_in_dim3A, %lt3A_164 : vector<16xi32>
        %add3A_166 = arith.constant 16 : i32
        %add3A_167 = vector.broadcast %add3A_166 : i32 to vector<16xi32>
        %add3A_168 = arith.addi %broadcast_in_dim3A, %add3A_167 : vector<16xi32>
        %select_n3A_169 = arith.select %lt3A_165, %add3A_168, %broadcast_in_dim3A : vector<16xi1>, vector<16xi32>
        %broadcast_in_dim3A_170 = vector.shape_cast %select_n3A_169 : vector<16xi32> to vector<16x1xi32>
        %gather3A = vector.shape_cast %broadcast_in_dim3A_170 : vector<16x1xi32> to vector<16xi32>
        %gather3A_171 = tpu.dynamic_gather %get3A_162[%gather3A] in [0] : vector<16xf32>, vector<16xi32> -> vector<16xf32>
        %get3A_172 = arith.index_cast %multiple_of3A_159 : i32 to index
        %get3A_173 = tpu.vector_load %arg14[%get3A_172] {strides = array<i32>} : memref<512xf32, #tpu.memory_space<vmem>>, vector<16xf32>,
        %get3A_174 = vector.shape_cast %get3A_173 : vector<16xf32> to vector<16xf32>
        %lt3A_175 = arith.constant 0 : i32
        %lt3A_176 = vector.broadcast %lt3A_175 : i32 to vector<16xi32>
        %lt3A_177 = arith.cmpi slt, %broadcast_in_dim3A, %lt3A_176 : vector<16xi32>
        %add3A_178 = arith.constant 16 : i32
        %add3A_179 = vector.broadcast %add3A_178 : i32 to vector<16xi32>
        %add3A_180 = arith.addi %broadcast_in_dim3A, %add3A_179 : vector<16xi32>
        %select_n3A_181 = arith.select %lt3A_177, %add3A_180, %broadcast_in_dim3A : vector<16xi1>, vector<16xi32>
        %broadcast_in_dim3A_182 = vector.shape_cast %select_n3A_181 : vector<16xi32> to vector<16x1xi32>
        %gather3A_183 = vector.shape_cast %broadcast_in_dim3A_182 : vector<16x1xi32> to vector<16xi32>
        %gather3A_184 = tpu.dynamic_gather %get3A_174[%gather3A_183] in [0] : vector<16xf32>, vector<16xi32> -> vector<16xf32>
        %get3A_185 = arith.index_cast %multiple_of3A_159 : i32 to index
        %get3A_186 = tpu.vector_load %arg15[%get3A_185] {strides = array<i32>} : memref<512xf32, #tpu.memory_space<vmem>>, vector<16xf32>,
        %get3A_187 = vector.shape_cast %get3A_186 : vector<16xf32> to vector<16xf32>
        %lt3A_188 = arith.constant 0 : i32
        %lt3A_189 = vector.broadcast %lt3A_188 : i32 to vector<16xi32>
        %lt3A_190 = arith.cmpi slt, %broadcast_in_dim3A, %lt3A_189 : vector<16xi32>
        %add3A_191 = arith.constant 16 : i32
        %add3A_192 = vector.broadcast %add3A_191 : i32 to vector<16xi32>
        %add3A_193 = arith.addi %broadcast_in_dim3A, %add3A_192 : vector<16xi32>
        %select_n3A_194 = arith.select %lt3A_190, %add3A_193, %broadcast_in_dim3A : vector<16xi1>, vector<16xi32>
        %broadcast_in_dim3A_195 = vector.shape_cast %select_n3A_194 : vector<16xi32> to vector<16x1xi32>
        %gather3A_196 = vector.shape_cast %broadcast_in_dim3A_195 : vector<16x1xi32> to vector<16xi32>
        %gather3A_197 = tpu.dynamic_gather %get3A_187[%gather3A_196] in [0] : vector<16xf32>, vector<16xi32> -> vector<16xf32>
        %get3A_198 = arith.index_cast %scan3A_138 : i32 to index
        %get3A_199 = arith.constant 0 : index
        %get3A_200 = tpu.vector_load %arg19[%get3A_198, %get3A_199] {strides = array<i32>} : memref<32x256xf32, #tpu.memory_space<vmem>>, vector<1x16xf32>,
        %get3A_201 = vector.shape_cast %get3A_200 : vector<1x16xf32> to vector<16xf32>
        %mul3A_202 = arith.mulf %get3A_201, %gather3A_171 : vector<16xf32>
        %get3A_203 = arith.index_cast %scan3A_138 : i32 to index
        %get3A_204 = arith.constant 0 : index
        %get3A_205 = tpu.vector_load %arg20[%get3A_203, %get3A_204] {strides = array<i32>} : memref<32x256xf32, #tpu.memory_space<vmem>>, vector<1x16xf32>,
        %get3A_206 = vector.shape_cast %get3A_205 : vector<1x16xf32> to vector<16xf32>
        %mul3A_207 = arith.mulf %get3A_206, %gather3A_184 : vector<16xf32>
        %add3A_208 = arith.addf %mul3A_202, %mul3A_207 : vector<16xf32>
        %get3A_209 = arith.index_cast %scan3A_138 : i32 to index
        %get3A_210 = arith.constant 0 : index
        %get3A_211 = tpu.vector_load %arg21[%get3A_209, %get3A_210] {strides = array<i32>} : memref<32x256xf32, #tpu.memory_space<vmem>>, vector<1x16xf32>,
        %get3A_212 = vector.shape_cast %get3A_211 : vector<1x16xf32> to vector<16xf32>
        %mul3A_213 = arith.mulf %get3A_212, %gather3A_197 : vector<16xf32>
        %add3A_214 = arith.addf %add3A_208, %mul3A_213 : vector<16xf32>
        %swap3A = arith.index_cast %scan3A_138 : i32 to index
        %swap3A_215 = arith.constant 0 : index
        %swap3A_216 = tpu.vector_load %arg23[%swap3A, %swap3A_215] {strides = array<i32>} : memref<32x256xf32, #tpu.memory_space<vmem>>, vector<1x16xf32>,
        %swap3A_217 = vector.shape_cast %swap3A_216 : vector<1x16xf32> to vector<16xf32>
        %swap3A_218 = vector.shape_cast %add3A_214 : vector<16xf32> to vector<1x16xf32>
        tpu.vector_store %arg23[%swap3A, %swap3A_215], %swap3A_218 {strides = array<i32>} : memref<32x256xf32, #tpu.memory_space<vmem>>, vector<1x16xf32>,
        %get3A_219 = arith.index_cast %scan3A_138 : i32 to index
        %get3A_220 = arith.constant 16 : index
        %get3A_221 = tpu.vector_load %arg19[%get3A_219, %get3A_220] {strides = array<i32>} : memref<32x256xf32, #tpu.memory_space<vmem>>, vector<1x16xf32>,
        %get3A_222 = vector.shape_cast %get3A_221 : vector<1x16xf32> to vector<16xf32>
        %mul3A_223 = arith.mulf %get3A_222, %gather3A_171 : vector<16xf32>
        %get3A_224 = arith.index_cast %scan3A_138 : i32 to index
        %get3A_225 = arith.constant 16 : index
        %get3A_226 = tpu.vector_load %arg20[%get3A_224, %get3A_225] {strides = array<i32>} : memref<32x256xf32, #tpu.memory_space<vmem>>, vector<1x16xf32>,
        %get3A_227 = vector.shape_cast %get3A_226 : vector<1x16xf32> to vector<16xf32>
        %mul3A_228 = arith.mulf %get3A_227, %gather3A_184 : vector<16xf32>
        %add3A_229 = arith.addf %mul3A_223, %mul3A_228 : vector<16xf32>
        %get3A_230 = arith.index_cast %scan3A_138 : i32 to index
        %get3A_231 = arith.constant 16 : index
        %get3A_232 = tpu.vector_load %arg21[%get3A_230, %get3A_231] {strides = array<i32>} : memref<32x256xf32, #tpu.memory_space<vmem>>, vector<1x16xf32>,
        %get3A_233 = vector.shape_cast %get3A_232 : vector<1x16xf32> to vector<16xf32>
        %mul3A_234 = arith.mulf %get3A_233, %gather3A_197 : vector<16xf32>
        %add3A_235 = arith.addf %add3A_229, %mul3A_234 : vector<16xf32>
        %swap3A_236 = arith.index_cast %scan3A_138 : i32 to index
        %swap3A_237 = arith.constant 16 : index
        %swap3A_238 = tpu.vector_load %arg23[%swap3A_236, %swap3A_237] {strides = array<i32>} : memref<32x256xf32, #tpu.memory_space<vmem>>, vector<1x16xf32>,
        %swap3A_239 = vector.shape_cast %swap3A_238 : vector<1x16xf32> to vector<16xf32>
        %swap3A_240 = vector.shape_cast %add3A_235 : vector<16xf32> to vector<1x16xf32>
        tpu.vector_store %arg23[%swap3A_236, %swap3A_237], %swap3A_240 {strides = array<i32>} : memref<32x256xf32, #tpu.memory_space<vmem>>, vector<1x16xf32>,
        %get3A_241 = arith.index_cast %scan3A_138 : i32 to index
        %get3A_242 = arith.constant 32 : index
        %get3A_243 = tpu.vector_load %arg19[%get3A_241, %get3A_242] {strides = array<i32>} : memref<32x256xf32, #tpu.memory_space<vmem>>, vector<1x16xf32>,
        %get3A_244 = vector.shape_cast %get3A_243 : vector<1x16xf32> to vector<16xf32>
        %mul3A_245 = arith.mulf %get3A_244, %gather3A_171 : vector<16xf32>
        %get3A_246 = arith.index_cast %scan3A_138 : i32 to index
        %get3A_247 = arith.constant 32 : index
        %get3A_248 = tpu.vector_load %arg20[%get3A_246, %get3A_247] {strides = array<i32>} : memref<32x256xf32, #tpu.memory_space<vmem>>, vector<1x16xf32>,
        %get3A_249 = vector.shape_cast %get3A_248 : vector<1x16xf32> to vector<16xf32>
        %mul3A_250 = arith.mulf %get3A_249, %gather3A_184 : vector<16xf32>
        %add3A_251 = arith.addf %mul3A_245, %mul3A_250 : vector<16xf32>
        %get3A_252 = arith.index_cast %scan3A_138 : i32 to index
        %get3A_253 = arith.constant 32 : index
        %get3A_254 = tpu.vector_load %arg21[%get3A_252, %get3A_253] {strides = array<i32>} : memref<32x256xf32, #tpu.memory_space<vmem>>, vector<1x16xf32>,
        %get3A_255 = vector.shape_cast %get3A_254 : vector<1x16xf32> to vector<16xf32>
        %mul3A_256 = arith.mulf %get3A_255, %gather3A_197 : vector<16xf32>
        %add3A_257 = arith.addf %add3A_251, %mul3A_256 : vector<16xf32>
        %swap3A_258 = arith.index_cast %scan3A_138 : i32 to index
        %swap3A_259 = arith.constant 32 : index
        %swap3A_260 = tpu.vector_load %arg23[%swap3A_258, %swap3A_259] {strides = array<i32>} : memref<32x256xf32, #tpu.memory_space<vmem>>, vector<1x16xf32>,
        %swap3A_261 = vector.shape_cast %swap3A_260 : vector<1x16xf32> to vector<16xf32>
        %swap3A_262 = vector.shape_cast %add3A_257 : vector<16xf32> to vector<1x16xf32>
        tpu.vector_store %arg23[%swap3A_258, %swap3A_259], %swap3A_262 {strides = array<i32>} : memref<32x256xf32, #tpu.memory_space<vmem>>, vector<1x16xf32>,
        %get3A_263 = arith.index_cast %scan3A_138 : i32 to index
        %get3A_264 = arith.constant 48 : index
        %get3A_265 = tpu.vector_load %arg19[%get3A_263, %get3A_264] {strides = array<i32>} : memref<32x256xf32, #tpu.memory_space<vmem>>, vector<1x16xf32>,
        %get3A_266 = vector.shape_cast %get3A_265 : vector<1x16xf32> to vector<16xf32>
        %mul3A_267 = arith.mulf %get3A_266, %gather3A_171 : vector<16xf32>
        %get3A_268 = arith.index_cast %scan3A_138 : i32 to index
        %get3A_269 = arith.constant 48 : index
        %get3A_270 = tpu.vector_load %arg20[%get3A_268, %get3A_269] {strides = array<i32>} : memref<32x256xf32, #tpu.memory_space<vmem>>, vector<1x16xf32>,
        %get3A_271 = vector.shape_cast %get3A_270 : vector<1x16xf32> to vector<16xf32>
        %mul3A_272 = arith.mulf %get3A_271, %gather3A_184 : vector<16xf32>
        %add3A_273 = arith.addf %mul3A_267, %mul3A_272 : vector<16xf32>
        %get3A_274 = arith.index_cast %scan3A_138 : i32 to index
        %get3A_275 = arith.constant 48 : index
        %get3A_276 = tpu.vector_load %arg21[%get3A_274, %get3A_275] {strides = array<i32>} : memref<32x256xf32, #tpu.memory_space<vmem>>, vector<1x16xf32>,
        %get3A_277 = vector.shape_cast %get3A_276 : vector<1x16xf32> to vector<16xf32>
        %mul3A_278 = arith.mulf %get3A_277, %gather3A_197 : vector<16xf32>
        %add3A_279 = arith.addf %add3A_273, %mul3A_278 : vector<16xf32>
        %swap3A_280 = arith.index_cast %scan3A_138 : i32 to index
        %swap3A_281 = arith.constant 48 : index
        %swap3A_282 = tpu.vector_load %arg23[%swap3A_280, %swap3A_281] {strides = array<i32>} : memref<32x256xf32, #tpu.memory_space<vmem>>, vector<1x16xf32>,
        %swap3A_283 = vector.shape_cast %swap3A_282 : vector<1x16xf32> to vector<16xf32>
        %swap3A_284 = vector.shape_cast %add3A_279 : vector<16xf32> to vector<1x16xf32>
        tpu.vector_store %arg23[%swap3A_280, %swap3A_281], %swap3A_284 {strides = array<i32>} : memref<32x256xf32, #tpu.memory_space<vmem>>, vector<1x16xf32>,
        %get3A_285 = arith.index_cast %scan3A_138 : i32 to index
        %get3A_286 = arith.constant 64 : index
        %get3A_287 = tpu.vector_load %arg19[%get3A_285, %get3A_286] {strides = array<i32>} : memref<32x256xf32, #tpu.memory_space<vmem>>, vector<1x16xf32>,
        %get3A_288 = vector.shape_cast %get3A_287 : vector<1x16xf32> to vector<16xf32>
        %mul3A_289 = arith.mulf %get3A_288, %gather3A_171 : vector<16xf32>
        %get3A_290 = arith.index_cast %scan3A_138 : i32 to index
        %get3A_291 = arith.constant 64 : index
        %get3A_292 = tpu.vector_load %arg20[%get3A_290, %get3A_291] {strides = array<i32>} : memref<32x256xf32, #tpu.memory_space<vmem>>, vector<1x16xf32>,
        %get3A_293 = vector.shape_cast %get3A_292 : vector<1x16xf32> to vector<16xf32>
        %mul3A_294 = arith.mulf %get3A_293, %gather3A_184 : vector<16xf32>
        %add3A_295 = arith.addf %mul3A_289, %mul3A_294 : vector<16xf32>
        %get3A_296 = arith.index_cast %scan3A_138 : i32 to index
        %get3A_297 = arith.constant 64 : index
        %get3A_298 = tpu.vector_load %arg21[%get3A_296, %get3A_297] {strides = array<i32>} : memref<32x256xf32, #tpu.memory_space<vmem>>, vector<1x16xf32>,
        %get3A_299 = vector.shape_cast %get3A_298 : vector<1x16xf32> to vector<16xf32>
        %mul3A_300 = arith.mulf %get3A_299, %gather3A_197 : vector<16xf32>
        %add3A_301 = arith.addf %add3A_295, %mul3A_300 : vector<16xf32>
        %swap3A_302 = arith.index_cast %scan3A_138 : i32 to index
        %swap3A_303 = arith.constant 64 : index
        %swap3A_304 = tpu.vector_load %arg23[%swap3A_302, %swap3A_303] {strides = array<i32>} : memref<32x256xf32, #tpu.memory_space<vmem>>, vector<1x16xf32>,
        %swap3A_305 = vector.shape_cast %swap3A_304 : vector<1x16xf32> to vector<16xf32>
        %swap3A_306 = vector.shape_cast %add3A_301 : vector<16xf32> to vector<1x16xf32>
        tpu.vector_store %arg23[%swap3A_302, %swap3A_303], %swap3A_306 {strides = array<i32>} : memref<32x256xf32, #tpu.memory_space<vmem>>, vector<1x16xf32>,
        %get3A_307 = arith.index_cast %scan3A_138 : i32 to index
        %get3A_308 = arith.constant 80 : index
        %get3A_309 = tpu.vector_load %arg19[%get3A_307, %get3A_308] {strides = array<i32>} : memref<32x256xf32, #tpu.memory_space<vmem>>, vector<1x16xf32>,
        %get3A_310 = vector.shape_cast %get3A_309 : vector<1x16xf32> to vector<16xf32>
        %mul3A_311 = arith.mulf %get3A_310, %gather3A_171 : vector<16xf32>
        %get3A_312 = arith.index_cast %scan3A_138 : i32 to index
        %get3A_313 = arith.constant 80 : index
        %get3A_314 = tpu.vector_load %arg20[%get3A_312, %get3A_313] {strides = array<i32>} : memref<32x256xf32, #tpu.memory_space<vmem>>, vector<1x16xf32>,
        %get3A_315 = vector.shape_cast %get3A_314 : vector<1x16xf32> to vector<16xf32>
        %mul3A_316 = arith.mulf %get3A_315, %gather3A_184 : vector<16xf32>
        %add3A_317 = arith.addf %mul3A_311, %mul3A_316 : vector<16xf32>
        %get3A_318 = arith.index_cast %scan3A_138 : i32 to index
        %get3A_319 = arith.constant 80 : index
        %get3A_320 = tpu.vector_load %arg21[%get3A_318, %get3A_319] {strides = array<i32>} : memref<32x256xf32, #tpu.memory_space<vmem>>, vector<1x16xf32>,
        %get3A_321 = vector.shape_cast %get3A_320 : vector<1x16xf32> to vector<16xf32>
        %mul3A_322 = arith.mulf %get3A_321, %gather3A_197 : vector<16xf32>
        %add3A_323 = arith.addf %add3A_317, %mul3A_322 : vector<16xf32>
        %swap3A_324 = arith.index_cast %scan3A_138 : i32 to index
        %swap3A_325 = arith.constant 80 : index
        %swap3A_326 = tpu.vector_load %arg23[%swap3A_324, %swap3A_325] {strides = array<i32>} : memref<32x256xf32, #tpu.memory_space<vmem>>, vector<1x16xf32>,
        %swap3A_327 = vector.shape_cast %swap3A_326 : vector<1x16xf32> to vector<16xf32>
        %swap3A_328 = vector.shape_cast %add3A_323 : vector<16xf32> to vector<1x16xf32>
        tpu.vector_store %arg23[%swap3A_324, %swap3A_325], %swap3A_328 {strides = array<i32>} : memref<32x256xf32, #tpu.memory_space<vmem>>, vector<1x16xf32>,
        %get3A_329 = arith.index_cast %scan3A_138 : i32 to index
        %get3A_330 = arith.constant 96 : index
        %get3A_331 = tpu.vector_load %arg19[%get3A_329, %get3A_330] {strides = array<i32>} : memref<32x256xf32, #tpu.memory_space<vmem>>, vector<1x16xf32>,
        %get3A_332 = vector.shape_cast %get3A_331 : vector<1x16xf32> to vector<16xf32>
        %mul3A_333 = arith.mulf %get3A_332, %gather3A_171 : vector<16xf32>
        %get3A_334 = arith.index_cast %scan3A_138 : i32 to index
        %get3A_335 = arith.constant 96 : index
        %get3A_336 = tpu.vector_load %arg20[%get3A_334, %get3A_335] {strides = array<i32>} : memref<32x256xf32, #tpu.memory_space<vmem>>, vector<1x16xf32>,
        %get3A_337 = vector.shape_cast %get3A_336 : vector<1x16xf32> to vector<16xf32>
        %mul3A_338 = arith.mulf %get3A_337, %gather3A_184 : vector<16xf32>
        %add3A_339 = arith.addf %mul3A_333, %mul3A_338 : vector<16xf32>
        %get3A_340 = arith.index_cast %scan3A_138 : i32 to index
        %get3A_341 = arith.constant 96 : index
        %get3A_342 = tpu.vector_load %arg21[%get3A_340, %get3A_341] {strides = array<i32>} : memref<32x256xf32, #tpu.memory_space<vmem>>, vector<1x16xf32>,
        %get3A_343 = vector.shape_cast %get3A_342 : vector<1x16xf32> to vector<16xf32>
        %mul3A_344 = arith.mulf %get3A_343, %gather3A_197 : vector<16xf32>
        %add3A_345 = arith.addf %add3A_339, %mul3A_344 : vector<16xf32>
        %swap3A_346 = arith.index_cast %scan3A_138 : i32 to index
        %swap3A_347 = arith.constant 96 : index
        %swap3A_348 = tpu.vector_load %arg23[%swap3A_346, %swap3A_347] {strides = array<i32>} : memref<32x256xf32, #tpu.memory_space<vmem>>, vector<1x16xf32>,
        %swap3A_349 = vector.shape_cast %swap3A_348 : vector<1x16xf32> to vector<16xf32>
        %swap3A_350 = vector.shape_cast %add3A_345 : vector<16xf32> to vector<1x16xf32>
        tpu.vector_store %arg23[%swap3A_346, %swap3A_347], %swap3A_350 {strides = array<i32>} : memref<32x256xf32, #tpu.memory_space<vmem>>, vector<1x16xf32>,
        %get3A_351 = arith.index_cast %scan3A_138 : i32 to index
        %get3A_352 = arith.constant 112 : index
        %get3A_353 = tpu.vector_load %arg19[%get3A_351, %get3A_352] {strides = array<i32>} : memref<32x256xf32, #tpu.memory_space<vmem>>, vector<1x16xf32>,
        %get3A_354 = vector.shape_cast %get3A_353 : vector<1x16xf32> to vector<16xf32>
        %mul3A_355 = arith.mulf %get3A_354, %gather3A_171 : vector<16xf32>
        %get3A_356 = arith.index_cast %scan3A_138 : i32 to index
        %get3A_357 = arith.constant 112 : index
        %get3A_358 = tpu.vector_load %arg20[%get3A_356, %get3A_357] {strides = array<i32>} : memref<32x256xf32, #tpu.memory_space<vmem>>, vector<1x16xf32>,
        %get3A_359 = vector.shape_cast %get3A_358 : vector<1x16xf32> to vector<16xf32>
        %mul3A_360 = arith.mulf %get3A_359, %gather3A_184 : vector<16xf32>
        %add3A_361 = arith.addf %mul3A_355, %mul3A_360 : vector<16xf32>
        %get3A_362 = arith.index_cast %scan3A_138 : i32 to index
        %get3A_363 = arith.constant 112 : index
        %get3A_364 = tpu.vector_load %arg21[%get3A_362, %get3A_363] {strides = array<i32>} : memref<32x256xf32, #tpu.memory_space<vmem>>, vector<1x16xf32>,
        %get3A_365 = vector.shape_cast %get3A_364 : vector<1x16xf32> to vector<16xf32>
        %mul3A_366 = arith.mulf %get3A_365, %gather3A_197 : vector<16xf32>
        %add3A_367 = arith.addf %add3A_361, %mul3A_366 : vector<16xf32>
        %swap3A_368 = arith.index_cast %scan3A_138 : i32 to index
        %swap3A_369 = arith.constant 112 : index
        %swap3A_370 = tpu.vector_load %arg23[%swap3A_368, %swap3A_369] {strides = array<i32>} : memref<32x256xf32, #tpu.memory_space<vmem>>, vector<1x16xf32>,
        %swap3A_371 = vector.shape_cast %swap3A_370 : vector<1x16xf32> to vector<16xf32>
        %swap3A_372 = vector.shape_cast %add3A_367 : vector<16xf32> to vector<1x16xf32>
        tpu.vector_store %arg23[%swap3A_368, %swap3A_369], %swap3A_372 {strides = array<i32>} : memref<32x256xf32, #tpu.memory_space<vmem>>, vector<1x16xf32>,
        %get3A_373 = arith.index_cast %scan3A_138 : i32 to index
        %get3A_374 = arith.constant 128 : index
        %get3A_375 = tpu.vector_load %arg19[%get3A_373, %get3A_374] {strides = array<i32>} : memref<32x256xf32, #tpu.memory_space<vmem>>, vector<1x16xf32>,
        %get3A_376 = vector.shape_cast %get3A_375 : vector<1x16xf32> to vector<16xf32>
        %mul3A_377 = arith.mulf %get3A_376, %gather3A_171 : vector<16xf32>
        %get3A_378 = arith.index_cast %scan3A_138 : i32 to index
        %get3A_379 = arith.constant 128 : index
        %get3A_380 = tpu.vector_load %arg20[%get3A_378, %get3A_379] {strides = array<i32>} : memref<32x256xf32, #tpu.memory_space<vmem>>, vector<1x16xf32>,
        %get3A_381 = vector.shape_cast %get3A_380 : vector<1x16xf32> to vector<16xf32>
        %mul3A_382 = arith.mulf %get3A_381, %gather3A_184 : vector<16xf32>
        %add3A_383 = arith.addf %mul3A_377, %mul3A_382 : vector<16xf32>
        %get3A_384 = arith.index_cast %scan3A_138 : i32 to index
        %get3A_385 = arith.constant 128 : index
        %get3A_386 = tpu.vector_load %arg21[%get3A_384, %get3A_385] {strides = array<i32>} : memref<32x256xf32, #tpu.memory_space<vmem>>, vector<1x16xf32>,
        %get3A_387 = vector.shape_cast %get3A_386 : vector<1x16xf32> to vector<16xf32>
        %mul3A_388 = arith.mulf %get3A_387, %gather3A_197 : vector<16xf32>
        %add3A_389 = arith.addf %add3A_383, %mul3A_388 : vector<16xf32>
        %swap3A_390 = arith.index_cast %scan3A_138 : i32 to index
        %swap3A_391 = arith.constant 128 : index
        %swap3A_392 = tpu.vector_load %arg23[%swap3A_390, %swap3A_391] {strides = array<i32>} : memref<32x256xf32, #tpu.memory_space<vmem>>, vector<1x16xf32>,
        %swap3A_393 = vector.shape_cast %swap3A_392 : vector<1x16xf32> to vector<16xf32>
        %swap3A_394 = vector.shape_cast %add3A_389 : vector<16xf32> to vector<1x16xf32>
        tpu.vector_store %arg23[%swap3A_390, %swap3A_391], %swap3A_394 {strides = array<i32>} : memref<32x256xf32, #tpu.memory_space<vmem>>, vector<1x16xf32>,
        %get3A_395 = arith.index_cast %scan3A_138 : i32 to index
        %get3A_396 = arith.constant 144 : index
        %get3A_397 = tpu.vector_load %arg19[%get3A_395, %get3A_396] {strides = array<i32>} : memref<32x256xf32, #tpu.memory_space<vmem>>, vector<1x16xf32>,
        %get3A_398 = vector.shape_cast %get3A_397 : vector<1x16xf32> to vector<16xf32>
        %mul3A_399 = arith.mulf %get3A_398, %gather3A_171 : vector<16xf32>
        %get3A_400 = arith.index_cast %scan3A_138 : i32 to index
        %get3A_401 = arith.constant 144 : index
        %get3A_402 = tpu.vector_load %arg20[%get3A_400, %get3A_401] {strides = array<i32>} : memref<32x256xf32, #tpu.memory_space<vmem>>, vector<1x16xf32>,
        %get3A_403 = vector.shape_cast %get3A_402 : vector<1x16xf32> to vector<16xf32>
        %mul3A_404 = arith.mulf %get3A_403, %gather3A_184 : vector<16xf32>
        %add3A_405 = arith.addf %mul3A_399, %mul3A_404 : vector<16xf32>
        %get3A_406 = arith.index_cast %scan3A_138 : i32 to index
        %get3A_407 = arith.constant 144 : index
        %get3A_408 = tpu.vector_load %arg21[%get3A_406, %get3A_407] {strides = array<i32>} : memref<32x256xf32, #tpu.memory_space<vmem>>, vector<1x16xf32>,
        %get3A_409 = vector.shape_cast %get3A_408 : vector<1x16xf32> to vector<16xf32>
        %mul3A_410 = arith.mulf %get3A_409, %gather3A_197 : vector<16xf32>
        %add3A_411 = arith.addf %add3A_405, %mul3A_410 : vector<16xf32>
        %swap3A_412 = arith.index_cast %scan3A_138 : i32 to index
        %swap3A_413 = arith.constant 144 : index
        %swap3A_414 = tpu.vector_load %arg23[%swap3A_412, %swap3A_413] {strides = array<i32>} : memref<32x256xf32, #tpu.memory_space<vmem>>, vector<1x16xf32>,
        %swap3A_415 = vector.shape_cast %swap3A_414 : vector<1x16xf32> to vector<16xf32>
        %swap3A_416 = vector.shape_cast %add3A_411 : vector<16xf32> to vector<1x16xf32>
        tpu.vector_store %arg23[%swap3A_412, %swap3A_413], %swap3A_416 {strides = array<i32>} : memref<32x256xf32, #tpu.memory_space<vmem>>, vector<1x16xf32>,
        %get3A_417 = arith.index_cast %scan3A_138 : i32 to index
        %get3A_418 = arith.constant 160 : index
        %get3A_419 = tpu.vector_load %arg19[%get3A_417, %get3A_418] {strides = array<i32>} : memref<32x256xf32, #tpu.memory_space<vmem>>, vector<1x16xf32>,
        %get3A_420 = vector.shape_cast %get3A_419 : vector<1x16xf32> to vector<16xf32>
        %mul3A_421 = arith.mulf %get3A_420, %gather3A_171 : vector<16xf32>
        %get3A_422 = arith.index_cast %scan3A_138 : i32 to index
        %get3A_423 = arith.constant 160 : index
        %get3A_424 = tpu.vector_load %arg20[%get3A_422, %get3A_423] {strides = array<i32>} : memref<32x256xf32, #tpu.memory_space<vmem>>, vector<1x16xf32>,
        %get3A_425 = vector.shape_cast %get3A_424 : vector<1x16xf32> to vector<16xf32>
        %mul3A_426 = arith.mulf %get3A_425, %gather3A_184 : vector<16xf32>
        %add3A_427 = arith.addf %mul3A_421, %mul3A_426 : vector<16xf32>
        %get3A_428 = arith.index_cast %scan3A_138 : i32 to index
        %get3A_429 = arith.constant 160 : index
        %get3A_430 = tpu.vector_load %arg21[%get3A_428, %get3A_429] {strides = array<i32>} : memref<32x256xf32, #tpu.memory_space<vmem>>, vector<1x16xf32>,
        %get3A_431 = vector.shape_cast %get3A_430 : vector<1x16xf32> to vector<16xf32>
        %mul3A_432 = arith.mulf %get3A_431, %gather3A_197 : vector<16xf32>
        %add3A_433 = arith.addf %add3A_427, %mul3A_432 : vector<16xf32>
        %swap3A_434 = arith.index_cast %scan3A_138 : i32 to index
        %swap3A_435 = arith.constant 160 : index
        %swap3A_436 = tpu.vector_load %arg23[%swap3A_434, %swap3A_435] {strides = array<i32>} : memref<32x256xf32, #tpu.memory_space<vmem>>, vector<1x16xf32>,
        %swap3A_437 = vector.shape_cast %swap3A_436 : vector<1x16xf32> to vector<16xf32>
        %swap3A_438 = vector.shape_cast %add3A_433 : vector<16xf32> to vector<1x16xf32>
        tpu.vector_store %arg23[%swap3A_434, %swap3A_435], %swap3A_438 {strides = array<i32>} : memref<32x256xf32, #tpu.memory_space<vmem>>, vector<1x16xf32>,
        %get3A_439 = arith.index_cast %scan3A_138 : i32 to index
        %get3A_440 = arith.constant 176 : index
        %get3A_441 = tpu.vector_load %arg19[%get3A_439, %get3A_440] {strides = array<i32>} : memref<32x256xf32, #tpu.memory_space<vmem>>, vector<1x16xf32>,
        %get3A_442 = vector.shape_cast %get3A_441 : vector<1x16xf32> to vector<16xf32>
        %mul3A_443 = arith.mulf %get3A_442, %gather3A_171 : vector<16xf32>
        %get3A_444 = arith.index_cast %scan3A_138 : i32 to index
        %get3A_445 = arith.constant 176 : index
        %get3A_446 = tpu.vector_load %arg20[%get3A_444, %get3A_445] {strides = array<i32>} : memref<32x256xf32, #tpu.memory_space<vmem>>, vector<1x16xf32>,
        %get3A_447 = vector.shape_cast %get3A_446 : vector<1x16xf32> to vector<16xf32>
        %mul3A_448 = arith.mulf %get3A_447, %gather3A_184 : vector<16xf32>
        %add3A_449 = arith.addf %mul3A_443, %mul3A_448 : vector<16xf32>
        %get3A_450 = arith.index_cast %scan3A_138 : i32 to index
        %get3A_451 = arith.constant 176 : index
        %get3A_452 = tpu.vector_load %arg21[%get3A_450, %get3A_451] {strides = array<i32>} : memref<32x256xf32, #tpu.memory_space<vmem>>, vector<1x16xf32>,
        %get3A_453 = vector.shape_cast %get3A_452 : vector<1x16xf32> to vector<16xf32>
        %mul3A_454 = arith.mulf %get3A_453, %gather3A_197 : vector<16xf32>
        %add3A_455 = arith.addf %add3A_449, %mul3A_454 : vector<16xf32>
        %swap3A_456 = arith.index_cast %scan3A_138 : i32 to index
        %swap3A_457 = arith.constant 176 : index
        %swap3A_458 = tpu.vector_load %arg23[%swap3A_456, %swap3A_457] {strides = array<i32>} : memref<32x256xf32, #tpu.memory_space<vmem>>, vector<1x16xf32>,
        %swap3A_459 = vector.shape_cast %swap3A_458 : vector<1x16xf32> to vector<16xf32>
        %swap3A_460 = vector.shape_cast %add3A_455 : vector<16xf32> to vector<1x16xf32>
        tpu.vector_store %arg23[%swap3A_456, %swap3A_457], %swap3A_460 {strides = array<i32>} : memref<32x256xf32, #tpu.memory_space<vmem>>, vector<1x16xf32>,
        %get3A_461 = arith.index_cast %scan3A_138 : i32 to index
        %get3A_462 = arith.constant 192 : index
        %get3A_463 = tpu.vector_load %arg19[%get3A_461, %get3A_462] {strides = array<i32>} : memref<32x256xf32, #tpu.memory_space<vmem>>, vector<1x16xf32>,
        %get3A_464 = vector.shape_cast %get3A_463 : vector<1x16xf32> to vector<16xf32>
        %mul3A_465 = arith.mulf %get3A_464, %gather3A_171 : vector<16xf32>
        %get3A_466 = arith.index_cast %scan3A_138 : i32 to index
        %get3A_467 = arith.constant 192 : index
        %get3A_468 = tpu.vector_load %arg20[%get3A_466, %get3A_467] {strides = array<i32>} : memref<32x256xf32, #tpu.memory_space<vmem>>, vector<1x16xf32>,
        %get3A_469 = vector.shape_cast %get3A_468 : vector<1x16xf32> to vector<16xf32>
        %mul3A_470 = arith.mulf %get3A_469, %gather3A_184 : vector<16xf32>
        %add3A_471 = arith.addf %mul3A_465, %mul3A_470 : vector<16xf32>
        %get3A_472 = arith.index_cast %scan3A_138 : i32 to index
        %get3A_473 = arith.constant 192 : index
        %get3A_474 = tpu.vector_load %arg21[%get3A_472, %get3A_473] {strides = array<i32>} : memref<32x256xf32, #tpu.memory_space<vmem>>, vector<1x16xf32>,
        %get3A_475 = vector.shape_cast %get3A_474 : vector<1x16xf32> to vector<16xf32>
        %mul3A_476 = arith.mulf %get3A_475, %gather3A_197 : vector<16xf32>
        %add3A_477 = arith.addf %add3A_471, %mul3A_476 : vector<16xf32>
        %swap3A_478 = arith.index_cast %scan3A_138 : i32 to index
        %swap3A_479 = arith.constant 192 : index
        %swap3A_480 = tpu.vector_load %arg23[%swap3A_478, %swap3A_479] {strides = array<i32>} : memref<32x256xf32, #tpu.memory_space<vmem>>, vector<1x16xf32>,
        %swap3A_481 = vector.shape_cast %swap3A_480 : vector<1x16xf32> to vector<16xf32>
        %swap3A_482 = vector.shape_cast %add3A_477 : vector<16xf32> to vector<1x16xf32>
        tpu.vector_store %arg23[%swap3A_478, %swap3A_479], %swap3A_482 {strides = array<i32>} : memref<32x256xf32, #tpu.memory_space<vmem>>, vector<1x16xf32>,
        %get3A_483 = arith.index_cast %scan3A_138 : i32 to index
        %get3A_484 = arith.constant 208 : index
        %get3A_485 = tpu.vector_load %arg19[%get3A_483, %get3A_484] {strides = array<i32>} : memref<32x256xf32, #tpu.memory_space<vmem>>, vector<1x16xf32>,
        %get3A_486 = vector.shape_cast %get3A_485 : vector<1x16xf32> to vector<16xf32>
        %mul3A_487 = arith.mulf %get3A_486, %gather3A_171 : vector<16xf32>
        %get3A_488 = arith.index_cast %scan3A_138 : i32 to index
        %get3A_489 = arith.constant 208 : index
        %get3A_490 = tpu.vector_load %arg20[%get3A_488, %get3A_489] {strides = array<i32>} : memref<32x256xf32, #tpu.memory_space<vmem>>, vector<1x16xf32>,
        %get3A_491 = vector.shape_cast %get3A_490 : vector<1x16xf32> to vector<16xf32>
        %mul3A_492 = arith.mulf %get3A_491, %gather3A_184 : vector<16xf32>
        %add3A_493 = arith.addf %mul3A_487, %mul3A_492 : vector<16xf32>
        %get3A_494 = arith.index_cast %scan3A_138 : i32 to index
        %get3A_495 = arith.constant 208 : index
        %get3A_496 = tpu.vector_load %arg21[%get3A_494, %get3A_495] {strides = array<i32>} : memref<32x256xf32, #tpu.memory_space<vmem>>, vector<1x16xf32>,
        %get3A_497 = vector.shape_cast %get3A_496 : vector<1x16xf32> to vector<16xf32>
        %mul3A_498 = arith.mulf %get3A_497, %gather3A_197 : vector<16xf32>
        %add3A_499 = arith.addf %add3A_493, %mul3A_498 : vector<16xf32>
        %swap3A_500 = arith.index_cast %scan3A_138 : i32 to index
        %swap3A_501 = arith.constant 208 : index
        %swap3A_502 = tpu.vector_load %arg23[%swap3A_500, %swap3A_501] {strides = array<i32>} : memref<32x256xf32, #tpu.memory_space<vmem>>, vector<1x16xf32>,
        %swap3A_503 = vector.shape_cast %swap3A_502 : vector<1x16xf32> to vector<16xf32>
        %swap3A_504 = vector.shape_cast %add3A_499 : vector<16xf32> to vector<1x16xf32>
        tpu.vector_store %arg23[%swap3A_500, %swap3A_501], %swap3A_504 {strides = array<i32>} : memref<32x256xf32, #tpu.memory_space<vmem>>, vector<1x16xf32>,
        %get3A_505 = arith.index_cast %scan3A_138 : i32 to index
        %get3A_506 = arith.constant 224 : index
        %get3A_507 = tpu.vector_load %arg19[%get3A_505, %get3A_506] {strides = array<i32>} : memref<32x256xf32, #tpu.memory_space<vmem>>, vector<1x16xf32>,
        %get3A_508 = vector.shape_cast %get3A_507 : vector<1x16xf32> to vector<16xf32>
        %mul3A_509 = arith.mulf %get3A_508, %gather3A_171 : vector<16xf32>
        %get3A_510 = arith.index_cast %scan3A_138 : i32 to index
        %get3A_511 = arith.constant 224 : index
        %get3A_512 = tpu.vector_load %arg20[%get3A_510, %get3A_511] {strides = array<i32>} : memref<32x256xf32, #tpu.memory_space<vmem>>, vector<1x16xf32>,
        %get3A_513 = vector.shape_cast %get3A_512 : vector<1x16xf32> to vector<16xf32>
        %mul3A_514 = arith.mulf %get3A_513, %gather3A_184 : vector<16xf32>
        %add3A_515 = arith.addf %mul3A_509, %mul3A_514 : vector<16xf32>
        %get3A_516 = arith.index_cast %scan3A_138 : i32 to index
        %get3A_517 = arith.constant 224 : index
        %get3A_518 = tpu.vector_load %arg21[%get3A_516, %get3A_517] {strides = array<i32>} : memref<32x256xf32, #tpu.memory_space<vmem>>, vector<1x16xf32>,
        %get3A_519 = vector.shape_cast %get3A_518 : vector<1x16xf32> to vector<16xf32>
        %mul3A_520 = arith.mulf %get3A_519, %gather3A_197 : vector<16xf32>
        %add3A_521 = arith.addf %add3A_515, %mul3A_520 : vector<16xf32>
        %swap3A_522 = arith.index_cast %scan3A_138 : i32 to index
        %swap3A_523 = arith.constant 224 : index
        %swap3A_524 = tpu.vector_load %arg23[%swap3A_522, %swap3A_523] {strides = array<i32>} : memref<32x256xf32, #tpu.memory_space<vmem>>, vector<1x16xf32>,
        %swap3A_525 = vector.shape_cast %swap3A_524 : vector<1x16xf32> to vector<16xf32>
        %swap3A_526 = vector.shape_cast %add3A_521 : vector<16xf32> to vector<1x16xf32>
        tpu.vector_store %arg23[%swap3A_522, %swap3A_523], %swap3A_526 {strides = array<i32>} : memref<32x256xf32, #tpu.memory_space<vmem>>, vector<1x16xf32>,
        %get3A_527 = arith.index_cast %scan3A_138 : i32 to index
        %get3A_528 = arith.constant 240 : index
        %get3A_529 = tpu.vector_load %arg19[%get3A_527, %get3A_528] {strides = array<i32>} : memref<32x256xf32, #tpu.memory_space<vmem>>, vector<1x16xf32>,
        %get3A_530 = vector.shape_cast %get3A_529 : vector<1x16xf32> to vector<16xf32>
        %mul3A_531 = arith.mulf %get3A_530, %gather3A_171 : vector<16xf32>
        %get3A_532 = arith.index_cast %scan3A_138 : i32 to index
        %get3A_533 = arith.constant 240 : index
        %get3A_534 = tpu.vector_load %arg20[%get3A_532, %get3A_533] {strides = array<i32>} : memref<32x256xf32, #tpu.memory_space<vmem>>, vector<1x16xf32>,
        %get3A_535 = vector.shape_cast %get3A_534 : vector<1x16xf32> to vector<16xf32>
        %mul3A_536 = arith.mulf %get3A_535, %gather3A_184 : vector<16xf32>
        %add3A_537 = arith.addf %mul3A_531, %mul3A_536 : vector<16xf32>
        %get3A_538 = arith.index_cast %scan3A_138 : i32 to index
        %get3A_539 = arith.constant 240 : index
        %get3A_540 = tpu.vector_load %arg21[%get3A_538, %get3A_539] {strides = array<i32>} : memref<32x256xf32, #tpu.memory_space<vmem>>, vector<1x16xf32>,
        %get3A_541 = vector.shape_cast %get3A_540 : vector<1x16xf32> to vector<16xf32>
        %mul3A_542 = arith.mulf %get3A_541, %gather3A_197 : vector<16xf32>
        %add3A_543 = arith.addf %add3A_537, %mul3A_542 : vector<16xf32>
        %swap3A_544 = arith.index_cast %scan3A_138 : i32 to index
        %swap3A_545 = arith.constant 240 : index
        %swap3A_546 = tpu.vector_load %arg23[%swap3A_544, %swap3A_545] {strides = array<i32>} : memref<32x256xf32, #tpu.memory_space<vmem>>, vector<1x16xf32>,
        %swap3A_547 = vector.shape_cast %swap3A_546 : vector<1x16xf32> to vector<16xf32>
        %swap3A_548 = vector.shape_cast %add3A_543 : vector<16xf32> to vector<1x16xf32>
        tpu.vector_store %arg23[%swap3A_544, %swap3A_545], %swap3A_548 {strides = array<i32>} : memref<32x256xf32, #tpu.memory_space<vmem>>, vector<1x16xf32>,
        %scan3A_549 = arith.constant 0 : i32
        scf.yield %scan3A_549 : i32
      }
      %scan3A_128 = arith.constant 32 : i32
      %mul3A_129 = arith.constant 32 : i32
      %mul3A_130 = arith.muli %add3A_99, %mul3A_129 : i32
      %add3A_131 = arith.addi %multiple_of3A, %mul3A_130 : i32
      %multiple_of3A_132 = tpu.assume_multiple %add3A_131, 32 : i32
      %dma_start3A_133 = arith.constant 0 : i32
      %dma_start3A_134 = tpu.memref_slice %arg9[%multiple_of3A_132, %dma_start3A_133] : memref<16384x256xf32, #tpu.memory_space<hbm>> -> memref<32x256xf32, #tpu.memory_space<hbm>>
      %dma_start3A_135 = arith.constant 0 : i32
      %dma_start3A_136 = tpu.memref_slice %arg9[%multiple_of3A_132, %dma_start3A_135] : memref<16384x256xf32, #tpu.memory_space<hbm>> -> memref<32x256xf32, #tpu.memory_space<hbm>>
      tpu.enqueue_dma source(%arg23 : memref<32x256xf32, #tpu.memory_space<vmem>>) target(%dma_start3A_136 : memref<32x256xf32, #tpu.memory_space<hbm>>) target_semaphore(%arg31 : memref<!tpu.dma_semaphore, #tpu.memory_space<semaphore_mem>>)
      %scan3A_137 = arith.constant 0 : i32
      scf.yield %scan3A_137 : i32
    }
    %scan3A_23 = arith.constant 8 : i32
    %add3A_24 = arith.constant 448 : i32
    %add3A_25 = arith.addi %multiple_of3A, %add3A_24 : i32
    %multiple_of3A_26 = tpu.assume_multiple %add3A_25, 32 : i32
    %dma_wait3A = arith.constant 0 : i32
    %dma_wait3A_27 = tpu.memref_slice %arg9[%multiple_of3A_26, %dma_wait3A] : memref<16384x256xf32, #tpu.memory_space<hbm>> -> memref<32x256xf32, #tpu.memory_space<hbm>>
    %dma_wait3A_28 = arith.constant 0 : i32
    %dma_wait3A_29 = tpu.memref_slice %arg9[%multiple_of3A_26, %dma_wait3A_28] : memref<16384x256xf32, #tpu.memory_space<hbm>> -> memref<32x256xf32, #tpu.memory_space<hbm>>
    tpu.wait_dma2 semaphore(%arg30 : memref<!tpu.dma_semaphore, #tpu.memory_space<semaphore_mem>>) src(%arg22 : memref<32x256xf32, #tpu.memory_space<vmem>>) dst(%dma_wait3A_29 : memref<32x256xf32, #tpu.memory_space<hbm>>)
    %add3A_30 = arith.constant 480 : i32
    %add3A_31 = arith.addi %multiple_of3A, %add3A_30 : i32
    %multiple_of3A_32 = tpu.assume_multiple %add3A_31, 32 : i32
    %dma_wait3A_33 = arith.constant 0 : i32
    %dma_wait3A_34 = tpu.memref_slice %arg9[%multiple_of3A_32, %dma_wait3A_33] : memref<16384x256xf32, #tpu.memory_space<hbm>> -> memref<32x256xf32, #tpu.memory_space<hbm>>
    %dma_wait3A_35 = arith.constant 0 : i32
    %dma_wait3A_36 = tpu.memref_slice %arg9[%multiple_of3A_32, %dma_wait3A_35] : memref<16384x256xf32, #tpu.memory_space<hbm>> -> memref<32x256xf32, #tpu.memory_space<hbm>>
    tpu.wait_dma2 semaphore(%arg31 : memref<!tpu.dma_semaphore, #tpu.memory_space<semaphore_mem>>) src(%arg23 : memref<32x256xf32, #tpu.memory_space<vmem>>) dst(%dma_wait3A_36 : memref<32x256xf32, #tpu.memory_space<hbm>>)
    return
  }
}

module attributes {stable_mosaic.version = 14 : i64} {
  func.func @_nn_block(%arg0: i32, %arg1: i32, %arg2: memref<3x1024xf32, #tpu.memory_space<vmem>>, %arg3: memref<1024x3xf32, #tpu.memory_space<vmem>>, %arg4: memref<1x1024xi32, #tpu.memory_space<vmem>>, %arg5: memref<1x1024xi32, #tpu.memory_space<vmem>>, %arg6: memref<1x1024xi32, #tpu.memory_space<vmem>>, %arg7: memref<1x1024xf32, #tpu.memory_space<vmem>>, %arg8: memref<1x1024xf32, #tpu.memory_space<vmem>>, %arg9: memref<1x1024xf32, #tpu.memory_space<vmem>>) attributes {dimension_semantics = [#tpu.dimension_semantics<arbitrary>, #tpu.dimension_semantics<arbitrary>], iteration_bounds = array<i64: 4, 4>, scalar_prefetch = 0 : i64, scratch_operands = 0 : i64, tpu.core_type = #tpu.core_type<tc>, window_params = [{transform_indices = @transform_0, window_bounds = array<i64: 3, 1024>}, {transform_indices = @transform_1, window_bounds = array<i64: 1024, 3>}, {transform_indices = @transform_2, window_bounds = array<i64: 1, 1024>}, {transform_indices = @transform_3, window_bounds = array<i64: 1, 1024>}, {transform_indices = @transform_4, window_bounds = array<i64: 1, 1024>}, {transform_indices = @transform_5, window_bounds = array<i64: 1, 1024>}, {transform_indices = @transform_6, window_bounds = array<i64: 1, 1024>}, {transform_indices = @transform_7, window_bounds = array<i64: 1, 1024>}]} {
    %add3A = arith.constant 4 : i32
    %add3A_0 = arith.addi %arg0, %add3A : i32
    %get3A = arith.constant 0 : index
    %get3A_1 = arith.constant 0 : index
    %get3A_2 = vector.load %arg3[%get3A, %get3A_1] : memref<1024x3xf32, #tpu.memory_space<vmem>>, vector<1024x1xf32>
    %get3A_3 = arith.constant 0 : index
    %get3A_4 = arith.constant 0 : index
    %get3A_5 = vector.load %arg2[%get3A_3, %get3A_4] : memref<3x1024xf32, #tpu.memory_space<vmem>>, vector<1x1024xf32>
    %sub3A = vector.broadcast %get3A_2 : vector<1024x1xf32> to vector<1024x1024xf32>
    %sub3A_6 = vector.broadcast %get3A_5 : vector<1x1024xf32> to vector<1024x1024xf32>
    %sub3A_7 = arith.subf %sub3A, %sub3A_6 : vector<1024x1024xf32>
    %mul3A = arith.mulf %sub3A_7, %sub3A_7 : vector<1024x1024xf32>
    %get3A_8 = arith.constant 0 : index
    %get3A_9 = arith.constant 1 : index
    %get3A_10 = vector.load %arg3[%get3A_8, %get3A_9] : memref<1024x3xf32, #tpu.memory_space<vmem>>, vector<1024x1xf32>
    %get3A_11 = arith.constant 1 : index
    %get3A_12 = arith.constant 0 : index
    %get3A_13 = vector.load %arg2[%get3A_11, %get3A_12] : memref<3x1024xf32, #tpu.memory_space<vmem>>, vector<1x1024xf32>
    %sub3A_14 = vector.broadcast %get3A_10 : vector<1024x1xf32> to vector<1024x1024xf32>
    %sub3A_15 = vector.broadcast %get3A_13 : vector<1x1024xf32> to vector<1024x1024xf32>
    %sub3A_16 = arith.subf %sub3A_14, %sub3A_15 : vector<1024x1024xf32>
    %mul3A_17 = arith.mulf %sub3A_16, %sub3A_16 : vector<1024x1024xf32>
    %add3A_18 = arith.addf %mul3A, %mul3A_17 : vector<1024x1024xf32>
    %get3A_19 = arith.constant 0 : index
    %get3A_20 = arith.constant 2 : index
    %get3A_21 = vector.load %arg3[%get3A_19, %get3A_20] : memref<1024x3xf32, #tpu.memory_space<vmem>>, vector<1024x1xf32>
    %get3A_22 = arith.constant 2 : index
    %get3A_23 = arith.constant 0 : index
    %get3A_24 = vector.load %arg2[%get3A_22, %get3A_23] : memref<3x1024xf32, #tpu.memory_space<vmem>>, vector<1x1024xf32>
    %sub3A_25 = vector.broadcast %get3A_21 : vector<1024x1xf32> to vector<1024x1024xf32>
    %sub3A_26 = vector.broadcast %get3A_24 : vector<1x1024xf32> to vector<1024x1024xf32>
    %sub3A_27 = arith.subf %sub3A_25, %sub3A_26 : vector<1024x1024xf32>
    %mul3A_28 = arith.mulf %sub3A_27, %sub3A_27 : vector<1024x1024xf32>
    %add3A_29 = arith.addf %add3A_18, %mul3A_28 : vector<1024x1024xf32>
    %iota3A = tpu.iota {dimensions = array<i32: 0>} : vector<1024x1024xi32>
    %convert_element_type3A = arith.sitofp %iota3A : vector<1024x1024xi32> to vector<1024x1024xf32>
    %mul3A_30 = arith.constant 1024 : i32
    %mul3A_31 = arith.muli %add3A_0, %mul3A_30 : i32
    %reduce_min3A = arith.constant dense<0x7F800000> : vector<1024xf32>
    %reduce_min3A_32 = vector.multi_reduction <minimumf>, %add3A_29, %reduce_min3A [0] : vector<1024x1024xf32> to vector<1024xf32>
    %broadcast_in_dim3A = vector.shape_cast %reduce_min3A_32 : vector<1024xf32> to vector<1x1024xf32>
    %eq3A = vector.broadcast %broadcast_in_dim3A : vector<1x1024xf32> to vector<1024x1024xf32>
    %eq3A_33 = arith.cmpf oeq, %add3A_29, %eq3A : vector<1024x1024xf32>
    %jit3A = arith.constant 0x7F800000 : f32
    %broadcast_in_dim3A_34 = vector.broadcast %jit3A : f32 to vector<1024x1024xf32>
    %select_n3A = arith.select %eq3A_33, %convert_element_type3A, %broadcast_in_dim3A_34 : vector<1024x1024xi1>, vector<1024x1024xf32>
    %reduce_min3A_35 = arith.constant dense<0x7F800000> : vector<1024xf32>
    %reduce_min3A_36 = vector.multi_reduction <minimumf>, %select_n3A, %reduce_min3A_35 [0] : vector<1024x1024xf32> to vector<1024xf32>
    %broadcast_in_dim3A_37 = vector.shape_cast %reduce_min3A_36 : vector<1024xf32> to vector<1x1024xf32>
    %swap3A = arith.constant 0 : index
    %swap3A_38 = arith.constant 0 : index
    %swap3A_39 = vector.load %arg7[%swap3A, %swap3A_38] : memref<1x1024xf32, #tpu.memory_space<vmem>>, vector<1x1024xf32>
    tpu.vector_store %arg7[%swap3A, %swap3A_38], %broadcast_in_dim3A {strides = array<i32>} : memref<1x1024xf32, #tpu.memory_space<vmem>>, vector<1x1024xf32>,
    %convert_element_type3A_40 = arith.fptosi %broadcast_in_dim3A_37 : vector<1x1024xf32> to vector<1x1024xi32>
    %add3A_41 = vector.broadcast %mul3A_31 : i32 to vector<1x1024xi32>
    %add3A_42 = arith.addi %convert_element_type3A_40, %add3A_41 : vector<1x1024xi32>
    %swap3A_43 = arith.constant 0 : index
    %swap3A_44 = arith.constant 0 : index
    %swap3A_45 = vector.load %arg4[%swap3A_43, %swap3A_44] : memref<1x1024xi32, #tpu.memory_space<vmem>>, vector<1x1024xi32>
    tpu.vector_store %arg4[%swap3A_43, %swap3A_44], %add3A_42 {strides = array<i32>} : memref<1x1024xi32, #tpu.memory_space<vmem>>, vector<1x1024xi32>,
    %eq3A_46 = vector.broadcast %broadcast_in_dim3A_37 : vector<1x1024xf32> to vector<1024x1024xf32>
    %eq3A_47 = arith.cmpf oeq, %select_n3A, %eq3A_46 : vector<1024x1024xf32>
    %jit3A_48 = arith.constant 0x7F800000 : f32
    %broadcast_in_dim3A_49 = vector.broadcast %jit3A_48 : f32 to vector<1024x1024xf32>
    %select_n3A_50 = arith.select %eq3A_47, %broadcast_in_dim3A_49, %add3A_29 : vector<1024x1024xi1>, vector<1024x1024xf32>
    %reduce_min3A_51 = arith.constant dense<0x7F800000> : vector<1024xf32>
    %reduce_min3A_52 = vector.multi_reduction <minimumf>, %select_n3A_50, %reduce_min3A_51 [0] : vector<1024x1024xf32> to vector<1024xf32>
    %broadcast_in_dim3A_53 = vector.shape_cast %reduce_min3A_52 : vector<1024xf32> to vector<1x1024xf32>
    %eq3A_54 = vector.broadcast %broadcast_in_dim3A_53 : vector<1x1024xf32> to vector<1024x1024xf32>
    %eq3A_55 = arith.cmpf oeq, %select_n3A_50, %eq3A_54 : vector<1024x1024xf32>
    %jit3A_56 = arith.constant 0x7F800000 : f32
    %broadcast_in_dim3A_57 = vector.broadcast %jit3A_56 : f32 to vector<1024x1024xf32>
    %select_n3A_58 = arith.select %eq3A_55, %convert_element_type3A, %broadcast_in_dim3A_57 : vector<1024x1024xi1>, vector<1024x1024xf32>
    %reduce_min3A_59 = arith.constant dense<0x7F800000> : vector<1024xf32>
    %reduce_min3A_60 = vector.multi_reduction <minimumf>, %select_n3A_58, %reduce_min3A_59 [0] : vector<1024x1024xf32> to vector<1024xf32>
    %broadcast_in_dim3A_61 = vector.shape_cast %reduce_min3A_60 : vector<1024xf32> to vector<1x1024xf32>
    %swap3A_62 = arith.constant 0 : index
    %swap3A_63 = arith.constant 0 : index
    %swap3A_64 = vector.load %arg8[%swap3A_62, %swap3A_63] : memref<1x1024xf32, #tpu.memory_space<vmem>>, vector<1x1024xf32>
    tpu.vector_store %arg8[%swap3A_62, %swap3A_63], %broadcast_in_dim3A_53 {strides = array<i32>} : memref<1x1024xf32, #tpu.memory_space<vmem>>, vector<1x1024xf32>,
    %convert_element_type3A_65 = arith.fptosi %broadcast_in_dim3A_61 : vector<1x1024xf32> to vector<1x1024xi32>
    %add3A_66 = vector.broadcast %mul3A_31 : i32 to vector<1x1024xi32>
    %add3A_67 = arith.addi %convert_element_type3A_65, %add3A_66 : vector<1x1024xi32>
    %swap3A_68 = arith.constant 0 : index
    %swap3A_69 = arith.constant 0 : index
    %swap3A_70 = vector.load %arg5[%swap3A_68, %swap3A_69] : memref<1x1024xi32, #tpu.memory_space<vmem>>, vector<1x1024xi32>
    tpu.vector_store %arg5[%swap3A_68, %swap3A_69], %add3A_67 {strides = array<i32>} : memref<1x1024xi32, #tpu.memory_space<vmem>>, vector<1x1024xi32>,
    %eq3A_71 = vector.broadcast %broadcast_in_dim3A_61 : vector<1x1024xf32> to vector<1024x1024xf32>
    %eq3A_72 = arith.cmpf oeq, %select_n3A_58, %eq3A_71 : vector<1024x1024xf32>
    %jit3A_73 = arith.constant 0x7F800000 : f32
    %broadcast_in_dim3A_74 = vector.broadcast %jit3A_73 : f32 to vector<1024x1024xf32>
    %select_n3A_75 = arith.select %eq3A_72, %broadcast_in_dim3A_74, %select_n3A_50 : vector<1024x1024xi1>, vector<1024x1024xf32>
    %reduce_min3A_76 = arith.constant dense<0x7F800000> : vector<1024xf32>
    %reduce_min3A_77 = vector.multi_reduction <minimumf>, %select_n3A_75, %reduce_min3A_76 [0] : vector<1024x1024xf32> to vector<1024xf32>
    %broadcast_in_dim3A_78 = vector.shape_cast %reduce_min3A_77 : vector<1024xf32> to vector<1x1024xf32>
    %eq3A_79 = vector.broadcast %broadcast_in_dim3A_78 : vector<1x1024xf32> to vector<1024x1024xf32>
    %eq3A_80 = arith.cmpf oeq, %select_n3A_75, %eq3A_79 : vector<1024x1024xf32>
    %jit3A_81 = arith.constant 0x7F800000 : f32
    %broadcast_in_dim3A_82 = vector.broadcast %jit3A_81 : f32 to vector<1024x1024xf32>
    %select_n3A_83 = arith.select %eq3A_80, %convert_element_type3A, %broadcast_in_dim3A_82 : vector<1024x1024xi1>, vector<1024x1024xf32>
    %reduce_min3A_84 = arith.constant dense<0x7F800000> : vector<1024xf32>
    %reduce_min3A_85 = vector.multi_reduction <minimumf>, %select_n3A_83, %reduce_min3A_84 [0] : vector<1024x1024xf32> to vector<1024xf32>
    %broadcast_in_dim3A_86 = vector.shape_cast %reduce_min3A_85 : vector<1024xf32> to vector<1x1024xf32>
    %swap3A_87 = arith.constant 0 : index
    %swap3A_88 = arith.constant 0 : index
    %swap3A_89 = vector.load %arg9[%swap3A_87, %swap3A_88] : memref<1x1024xf32, #tpu.memory_space<vmem>>, vector<1x1024xf32>
    tpu.vector_store %arg9[%swap3A_87, %swap3A_88], %broadcast_in_dim3A_78 {strides = array<i32>} : memref<1x1024xf32, #tpu.memory_space<vmem>>, vector<1x1024xf32>,
    %convert_element_type3A_90 = arith.fptosi %broadcast_in_dim3A_86 : vector<1x1024xf32> to vector<1x1024xi32>
    %add3A_91 = vector.broadcast %mul3A_31 : i32 to vector<1x1024xi32>
    %add3A_92 = arith.addi %convert_element_type3A_90, %add3A_91 : vector<1x1024xi32>
    %swap3A_93 = arith.constant 0 : index
    %swap3A_94 = arith.constant 0 : index
    %swap3A_95 = vector.load %arg6[%swap3A_93, %swap3A_94] : memref<1x1024xi32, #tpu.memory_space<vmem>>, vector<1x1024xi32>
    tpu.vector_store %arg6[%swap3A_93, %swap3A_94], %add3A_92 {strides = array<i32>} : memref<1x1024xi32, #tpu.memory_space<vmem>>, vector<1x1024xi32>,
    return
  }
  func.func @transform_0(%arg0: i32, %arg1: i32) -> (i32, i32) {
    %mul3A = arith.constant 4 : i32
    %mul3A_0 = arith.muli %arg0, %mul3A : i32
    %add3A = arith.addi %mul3A_0, %arg1 : i32
    %c0_i32 = arith.constant 0 : i32
    %c0_i32_1 = arith.constant 0 : i32
    return %c0_i32, %add3A : i32, i32
  }
  func.func @transform_1(%arg0: i32, %arg1: i32) -> (i32, i32) {
    %add3A = arith.constant 4 : i32
    %add3A_0 = arith.addi %arg0, %add3A : i32
    %c0_i32 = arith.constant 0 : i32
    %c0_i32_1 = arith.constant 0 : i32
    return %add3A_0, %c0_i32 : i32, i32
  }
  func.func @transform_2(%arg0: i32, %arg1: i32) -> (i32, i32) {
    %mul3A = arith.constant 4 : i32
    %mul3A_0 = arith.muli %arg0, %mul3A : i32
    %add3A = arith.addi %mul3A_0, %arg1 : i32
    %c0_i32 = arith.constant 0 : i32
    %c0_i32_1 = arith.constant 0 : i32
    return %c0_i32, %add3A : i32, i32
  }
  func.func @transform_3(%arg0: i32, %arg1: i32) -> (i32, i32) {
    %mul3A = arith.constant 4 : i32
    %mul3A_0 = arith.muli %arg0, %mul3A : i32
    %add3A = arith.addi %mul3A_0, %arg1 : i32
    %c0_i32 = arith.constant 0 : i32
    %c0_i32_1 = arith.constant 0 : i32
    return %c0_i32, %add3A : i32, i32
  }
  func.func @transform_4(%arg0: i32, %arg1: i32) -> (i32, i32) {
    %mul3A = arith.constant 4 : i32
    %mul3A_0 = arith.muli %arg0, %mul3A : i32
    %add3A = arith.addi %mul3A_0, %arg1 : i32
    %c0_i32 = arith.constant 0 : i32
    %c0_i32_1 = arith.constant 0 : i32
    return %c0_i32, %add3A : i32, i32
  }
  func.func @transform_5(%arg0: i32, %arg1: i32) -> (i32, i32) {
    %mul3A = arith.constant 4 : i32
    %mul3A_0 = arith.muli %arg0, %mul3A : i32
    %add3A = arith.addi %mul3A_0, %arg1 : i32
    %c0_i32 = arith.constant 0 : i32
    %c0_i32_1 = arith.constant 0 : i32
    return %c0_i32, %add3A : i32, i32
  }
  func.func @transform_6(%arg0: i32, %arg1: i32) -> (i32, i32) {
    %mul3A = arith.constant 4 : i32
    %mul3A_0 = arith.muli %arg0, %mul3A : i32
    %add3A = arith.addi %mul3A_0, %arg1 : i32
    %c0_i32 = arith.constant 0 : i32
    %c0_i32_1 = arith.constant 0 : i32
    return %c0_i32, %add3A : i32, i32
  }
  func.func @transform_7(%arg0: i32, %arg1: i32) -> (i32, i32) {
    %mul3A = arith.constant 4 : i32
    %mul3A_0 = arith.muli %arg0, %mul3A : i32
    %add3A = arith.addi %mul3A_0, %arg1 : i32
    %c0_i32 = arith.constant 0 : i32
    %c0_i32_1 = arith.constant 0 : i32
    return %c0_i32, %add3A : i32, i32
  }
}

module attributes {stable_mosaic.version = 14 : i64} {
  func.func @_nn_block(%arg0: i32, %arg1: i32, %arg2: memref<3x1024xf32, #tpu.memory_space<vmem>>, %arg3: memref<1024x3xf32, #tpu.memory_space<vmem>>, %arg4: memref<1x1024xi32, #tpu.memory_space<vmem>>, %arg5: memref<1x1024xi32, #tpu.memory_space<vmem>>, %arg6: memref<1x1024xi32, #tpu.memory_space<vmem>>, %arg7: memref<1x1024xf32, #tpu.memory_space<vmem>>, %arg8: memref<1x1024xf32, #tpu.memory_space<vmem>>, %arg9: memref<1x1024xf32, #tpu.memory_space<vmem>>) attributes {dimension_semantics = [#tpu.dimension_semantics<arbitrary>, #tpu.dimension_semantics<arbitrary>], iteration_bounds = array<i64: 4, 4>, scalar_prefetch = 0 : i64, scratch_operands = 0 : i64, tpu.core_type = #tpu.core_type<tc>, window_params = [{transform_indices = @transform_0, window_bounds = array<i64: 3, 1024>}, {transform_indices = @transform_1, window_bounds = array<i64: 1024, 3>}, {transform_indices = @transform_2, window_bounds = array<i64: 1, 1024>}, {transform_indices = @transform_3, window_bounds = array<i64: 1, 1024>}, {transform_indices = @transform_4, window_bounds = array<i64: 1, 1024>}, {transform_indices = @transform_5, window_bounds = array<i64: 1, 1024>}, {transform_indices = @transform_6, window_bounds = array<i64: 1, 1024>}, {transform_indices = @transform_7, window_bounds = array<i64: 1, 1024>}]} {
    %add3A = arith.constant 0 : i32
    %add3A_0 = arith.addi %arg0, %add3A : i32
    %get3A = arith.constant 0 : index
    %get3A_1 = arith.constant 0 : index
    %get3A_2 = vector.load %arg3[%get3A, %get3A_1] : memref<1024x3xf32, #tpu.memory_space<vmem>>, vector<1024x1xf32>
    %get3A_3 = arith.constant 0 : index
    %get3A_4 = arith.constant 0 : index
    %get3A_5 = vector.load %arg2[%get3A_3, %get3A_4] : memref<3x1024xf32, #tpu.memory_space<vmem>>, vector<1x1024xf32>
    %sub3A = vector.broadcast %get3A_2 : vector<1024x1xf32> to vector<1024x1024xf32>
    %sub3A_6 = vector.broadcast %get3A_5 : vector<1x1024xf32> to vector<1024x1024xf32>
    %sub3A_7 = arith.subf %sub3A, %sub3A_6 : vector<1024x1024xf32>
    %mul3A = arith.mulf %sub3A_7, %sub3A_7 : vector<1024x1024xf32>
    %get3A_8 = arith.constant 0 : index
    %get3A_9 = arith.constant 1 : index
    %get3A_10 = vector.load %arg3[%get3A_8, %get3A_9] : memref<1024x3xf32, #tpu.memory_space<vmem>>, vector<1024x1xf32>
    %get3A_11 = arith.constant 1 : index
    %get3A_12 = arith.constant 0 : index
    %get3A_13 = vector.load %arg2[%get3A_11, %get3A_12] : memref<3x1024xf32, #tpu.memory_space<vmem>>, vector<1x1024xf32>
    %sub3A_14 = vector.broadcast %get3A_10 : vector<1024x1xf32> to vector<1024x1024xf32>
    %sub3A_15 = vector.broadcast %get3A_13 : vector<1x1024xf32> to vector<1024x1024xf32>
    %sub3A_16 = arith.subf %sub3A_14, %sub3A_15 : vector<1024x1024xf32>
    %mul3A_17 = arith.mulf %sub3A_16, %sub3A_16 : vector<1024x1024xf32>
    %add3A_18 = arith.addf %mul3A, %mul3A_17 : vector<1024x1024xf32>
    %get3A_19 = arith.constant 0 : index
    %get3A_20 = arith.constant 2 : index
    %get3A_21 = vector.load %arg3[%get3A_19, %get3A_20] : memref<1024x3xf32, #tpu.memory_space<vmem>>, vector<1024x1xf32>
    %get3A_22 = arith.constant 2 : index
    %get3A_23 = arith.constant 0 : index
    %get3A_24 = vector.load %arg2[%get3A_22, %get3A_23] : memref<3x1024xf32, #tpu.memory_space<vmem>>, vector<1x1024xf32>
    %sub3A_25 = vector.broadcast %get3A_21 : vector<1024x1xf32> to vector<1024x1024xf32>
    %sub3A_26 = vector.broadcast %get3A_24 : vector<1x1024xf32> to vector<1024x1024xf32>
    %sub3A_27 = arith.subf %sub3A_25, %sub3A_26 : vector<1024x1024xf32>
    %mul3A_28 = arith.mulf %sub3A_27, %sub3A_27 : vector<1024x1024xf32>
    %add3A_29 = arith.addf %add3A_18, %mul3A_28 : vector<1024x1024xf32>
    %iota3A = tpu.iota {dimensions = array<i32: 0>} : vector<1024x1024xi32>
    %convert_element_type3A = arith.sitofp %iota3A : vector<1024x1024xi32> to vector<1024x1024xf32>
    %mul3A_30 = arith.constant 1024 : i32
    %mul3A_31 = arith.muli %add3A_0, %mul3A_30 : i32
    %reduce_min3A = arith.constant dense<0x7F800000> : vector<1024xf32>
    %reduce_min3A_32 = vector.multi_reduction <minimumf>, %add3A_29, %reduce_min3A [0] : vector<1024x1024xf32> to vector<1024xf32>
    %broadcast_in_dim3A = vector.shape_cast %reduce_min3A_32 : vector<1024xf32> to vector<1x1024xf32>
    %eq3A = vector.broadcast %broadcast_in_dim3A : vector<1x1024xf32> to vector<1024x1024xf32>
    %eq3A_33 = arith.cmpf oeq, %add3A_29, %eq3A : vector<1024x1024xf32>
    %jit3A = arith.constant 0x7F800000 : f32
    %broadcast_in_dim3A_34 = vector.broadcast %jit3A : f32 to vector<1024x1024xf32>
    %select_n3A = arith.select %eq3A_33, %convert_element_type3A, %broadcast_in_dim3A_34 : vector<1024x1024xi1>, vector<1024x1024xf32>
    %reduce_min3A_35 = arith.constant dense<0x7F800000> : vector<1024xf32>
    %reduce_min3A_36 = vector.multi_reduction <minimumf>, %select_n3A, %reduce_min3A_35 [0] : vector<1024x1024xf32> to vector<1024xf32>
    %broadcast_in_dim3A_37 = vector.shape_cast %reduce_min3A_36 : vector<1024xf32> to vector<1x1024xf32>
    %swap3A = arith.constant 0 : index
    %swap3A_38 = arith.constant 0 : index
    %swap3A_39 = vector.load %arg7[%swap3A, %swap3A_38] : memref<1x1024xf32, #tpu.memory_space<vmem>>, vector<1x1024xf32>
    tpu.vector_store %arg7[%swap3A, %swap3A_38], %broadcast_in_dim3A {strides = array<i32>} : memref<1x1024xf32, #tpu.memory_space<vmem>>, vector<1x1024xf32>,
    %convert_element_type3A_40 = arith.fptosi %broadcast_in_dim3A_37 : vector<1x1024xf32> to vector<1x1024xi32>
    %add3A_41 = vector.broadcast %mul3A_31 : i32 to vector<1x1024xi32>
    %add3A_42 = arith.addi %convert_element_type3A_40, %add3A_41 : vector<1x1024xi32>
    %swap3A_43 = arith.constant 0 : index
    %swap3A_44 = arith.constant 0 : index
    %swap3A_45 = vector.load %arg4[%swap3A_43, %swap3A_44] : memref<1x1024xi32, #tpu.memory_space<vmem>>, vector<1x1024xi32>
    tpu.vector_store %arg4[%swap3A_43, %swap3A_44], %add3A_42 {strides = array<i32>} : memref<1x1024xi32, #tpu.memory_space<vmem>>, vector<1x1024xi32>,
    %eq3A_46 = vector.broadcast %broadcast_in_dim3A_37 : vector<1x1024xf32> to vector<1024x1024xf32>
    %eq3A_47 = arith.cmpf oeq, %select_n3A, %eq3A_46 : vector<1024x1024xf32>
    %jit3A_48 = arith.constant 0x7F800000 : f32
    %broadcast_in_dim3A_49 = vector.broadcast %jit3A_48 : f32 to vector<1024x1024xf32>
    %select_n3A_50 = arith.select %eq3A_47, %broadcast_in_dim3A_49, %add3A_29 : vector<1024x1024xi1>, vector<1024x1024xf32>
    %reduce_min3A_51 = arith.constant dense<0x7F800000> : vector<1024xf32>
    %reduce_min3A_52 = vector.multi_reduction <minimumf>, %select_n3A_50, %reduce_min3A_51 [0] : vector<1024x1024xf32> to vector<1024xf32>
    %broadcast_in_dim3A_53 = vector.shape_cast %reduce_min3A_52 : vector<1024xf32> to vector<1x1024xf32>
    %eq3A_54 = vector.broadcast %broadcast_in_dim3A_53 : vector<1x1024xf32> to vector<1024x1024xf32>
    %eq3A_55 = arith.cmpf oeq, %select_n3A_50, %eq3A_54 : vector<1024x1024xf32>
    %jit3A_56 = arith.constant 0x7F800000 : f32
    %broadcast_in_dim3A_57 = vector.broadcast %jit3A_56 : f32 to vector<1024x1024xf32>
    %select_n3A_58 = arith.select %eq3A_55, %convert_element_type3A, %broadcast_in_dim3A_57 : vector<1024x1024xi1>, vector<1024x1024xf32>
    %reduce_min3A_59 = arith.constant dense<0x7F800000> : vector<1024xf32>
    %reduce_min3A_60 = vector.multi_reduction <minimumf>, %select_n3A_58, %reduce_min3A_59 [0] : vector<1024x1024xf32> to vector<1024xf32>
    %broadcast_in_dim3A_61 = vector.shape_cast %reduce_min3A_60 : vector<1024xf32> to vector<1x1024xf32>
    %swap3A_62 = arith.constant 0 : index
    %swap3A_63 = arith.constant 0 : index
    %swap3A_64 = vector.load %arg8[%swap3A_62, %swap3A_63] : memref<1x1024xf32, #tpu.memory_space<vmem>>, vector<1x1024xf32>
    tpu.vector_store %arg8[%swap3A_62, %swap3A_63], %broadcast_in_dim3A_53 {strides = array<i32>} : memref<1x1024xf32, #tpu.memory_space<vmem>>, vector<1x1024xf32>,
    %convert_element_type3A_65 = arith.fptosi %broadcast_in_dim3A_61 : vector<1x1024xf32> to vector<1x1024xi32>
    %add3A_66 = vector.broadcast %mul3A_31 : i32 to vector<1x1024xi32>
    %add3A_67 = arith.addi %convert_element_type3A_65, %add3A_66 : vector<1x1024xi32>
    %swap3A_68 = arith.constant 0 : index
    %swap3A_69 = arith.constant 0 : index
    %swap3A_70 = vector.load %arg5[%swap3A_68, %swap3A_69] : memref<1x1024xi32, #tpu.memory_space<vmem>>, vector<1x1024xi32>
    tpu.vector_store %arg5[%swap3A_68, %swap3A_69], %add3A_67 {strides = array<i32>} : memref<1x1024xi32, #tpu.memory_space<vmem>>, vector<1x1024xi32>,
    %eq3A_71 = vector.broadcast %broadcast_in_dim3A_61 : vector<1x1024xf32> to vector<1024x1024xf32>
    %eq3A_72 = arith.cmpf oeq, %select_n3A_58, %eq3A_71 : vector<1024x1024xf32>
    %jit3A_73 = arith.constant 0x7F800000 : f32
    %broadcast_in_dim3A_74 = vector.broadcast %jit3A_73 : f32 to vector<1024x1024xf32>
    %select_n3A_75 = arith.select %eq3A_72, %broadcast_in_dim3A_74, %select_n3A_50 : vector<1024x1024xi1>, vector<1024x1024xf32>
    %reduce_min3A_76 = arith.constant dense<0x7F800000> : vector<1024xf32>
    %reduce_min3A_77 = vector.multi_reduction <minimumf>, %select_n3A_75, %reduce_min3A_76 [0] : vector<1024x1024xf32> to vector<1024xf32>
    %broadcast_in_dim3A_78 = vector.shape_cast %reduce_min3A_77 : vector<1024xf32> to vector<1x1024xf32>
    %eq3A_79 = vector.broadcast %broadcast_in_dim3A_78 : vector<1x1024xf32> to vector<1024x1024xf32>
    %eq3A_80 = arith.cmpf oeq, %select_n3A_75, %eq3A_79 : vector<1024x1024xf32>
    %jit3A_81 = arith.constant 0x7F800000 : f32
    %broadcast_in_dim3A_82 = vector.broadcast %jit3A_81 : f32 to vector<1024x1024xf32>
    %select_n3A_83 = arith.select %eq3A_80, %convert_element_type3A, %broadcast_in_dim3A_82 : vector<1024x1024xi1>, vector<1024x1024xf32>
    %reduce_min3A_84 = arith.constant dense<0x7F800000> : vector<1024xf32>
    %reduce_min3A_85 = vector.multi_reduction <minimumf>, %select_n3A_83, %reduce_min3A_84 [0] : vector<1024x1024xf32> to vector<1024xf32>
    %broadcast_in_dim3A_86 = vector.shape_cast %reduce_min3A_85 : vector<1024xf32> to vector<1x1024xf32>
    %swap3A_87 = arith.constant 0 : index
    %swap3A_88 = arith.constant 0 : index
    %swap3A_89 = vector.load %arg9[%swap3A_87, %swap3A_88] : memref<1x1024xf32, #tpu.memory_space<vmem>>, vector<1x1024xf32>
    tpu.vector_store %arg9[%swap3A_87, %swap3A_88], %broadcast_in_dim3A_78 {strides = array<i32>} : memref<1x1024xf32, #tpu.memory_space<vmem>>, vector<1x1024xf32>,
    %convert_element_type3A_90 = arith.fptosi %broadcast_in_dim3A_86 : vector<1x1024xf32> to vector<1x1024xi32>
    %add3A_91 = vector.broadcast %mul3A_31 : i32 to vector<1x1024xi32>
    %add3A_92 = arith.addi %convert_element_type3A_90, %add3A_91 : vector<1x1024xi32>
    %swap3A_93 = arith.constant 0 : index
    %swap3A_94 = arith.constant 0 : index
    %swap3A_95 = vector.load %arg6[%swap3A_93, %swap3A_94] : memref<1x1024xi32, #tpu.memory_space<vmem>>, vector<1x1024xi32>
    tpu.vector_store %arg6[%swap3A_93, %swap3A_94], %add3A_92 {strides = array<i32>} : memref<1x1024xi32, #tpu.memory_space<vmem>>, vector<1x1024xi32>,
    return
  }
  func.func @transform_0(%arg0: i32, %arg1: i32) -> (i32, i32) {
    %mul3A = arith.constant 4 : i32
    %mul3A_0 = arith.muli %arg0, %mul3A : i32
    %add3A = arith.addi %mul3A_0, %arg1 : i32
    %c0_i32 = arith.constant 0 : i32
    %c0_i32_1 = arith.constant 0 : i32
    return %c0_i32, %add3A : i32, i32
  }
  func.func @transform_1(%arg0: i32, %arg1: i32) -> (i32, i32) {
    %add3A = arith.constant 0 : i32
    %add3A_0 = arith.addi %arg0, %add3A : i32
    %c0_i32 = arith.constant 0 : i32
    %c0_i32_1 = arith.constant 0 : i32
    return %add3A_0, %c0_i32 : i32, i32
  }
  func.func @transform_2(%arg0: i32, %arg1: i32) -> (i32, i32) {
    %mul3A = arith.constant 4 : i32
    %mul3A_0 = arith.muli %arg0, %mul3A : i32
    %add3A = arith.addi %mul3A_0, %arg1 : i32
    %c0_i32 = arith.constant 0 : i32
    %c0_i32_1 = arith.constant 0 : i32
    return %c0_i32, %add3A : i32, i32
  }
  func.func @transform_3(%arg0: i32, %arg1: i32) -> (i32, i32) {
    %mul3A = arith.constant 4 : i32
    %mul3A_0 = arith.muli %arg0, %mul3A : i32
    %add3A = arith.addi %mul3A_0, %arg1 : i32
    %c0_i32 = arith.constant 0 : i32
    %c0_i32_1 = arith.constant 0 : i32
    return %c0_i32, %add3A : i32, i32
  }
  func.func @transform_4(%arg0: i32, %arg1: i32) -> (i32, i32) {
    %mul3A = arith.constant 4 : i32
    %mul3A_0 = arith.muli %arg0, %mul3A : i32
    %add3A = arith.addi %mul3A_0, %arg1 : i32
    %c0_i32 = arith.constant 0 : i32
    %c0_i32_1 = arith.constant 0 : i32
    return %c0_i32, %add3A : i32, i32
  }
  func.func @transform_5(%arg0: i32, %arg1: i32) -> (i32, i32) {
    %mul3A = arith.constant 4 : i32
    %mul3A_0 = arith.muli %arg0, %mul3A : i32
    %add3A = arith.addi %mul3A_0, %arg1 : i32
    %c0_i32 = arith.constant 0 : i32
    %c0_i32_1 = arith.constant 0 : i32
    return %c0_i32, %add3A : i32, i32
  }
  func.func @transform_6(%arg0: i32, %arg1: i32) -> (i32, i32) {
    %mul3A = arith.constant 4 : i32
    %mul3A_0 = arith.muli %arg0, %mul3A : i32
    %add3A = arith.addi %mul3A_0, %arg1 : i32
    %c0_i32 = arith.constant 0 : i32
    %c0_i32_1 = arith.constant 0 : i32
    return %c0_i32, %add3A : i32, i32
  }
  func.func @transform_7(%arg0: i32, %arg1: i32) -> (i32, i32) {
    %mul3A = arith.constant 4 : i32
    %mul3A_0 = arith.muli %arg0, %mul3A : i32
    %add3A = arith.addi %mul3A_0, %arg1 : i32
    %c0_i32 = arith.constant 0 : i32
    %c0_i32_1 = arith.constant 0 : i32
    return %c0_i32, %add3A : i32, i32
  }
}

</mosaic_0001>

<sc_bundles>
// kernel: kernel.6.cloned.1.call-start
scs
__scs_entry_jumppad:
0x0: {  	(pc) =	sbr.rel $0x88, $3  }
0x1: {  	(tag) =	ssettag $0x0;
	lr =	simm.s32 $0x1  }
0x2: {  	[smem:$0x3F9E] =	sst lr;
	_ =	strace $0xD0000000  }
0x3: {  	_ = 	snop  }
0x4: {  	_ = 	snop  }
0x5: {  	_ = 	snop  }
0x6: {  	_ = 	snop  }
0x7: {  	_ = 	snop  }
__scs_overlays_trampoline_lowered:
0x8: {  	[smem:$0x3FAD] =	sst s0  }
0x9: {  	[smem:$0x3FAE] =	sst s1  }
0xa: {  	[smem:$0x3FAF] =	sst s2  }
0xb: {  	[smem:$0x3FB0] =	sst s3  }
0xc: {  	[smem:$0x3FB1] =	sst s4  }
0xd: {  	[smem:$0x3FB2] =	sst s5  }
0xe: {  	[smem:$0x3FB3] =	sst s6  }
0xf: {  	[smem:$0x3FB4] =	sst s7  }
0x10: {  	[smem:$0x3FB5] =	sst s8  }
0x11: {  	[smem:$0x3FB6] =	sst s9;
	s0 =	simm.s32 @!p0 $0x0  }
0x12: {  	s1 =	sld [smem:$0x3F9C];
	s0 =	simm.s32 @p0 $0x1  }
0x13: {  	[smem:$0x3FB7] =	sst s0;
	s0 =	simm.s32 @!p1 $0x0  }
0x14: {  	s2 =	sld [smem:$0x3F9B];
	s0 =	simm.s32 @p1 $0x1  }
0x15: {  	[smem:$0x3FB8] =	sst s0;
	s0 =	simm.s32 @!p2 $0x0  }
0x16: {  	s3 =	sld [smem:$0x3FDB];
	s0 =	simm.s32 @p2 $0x1  }
0x17: {  	s4 =	simm.s32 $0x1BF5;
	[smem:$0x3FBA] =	sst s0  }
0x18: {  	s0 =	sld [smem:$0x3F9D];
	_ =	swait.ge [sflag:s4], $0x0  }
0x19: {  	s7 =	sld [smem:$0x3F9E]  }
0x1a: {  	s8 =	sadd.s32 $0xFFFFE003, lr  }
0x1b: {  	s9 =	sadd.s32 $0xFFFFFEF7, lr;
	s5 =	simm.s32 $0xFFFFFFFF;
	p2 =	slt.u32 s8, $0xFFFFF086  }
0x1c: {  	p1 =	slt.u32 s9, $0xF7A;
	s5 =	simm.s32 @!p2 $0x0  }
0x1d: {  	s5 =	simm.s32 @p1 $0x1;
	p0 =	seq.s32 s7, s2  }
0x1e: {  	s7 =	smul.u32 @!p0 $0xF7A, s2;
	p2 =	seq.s32 @!p0 s5, $0x0  }
0x1f: {  	s9 =	smul.u32 $0xF7A, s1;
	s8 =	simm.s32 @!p0 $0x1BF5;
	p2 =	por !p2, p0  }
0x20: {  	[sflag:s8] =	ssyncset.s32 @!p0 $0xFFFFF086;
	s6 =	sadd.s32 @!p0 s3, s7;
	s7 =	simm.s32 @!p0 $0x108  }
0x21: {  	s3 =	sadd.s32 s3, s9;
	s6 =	sadd.s32 @!p0 $0x88, s6;
	s7 =	simm.s32 @p2 $0x1082  }
0x22: {  	[simem:s7], [sflag:s8] =	dma.local @!p0 [hbm:s6], $0xF7A  }
0x23: {  	s9 =	sor.u32 $0xD0000000, s2;
	s6 =	simm.s32 $0x108;
	_ =	swait.ge @!p0 [sflag:s8], $0x0  }
0x24: {  	s3 =	sadd.s32 $0x88, s3;
	s6 =	simm.s32 @!p1 $0x1082;
	[sflag:s4] =	ssyncset.s32 $0xFFFFF086  }
0x25: {  	[simem:s6], [sflag:s4] =	dma.local [hbm:s3], $0xF7A  }
0x26: {  	[smem:$0x3F9E] =	sst s1;
	(tag) =	ssettag s2;
	_ =	strace s9  }
0x27: {  	s1 =	sld [smem:$0x3FAE]  }
0x28: {  	s2 =	sld [smem:$0x3FAF]  }
0x29: {  	s4 =	sld [smem:$0x3FB1]  }
0x2a: {  	p0 =	seq.s32 s5, $0x0;
	s5 =	sld [smem:$0x3FB2]  }
0x2b: {  	s6 =	sld [smem:$0x3FB3]  }
0x2c: {  	s7 =	sld [smem:$0x3FB4]  }
0x2d: {  	s3 =	simm.s32 $0x108;
	s8 =	sld [smem:$0x3FB5]  }
0x2e: {  	s3 =	simm.s32 @!p0 $0x1082;
	s9 =	sld [smem:$0x3FB6]  }
0x2f: {  	lr =	sadd.s32 s0, s3;
	s0 =	sld [smem:$0x3FAD]  }
0x30: {  	s3 =	sld [smem:$0x3FB0]  }
0x31: {  	[smem:$0x3FB9] =	sst s10  }
0x32: {  	s10 =	sld [smem:$0x3FB7];
	_ =	sdelay $0x3  }
0x33: {  	p0 =	seq.s32 s10, $0x1;
	s10 =	sld [smem:$0x3FB9];
	_ =	sdelay $0x3  }
0x34: {  	[smem:$0x3FB9] =	sst s10  }
0x35: {  	s10 =	sld [smem:$0x3FB8];
	_ =	sdelay $0x3  }
0x36: {  	p1 =	seq.s32 s10, $0x1;
	s10 =	sld [smem:$0x3FB9];
	_ =	sdelay $0x3  }
0x37: {  	[smem:$0x3FB9] =	sst s10  }
0x38: {  	s10 =	sld [smem:$0x3FBA]  }
0x39: {  	_ = 	snop;
	(pc) =	sbr.ind lr, $3  }
0x3a: {  	_ = 	snop  }
0x3b: {  	_ = 	snop  }
0x3c: {  	p2 =	seq.s32 s10, $0x1;
	s10 =	sld [smem:$0x3FB9]  }
0x3d: {  	_ =	shalt  }
0x3e: {  	_ =	shalt  }
0x3f: {  	_ =	shalt  }
0x40: {  	_ =	shalt  }
0x41: {  	_ =	shalt  }
0x42: {  	_ =	shalt  }
0x43: {  	_ =	shalt  }
0x44: {  	_ =	shalt  }
0x45: {  	_ =	shalt  }
0x46: {  	_ =	shalt  }
0x47: {  	_ =	shalt  }
0x48: {  	_ =	shalt  }
0x49: {  	_ =	shalt  }
0x4a: {  	_ =	shalt  }
0x4b: {  	_ =	shalt  }
0x4c: {  	_ =	shalt  }
0x4d: {  	_ =	shalt  }
0x4e: {  	_ =	shalt  }
0x4f: {  	_ =	shalt  }
0x50: {  	_ =	shalt  }
0x51: {  	_ =	shalt  }
0x52: {  	_ =	shalt  }
0x53: {  	_ =	shalt  }
0x54: {  	_ =	shalt  }
0x55: {  	_ =	shalt  }
0x56: {  	_ =	shalt  }
0x57: {  	_ =	shalt  }
0x58: {  	_ =	shalt  }
0x59: {  	_ =	shalt  }
0x5a: {  	_ =	shalt  }
0x5b: {  	_ =	shalt  }
0x5c: {  	_ =	shalt  }
0x5d: {  	_ =	shalt  }
0x5e: {  	_ =	shalt  }
0x5f: {  	_ =	shalt  }
0x60: {  	_ =	shalt  }
0x61: {  	_ =	shalt  }
0x62: {  	_ =	shalt  }
0x63: {  	_ =	shalt  }
0x64: {  	_ =	shalt  }
0x65: {  	_ =	shalt  }
0x66: {  	_ =	shalt  }
0x67: {  	_ =	shalt  }
0x68: {  	_ =	shalt  }
0x69: {  	_ =	shalt  }
0x6a: {  	_ =	shalt  }
0x6b: {  	_ =	shalt  }
0x6c: {  	_ =	shalt  }
0x6d: {  	_ =	shalt  }
0x6e: {  	_ =	shalt  }
0x6f: {  	_ =	shalt  }
0x70: {  	_ =	shalt  }
0x71: {  	_ =	shalt  }
0x72: {  	_ =	shalt  }
0x73: {  	_ =	shalt  }
0x74: {  	_ =	shalt  }
0x75: {  	_ =	shalt  }
0x76: {  	_ =	shalt  }
0x77: {  	_ =	shalt  }
0x78: {  	_ =	shalt  }
0x79: {  	_ =	shalt  }
0x7a: {  	_ =	shalt  }
0x7b: {  	_ =	shalt  }
0x7c: {  	_ =	shalt  }
0x7d: {  	_ =	shalt  }
0x7e: {  	_ =	shalt  }
0x7f: {  	_ =	shalt  }
0x80: {  	_ =	shalt  }
0x81: {  	_ =	shalt  }
0x82: {  	_ =	shalt  }
0x83: {  	_ =	shalt  }
0x84: {  	_ =	shalt  }
0x85: {  	_ =	shalt  }
0x86: {  	_ =	shalt  }
0x87: {  	_ =	shalt  }
.Lfunc_end0:
.L_simem_size_0:
called_computation_lowered:
.L_overlay_start_0:
0x88: {  	s2 =	sld [smem:$0x3FD9]  }
0x89: {  	s3 =	sld [smem:$0x3FFE];
	_ =	sdelay $0x1  }
0x8a: {  	s1 =	srdreg.scid  }
0x8b: {  	s0 =	sand.u32 $0x1, s1  }
0x8c: {  	s17 =	sshll.u32 s0, $0xA;
	s2 =	sadd.s32 s3, s2  }
0x8d: {  	s2 =	sadd.s32 s2, s17  }
0x8e: {  	[smem:$0x3FC5] =	sst s2  }
0x8f: {  	_ = 	snop  }
0x90: {  	s18 =	sld [smem:$0x3FC7];
	(tm) =	ssettm $0x1  }
0x91: {  	s19 =	sld [smem:$0x3FFB];
	_ =	sdelay $0x3  }
0x92: {  	_ =	strace s19  }
0x93: {  	s2 =	sld [smem:$0x3FFC];
	_ =	sdelay $0x3  }
0x94: {  	_ =	strace s2  }
0x95: {  	s2 =	sld [smem:$0x3FFD];
	_ =	sdelay $0x3  }
0x96: {  	_ =	strace s2  }
0x97: {  	_ =	strace $0x8FFFFFFF  }
0x98: {  	s20 =	sld [smem:$0x3FDB];
	_ =	sdelay $0x1  }
0x99: {  	s4 =	simm.s32 $_scs_section_size  }
0x9a: {  	s5 =	simm.s32 $_size__tile_overlayer_lowered;
	s6 =	simm.s32 $_tile_overlayer_lowered  }
0x9b: {  	s7 =	simm.s32 $0x1BFF;
	s21 =	sshll.u32 s6, $0x1;
	s4 =	sadd.s32 s4, s20  }
0x9c: {  	s22 =	simm.s32 $0x0;
	s5 =	sshll.u32 s5, $0x1;
	s6 =	sadd.s32 s21, s4  }
0x9d: {  	[timem:s22], [sflag:s7] =	dma.local [hbm:s6], s5  }
0x9e: {  	_ =	swait.ge [sflag:s7], s5  }
0x9f: {  	s5 =	ssub.s32 $0x0, s5;
	[sflag:s7] =	ssyncset.done $0x0  }
0xa0: {  	[sflag:s7] =	ssyncadd.s32 s5;
	_ =	sdelay $0x1  }
0xa1: {  	s23 =	simm.s32 $0x1B8B  }
0xa2: {  	_ =	swait.ge [sflag:s23], $0x1  }
0xa3: {  	[sflag:s23] =	ssyncset.done $0x0  }
0xa4: {  	[sflag:s23] =	ssyncadd.s32 $0xFFFFFFFF  }
0xa5: {  	s5 =	sld [smem:$0x0]  }
0xa6: {  	s6 =	sand.u32 $0xFFFFFFFE, s1  }
0xa7: {  	p0 =	sne.s32 s1, s6  }
0xa8: {  	s6 =	sshll.u32 @p0 s6, $0xE  }
0xa9: {  	s6 =	sadd.s32 @p0 $0x11B8D, s6;
	s7 =	sshll.u32 @p0 s5, $0x11  }
0xaa: {  	s6 =	sor.u32 @p0 s7, s6  }
0xab: {  	[sflag:s6] =	ssyncadd.remote.s32 @p0 $0x1;
	_ =	sdelay $0x1  }
0xac: {  	s6 =	simm.s32 @p0 $0x1B8D  }
0xad: {  	_ =	swait.eq @p0 [sflag:s6], $0x1  }
0xae: {  	[sflag:s6] =	ssyncadd.s32 @p0 $0xFFFFFFFF  }
0xaf: {  	s7 =	sshll.u32 @!p0 s1, $0xE  }
0xb0: {  	s7 =	sor.u32 @!p0 $0x4000, s7;
	s6 =	simm.s32 @!p0 $0x1B8D  }
0xb1: {  	s5 =	sshll.u32 @!p0 s5, $0x11;
	s7 =	sadd.s32 @!p0 $0x11B8D, s7;
	_ =	swait.eq @!p0 [sflag:s6], $0x1  }
0xb2: {  	s5 =	sor.u32 @!p0 s5, s7;
	[sflag:s6] =	ssyncadd.s32 @!p0 $0xFFFFFFFF  }
0xb3: {  	s25 =	simm.s32 $0x1B8E;
	s24 =	sld [smem:$0x3FFE];
	[sflag:s5] =	ssyncadd.remote.s32 @!p0 $0x1  }
0xb4: {  	s26 =	simm.s32 $execute0_lowered;
	[smem:$0x3FD2] =	sst s25  }
0xb5: {  	s6 =	sshll.u32 s26, $0x1;
	_ =	strace $0x80000049;
	[dreg:$0x1] =	wrdreg $0xFFFFFFFF  }
0xb6: {  	s28 =	simm.s32 $_size_execute0_lowered;
	s4 =	sadd.s32 s4, s6;
	[dreg:$0x0] =	wrdreg $0x0  }
0xb7: {  	s6 =	sshll.u32 s28, $0x1;
	[dreg:$0x2] =	wrdreg s4  }
0xb8: {  	[dreg:$0x3] =	wrdreg s6  }
0xb9: {  	[dreg:$0x4] =	wrdreg $0xC0  }
0xba: {  	_ =	task [dreg:s22], $0x5FFFF  }
0xbb: {  	[dreg:$0x1] =	wrdreg $0xFFFFFFFF  }
0xbc: {  	[dreg:$0x0] =	wrdreg $0x60  }
0xbd: {  	[dreg:$0x2] =	wrdreg s24  }
0xbe: {  	[dreg:$0x3] =	wrdreg s18  }
0xbf: {  	[dreg:$0x4] =	wrdreg $0x9  }
0xc0: {  	_ =	task.clear_ibuf [dreg:s22], $0x5FFFF;
	_ =	strace $0x90000049  }
0xc1: {  	s29 =	simm.s32 $0x9;
	_ =	strace $0x8000004B  }
0xc2: {  	_ =	swait.ge [sflag:s29], $0x1  }
0xc3: {  	[sflag:s29] =	ssyncadd.s32 $0xFFFFFFFF  }
0xc4: {  	_ =	strace $0x9000004B  }
0xc5: {  	_ =	sfence  }
0xc6: {  	s30 =	sld [smem:$0x0];
	_ =	sdelay $0x2  }
0xc7: {  	s31 =	sshll.u32 s1, $0xD;
	s1 =	sshrl.u32 s1, $0x2  }
0xc8: {  	s4 =	sand.u32 $0x4000, s31;
	s1 =	sadd.s32 s1, s30  }
0xc9: {  	s0 =	sor.u32 s4, s0;
	s1 =	sshll.u32 s1, $0x11  }
0xca: {  	s0 =	sor.u32 s1, s0  }
0xcb: {  	s0 =	sadd.s32 $0x8F2B, s0  }
0xcc: {  	[sflag:s0] =	ssyncadd.remote.s32 $0x1  }
0xcd: {  	_ =	sfence.sel $0xFFFF  }
0xce: {  	[dreg:$0x0] =	wrdreg $0xFFFFFFFF;
	(pc) =	sbr.abs _section_cstart, $3  }
0xcf: {  	[dreg:$0x1] =	wrdreg $0xFFFFFFFF  }
0xd0: {  	_ =	task.clear_ibuf [dreg:s22], $0x2FFFF;
	_ =	strace $0x9FFFFFFF  }
0xd1: {  	(tm) =	ssettm $0x7FFFFFFF  }
tec
execute0_lowered:
.L_overlay_start_1:
0x0: {  	(tag) =	ssettag $0x1  }
0x1: {  	s0 =	rddreg [dreg:$0x0]  }
0x2: {  	s2 =	rddreg [dreg:$0x1];
	s1 =	srdreg.scid  }
0x3: {  	s4 =	stileid.u32;
	s3 =	simm.s32 $0x0;
	s8 =	simm.s32 $0xB400  }
0x4: {  	s9 =	simm.s32 $0xBC00;
	s10 =	simm.s32 $0xC400;
	s11 =	simm.s32 $0x1  }
0x5: {  	s12 =	simm.s32 $0x2;
	s19 =	simm.s32 $0x3;
	s1 =	sand.u32 $0x1, s1  }
0x6: {  	s4 =	sshll.u32 s4, $0xA;
	s5 =	sshll.u32 s1, $0x9;
	s1 =	ssub.s32 $0x2, s1  }
0x7: {  	s20 =	simm.s32 $0xCC00;
	s4 =	sor.u32 s5, s4;
	s6 =	sshrl.u32 s1, $0x1  }
0x8: {  	[smem:$0x7FF] =	sst s3;
	s5 =	sshrl.u32 s4, $0x3;
	s24 =	ssub.s32 s1, s6  }
0x9: {  	s7 =	sadd.s32 s5, s0;
	s5 =	sadd.s32 $0x87E00, s0;
	s0 =	smax.u32 s24, $0x1  }
0xa: {  	_ =	strace $0x8000004A;
	s25 =	sadd.s32 $0x84E00, s7;
	[dreg:$0x9] =	wrdreg s0  }
0xb: {  	s21 =	simm.s32 $0x4;
	s26 =	sadd.s32 $0x85600, s7;
	[dreg:$0x3] =	wrdreg s25  }
0xc: {  	s22 =	simm.s32 $0x5;
	s28 =	sadd.s32 $0x85E00, s7;
	[dreg:$0x4] =	wrdreg s26  }
0xd: {  	s23 =	simm.s32 $0x6;
	s29 =	sadd.s32 $0x86600, s7;
	[dreg:$0x5] =	wrdreg s28  }
0xe: {  	v2 =	vlaneseq.u32;
	s13 =	simm.s32 $0x0;
	s30 =	sadd.s32 $0x86E00, s7;
	[dreg:$0x6] =	wrdreg s29  }
0xf: {  	vm0 =	vmmov $0xffff;
	v1 =	vshrl.u32 v2, $0x3;
	s6 =	simm.s32 $0xA400;
	s31 =	sadd.s32 $0x87600, s7;
	[dreg:$0x7] =	wrdreg s30  }
0x10: {  	v0 =	vand.u32 $0x7, v2;
	v2 =	vor.u32 $0x8, v2;
	v1 =	vmul.u32 $0x8, v1;
	s24 =	simm.s32 $0xEC00;
	s7 =	simm.s32 $0xAC00;
	[dreg:$0x8] =	wrdreg s31  }
.LBB2_1:
0x11: {  	[dreg:$0xa] =	wrdreg s13  }
0x12: {  	s0 =	rddreg [dreg:$0x3];
	s1 =	simm.s32 $0x9  }
0x13: {  	[tilespmem:s3], [sflag:$0x9] =	stream.linear.gather [hbm4b:s0+s3], $0x200, $0x38;
	[tilespmem:$0x10C00] =	vst v63  }
0x14: {  	_ =	swait.ge [sflag:s1], $0x200  }
0x15: {  	[sflag:s1] =	ssyncset.done $0x0  }
0x16: {  	s26 =	simm.s32 $0x200;
	s25 =	rddreg [dreg:$0x4];
	[sflag:s1] =	ssyncadd.s32 $0xFFFFFE00  }
0x17: {  	[tilespmem:s26], [sflag:$0x9] =	stream.linear.gather [hbm4b:s25+s3], $0x200, $0x38;
	[tilespmem:$0x10C00] =	vst v63  }
0x18: {  	_ =	swait.ge [sflag:s1], $0x200  }
0x19: {  	[sflag:s1] =	ssyncset.done $0x0  }
0x1a: {  	s14 =	simm.s32 $0x400;
	s13 =	rddreg [dreg:$0x5];
	[sflag:s1] =	ssyncadd.s32 $0xFFFFFE00  }
0x1b: {  	[tilespmem:s14], [sflag:$0x9] =	stream.linear.gather [hbm4b:s13+s3], $0x200, $0x38;
	[tilespmem:$0x10C00] =	vst v63  }
0x1c: {  	_ =	swait.ge [sflag:s1], $0x200  }
0x1d: {  	[sflag:s1] =	ssyncset.done $0x0  }
0x1e: {  	s16 =	simm.s32 $0x600;
	s15 =	rddreg [dreg:$0x6];
	[sflag:s1] =	ssyncadd.s32 $0xFFFFFE00  }
0x1f: {  	[tilespmem:s16], [sflag:$0x9] =	stream.linear.gather [hbm4b:s15+s3], $0x200, $0x38;
	[tilespmem:$0x10C00] =	vst v63  }
0x20: {  	_ =	swait.ge [sflag:s1], $0x200  }
0x21: {  	[sflag:s1] =	ssyncset.done $0x0  }
0x22: {  	s18 =	simm.s32 $0x800;
	s17 =	rddreg [dreg:$0x7];
	[sflag:s1] =	ssyncadd.s32 $0xFFFFFE00  }
0x23: {  	[tilespmem:s18], [sflag:$0x9] =	stream.linear.gather [hbm4b:s17+s3], $0x200, $0x38;
	[tilespmem:$0x10C00] =	vst v63  }
0x24: {  	_ =	swait.ge [sflag:s1], $0x200  }
0x25: {  	[sflag:s1] =	ssyncset.done $0x0  }
0x26: {  	s26 =	simm.s32 $0xA00;
	s25 =	rddreg [dreg:$0x8];
	[sflag:s1] =	ssyncadd.s32 $0xFFFFFE00  }
0x27: {  	[tilespmem:s26], [sflag:$0x9] =	stream.linear.gather [hbm4b:s25+s3], $0x200, $0x38;
	[tilespmem:$0x10C00] =	vst v63  }
0x28: {  	_ =	swait.ge [sflag:s1], $0x200  }
0x29: {  	[sflag:s1] =	ssyncset.done $0x0  }
0x2a: {  	[sflag:s1] =	ssyncadd.s32 $0xFFFFFE00;
	s1 =	simm.s32 $0x610  }
0x2b: {  	s0 =	simm.s32 $0x810;
	v3 =	vld [tilespmem:s1+$0x0]  }
0x2c: {  	v4 =	vld [tilespmem:s0+$0x0]  }
0x2d: {  	s13 =	simm.s32 $0xA10;
	v5 =	vld [tilespmem:s0+$0xFFFFFFF0]  }
0x2e: {  	v6 =	vld [tilespmem:s13+$0x0]  }
0x2f: {  	v7 =	vld [tilespmem:s1+$0xFFFFFFF0]  }
0x30: {  	v3 =	vadd.f32 $9.999999930e-09, v3  }
0x31: {  	v4 =	vadd.f32 $9.999999930e-09, v4  }
0x32: {  	v8 =	vld [tilespmem:s13+$0xFFFFFFF0];
	v5 =	vadd.f32 $9.999999930e-09, v5;
	(erf) = vrcp.f32 v3  }
0x33: {  	s14 =	simm.s32 $0x630;
	v3 =	vadd.f32 $9.999999930e-09, v6;
	(erf) = vrcp.f32 v4  }
0x34: {  	s25 =	simm.s32 $0x830;
	v4 =	vadd.f32 $9.999999930e-09, v7;
	(erf) = vrcp.f32 v5;
	v5 =	vld [tilespmem:s14+$0x0]  }
0x35: {  	(erf) = vrcp.f32 v3;
	v3 =	vld [tilespmem:s25+$0x0]  }
0x36: {  	s26 =	simm.s32 $0xA30;
	(erf) = vrcp.f32 v4;
	v4 =	vld [tilespmem:s25+$0xFFFFFFF0]  }
0x37: {  	v6 =	vadd.f32 $9.999999930e-09, v8;
	v7 =	vld [tilespmem:s26+$0x0];
	_ =	sdelay $0x1  }
0x38: {  	(erf) = vrcp.f32 v6;
	v6 =	vld [tilespmem:s14+$0xFFFFFFF0];
	v5 =	vadd.f32 $9.999999930e-09, v5  }
0x39: {  	v8 =	vadd.f32 $9.999999930e-09, v3  }
0x3a: {  	v9 =	vadd.f32 $9.999999930e-09, v4;
	(erf) = vrcp.f32 v5  }
0x3b: {  	v7 =	vadd.f32 $9.999999930e-09, v7;
	v3 =	vpop (erf);
	(erf) = vrcp.f32 v8  }
0x3c: {  	v10 =	vld [tilespmem:s26+$0xFFFFFFF0];
	v4 =	vpop (erf);
	(erf) = vrcp.f32 v9  }
0x3d: {  	s28 =	simm.s32 $0x650;
	v8 =	vpop (erf);
	(erf) = vrcp.f32 v7;
	v7 =	vadd.f32 $9.999999930e-09, v6  }
0x3e: {  	v11 =	vld [tilespmem:s28+$0x0];
	v9 =	vadd.f32 v4, v3;
	v5 =	vpop (erf)  }
0x3f: {  	s31 =	simm.s32 $0x850;
	v6 =	vpop (erf)  }
0x40: {  	v12 =	vld [tilespmem:s31+$0x0];
	v9 =	vadd.f32 v5, v9;
	v13 =	vadd.f32 v8, v6  }
0x41: {  	v10 =	vadd.f32 $9.999999930e-09, v10;
	(erf) = vrcp.f32 v7;
	v7 =	vpop (erf)  }
0x42: {  	s29 =	simm.s32 $0xA50;
	v14 =	vld [tilespmem:s31+$0xFFFFFFF0];
	(erf) = vrcp.f32 v9;
	v9 =	vadd.f32 v7, v13  }
0x43: {  	v15 =	vld [tilespmem:s29+$0x0];
	(erf) = vrcp.f32 v10;
	v10 =	vadd.f32 $9.999999930e-09, v11  }
0x44: {  	v16 =	vld [tilespmem:s28+$0xFFFFFFF0]  }
0x45: {  	v11 =	vadd.f32 $9.999999930e-09, v12;
	v13 =	vld [tilespmem:s29+$0xFFFFFFF0];
	(erf) = vrcp.f32 v9  }
0x46: {  	v9 =	vpop (erf)  }
0x47: {  	v17 =	vadd.f32 $9.999999930e-09, v14;
	(erf) = vrcp.f32 v10;
	v10 =	vpop (erf)  }
0x48: {  	v14 =	vadd.f32 $9.999999930e-09, v15;
	(erf) = vrcp.f32 v11;
	v12 =	vpop (erf);
	v15 =	vadd.f32 v10, v9  }
0x49: {  	s30 =	simm.s32 $0x850;
	s15 =	simm.s32 $0x4;
	s16 =	simm.s32 $0x670;
	v16 =	vadd.f32 $9.999999930e-09, v16;
	(erf) = vrcp.f32 v17;
	v11 =	vpop (erf)  }
.LBB2_2:
0x4a: {  	v17 =	vld [tilespmem:s16+$0x0];
	v13 =	vadd.f32 $9.999999930e-09, v13;
	s31 =	sadd.s32 $0x20, s31;
	(erf) = vrcp.f32 v14;
	v14 =	vadd.f32 v11, v15;
	v15 =	vpop (erf);
	s17 =	smov.u32 s29  }
0x4b: {  	v20 =	vmov v12;
	v18 =	vld [tilespmem:s31+$0x0];
	(erf) = vrcp.f32 v16;
	v16 =	vadd.f32 v12, v15;
	v19 =	vpop (erf)  }
0x4c: {  	s29 =	sadd.s32 $0x20, s29;
	v12 =	vld [tilespmem:s31+$0xFFFFFFF0];
	v21 =	vpop (erf);
	(erf) = vrcp.f32 v14;
	v24 =	vmul.f32 v19, v3;
	v3 =	vmov v9  }
0x4d: {  	s15 =	sadd.s32 $0x2, s15;
	v22 =	vld [tilespmem:s29+$0x0];
	(erf) = vrcp.f32 v13;
	v25 =	vadd.f32 v21, v16;
	v16 =	vmul.f32 v19, v4;
	v4 =	vmovc v10  }
0x4e: {  	p0 =	slt.u32 s15, $0x1E;
	v23 =	vld [tilespmem:s16+$0xFFFFFFF0];
	[tilespmem:s1+$0x0] =	vst v24;
	v24 =	vmul.f32 v19, v5;
	v14 =	vpop (erf);
	v5 =	vmov v11  }
.Ltmp0:
0x4f: {  	v13 =	vld [tilespmem:s29+$0xFFFFFFF0];
	v11 =	vadd.f32 $9.999999930e-09, v17;
	(erf) = vrcp.f32 v25;
	v17 =	vmul.f32 v14, v6;
	[tilespmem:s0+$0x0] =	vst v16;
	v6 =	vmovc v15;
	(pc) =	sbr.rel @p0 .LBB2_2-.Ltmp0, $4  }
0x50: {  	v25 =	vmul.f32 v14, v8;
	v15 =	vadd.f32 $9.999999930e-09, v18;
	v9 =	vpop (erf);
	v18 =	vmul.f32 v14, v7;
	[tilespmem:s13+$0x0] =	vst v24  }
0x51: {  	v7 =	vmov v21;
	v19 =	vadd.f32 $9.999999930e-09, v12;
	(erf) = vrcp.f32 v11;
	v10 =	vpop (erf);
	[tilespmem:s1+$0xFFFFFFF0] =	vst v17;
	s1 =	smov.u32 s14;
	s14 =	smov.u32 s28;
	s28 =	smov.u32 s16  }
0x52: {  	v14 =	vadd.f32 $9.999999930e-09, v22;
	(erf) = vrcp.f32 v15;
	v15 =	vadd.f32 v10, v9;
	v12 =	vpop (erf);
	[tilespmem:s0+$0xFFFFFFF0] =	vst v25;
	s0 =	smov.u32 s25;
	s25 =	smov.u32 s30;
	s30 =	smov.u32 s31  }
0x53: {  	v8 =	vmov v20;
	s16 =	sadd.s32 $0x20, s16;
	v16 =	vadd.f32 $9.999999930e-09, v23;
	(erf) = vrcp.f32 v19;
	v11 =	vpop (erf);
	[tilespmem:s13+$0xFFFFFFF0] =	vst v18;
	s13 =	smov.u32 s26;
	s26 =	smov.u32 s17  }
0x54: {  	(erf) = vrcp.f32 v14;
	v39 =	vadd.f32 v11, v15  }
0x55: {  	v13 =	vadd.f32 $9.999999930e-09, v13;
	(erf) = vrcp.f32 v16  }
0x56: {  	v40 =	vpop (erf);
	(erf) = vrcp.f32 v39  }
0x57: {  	v41 =	vpop (erf);
	(erf) = vrcp.f32 v13  }
0x58: {  	v42 =	vpop (erf)  }
0x59: {  	v43 =	vadd.f32 v12, v40;
	v17 =	vpop (erf)  }
0x5a: {  	v18 =	vpop (erf)  }
0x5b: {  	v16 =	vadd.f32 v42, v43;
	v19 =	vpop (erf)  }
0x5c: {  	v20 =	vadd.f32 v19, v18;
	v21 =	vpop (erf)  }
0x5d: {  	(erf) = vrcp.f32 v16;
	v44 =	vpop (erf)  }
0x5e: {  	v3 =	vmul.f32 v41, v3;
	v20 =	vadd.f32 v44, v20;
	v22 =	vpop (erf)  }
0x5f: {  	v4 =	vmul.f32 v41, v4;
	v23 =	vadd.f32 v21, v22;
	v24 =	vpop (erf)  }
0x60: {  	[tilespmem:s1+$0x0] =	vst v3;
	v3 =	vmul.f32 v41, v5;
	(erf) = vrcp.f32 v20;
	v45 =	vpop (erf)  }
0x61: {  	[tilespmem:s0+$0x0] =	vst v4;
	v46 =	vmul.f32 v17, v6;
	v47 =	vadd.f32 v45, v23  }
0x62: {  	[tilespmem:s13+$0x0] =	vst v3;
	v3 =	vmul.f32 v17, v8  }
0x63: {  	v7 =	vmul.f32 v17, v7;
	[tilespmem:s1+$0xFFFFFFF0] =	vst v46;
	(erf) = vrcp.f32 v47  }
0x64: {  	[tilespmem:s0+$0xFFFFFFF0] =	vst v3;
	v3 =	vmul.f32 v24, v9  }
0x65: {  	[tilespmem:s13+$0xFFFFFFF0] =	vst v7;
	v48 =	vmul.f32 v24, v10  }
0x66: {  	[tilespmem:s14+$0x0] =	vst v3;
	v3 =	vmul.f32 v24, v11;
	v49 =	vpop (erf)  }
0x67: {  	v50 =	vmul.f32 v49, v40;
	[tilespmem:s25+$0x0] =	vst v48  }
0x68: {  	v51 =	vmul.f32 v49, v12;
	[tilespmem:s26+$0x0] =	vst v3  }
0x69: {  	v3 =	vmul.f32 v49, v42;
	[tilespmem:s14+$0xFFFFFFF0] =	vst v50;
	v52 =	vpop (erf)  }
0x6a: {  	[tilespmem:s25+$0xFFFFFFF0] =	vst v51;
	v53 =	vmul.f32 v52, v18  }
0x6b: {  	[tilespmem:s26+$0xFFFFFFF0] =	vst v3;
	v3 =	vmul.f32 v52, v19  }
0x6c: {  	v54 =	vmul.f32 v52, v44;
	[tilespmem:s28+$0x0] =	vst v53;
	v55 =	vpop (erf)  }
0x6d: {  	v56 =	vmul.f32 v55, v22;
	[tilespmem:s30+$0x0] =	vst v3  }
0x6e: {  	v3 =	vmul.f32 v55, v21;
	[tilespmem:s29+$0x0] =	vst v54  }
0x6f: {  	v57 =	vmul.f32 v55, v45;
	[tilespmem:s28+$0xFFFFFFF0] =	vst v56  }
0x70: {  	[tilespmem:s30+$0xFFFFFFF0] =	vst v3  }
0x71: {  	[tilespmem:s29+$0xFFFFFFF0] =	vst v57  }
0x72: {  	v3 =	vld [tilespmem:$0x0];
	_ =	sdelay $0x4  }
0x73: {  	v58 =	vshll.u32 v3, $0x1  }
0x74: {  	v3 =	vand.u32 $0x7, v3;
	v4 =	vand.u32 $0xFFFFFFF0, v58  }
0x75: {  	v3 =	vor.u32 v3, v4  }
0x76: {  	v4 =	vperm.xlane v3, v0;
	_ =	sdelay $0x1  }
0x77: {  	v3 =	vperm.xlane v3, v2;
	v4 =	vadd.s32 v1, v4;
	_ =	sdelay $0x1  }
0x78: {  	v3 =	vadd.s32 v1, v3;
	_ =	sdelay $0x1  }
0x79: {  	s31 =	simm.s32 $0xC00;
	s25 =	simm.s32 $0x0  }
0x7a: {  	[tilespmem:s31], [sflag:$0x1] =	stream.indirect_vreg.gather [hbm4b:s2+s25], $0x80, v4, vm0, $0xb8;
	[tilespmem:$0x10C00] =	vst v63  }
0x7b: {  	s1 =	simm.s32 $0x1400  }
0x7c: {  	[tilespmem:s1], [sflag:$0x1] =	stream.indirect_vreg.gather [hbm4b:s2+s25], $0x80, v3, vm0, $0xb8;
	[tilespmem:$0x10C00] =	vst v63  }
0x7d: {  	v3 =	vld [tilespmem:$0x10];
	_ =	sdelay $0x4  }
0x7e: {  	v59 =	vshll.u32 v3, $0x1  }
0x7f: {  	v3 =	vand.u32 $0x7, v3;
	v4 =	vand.u32 $0xFFFFFFF0, v59  }
0x80: {  	v3 =	vor.u32 v3, v4  }
0x81: {  	v4 =	vperm.xlane v3, v0;
	_ =	sdelay $0x1  }
0x82: {  	v3 =	vperm.xlane v3, v2;
	v4 =	vadd.s32 v1, v4;
	_ =	sdelay $0x1  }
0x83: {  	v3 =	vadd.s32 v1, v3;
	_ =	sdelay $0x1  }
0x84: {  	s13 =	simm.s32 $0x1C00  }
0x85: {  	[tilespmem:s13], [sflag:$0x1] =	stream.indirect_vreg.gather [hbm4b:s2+s25], $0x80, v4, vm0, $0xb8;
	[tilespmem:$0x10C00] =	vst v63  }
0x86: {  	s14 =	simm.s32 $0x2400  }
0x87: {  	[tilespmem:s14], [sflag:$0x1] =	stream.indirect_vreg.gather [hbm4b:s2+s25], $0x80, v3, vm0, $0xb8;
	[tilespmem:$0x10C00] =	vst v63  }
0x88: {  	v3 =	vld [tilespmem:$0x200];
	_ =	sdelay $0x4  }
0x89: {  	v60 =	vshll.u32 v3, $0x1  }
0x8a: {  	v3 =	vand.u32 $0x7, v3;
	v4 =	vand.u32 $0xFFFFFFF0, v60  }
0x8b: {  	v3 =	vor.u32 v3, v4  }
0x8c: {  	v4 =	vperm.xlane v3, v0;
	_ =	sdelay $0x1  }
0x8d: {  	v3 =	vperm.xlane v3, v2;
	v4 =	vadd.s32 v1, v4;
	_ =	sdelay $0x1  }
0x8e: {  	v3 =	vadd.s32 v1, v3;
	_ =	sdelay $0x1  }
0x8f: {  	s15 =	simm.s32 $0x2C00  }
0x90: {  	[tilespmem:s15], [sflag:$0x2] =	stream.indirect_vreg.gather [hbm4b:s2+s25], $0x80, v4, vm0, $0xb8;
	[tilespmem:$0x10C00] =	vst v63  }
0x91: {  	s16 =	simm.s32 $0x3400  }
0x92: {  	[tilespmem:s16], [sflag:$0x2] =	stream.indirect_vreg.gather [hbm4b:s2+s25], $0x80, v3, vm0, $0xb8;
	[tilespmem:$0x10C00] =	vst v63  }
0x93: {  	v3 =	vld [tilespmem:$0x210];
	_ =	sdelay $0x4  }
0x94: {  	v61 =	vshll.u32 v3, $0x1  }
0x95: {  	v3 =	vand.u32 $0x7, v3;
	v4 =	vand.u32 $0xFFFFFFF0, v61  }
0x96: {  	v3 =	vor.u32 v3, v4  }
0x97: {  	v4 =	vperm.xlane v3, v0;
	_ =	sdelay $0x1  }
0x98: {  	v3 =	vperm.xlane v3, v2;
	v4 =	vadd.s32 v1, v4;
	_ =	sdelay $0x1  }
0x99: {  	v3 =	vadd.s32 v1, v3;
	_ =	sdelay $0x1  }
0x9a: {  	s17 =	simm.s32 $0x3C00  }
0x9b: {  	[tilespmem:s17], [sflag:$0x2] =	stream.indirect_vreg.gather [hbm4b:s2+s25], $0x80, v4, vm0, $0xb8;
	[tilespmem:$0x10C00] =	vst v63  }
0x9c: {  	s18 =	simm.s32 $0x4400  }
0x9d: {  	[tilespmem:s18], [sflag:$0x2] =	stream.indirect_vreg.gather [hbm4b:s2+s25], $0x80, v3, vm0, $0xb8;
	[tilespmem:$0x10C00] =	vst v63  }
0x9e: {  	v3 =	vld [tilespmem:$0x400];
	_ =	sdelay $0x4  }
0x9f: {  	v62 =	vshll.u32 v3, $0x1  }
0xa0: {  	v3 =	vand.u32 $0x7, v3;
	v4 =	vand.u32 $0xFFFFFFF0, v62  }
0xa1: {  	v3 =	vor.u32 v3, v4  }
0xa2: {  	v4 =	vperm.xlane v3, v0;
	_ =	sdelay $0x1  }
0xa3: {  	v3 =	vperm.xlane v3, v2;
	v4 =	vadd.s32 v1, v4;
	_ =	sdelay $0x1  }
0xa4: {  	v3 =	vadd.s32 v1, v3;
	_ =	sdelay $0x1  }
0xa5: {  	s26 =	simm.s32 $0x4C00  }
0xa6: {  	[tilespmem:s26], [sflag:$0x3] =	stream.indirect_vreg.gather [hbm4b:s2+s25], $0x80, v4, vm0, $0xb8;
	[tilespmem:$0x10C00] =	vst v63  }
0xa7: {  	s29 =	simm.s32 $0x5400  }
0xa8: {  	[tilespmem:s29], [sflag:$0x3] =	stream.indirect_vreg.gather [hbm4b:s2+s25], $0x80, v3, vm0, $0xb8;
	[tilespmem:$0x10C00] =	vst v63  }
0xa9: {  	v3 =	vld [tilespmem:$0x410];
	_ =	sdelay $0x4  }
0xaa: {  	v63 =	vshll.u32 v3, $0x1  }
0xab: {  	v3 =	vand.u32 $0x7, v3;
	v4 =	vand.u32 $0xFFFFFFF0, v63  }
0xac: {  	v3 =	vor.u32 v3, v4  }
0xad: {  	v4 =	vperm.xlane v3, v0;
	_ =	sdelay $0x1  }
0xae: {  	v3 =	vperm.xlane v3, v2;
	v4 =	vadd.s32 v1, v4;
	_ =	sdelay $0x1  }
0xaf: {  	v3 =	vadd.s32 v1, v3;
	_ =	sdelay $0x1  }
0xb0: {  	s30 =	simm.s32 $0x5C00  }
0xb1: {  	[tilespmem:s30], [sflag:$0x3] =	stream.indirect_vreg.gather [hbm4b:s2+s25], $0x80, v4, vm0, $0xb8;
	[tilespmem:$0x10C00] =	vst v63  }
0xb2: {  	s28 =	simm.s32 $0x0;
	s31 =	simm.s32 $0x6400;
	s26 =	simm.s32 $0x0  }
0xb3: {  	[tilespmem:s31], [sflag:$0x3] =	stream.indirect_vreg.gather [hbm4b:s2+s25], $0x80, v3, vm0, $0xb8;
	[tilespmem:$0x10C00] =	vst v63  }
.LBB2_4:
0xb4: {  	s30 =	sshll.u32 s28, $0x6  }
0xb5: {  	v3 =	vld [tilespmem:s30+$0x20];
	_ =	sdelay $0x4  }
0xb6: {  	v4 =	vshll.u32 v3, $0x1  }
0xb7: {  	v3 =	vand.u32 $0x7, v3;
	v4 =	vand.u32 $0xFFFFFFF0, v4  }
0xb8: {  	v3 =	vor.u32 v3, v4  }
0xb9: {  	v4 =	vperm.xlane v3, v0;
	_ =	sdelay $0x1  }
0xba: {  	v3 =	vperm.xlane v3, v2;
	v4 =	vadd.s32 v1, v4;
	_ =	sdelay $0x1  }
0xbb: {  	v3 =	vadd.s32 v1, v3;
	_ =	sdelay $0x1  }
0xbc: {  	s0 =	simm.s32 $0x6C00  }
0xbd: {  	[tilespmem:s0], [sflag:$0x4] =	stream.indirect_vreg.gather [hbm4b:s2+s3], $0x80, v4, vm0, $0xb8;
	[tilespmem:$0x10C00] =	vst v63  }
0xbe: {  	s18 =	simm.s32 $0x7400  }
0xbf: {  	[tilespmem:s18], [sflag:$0x4] =	stream.indirect_vreg.gather [hbm4b:s2+s3], $0x80, v3, vm0, $0xb8;
	[tilespmem:$0x10C00] =	vst v63  }
0xc0: {  	v3 =	vld [tilespmem:s30+$0x30];
	_ =	sdelay $0x4  }
0xc1: {  	v4 =	vshll.u32 v3, $0x1  }
0xc2: {  	v3 =	vand.u32 $0x7, v3;
	v4 =	vand.u32 $0xFFFFFFF0, v4  }
0xc3: {  	v3 =	vor.u32 v3, v4  }
0xc4: {  	v4 =	vperm.xlane v3, v0;
	_ =	sdelay $0x1  }
0xc5: {  	v3 =	vperm.xlane v3, v2;
	v4 =	vadd.s32 v1, v4;
	_ =	sdelay $0x1  }
0xc6: {  	v3 =	vadd.s32 v1, v3;
	_ =	sdelay $0x1  }
0xc7: {  	s1 =	simm.s32 $0x7C00  }
0xc8: {  	[tilespmem:s1], [sflag:$0x4] =	stream.indirect_vreg.gather [hbm4b:s2+s3], $0x80, v4, vm0, $0xb8;
	[tilespmem:$0x10C00] =	vst v63  }
0xc9: {  	s13 =	simm.s32 $0x8400  }
0xca: {  	[tilespmem:s13], [sflag:$0x4] =	stream.indirect_vreg.gather [hbm4b:s2+s3], $0x80, v3, vm0, $0xb8;
	[tilespmem:$0x10C00] =	vst v63  }
0xcb: {  	v3 =	vld [tilespmem:s30+$0x220];
	_ =	sdelay $0x4  }
0xcc: {  	v4 =	vshll.u32 v3, $0x1  }
0xcd: {  	v3 =	vand.u32 $0x7, v3;
	v4 =	vand.u32 $0xFFFFFFF0, v4  }
0xce: {  	v3 =	vor.u32 v3, v4  }
0xcf: {  	v4 =	vperm.xlane v3, v0;
	_ =	sdelay $0x1  }
0xd0: {  	v3 =	vperm.xlane v3, v2;
	v4 =	vadd.s32 v1, v4;
	_ =	sdelay $0x1  }
0xd1: {  	v3 =	vadd.s32 v1, v3;
	_ =	sdelay $0x1  }
0xd2: {  	s14 =	simm.s32 $0x8C00  }
0xd3: {  	[tilespmem:s14], [sflag:$0x5] =	stream.indirect_vreg.gather [hbm4b:s2+s3], $0x80, v4, vm0, $0xb8;
	[tilespmem:$0x10C00] =	vst v63  }
0xd4: {  	s15 =	simm.s32 $0x9400  }
0xd5: {  	[tilespmem:s15], [sflag:$0x5] =	stream.indirect_vreg.gather [hbm4b:s2+s3], $0x80, v3, vm0, $0xb8;
	[tilespmem:$0x10C00] =	vst v63  }
0xd6: {  	v3 =	vld [tilespmem:s30+$0x230];
	_ =	sdelay $0x4  }
0xd7: {  	v4 =	vshll.u32 v3, $0x1  }
0xd8: {  	v3 =	vand.u32 $0x7, v3;
	v4 =	vand.u32 $0xFFFFFFF0, v4  }
0xd9: {  	v3 =	vor.u32 v3, v4  }
0xda: {  	v4 =	vperm.xlane v3, v0;
	_ =	sdelay $0x1  }
0xdb: {  	v3 =	vperm.xlane v3, v2;
	v4 =	vadd.s32 v1, v4;
	_ =	sdelay $0x1  }
0xdc: {  	v3 =	vadd.s32 v1, v3;
	_ =	sdelay $0x1  }
0xdd: {  	s16 =	simm.s32 $0x9C00  }
0xde: {  	[tilespmem:s16], [sflag:$0x5] =	stream.indirect_vreg.gather [hbm4b:s2+s3], $0x80, v4, vm0, $0xb8;
	[tilespmem:$0x10C00] =	vst v63  }
0xdf: {  	_ = 	snop  }
0xe0: {  	[tilespmem:s6], [sflag:$0x5] =	stream.indirect_vreg.gather [hbm4b:s2+s3], $0x80, v3, vm0, $0xb8;
	[tilespmem:$0x10C00] =	vst v63  }
0xe1: {  	v3 =	vld [tilespmem:s30+$0x420];
	_ =	sdelay $0x4  }
0xe2: {  	v4 =	vshll.u32 v3, $0x1  }
0xe3: {  	v3 =	vand.u32 $0x7, v3;
	v4 =	vand.u32 $0xFFFFFFF0, v4  }
0xe4: {  	v3 =	vor.u32 v3, v4  }
0xe5: {  	v4 =	vperm.xlane v3, v0;
	_ =	sdelay $0x1  }
0xe6: {  	v3 =	vperm.xlane v3, v2;
	v4 =	vadd.s32 v1, v4;
	_ =	sdelay $0x1  }
0xe7: {  	v3 =	vadd.s32 v1, v3;
	_ =	sdelay $0x2  }
0xe8: {  	[tilespmem:s7], [sflag:$0x6] =	stream.indirect_vreg.gather [hbm4b:s2+s3], $0x80, v4, vm0, $0xb8;
	[tilespmem:$0x10C00] =	vst v63  }
0xe9: {  	_ = 	snop  }
0xea: {  	[tilespmem:s8], [sflag:$0x6] =	stream.indirect_vreg.gather [hbm4b:s2+s3], $0x80, v3, vm0, $0xb8;
	[tilespmem:$0x10C00] =	vst v63  }
0xeb: {  	v3 =	vld [tilespmem:s30+$0x430];
	_ =	sdelay $0x4  }
0xec: {  	v4 =	vshll.u32 v3, $0x1  }
0xed: {  	v3 =	vand.u32 $0x7, v3;
	v4 =	vand.u32 $0xFFFFFFF0, v4  }
0xee: {  	v3 =	vor.u32 v3, v4  }
0xef: {  	v4 =	vperm.xlane v3, v0;
	_ =	sdelay $0x1  }
0xf0: {  	v3 =	vperm.xlane v3, v2;
	v4 =	vadd.s32 v1, v4;
	_ =	sdelay $0x1  }
0xf1: {  	v3 =	vadd.s32 v1, v3;
	_ =	sdelay $0x2  }
0xf2: {  	[tilespmem:s9], [sflag:$0x6] =	stream.indirect_vreg.gather [hbm4b:s2+s3], $0x80, v4, vm0, $0xb8;
	[tilespmem:$0x10C00] =	vst v63  }
0xf3: {  	_ = 	snop  }
0xf4: {  	[tilespmem:s10], [sflag:$0x6] =	stream.indirect_vreg.gather [hbm4b:s2+s3], $0x80, v3, vm0, $0xb8;
	[tilespmem:$0x10C00] =	vst v63  }
0xf5: {  	_ =	swait.ge [sflag:s11], $0x2000  }
0xf6: {  	[sflag:s11] =	ssyncset.done $0x0  }
0xf7: {  	[sflag:s11] =	ssyncadd.s32 $0xFFFFE000  }
0xf8: {  	_ =	swait.ge [sflag:s12], $0x2000  }
0xf9: {  	[sflag:s12] =	ssyncset.done $0x0  }
0xfa: {  	[sflag:s12] =	ssyncadd.s32 $0xFFFFE000  }
0xfb: {  	_ =	swait.ge [sflag:s19], $0x2000  }
0xfc: {  	p0 =	seq.s32 s28, $0x0;
	[sflag:s19] =	ssyncset.done $0x0  }
0xfd: {  	s0 =	simm.s32 @!p0 $0x7;
	[sflag:s19] =	ssyncadd.s32 $0xFFFFE000  }
0xfe: {  	_ =	swait.ge @!p0 [sflag:s0], $0x2000  }
0xff: {  	s1 =	sand.u32 $0x1800, s25;
	s13 =	sand.u32 $0x380, s25;
	[sflag:s0] =	ssyncset.done @!p0 $0x0  }
0x100: {  	s31 =	sor.u32 s13, s1;
	[sflag:s0] =	ssyncadd.s32 @!p0 $0xFFFFE000  }
0x101: {  	v3 =	vld [tilespmem:s31+$0x5010]  }
0x102: {  	v8 =	vld [tilespmem:s31+$0x1000]  }
0x103: {  	v6 =	vld [tilespmem:s31+$0x5000]  }
0x104: {  	v11 =	vld [tilespmem:s31+$0x3000]  }
0x105: {  	v16 =	vld [tilespmem:s31+$0x2C60]  }
0x106: {  	v20 =	vld [tilespmem:s31+$0x2C50]  }
0x107: {  	v21 =	vld [tilespmem:s31+$0xC50]  }
0x108: {  	v7 =	vld [tilespmem:s31+$0x5040]  }
0x109: {  	v24 =	vld [tilespmem:s31+$0x2C40]  }
0x10a: {  	v10 =	vld [tilespmem:s31+$0xC60]  }
0x10b: {  	v13 =	vld [tilespmem:s31+$0xC40]  }
0x10c: {  	v17 =	vld [tilespmem:s31+$0x2C30]  }
0x10d: {  	v18 =	vld [tilespmem:s31+$0x5020]  }
0x10e: {  	s17 =	sand.u32 $0xF, s25;
	s18 =	sadd.s32 $0x0, s26;
	v19 =	vld [tilespmem:s31+$0x4C60]  }
0x10f: {  	p1 =	sne.s32 s17, $0x0;
	p2 =	seq.s32 s18, $0x0;
	v22 =	vld [tilespmem:s31+$0x2C00]  }
0x110: {  	p1 =	por !p2, !p1;
	v12 =	vld [tilespmem:s31+$0xC20]  }
0x111: {  	p1 =	por !p1, !p1;
	s0 =	simm.s32 $0xFFFFFFFF;
	v23 =	vld [tilespmem:s31+$0x2C10]  }
0x112: {  	s0 =	simm.s32 @!p1 $0x0;
	v29 =	vld [tilespmem:s31+$0xC30]  }
0x113: {  	v15 =	vld [tilespmem:s31+$0xC00];
	s0 =	sshll.u32 s0, $0x4  }
0x114: {  	v26 =	vld [tilespmem:s31+$0x3010];
	s0 =	sadd.s32 s0, s18  }
0x115: {  	v28 =	vld [tilespmem:s31+$0x1020];
	s0 =	sand.u32 $0xFFFFFFF0, s0  }
0x116: {  	v4 =	vld [tilespmem:s0+$0x600]  }
0x117: {  	v9 =	vmov s18;
	v5 =	vld [tilespmem:s0+$0x800]  }
0x118: {  	v9 =	vand.u32 $0xF, v9;
	v25 =	vld [tilespmem:s0+$0xA00]  }
0x119: {  	v31 =	vbroadcast v9, $0x0;
	v27 =	vld [tilespmem:s31+$0x3020]  }
0x11a: {  	v32 =	vld [tilespmem:s31+$0x3030]  }
0x11b: {  	v30 =	vld [tilespmem:s31+$0x1030];
	v4 =	vperm.xlane v4, v31  }
0x11c: {  	v14 =	vld [tilespmem:s31+$0x1040];
	v9 =	vperm.xlane v5, v31  }
0x11d: {  	v33 =	vld [tilespmem:s31+$0x3040];
	v5 =	vperm.xlane v25, v31;
	v34 =	vmul.f32 v10, v4  }
0x11e: {  	v37 =	vld [tilespmem:s31+$0x1060];
	v35 =	vmul.f32 v27, v9;
	v36 =	vmul.f32 v15, v4  }
0x11f: {  	v38 =	vld [tilespmem:s31+$0x3060];
	v3 =	vmul.f32 v3, v5;
	v32 =	vmul.f32 v32, v9  }
0x120: {  	v39 =	vld [tilespmem:s31+$0x1070];
	v10 =	vmul.f32 v7, v5;
	v12 =	vmul.f32 v12, v4  }
0x121: {  	v58 =	vld [tilespmem:s31+$0x3070];
	v7 =	vmul.f32 v26, v9;
	v26 =	vmul.f32 v6, v5  }
0x122: {  	v40 =	vld [tilespmem:s31+$0x4C00];
	v15 =	vmul.f32 v33, v9;
	v6 =	vmul.f32 v13, v4  }
0x123: {  	v41 =	vld [tilespmem:s31+$0x4C10];
	v11 =	vmul.f32 v11, v9;
	v13 =	vmul.f32 v8, v4  }
0x124: {  	v59 =	vld [tilespmem:s31+$0x4C30];
	v8 =	vmul.f32 v23, v9;
	v42 =	vmul.f32 v19, v5  }
0x125: {  	v45 =	vld [tilespmem:s31+$0x4C50];
	v22 =	vmul.f32 v22, v9;
	v43 =	vmul.f32 v16, v9  }
0x126: {  	v46 =	vld [tilespmem:s31+$0x5050];
	v44 =	vmul.f32 v58, v9;
	v30 =	vmul.f32 v30, v4  }
0x127: {  	v31 =	vld [tilespmem:s31+$0x1050];
	v60 =	vmul.f32 v17, v9;
	v61 =	vmul.f32 v20, v9  }
0x128: {  	v25 =	vld [tilespmem:s31+$0x3050];
	v47 =	vmul.f32 v39, v4;
	v63 =	vmul.f32 v29, v4  }
0x129: {  	v23 =	vld [tilespmem:s31+$0x4C20];
	v37 =	vmul.f32 v37, v4;
	v11 =	vadd.f32 v11, v13;
	v13 =	vmul.f32 v18, v5  }
0x12a: {  	v62 =	vld [tilespmem:s31+$0x5060];
	v20 =	vadd.f32 v32, v30;
	v33 =	vadd.f32 v22, v36;
	v30 =	vmul.f32 v21, v4  }
0x12b: {  	v16 =	vld [tilespmem:s31+$0x4C40];
	v22 =	vmul.f32 v45, v5;
	v18 =	vadd.f32 v26, v11;
	v26 =	vmul.f32 v28, v4  }
0x12c: {  	v19 =	vld [tilespmem:s31+$0xC10];
	v21 =	vmul.f32 v24, v9;
	v36 =	vmul.f32 v46, v5  }
0x12d: {  	v27 =	vmul.f32 v25, v9;
	v25 =	vmul.f32 v38, v9;
	[tilespmem:s31+$0xD000] =	vst v18;
	v18 =	vadd.f32 v35, v26;
	v35 =	vld [tilespmem:s31+$0x5070]  }
0x12e: {  	v34 =	vadd.f32 v43, v34;
	v39 =	vmul.f32 v31, v4;
	v17 =	vmul.f32 v23, v5;
	v23 =	vld [tilespmem:s31+$0x2C20]  }
0x12f: {  	v29 =	vld [tilespmem:s31+$0x1010];
	v38 =	vadd.f32 v44, v47;
	v28 =	vmul.f32 v40, v5;
	v11 =	vmul.f32 v41, v5  }
0x130: {  	s29 =	sor.u32 $0x20, s30;
	s13 =	simm.s32 $0x80;
	v31 =	vld [tilespmem:s31+$0xC70];
	v24 =	vadd.f32 v61, v30;
	v40 =	vadd.f32 v42, v34;
	v34 =	vmul.f32 v62, v5  }
0x131: {  	s1 =	simm.s32 $0x100;
	s14 =	sadd.s32 $0x1, s26;
	s0 =	simm.s32 $0x1;
	v32 =	vld [tilespmem:s31+$0x2C70];
	v30 =	vadd.f32 v60, v63;
	v16 =	vmul.f32 v16, v5;
	v26 =	vmul.f32 v59, v5  }
.LBB2_5:
0x132: {  	s15 =	sand.u32 $0xF, s0;
	s16 =	sand.u32 $0x1800, s1;
	s17 =	sand.u32 $0x380, s13;
	v28 =	vadd.f32 v28, v33;
	[tilespmem:s31+$0xCC60] =	vst v40;
	v33 =	vld [tilespmem:s31+$0x5030];
	v27 =	vadd.f32 v27, v39;
	v35 =	vmul.f32 v35, v5  }
0x133: {  	s18 =	sadd.s32 s0, s26;
	v14 =	vmul.f32 v14, v4;
	v37 =	vadd.f32 v25, v37;
	p2 =	sne.s32 s15, $0x0;
	s15 =	sor.u32 s17, s16;
	v23 =	vmul.f32 v23, v9;
	v39 =	vld [tilespmem:s31+$0x4C70]  }
0x134: {  	p1 =	sne.s32 s13, $0xF80;
	s13 =	sadd.s32 $0x80, s13;
	p3 =	seq.s32 s18, $0x0;
	v40 =	vld [tilespmem:s15+$0x5010];
	[tilespmem:s31+$0xCC00] =	vst v28;
	v28 =	vmul.f32 v29, v4;
	v27 =	vadd.f32 v36, v27;
	v29 =	vadd.f32 v35, v38  }
0x135: {  	p2 =	por !p3, !p2;
	v25 =	vld [tilespmem:s15+$0x1000];
	v12 =	vadd.f32 v23, v12;
	v23 =	vmul.f32 v31, v4;
	v31 =	vadd.f32 v34, v37  }
0x136: {  	s16 =	simm.s32 $0xFFFFFFFF;
	v14 =	vadd.f32 v15, v14;
	p2 =	por !p2, !p2;
	v34 =	vmov s18;
	v35 =	vld [tilespmem:s15+$0x5000];
	v9 =	vmul.f32 v32, v9;
	[tilespmem:s31+$0xD050] =	vst v27  }
0x137: {  	v30 =	vadd.f32 v26, v30;
	s16 =	simm.s32 @!p2 $0x0;
	v15 =	vand.u32 $0xF, v34;
	v27 =	vld [tilespmem:s15+$0x3000];
	v32 =	vmul.f32 v33, v5  }
0x138: {  	v4 =	vmul.f32 v19, v4;
	v10 =	vadd.f32 v10, v14;
	s16 =	sshll.u32 s16, $0x4;
	v33 =	vld [tilespmem:s15+$0x2C60];
	v5 =	vmul.f32 v39, v5;
	[tilespmem:s31+$0xD070] =	vst v29  }
0x139: {  	s16 =	sadd.s32 s16, s18;
	v9 =	vadd.f32 v9, v23;
	v26 =	vld [tilespmem:s15+$0x2C50];
	[tilespmem:s31+$0xCC30] =	vst v30;
	v14 =	vadd.f32 v32, v20  }
0x13a: {  	v7 =	vadd.f32 v7, v28;
	v12 =	vadd.f32 v17, v12;
	s16 =	sand.u32 $0xFFFFFFF0, s16;
	v23 =	vld [tilespmem:s15+$0xC50];
	[tilespmem:s31+$0xD040] =	vst v10  }
0x13b: {  	v13 =	vadd.f32 v13, v18;
	v17 =	vadd.f32 v22, v24;
	v10 =	vld [tilespmem:s15+$0x5040];
	[tilespmem:s31+$0xD060] =	vst v31  }
0x13c: {  	v6 =	vadd.f32 v21, v6;
	v3 =	vadd.f32 v3, v7;
	v24 =	vld [tilespmem:s15+$0x2C40];
	[tilespmem:s31+$0xD030] =	vst v14  }
0x13d: {  	v4 =	vadd.f32 v8, v4;
	v5 =	vadd.f32 v5, v9;
	v7 =	vld [tilespmem:s15+$0xC60];
	[tilespmem:s31+$0xD020] =	vst v13  }
0x13e: {  	v6 =	vadd.f32 v16, v6;
	v8 =	vld [tilespmem:s15+$0xC40];
	[tilespmem:s31+$0xCC50] =	vst v17  }
0x13f: {  	v4 =	vadd.f32 v11, v4;
	v16 =	vld [tilespmem:s15+$0x2C30];
	[tilespmem:s31+$0xCC70] =	vst v5  }
0x140: {  	v11 =	vld [tilespmem:s15+$0x5020];
	[tilespmem:s31+$0xD010] =	vst v3  }
0x141: {  	v13 =	vld [tilespmem:s15+$0x4C60];
	[tilespmem:s31+$0xCC20] =	vst v12  }
0x142: {  	v17 =	vld [tilespmem:s15+$0x2C00];
	[tilespmem:s31+$0xCC40] =	vst v6  }
0x143: {  	v6 =	vld [tilespmem:s15+$0xC20];
	[tilespmem:s31+$0xCC10] =	vst v4;
	s31 =	smov.u32 s15  }
0x144: {  	v18 =	vld [tilespmem:s31+$0x2C10]  }
0x145: {  	v21 =	vld [tilespmem:s31+$0xC30]  }
0x146: {  	v3 =	vld [tilespmem:s31+$0xC00]  }
0x147: {  	v4 =	vld [tilespmem:s16+$0x600]  }
0x148: {  	v5 =	vld [tilespmem:s16+$0x800]  }
0x149: {  	v12 =	vld [tilespmem:s16+$0xA00]  }
0x14a: {  	v19 =	vld [tilespmem:s31+$0x3010]  }
0x14b: {  	v20 =	vld [tilespmem:s31+$0x1020]  }
0x14c: {  	v22 =	vld [tilespmem:s31+$0x3020]  }
0x14d: {  	v15 =	vbroadcast v15, $0x0;
	v29 =	vld [tilespmem:s31+$0x1030]  }
0x14e: {  	v28 =	vld [tilespmem:s31+$0x3030]  }
0x14f: {  	v4 =	vperm.xlane v4, v15;
	v9 =	vperm.xlane v5, v15;
	v14 =	vld [tilespmem:s31+$0x1040]  }
0x150: {  	v5 =	vperm.xlane v12, v15;
	v15 =	vld [tilespmem:s31+$0x3040]  }
0x151: {  	v30 =	vmul.f32 v7, v4;
	v22 =	vmul.f32 v22, v9;
	v31 =	vld [tilespmem:s31+$0x1050]  }
0x152: {  	v32 =	vmul.f32 v3, v4;
	v3 =	vmul.f32 v40, v5;
	v34 =	vld [tilespmem:s31+$0x3050]  }
0x153: {  	v10 =	vmul.f32 v10, v5;
	v36 =	vmul.f32 v28, v9;
	v37 =	vld [tilespmem:s31+$0x1060]  }
0x154: {  	v12 =	vmul.f32 v6, v4;
	v7 =	vmul.f32 v19, v9;
	v19 =	vld [tilespmem:s31+$0x3060]  }
0x155: {  	v28 =	vmul.f32 v35, v5;
	v15 =	vmul.f32 v15, v9;
	v35 =	vld [tilespmem:s31+$0x1070]  }
0x156: {  	v6 =	vmul.f32 v8, v4;
	v38 =	vmul.f32 v27, v9;
	v39 =	vld [tilespmem:s31+$0x3070]  }
0x157: {  	v25 =	vmul.f32 v25, v4;
	v40 =	vld [tilespmem:s31+$0x4C00];
	v27 =	vmul.f32 v34, v9  }
0x158: {  	v8 =	vmul.f32 v18, v9;
	v34 =	vmul.f32 v13, v5;
	v18 =	vld [tilespmem:s31+$0x4C10]  }
0x159: {  	v38 =	vadd.f32 v38, v25;
	v13 =	vmul.f32 v11, v5;
	v41 =	vld [tilespmem:s31+$0x4C20];
	v25 =	vmul.f32 v19, v9  }
0x15a: {  	v42 =	vmul.f32 v17, v9;
	v44 =	vmul.f32 v33, v9;
	v43 =	vld [tilespmem:s31+$0x4C30]  }
0x15b: {  	v20 =	vmul.f32 v20, v4;
	v17 =	vadd.f32 v28, v38;
	v45 =	vld [tilespmem:s31+$0x4C40];
	v38 =	vmul.f32 v39, v9  }
0x15c: {  	v29 =	vmul.f32 v29, v4;
	v28 =	vmul.f32 v40, v5;
	v39 =	vld [tilespmem:s31+$0x4C50]  }
0x15d: {  	v46 =	vmul.f32 v16, v9;
	v19 =	vld [tilespmem:s31+$0xC10];
	v11 =	vmul.f32 v18, v5;
	[tilespmem:s31+$0xD000] =	vst v17;
	v18 =	vadd.f32 v22, v20  }
0x15e: {  	v40 =	vmul.f32 v26, v9;
	v20 =	vadd.f32 v36, v29;
	v17 =	vmul.f32 v41, v5;
	v36 =	vld [tilespmem:s31+$0x5050]  }
0x15f: {  	v33 =	vadd.f32 v42, v32;
	v42 =	vmul.f32 v35, v4;
	v26 =	vmul.f32 v43, v5;
	v41 =	vld [tilespmem:s31+$0x5060]  }
.Ltmp1:
0x160: {  	v29 =	vmul.f32 v23, v4;
	v16 =	vmul.f32 v45, v5;
	v35 =	vld [tilespmem:s31+$0x5070];
	(pc) =	sbr.rel @p1 .LBB2_5-.Ltmp1, $4  }
0x161: {  	v32 =	vmul.f32 v21, v4;
	v30 =	vadd.f32 v44, v30;
	v23 =	vld [tilespmem:s31+$0x2C20];
	v22 =	vmul.f32 v39, v5  }
0x162: {  	v21 =	vmul.f32 v24, v9;
	v24 =	vadd.f32 v40, v29;
	v39 =	vmul.f32 v31, v4;
	v29 =	vld [tilespmem:s31+$0x1010]  }
0x163: {  	v37 =	vmul.f32 v37, v4;
	v40 =	vadd.f32 v34, v30;
	v31 =	vld [tilespmem:s31+$0xC70];
	v36 =	vmul.f32 v36, v5  }
0x164: {  	s0 =	sadd.s32 $0x1, s0;
	s1 =	sadd.s32 $0x100, s1;
	s14 =	sadd.s32 $0x1, s14;
	v38 =	vadd.f32 v38, v42;
	v30 =	vadd.f32 v46, v32;
	v32 =	vld [tilespmem:s31+$0x2C70];
	v34 =	vmul.f32 v41, v5  }
0x165: {  	v28 =	vadd.f32 v28, v33  }
0x166: {  	[tilespmem:s31+$0xCC60] =	vst v40;
	v13 =	vadd.f32 v13, v18  }
0x167: {  	v27 =	vadd.f32 v27, v39;
	v60 =	vadd.f32 v22, v24;
	[tilespmem:s31+$0xCC00] =	vst v28  }
0x168: {  	v48 =	vmul.f32 v35, v5;
	v52 =	vadd.f32 v26, v30;
	[tilespmem:s31+$0xD020] =	vst v13  }
0x169: {  	v47 =	vld [tilespmem:s31+$0x5030];
	v14 =	vmul.f32 v14, v4;
	v51 =	vadd.f32 v25, v37;
	v27 =	vadd.f32 v36, v27;
	[tilespmem:s31+$0xCC50] =	vst v60  }
0x16a: {  	v49 =	vld [tilespmem:s31+$0x4C70];
	v6 =	vadd.f32 v21, v6;
	v50 =	vadd.f32 v48, v38;
	v57 =	vmul.f32 v29, v4;
	[tilespmem:s31+$0xCC30] =	vst v52  }
0x16b: {  	v56 =	vmul.f32 v23, v9;
	v14 =	vadd.f32 v15, v14;
	v15 =	vadd.f32 v34, v51;
	[tilespmem:s31+$0xD050] =	vst v27  }
0x16c: {  	v63 =	vadd.f32 v16, v6;
	v54 =	vmul.f32 v31, v4;
	[tilespmem:s31+$0xD070] =	vst v50;
	v7 =	vadd.f32 v7, v57  }
0x16d: {  	v10 =	vadd.f32 v10, v14;
	v55 =	vmul.f32 v32, v9;
	[tilespmem:s31+$0xD060] =	vst v15;
	v9 =	vadd.f32 v56, v12  }
0x16e: {  	v61 =	vmul.f32 v19, v4;
	[tilespmem:s31+$0xCC40] =	vst v63;
	v53 =	vmul.f32 v47, v5;
	v3 =	vadd.f32 v3, v7  }
0x16f: {  	v58 =	vmul.f32 v49, v5;
	[tilespmem:s31+$0xD040] =	vst v10;
	v59 =	vadd.f32 v55, v54;
	v62 =	vadd.f32 v17, v9  }
0x170: {  	p1 =	seq.s32 s28, $0x7;
	v4 =	vadd.f32 v8, v61;
	v20 =	vadd.f32 v53, v20;
	[tilespmem:s31+$0xD010] =	vst v3  }
.Ltmp2:
0x171: {  	v5 =	vadd.f32 v58, v59;
	[tilespmem:s31+$0xCC20] =	vst v62;
	(pc) =	sbr.rel @p1 .LBB2_8-.Ltmp2, $4  }
0x172: {  	s0 =	sadd.s32 s4, s30;
	v3 =	vadd.f32 v11, v4;
	[tilespmem:s31+$0xD030] =	vst v20  }
0x173: {  	s0 =	sshll.u32 s0, $0x5;
	[tilespmem:s31+$0xCC70] =	vst v5  }
0x174: {  	s0 =	sadd.s32 s5, s0;
	[tilespmem:s31+$0xCC10] =	vst v3  }
0x175: {  	[hbm4b:s0+s3] =	stream.linear.scatter [tilespmem:s20], [sflag:$0x7], $0x2000, $0x38;
	[tilespmem:$0x10C00] =	vst v63  }
0x176: {  	v3 =	vld [tilespmem:s30+$0x40];
	_ =	sdelay $0x4  }
0x177: {  	v4 =	vshll.u32 v3, $0x1  }
0x178: {  	v3 =	vand.u32 $0x7, v3;
	v4 =	vand.u32 $0xFFFFFFF0, v4  }
0x179: {  	v3 =	vor.u32 v3, v4  }
0x17a: {  	v4 =	vperm.xlane v3, v0;
	_ =	sdelay $0x1  }
0x17b: {  	v3 =	vperm.xlane v3, v2;
	v4 =	vadd.s32 v1, v4;
	_ =	sdelay $0x1  }
0x17c: {  	v3 =	vadd.s32 v1, v3;
	_ =	sdelay $0x1  }
0x17d: {  	s0 =	simm.s32 $0xC00  }
0x17e: {  	[tilespmem:s0], [sflag:$0x1] =	stream.indirect_vreg.gather [hbm4b:s2+s3], $0x80, v4, vm0, $0xb8;
	[tilespmem:$0x10C00] =	vst v63  }
0x17f: {  	s18 =	simm.s32 $0x1400  }
0x180: {  	[tilespmem:s18], [sflag:$0x1] =	stream.indirect_vreg.gather [hbm4b:s2+s3], $0x80, v3, vm0, $0xb8;
	[tilespmem:$0x10C00] =	vst v63  }
0x181: {  	v3 =	vld [tilespmem:s30+$0x50];
	_ =	sdelay $0x4  }
0x182: {  	v59 =	vshll.u32 v3, $0x1  }
0x183: {  	v3 =	vand.u32 $0x7, v3;
	v4 =	vand.u32 $0xFFFFFFF0, v59  }
0x184: {  	v3 =	vor.u32 v3, v4  }
0x185: {  	v4 =	vperm.xlane v3, v0;
	_ =	sdelay $0x1  }
0x186: {  	v3 =	vperm.xlane v3, v2;
	v4 =	vadd.s32 v1, v4;
	_ =	sdelay $0x1  }
0x187: {  	v3 =	vadd.s32 v1, v3;
	_ =	sdelay $0x1  }
0x188: {  	s31 =	simm.s32 $0x1C00  }
0x189: {  	[tilespmem:s31], [sflag:$0x1] =	stream.indirect_vreg.gather [hbm4b:s2+s3], $0x80, v4, vm0, $0xb8;
	[tilespmem:$0x10C00] =	vst v63  }
0x18a: {  	s1 =	simm.s32 $0x2400  }
0x18b: {  	[tilespmem:s1], [sflag:$0x1] =	stream.indirect_vreg.gather [hbm4b:s2+s3], $0x80, v3, vm0, $0xb8;
	[tilespmem:$0x10C00] =	vst v63  }
0x18c: {  	v3 =	vld [tilespmem:s30+$0x240];
	_ =	sdelay $0x4  }
0x18d: {  	v60 =	vshll.u32 v3, $0x1  }
0x18e: {  	v3 =	vand.u32 $0x7, v3;
	v4 =	vand.u32 $0xFFFFFFF0, v60  }
0x18f: {  	v3 =	vor.u32 v3, v4  }
0x190: {  	v4 =	vperm.xlane v3, v0;
	_ =	sdelay $0x1  }
0x191: {  	v3 =	vperm.xlane v3, v2;
	v4 =	vadd.s32 v1, v4;
	_ =	sdelay $0x1  }
0x192: {  	v3 =	vadd.s32 v1, v3;
	_ =	sdelay $0x1  }
0x193: {  	s13 =	simm.s32 $0x2C00  }
0x194: {  	[tilespmem:s13], [sflag:$0x2] =	stream.indirect_vreg.gather [hbm4b:s2+s3], $0x80, v4, vm0, $0xb8;
	[tilespmem:$0x10C00] =	vst v63  }
0x195: {  	s14 =	simm.s32 $0x3400  }
0x196: {  	[tilespmem:s14], [sflag:$0x2] =	stream.indirect_vreg.gather [hbm4b:s2+s3], $0x80, v3, vm0, $0xb8;
	[tilespmem:$0x10C00] =	vst v63  }
0x197: {  	v3 =	vld [tilespmem:s30+$0x250];
	_ =	sdelay $0x4  }
0x198: {  	v61 =	vshll.u32 v3, $0x1  }
0x199: {  	v3 =	vand.u32 $0x7, v3;
	v4 =	vand.u32 $0xFFFFFFF0, v61  }
0x19a: {  	v3 =	vor.u32 v3, v4  }
0x19b: {  	v4 =	vperm.xlane v3, v0;
	_ =	sdelay $0x1  }
0x19c: {  	v3 =	vperm.xlane v3, v2;
	v4 =	vadd.s32 v1, v4;
	_ =	sdelay $0x1  }
0x19d: {  	v3 =	vadd.s32 v1, v3;
	_ =	sdelay $0x1  }
0x19e: {  	s15 =	simm.s32 $0x3C00  }
0x19f: {  	[tilespmem:s15], [sflag:$0x2] =	stream.indirect_vreg.gather [hbm4b:s2+s3], $0x80, v4, vm0, $0xb8;
	[tilespmem:$0x10C00] =	vst v63  }
0x1a0: {  	s16 =	simm.s32 $0x4400  }
0x1a1: {  	[tilespmem:s16], [sflag:$0x2] =	stream.indirect_vreg.gather [hbm4b:s2+s3], $0x80, v3, vm0, $0xb8;
	[tilespmem:$0x10C00] =	vst v63  }
0x1a2: {  	v3 =	vld [tilespmem:s30+$0x440];
	_ =	sdelay $0x4  }
0x1a3: {  	v62 =	vshll.u32 v3, $0x1  }
0x1a4: {  	v3 =	vand.u32 $0x7, v3;
	v4 =	vand.u32 $0xFFFFFFF0, v62  }
0x1a5: {  	v3 =	vor.u32 v3, v4  }
0x1a6: {  	v4 =	vperm.xlane v3, v0;
	_ =	sdelay $0x1  }
0x1a7: {  	v3 =	vperm.xlane v3, v2;
	v4 =	vadd.s32 v1, v4;
	_ =	sdelay $0x1  }
0x1a8: {  	v3 =	vadd.s32 v1, v3;
	_ =	sdelay $0x1  }
0x1a9: {  	s17 =	simm.s32 $0x4C00  }
0x1aa: {  	[tilespmem:s17], [sflag:$0x3] =	stream.indirect_vreg.gather [hbm4b:s2+s3], $0x80, v4, vm0, $0xb8;
	[tilespmem:$0x10C00] =	vst v63  }
0x1ab: {  	s18 =	simm.s32 $0x5400  }
0x1ac: {  	[tilespmem:s18], [sflag:$0x3] =	stream.indirect_vreg.gather [hbm4b:s2+s3], $0x80, v3, vm0, $0xb8;
	[tilespmem:$0x10C00] =	vst v63  }
0x1ad: {  	v3 =	vld [tilespmem:s30+$0x450];
	_ =	sdelay $0x4  }
0x1ae: {  	v63 =	vshll.u32 v3, $0x1  }
0x1af: {  	v3 =	vand.u32 $0x7, v3;
	v4 =	vand.u32 $0xFFFFFFF0, v63  }
0x1b0: {  	v3 =	vor.u32 v3, v4  }
0x1b1: {  	v4 =	vperm.xlane v3, v0;
	_ =	sdelay $0x1  }
0x1b2: {  	v3 =	vperm.xlane v3, v2;
	v4 =	vadd.s32 v1, v4;
	_ =	sdelay $0x1  }
0x1b3: {  	v3 =	vadd.s32 v1, v3;
	_ =	sdelay $0x1  }
0x1b4: {  	s30 =	simm.s32 $0x5C00  }
0x1b5: {  	[tilespmem:s30], [sflag:$0x3] =	stream.indirect_vreg.gather [hbm4b:s2+s3], $0x80, v4, vm0, $0xb8;
	[tilespmem:$0x10C00] =	vst v63  }
0x1b6: {  	s31 =	simm.s32 $0x6400  }
0x1b7: {  	[tilespmem:s31], [sflag:$0x3] =	stream.indirect_vreg.gather [hbm4b:s2+s3], $0x80, v3, vm0, $0xb8;
	[tilespmem:$0x10C00] =	vst v63  }
.LBB2_8:
0x1b8: {  	_ =	swait.ge [sflag:s21], $0x2000  }
0x1b9: {  	[sflag:s21] =	ssyncset.done $0x0  }
0x1ba: {  	[sflag:s21] =	ssyncadd.s32 $0xFFFFE000  }
0x1bb: {  	_ =	swait.ge [sflag:s22], $0x2000  }
0x1bc: {  	[sflag:s22] =	ssyncset.done $0x0  }
0x1bd: {  	[sflag:s22] =	ssyncadd.s32 $0xFFFFE000  }
0x1be: {  	_ =	swait.ge [sflag:s23], $0x2000  }
0x1bf: {  	[sflag:s23] =	ssyncset.done $0x0  }
0x1c0: {  	s0 =	simm.s32 @!p0 $0x8;
	[sflag:s23] =	ssyncadd.s32 $0xFFFFE000  }
0x1c1: {  	s1 =	simm.s32 $0x0;
	_ =	swait.ge @!p0 [sflag:s0], $0x2000  }
0x1c2: {  	s13 =	sand.u32 $0x1800, s1;
	s14 =	sand.u32 $0x380, s1;
	[sflag:s0] =	ssyncset.done @!p0 $0x0  }
0x1c3: {  	s30 =	sor.u32 s14, s13;
	[sflag:s0] =	ssyncadd.s32 @!p0 $0xFFFFE000  }
0x1c4: {  	v18 =	vld [tilespmem:s30+$0x9010]  }
0x1c5: {  	v42 =	vld [tilespmem:s30+$0x7010]  }
0x1c6: {  	v15 =	vld [tilespmem:s30+$0xB070]  }
0x1c7: {  	v6 =	vld [tilespmem:s30+$0x7000]  }
0x1c8: {  	v20 =	vld [tilespmem:s30+$0x6C70]  }
0x1c9: {  	v5 =	vld [tilespmem:s30+$0xB020]  }
0x1ca: {  	v26 =	vld [tilespmem:s30+$0x8C60]  }
0x1cb: {  	v21 =	vld [tilespmem:s30+$0x6C60]  }
0x1cc: {  	v27 =	vld [tilespmem:s30+$0x8C50]  }
0x1cd: {  	v22 =	vld [tilespmem:s30+$0x6C50]  }
0x1ce: {  	v8 =	vld [tilespmem:s30+$0xAC70]  }
0x1cf: {  	v12 =	vld [tilespmem:s30+$0xAC60]  }
0x1d0: {  	v9 =	vld [tilespmem:s30+$0xB040]  }
0x1d1: {  	v16 =	vld [tilespmem:s30+$0xB060]  }
0x1d2: {  	v19 =	vld [tilespmem:s30+$0xB050]  }
0x1d3: {  	v28 =	vld [tilespmem:s30+$0x8C00]  }
0x1d4: {  	v24 =	vld [tilespmem:s30+$0x9070]  }
0x1d5: {  	v4 =	vld [tilespmem:s30+$0x8C10]  }
0x1d6: {  	s31 =	sand.u32 $0x10, s1;
	v17 =	vld [tilespmem:s30+$0x6C10]  }
0x1d7: {  	s0 =	sor.u32 s29, s31;
	v30 =	vld [tilespmem:s30+$0x7070]  }
0x1d8: {  	v3 =	vld [tilespmem:s0+$0xA00]  }
0x1d9: {  	v31 =	vld [tilespmem:s0+$0x800]  }
0x1da: {  	v7 =	vld [tilespmem:s0+$0x600]  }
0x1db: {  	v23 =	vld [tilespmem:s30+$0x7020]  }
0x1dc: {  	v10 =	vld [tilespmem:s30+$0x9020]  }
0x1dd: {  	v13 =	vmov s1;
	v14 =	vld [tilespmem:s30+$0x7030]  }
0x1de: {  	v13 =	vand.u32 $0xF, v13;
	v11 =	vld [tilespmem:s30+$0x9030]  }
0x1df: {  	v33 =	vbroadcast v13, $0x0;
	v32 =	vld [tilespmem:s30+$0x7040]  }
0x1e0: {  	v13 =	vld [tilespmem:s30+$0x9040]  }
0x1e1: {  	v25 =	vld [tilespmem:s30+$0x7050];
	v3 =	vperm.xlane v3, v33  }
0x1e2: {  	v34 =	vld [tilespmem:s30+$0x9050];
	v43 =	vperm.xlane v7, v33  }
0x1e3: {  	v35 =	vld [tilespmem:s30+$0x7060];
	v7 =	vmul.f32 v5, v3;
	v9 =	vmul.f32 v9, v3  }
0x1e4: {  	v36 =	vld [tilespmem:s30+$0x9060];
	v5 =	vmul.f32 v8, v3;
	v6 =	vmul.f32 v6, v43  }
0x1e5: {  	v37 =	vld [tilespmem:s30+$0x6C00];
	v12 =	vmul.f32 v12, v3;
	v14 =	vmul.f32 v14, v43  }
0x1e6: {  	v38 =	vld [tilespmem:s30+$0x6C20];
	v8 =	vmul.f32 v17, v43;
	v17 =	vmul.f32 v23, v43  }
0x1e7: {  	v39 =	vld [tilespmem:s30+$0x6C40];
	v25 =	vmul.f32 v25, v43;
	v41 =	vmul.f32 v16, v3  }
0x1e8: {  	v40 =	vld [tilespmem:s30+$0x8C20];
	v23 =	vmul.f32 v19, v3;
	v44 =	vmul.f32 v35, v43  }
0x1e9: {  	v29 =	vld [tilespmem:s30+$0xAC40];
	v19 =	vmul.f32 v32, v43;
	v45 =	vmul.f32 v15, v3  }
0x1ea: {  	v57 =	vld [tilespmem:s30+$0xAC00];
	v15 =	vperm.xlane v31, v33;
	v37 =	vmul.f32 v37, v43  }
0x1eb: {  	v47 =	vld [tilespmem:s30+$0xAC10];
	v46 =	vmul.f32 v38, v43;
	v58 =	vmul.f32 v30, v43  }
0x1ec: {  	v31 =	vld [tilespmem:s30+$0xAC20];
	v16 =	vmul.f32 v39, v43;
	v35 =	vmul.f32 v22, v43  }
0x1ed: {  	v48 =	vld [tilespmem:s30+$0x6C30];
	v49 =	vmul.f32 v21, v43;
	v59 =	vmul.f32 v24, v15  }
0x1ee: {  	v32 =	vld [tilespmem:s30+$0xAC50];
	v21 =	vmul.f32 v20, v43;
	v22 =	vmul.f32 v36, v15  }
0x1ef: {  	v38 =	vld [tilespmem:s30+$0xB010];
	v39 =	vmul.f32 v57, v3;
	v30 =	vmul.f32 v34, v15;
	v60 =	vadd.f32 v59, v58  }
0x1f0: {  	v33 =	vld [tilespmem:s30+$0xAC30];
	v20 =	vmul.f32 v18, v15;
	v18 =	vmul.f32 v28, v15;
	v22 =	vadd.f32 v22, v44  }
0x1f1: {  	v24 =	vld [tilespmem:s30+$0x8C40];
	v61 =	vmul.f32 v40, v15;
	v34 =	vmul.f32 v31, v3;
	v31 =	vadd.f32 v45, v60  }
0x1f2: {  	v28 =	vld [tilespmem:s30+$0x8C30];
	v63 =	vmul.f32 v26, v15;
	v26 =	vmul.f32 v48, v43;
	v62 =	vadd.f32 v41, v22  }
0x1f3: {  	s28 =	sadd.s32 $0x1, s28;
	v36 =	vld [tilespmem:s30+$0xB030];
	v40 =	vadd.f32 v18, v37;
	v37 =	vadd.f32 v61, v46;
	v18 =	vmul.f32 v42, v43;
	[tilespmem:s30+$0xF070] =	vst v31  }
0x1f4: {  	s16 =	simm.s32 $0x1;
	s1 =	simm.s32 $0x100;
	s0 =	simm.s32 $0x80;
	v22 =	vmul.f32 v47, v3;
	v41 =	vmul.f32 v27, v15;
	v27 =	vadd.f32 v63, v49;
	v31 =	vld [tilespmem:s30+$0xB000];
	[tilespmem:s30+$0xF060] =	vst v62  }
.LBB2_9:
0x1f5: {  	s13 =	sand.u32 $0x10, s16  }
0x1f6: {  	s17 =	sand.u32 $0x1800, s1;
	s18 =	sand.u32 $0x380, s0;
	v39 =	vadd.f32 v39, v40;
	v32 =	vmul.f32 v32, v3;
	v40 =	vld [tilespmem:s30+$0x9000];
	v38 =	vmul.f32 v38, v3;
	s15 =	smov.u32 s16  }
0x1f7: {  	v29 =	vmul.f32 v29, v3;
	s14 =	sor.u32 s29, s13;
	s31 =	sor.u32 s18, s17;
	s13 =	sadd.s32 $0x1, s16;
	v35 =	vadd.f32 v41, v35;
	v41 =	vld [tilespmem:s30+$0x8C70];
	v42 =	vadd.f32 v20, v18  }
0x1f8: {  	p0 =	sne.s32 s16, $0x1F;
	v10 =	vmul.f32 v10, v15;
	v25 =	vadd.f32 v30, v25;
	v20 =	vld [tilespmem:s31+$0x9010];
	v36 =	vmul.f32 v36, v3  }
0x1f9: {  	v11 =	vmul.f32 v11, v15;
	v18 =	vld [tilespmem:s31+$0x7010];
	v32 =	vadd.f32 v32, v35;
	v35 =	vadd.f32 v38, v42  }
0x1fa: {  	v13 =	vmul.f32 v13, v15;
	v23 =	vadd.f32 v23, v25;
	v33 =	vmul.f32 v33, v3;
	v30 =	vld [tilespmem:s31+$0xB070]  }
0x1fb: {  	v34 =	vadd.f32 v34, v37;
	v37 =	vmul.f32 v28, v15;
	v10 =	vadd.f32 v10, v17;
	v25 =	vld [tilespmem:s31+$0x7000];
	[tilespmem:s30+$0xEC50] =	vst v32  }
0x1fc: {  	v4 =	vmul.f32 v4, v15;
	v11 =	vadd.f32 v11, v14;
	v13 =	vadd.f32 v13, v19;
	v28 =	vld [tilespmem:s31+$0x6C70];
	[tilespmem:s30+$0xF010] =	vst v35  }
0x1fd: {  	v12 =	vadd.f32 v12, v27;
	v17 =	vadd.f32 v37, v26;
	v19 =	vmul.f32 v41, v15;
	v14 =	vld [tilespmem:s31+$0xB020];
	[tilespmem:s30+$0xF050] =	vst v23  }
0x1fe: {  	v11 =	vadd.f32 v36, v11;
	v9 =	vadd.f32 v9, v13;
	v23 =	vmul.f32 v40, v15;
	v26 =	vld [tilespmem:s31+$0x8C60];
	[tilespmem:s30+$0xEC00] =	vst v39  }
0x1ff: {  	v7 =	vadd.f32 v7, v10;
	v13 =	vadd.f32 v33, v17;
	v15 =	vmul.f32 v24, v15;
	v36 =	vld [tilespmem:s31+$0x6C60];
	[tilespmem:s30+$0xEC60] =	vst v12  }
0x200: {  	v4 =	vadd.f32 v4, v8;
	v3 =	vmul.f32 v31, v3;
	v8 =	vadd.f32 v19, v21;
	v27 =	vld [tilespmem:s31+$0x8C50];
	[tilespmem:s30+$0xEC20] =	vst v34  }
0x201: {  	v10 =	vadd.f32 v15, v16;
	v6 =	vadd.f32 v23, v6;
	v21 =	vld [tilespmem:s31+$0x6C50];
	[tilespmem:s30+$0xF030] =	vst v11  }
0x202: {  	v4 =	vadd.f32 v22, v4;
	v5 =	vadd.f32 v5, v8;
	v11 =	vmov s15;
	v12 =	vld [tilespmem:s31+$0xAC70];
	[tilespmem:s30+$0xF040] =	vst v9  }
0x203: {  	v3 =	vadd.f32 v3, v6;
	v8 =	vand.u32 $0xF, v11;
	v9 =	vadd.f32 v29, v10;
	v15 =	vld [tilespmem:s31+$0xAC60];
	[tilespmem:s30+$0xF020] =	vst v7  }
0x204: {  	v16 =	vbroadcast v8, $0x0;
	v6 =	vld [tilespmem:s31+$0xB040];
	[tilespmem:s30+$0xEC70] =	vst v5  }
0x205: {  	v19 =	vld [tilespmem:s31+$0xB060];
	[tilespmem:s30+$0xEC40] =	vst v9  }
0x206: {  	v22 =	vld [tilespmem:s31+$0xB050];
	[tilespmem:s30+$0xF000] =	vst v3  }
0x207: {  	v31 =	vld [tilespmem:s31+$0x8C00];
	[tilespmem:s30+$0xEC10] =	vst v4  }
0x208: {  	v24 =	vld [tilespmem:s31+$0x9070];
	[tilespmem:s30+$0xEC30] =	vst v13;
	s30 =	smov.u32 s31  }
0x209: {  	v4 =	vld [tilespmem:s30+$0x8C10]  }
0x20a: {  	v8 =	vld [tilespmem:s30+$0x6C10]  }
0x20b: {  	v33 =	vld [tilespmem:s30+$0x7070]  }
0x20c: {  	v3 =	vld [tilespmem:s14+$0xA00]  }
0x20d: {  	v32 =	vld [tilespmem:s14+$0x800]  }
0x20e: {  	v5 =	vld [tilespmem:s14+$0x600]  }
0x20f: {  	v17 =	vld [tilespmem:s30+$0x7020]  }
0x210: {  	v10 =	vld [tilespmem:s30+$0x9020]  }
0x211: {  	v23 =	vld [tilespmem:s30+$0x7030]  }
0x212: {  	v3 =	vperm.xlane v3, v16;
	v11 =	vld [tilespmem:s30+$0x9030]  }
0x213: {  	v42 =	vperm.xlane v5, v16;
	v34 =	vld [tilespmem:s30+$0x7040]  }
0x214: {  	v7 =	vmul.f32 v14, v3;
	v13 =	vld [tilespmem:s30+$0x9040]  }
0x215: {  	v9 =	vmul.f32 v6, v3;
	v29 =	vld [tilespmem:s30+$0x7050]  }
0x216: {  	v5 =	vmul.f32 v12, v3;
	v6 =	vmul.f32 v25, v42;
	v35 =	vld [tilespmem:s30+$0x9050]  }
0x217: {  	v12 =	vmul.f32 v15, v3;
	v14 =	vmul.f32 v23, v42;
	v15 =	vld [tilespmem:s30+$0x7060]  }
0x218: {  	v8 =	vmul.f32 v8, v42;
	v37 =	vld [tilespmem:s30+$0x9060]  }
0x219: {  	v17 =	vmul.f32 v17, v42;
	v38 =	vld [tilespmem:s30+$0x6C00]  }
0x21a: {  	v40 =	vmul.f32 v19, v3;
	v39 =	vld [tilespmem:s30+$0x6C20];
	v25 =	vmul.f32 v29, v42  }
0x21b: {  	v23 =	vmul.f32 v22, v3;
	v41 =	vld [tilespmem:s30+$0x6C40]  }
0x21c: {  	v22 =	vld [tilespmem:s30+$0x8C20];
	v43 =	vmul.f32 v15, v42  }
0x21d: {  	v44 =	vmul.f32 v30, v3;
	v19 =	vmul.f32 v34, v42;
	v29 =	vld [tilespmem:s30+$0xAC40]  }
0x21e: {  	v15 =	vperm.xlane v32, v16;
	v45 =	vmul.f32 v38, v42;
	v32 =	vld [tilespmem:s30+$0xAC50]  }
0x21f: {  	v33 =	vmul.f32 v33, v42;
	v46 =	vmul.f32 v39, v42;
	v34 =	vld [tilespmem:s30+$0xAC20]  }
0x220: {  	v30 =	vmul.f32 v35, v15;
	v39 =	vld [tilespmem:s30+$0xAC00];
	v16 =	vmul.f32 v41, v42  }
0x221: {  	v35 =	vmul.f32 v21, v42;
	v38 =	vmul.f32 v24, v15;
	v41 =	vld [tilespmem:s30+$0xAC10]  }
0x222: {  	v48 =	vmul.f32 v36, v42;
	v36 =	vmul.f32 v37, v15;
	v47 =	vld [tilespmem:s30+$0x6C30]  }
0x223: {  	v21 =	vmul.f32 v28, v42;
	v20 =	vmul.f32 v20, v15;
	v33 =	vadd.f32 v38, v33;
	v24 =	vld [tilespmem:s30+$0x8C40]  }
.Ltmp3:
0x224: {  	v31 =	vmul.f32 v31, v15;
	v37 =	vadd.f32 v36, v43;
	v34 =	vmul.f32 v34, v3;
	v38 =	vld [tilespmem:s30+$0xB010];
	(pc) =	sbr.rel @p0 .LBB2_9-.Ltmp3, $4  }
0x225: {  	v43 =	vmul.f32 v22, v15;
	v44 =	vadd.f32 v44, v33;
	v39 =	vmul.f32 v39, v3;
	v28 =	vld [tilespmem:s30+$0x8C30]  }
0x226: {  	v49 =	vmul.f32 v26, v15;
	v50 =	vadd.f32 v40, v37;
	v22 =	vmul.f32 v41, v3;
	v36 =	vld [tilespmem:s30+$0xB030]  }
0x227: {  	v40 =	vadd.f32 v31, v45;
	v37 =	vadd.f32 v43, v46;
	v26 =	vmul.f32 v47, v42;
	v33 =	vld [tilespmem:s30+$0xAC30];
	[tilespmem:s30+$0xF070] =	vst v44  }
0x228: {  	s0 =	sadd.s32 $0x80, s0;
	s1 =	sadd.s32 $0x100, s1;
	s16 =	smov.u32 s13;
	v18 =	vmul.f32 v18, v42;
	v41 =	vmul.f32 v27, v15;
	v27 =	vadd.f32 v49, v48;
	v31 =	vld [tilespmem:s30+$0xB000];
	[tilespmem:s30+$0xF060] =	vst v50  }
0x229: {  	v32 =	vmul.f32 v32, v3  }
0x22a: {  	v38 =	vmul.f32 v38, v3;
	v25 =	vadd.f32 v30, v25;
	v51 =	vadd.f32 v39, v40  }
0x22b: {  	v11 =	vmul.f32 v11, v15;
	v10 =	vmul.f32 v10, v15;
	v53 =	vadd.f32 v34, v37  }
0x22c: {  	v13 =	vmul.f32 v13, v15;
	v35 =	vadd.f32 v41, v35;
	v18 =	vadd.f32 v20, v18  }
0x22d: {  	v57 =	vmul.f32 v24, v15;
	v12 =	vadd.f32 v12, v27;
	v23 =	vadd.f32 v23, v25;
	[tilespmem:s30+$0xEC00] =	vst v51  }
0x22e: {  	v49 =	vld [tilespmem:s30+$0x8C70];
	v4 =	vmul.f32 v4, v15;
	v11 =	vadd.f32 v11, v14;
	v13 =	vadd.f32 v13, v19;
	[tilespmem:s30+$0xEC20] =	vst v53  }
0x22f: {  	v52 =	vld [tilespmem:s30+$0x9000];
	v54 =	vmul.f32 v36, v3;
	v10 =	vadd.f32 v10, v17;
	v50 =	vadd.f32 v32, v35;
	[tilespmem:s30+$0xEC60] =	vst v12  }
0x230: {  	v55 =	vmul.f32 v28, v15;
	v60 =	vadd.f32 v57, v16;
	v18 =	vadd.f32 v38, v18;
	[tilespmem:s30+$0xF050] =	vst v23  }
0x231: {  	v4 =	vadd.f32 v4, v8;
	v11 =	vadd.f32 v54, v11;
	[tilespmem:s30+$0xEC50] =	vst v50  }
0x232: {  	v29 =	vmul.f32 v29, v3;
	v63 =	vadd.f32 v55, v26;
	v9 =	vadd.f32 v9, v13;
	[tilespmem:s30+$0xF010] =	vst v18  }
0x233: {  	v7 =	vadd.f32 v7, v10;
	v61 =	vmul.f32 v31, v3;
	v56 =	vmul.f32 v49, v15;
	[tilespmem:s30+$0xF030] =	vst v11  }
0x234: {  	v62 =	vadd.f32 v29, v60;
	v3 =	vmul.f32 v33, v3;
	v58 =	vmul.f32 v52, v15;
	[tilespmem:s30+$0xF040] =	vst v9  }
0x235: {  	v4 =	vadd.f32 v22, v4;
	[tilespmem:s30+$0xF020] =	vst v7;
	v59 =	vadd.f32 v56, v21  }
0x236: {  	p0 =	sne.s32 s28, $0x8;
	[tilespmem:s30+$0xEC40] =	vst v62;
	v3 =	vadd.f32 v3, v63;
	v6 =	vadd.f32 v58, v6  }
.Ltmp4:
0x237: {  	[tilespmem:s30+$0xEC10] =	vst v4;
	v5 =	vadd.f32 v5, v59;
	(pc) =	sbr.rel @p0 .LBB2_4-.Ltmp4, $4  }
0x238: {  	s0 =	sadd.s32 s4, s29;
	[tilespmem:s30+$0xEC30] =	vst v3;
	v6 =	vadd.f32 v61, v6  }
0x239: {  	s0 =	sshll.u32 s0, $0x5;
	[tilespmem:s30+$0xEC70] =	vst v5  }
0x23a: {  	s26 =	sadd.s32 $0x40, s26;
	s0 =	sadd.s32 s5, s0;
	[tilespmem:s30+$0xF000] =	vst v6  }
0x23b: {  	[hbm4b:s0+s3] =	stream.linear.scatter [tilespmem:s24], [sflag:$0x8], $0x2000, $0x38;
	[tilespmem:$0x10C00] =	vst v63  }
0x23c: {  	s0 =	simm.s32 $0x7  }
0x23d: {  	_ =	swait.ge [sflag:s0], $0x2000  }
0x23e: {  	[sflag:s0] =	ssyncset.done $0x0  }
0x23f: {  	s1 =	simm.s32 $0x8;
	[sflag:s0] =	ssyncadd.s32 $0xFFFFE000  }
0x240: {  	_ =	swait.ge [sflag:s1], $0x2000  }
0x241: {  	s13 =	rddreg [dreg:$0xa]  }
0x242: {  	s31 =	rddreg [dreg:$0x9];
	s13 =	sadd.s32 $0x1, s13  }
0x243: {  	p0 =	sne.s32 s13, s31  }
.Ltmp5:
0x244: {  	_ = 	snop;
	(pc) =	sbr.rel @p0 .LBB2_1-.Ltmp5, $3  }
0x245: {  	_ =	sdelay $0x1  }
0x246: {  	[sflag:s1] =	ssyncset.done $0x0  }
0x247: {  	[sflag:s1] =	ssyncadd.s32 $0xFFFFE000  }
0x248: {  	_ =	sfence.sel $0x180000  }
0x249: {  	[bflag:$0x0] =	sbarrier.arrive $0xFFFF  }
0x24a: {  	_ =	strace $0x9000004A  }
0x24b: {  	s0 =	stileid.u32;
	[bflag:$0x2] =	sbarrier.arrive $0xFFFF  }
0x24c: {  	p0 =	sne.s32 s0, $0x0;
	s0 =	rddreg [dreg:$0x2]  }
0x24d: {  	s0 =	sadd.s32 @!p0 $0x100000, s0  }
0x24e: {  	[sflag:s0] =	ssyncadd.tile.s32 @!p0 $0x1;
	_ =	shalt  }
.Lfunc_end2:
_tile_overlayer_lowered:
.L_overlay_start_2:
0x24f: {  	(tag) =	ssettag $0x2  }
0x250: {  	s0 =	rddreg [dreg:$0x0];
	s2 =	stileid.u32  }
0x251: {  	s1 =	rddreg [dreg:$0x1];
	p0 =	sne.s32 s2, $0x0  }
0x252: {  	s3 =	rddreg [dreg:$0x2];
	[bflag:$0x3] =	sbarrier.arrive $0xFFFF;
	s2 =	simm.s32 @!p0 $0x1C09  }
0x253: {  	[timem:s3], [sflag:s2] =	dma.local @!p0 [hbm:s0], s1  }
0x254: {  	s0 =	simm.s32 @!p0 $0x9  }
0x255: {  	_ =	swait.ge @!p0 [sflag:s0], s1  }
0x256: {  	s1 =	ssub.s32 @!p0 $0x0, s1;
	[sflag:s0] =	ssyncset.done @!p0 $0x0  }
0x257: {  	[sflag:s0] =	ssyncadd.s32 @!p0 s1  }
0x258: {  	[bflag:$0x3] =	sbarrier.arrive $0xFFFF  }
0x259: {  	_ =	shalt  }

// kernel: kernel.9.cloned.1.call-start
scs
__scs_entry_jumppad:
0x0: {  	(pc) =	sbr.rel $0x88, $3  }
0x1: {  	(tag) =	ssettag $0x0;
	lr =	simm.s32 $0x1  }
0x2: {  	[smem:$0x3F9E] =	sst lr;
	_ =	strace $0xD0000000  }
0x3: {  	_ = 	snop  }
0x4: {  	_ = 	snop  }
0x5: {  	_ = 	snop  }
0x6: {  	_ = 	snop  }
0x7: {  	_ = 	snop  }
__scs_overlays_trampoline_lowered:
0x8: {  	[smem:$0x3FAD] =	sst s0  }
0x9: {  	[smem:$0x3FAE] =	sst s1  }
0xa: {  	[smem:$0x3FAF] =	sst s2  }
0xb: {  	[smem:$0x3FB0] =	sst s3  }
0xc: {  	[smem:$0x3FB1] =	sst s4  }
0xd: {  	[smem:$0x3FB2] =	sst s5  }
0xe: {  	[smem:$0x3FB3] =	sst s6  }
0xf: {  	[smem:$0x3FB4] =	sst s7  }
0x10: {  	[smem:$0x3FB5] =	sst s8  }
0x11: {  	[smem:$0x3FB6] =	sst s9;
	s0 =	simm.s32 @!p0 $0x0  }
0x12: {  	s1 =	sld [smem:$0x3F9C];
	s0 =	simm.s32 @p0 $0x1  }
0x13: {  	[smem:$0x3FB7] =	sst s0;
	s0 =	simm.s32 @!p1 $0x0  }
0x14: {  	s2 =	sld [smem:$0x3F9B];
	s0 =	simm.s32 @p1 $0x1  }
0x15: {  	[smem:$0x3FB8] =	sst s0;
	s0 =	simm.s32 @!p2 $0x0  }
0x16: {  	s3 =	sld [smem:$0x3FDB];
	s0 =	simm.s32 @p2 $0x1  }
0x17: {  	s4 =	simm.s32 $0x1BF5;
	[smem:$0x3FBA] =	sst s0  }
0x18: {  	s0 =	sld [smem:$0x3F9D];
	_ =	swait.ge [sflag:s4], $0x0  }
0x19: {  	s7 =	sld [smem:$0x3F9E]  }
0x1a: {  	s8 =	sadd.s32 $0xFFFFE003, lr  }
0x1b: {  	s9 =	sadd.s32 $0xFFFFFEF7, lr;
	s5 =	simm.s32 $0xFFFFFFFF;
	p2 =	slt.u32 s8, $0xFFFFF086  }
0x1c: {  	p1 =	slt.u32 s9, $0xF7A;
	s5 =	simm.s32 @!p2 $0x0  }
0x1d: {  	s5 =	simm.s32 @p1 $0x1;
	p0 =	seq.s32 s7, s2  }
0x1e: {  	s7 =	smul.u32 @!p0 $0xF7A, s2;
	p2 =	seq.s32 @!p0 s5, $0x0  }
0x1f: {  	s9 =	smul.u32 $0xF7A, s1;
	s8 =	simm.s32 @!p0 $0x1BF5;
	p2 =	por !p2, p0  }
0x20: {  	[sflag:s8] =	ssyncset.s32 @!p0 $0xFFFFF086;
	s6 =	sadd.s32 @!p0 s3, s7;
	s7 =	simm.s32 @!p0 $0x108  }
0x21: {  	s3 =	sadd.s32 s3, s9;
	s6 =	sadd.s32 @!p0 $0x88, s6;
	s7 =	simm.s32 @p2 $0x1082  }
0x22: {  	[simem:s7], [sflag:s8] =	dma.local @!p0 [hbm:s6], $0xF7A  }
0x23: {  	s9 =	sor.u32 $0xD0000000, s2;
	s6 =	simm.s32 $0x108;
	_ =	swait.ge @!p0 [sflag:s8], $0x0  }
0x24: {  	s3 =	sadd.s32 $0x88, s3;
	s6 =	simm.s32 @!p1 $0x1082;
	[sflag:s4] =	ssyncset.s32 $0xFFFFF086  }
0x25: {  	[simem:s6], [sflag:s4] =	dma.local [hbm:s3], $0xF7A  }
0x26: {  	[smem:$0x3F9E] =	sst s1;
	(tag) =	ssettag s2;
	_ =	strace s9  }
0x27: {  	s1 =	sld [smem:$0x3FAE]  }
0x28: {  	s2 =	sld [smem:$0x3FAF]  }
0x29: {  	s4 =	sld [smem:$0x3FB1]  }
0x2a: {  	p0 =	seq.s32 s5, $0x0;
	s5 =	sld [smem:$0x3FB2]  }
0x2b: {  	s6 =	sld [smem:$0x3FB3]  }
0x2c: {  	s7 =	sld [smem:$0x3FB4]  }
0x2d: {  	s3 =	simm.s32 $0x108;
	s8 =	sld [smem:$0x3FB5]  }
0x2e: {  	s3 =	simm.s32 @!p0 $0x1082;
	s9 =	sld [smem:$0x3FB6]  }
0x2f: {  	lr =	sadd.s32 s0, s3;
	s0 =	sld [smem:$0x3FAD]  }
0x30: {  	s3 =	sld [smem:$0x3FB0]  }
0x31: {  	[smem:$0x3FB9] =	sst s10  }
0x32: {  	s10 =	sld [smem:$0x3FB7];
	_ =	sdelay $0x3  }
0x33: {  	p0 =	seq.s32 s10, $0x1;
	s10 =	sld [smem:$0x3FB9];
	_ =	sdelay $0x3  }
0x34: {  	[smem:$0x3FB9] =	sst s10  }
0x35: {  	s10 =	sld [smem:$0x3FB8];
	_ =	sdelay $0x3  }
0x36: {  	p1 =	seq.s32 s10, $0x1;
	s10 =	sld [smem:$0x3FB9];
	_ =	sdelay $0x3  }
0x37: {  	[smem:$0x3FB9] =	sst s10  }
0x38: {  	s10 =	sld [smem:$0x3FBA]  }
0x39: {  	_ = 	snop;
	(pc) =	sbr.ind lr, $3  }
0x3a: {  	_ = 	snop  }
0x3b: {  	_ = 	snop  }
0x3c: {  	p2 =	seq.s32 s10, $0x1;
	s10 =	sld [smem:$0x3FB9]  }
0x3d: {  	_ =	shalt  }
0x3e: {  	_ =	shalt  }
0x3f: {  	_ =	shalt  }
0x40: {  	_ =	shalt  }
0x41: {  	_ =	shalt  }
0x42: {  	_ =	shalt  }
0x43: {  	_ =	shalt  }
0x44: {  	_ =	shalt  }
0x45: {  	_ =	shalt  }
0x46: {  	_ =	shalt  }
0x47: {  	_ =	shalt  }
0x48: {  	_ =	shalt  }
0x49: {  	_ =	shalt  }
0x4a: {  	_ =	shalt  }
0x4b: {  	_ =	shalt  }
0x4c: {  	_ =	shalt  }
0x4d: {  	_ =	shalt  }
0x4e: {  	_ =	shalt  }
0x4f: {  	_ =	shalt  }
0x50: {  	_ =	shalt  }
0x51: {  	_ =	shalt  }
0x52: {  	_ =	shalt  }
0x53: {  	_ =	shalt  }
0x54: {  	_ =	shalt  }
0x55: {  	_ =	shalt  }
0x56: {  	_ =	shalt  }
0x57: {  	_ =	shalt  }
0x58: {  	_ =	shalt  }
0x59: {  	_ =	shalt  }
0x5a: {  	_ =	shalt  }
0x5b: {  	_ =	shalt  }
0x5c: {  	_ =	shalt  }
0x5d: {  	_ =	shalt  }
0x5e: {  	_ =	shalt  }
0x5f: {  	_ =	shalt  }
0x60: {  	_ =	shalt  }
0x61: {  	_ =	shalt  }
0x62: {  	_ =	shalt  }
0x63: {  	_ =	shalt  }
0x64: {  	_ =	shalt  }
0x65: {  	_ =	shalt  }
0x66: {  	_ =	shalt  }
0x67: {  	_ =	shalt  }
0x68: {  	_ =	shalt  }
0x69: {  	_ =	shalt  }
0x6a: {  	_ =	shalt  }
0x6b: {  	_ =	shalt  }
0x6c: {  	_ =	shalt  }
0x6d: {  	_ =	shalt  }
0x6e: {  	_ =	shalt  }
0x6f: {  	_ =	shalt  }
0x70: {  	_ =	shalt  }
0x71: {  	_ =	shalt  }
0x72: {  	_ =	shalt  }
0x73: {  	_ =	shalt  }
0x74: {  	_ =	shalt  }
0x75: {  	_ =	shalt  }
0x76: {  	_ =	shalt  }
0x77: {  	_ =	shalt  }
0x78: {  	_ =	shalt  }
0x79: {  	_ =	shalt  }
0x7a: {  	_ =	shalt  }
0x7b: {  	_ =	shalt  }
0x7c: {  	_ =	shalt  }
0x7d: {  	_ =	shalt  }
0x7e: {  	_ =	shalt  }
0x7f: {  	_ =	shalt  }
0x80: {  	_ =	shalt  }
0x81: {  	_ =	shalt  }
0x82: {  	_ =	shalt  }
0x83: {  	_ =	shalt  }
0x84: {  	_ =	shalt  }
0x85: {  	_ =	shalt  }
0x86: {  	_ =	shalt  }
0x87: {  	_ =	shalt  }
.Lfunc_end0:
.L_simem_size_0:
called_computation.1_lowered:
.L_overlay_start_0:
0x88: {  	s2 =	sld [smem:$0x3FD9]  }
0x89: {  	s3 =	sld [smem:$0x3FFE];
	_ =	sdelay $0x1  }
0x8a: {  	s1 =	srdreg.scid  }
0x8b: {  	s0 =	sand.u32 $0x1, s1  }
0x8c: {  	s17 =	sshll.u32 s0, $0xA;
	s2 =	sadd.s32 s3, s2  }
0x8d: {  	s2 =	sadd.s32 s2, s17  }
0x8e: {  	[smem:$0x3FC5] =	sst s2  }
0x8f: {  	_ = 	snop  }
0x90: {  	s2 =	sld [smem:$0x3FC7]  }
0x91: {  	s18 =	sld [smem:$0x3FD0];
	(tm) =	ssettm $0x1  }
0x92: {  	s4 =	sld [smem:$0x3FFB];
	_ =	sdelay $0x3  }
0x93: {  	_ =	strace s4  }
0x94: {  	s4 =	sld [smem:$0x3FFC];
	_ =	sdelay $0x3  }
0x95: {  	_ =	strace s4  }
0x96: {  	s4 =	sld [smem:$0x3FFD];
	_ =	sdelay $0x3  }
0x97: {  	_ =	strace s4  }
0x98: {  	_ =	strace $0x8FFFFFFF  }
0x99: {  	s19 =	sld [smem:$0x3FDB];
	_ =	sdelay $0x1  }
0x9a: {  	s5 =	simm.s32 $_scs_section_size  }
0x9b: {  	s6 =	simm.s32 $_size__tile_overlayer_lowered;
	s7 =	simm.s32 $_tile_overlayer_lowered  }
0x9c: {  	s22 =	simm.s32 $0x1BFF;
	s21 =	sshll.u32 s7, $0x1;
	s4 =	sadd.s32 s5, s19  }
0x9d: {  	s8 =	simm.s32 $0x0;
	s20 =	sshll.u32 s6, $0x1;
	s6 =	sadd.s32 s21, s4  }
0x9e: {  	[timem:s8], [sflag:s22] =	dma.local [hbm:s6], s20  }
0x9f: {  	_ =	swait.ge [sflag:s22], s20  }
0xa0: {  	s5 =	ssub.s32 $0x0, s20;
	[sflag:s22] =	ssyncset.done $0x0  }
0xa1: {  	[sflag:s22] =	ssyncadd.s32 s5;
	_ =	sdelay $0x1  }
0xa2: {  	s23 =	simm.s32 $0x1B8B  }
0xa3: {  	_ =	swait.ge [sflag:s23], $0x1  }
0xa4: {  	[sflag:s23] =	ssyncset.done $0x0  }
0xa5: {  	s25 =	simm.s32 $0x1B8E;
	s24 =	sld [smem:$0x3FFE];
	[sflag:s23] =	ssyncadd.s32 $0xFFFFFFFF  }
0xa6: {  	s26 =	simm.s32 $execute0_lowered;
	[smem:$0x3FD2] =	sst s25  }
0xa7: {  	s6 =	sshll.u32 s26, $0x1;
	_ =	strace $0x80000046;
	[dreg:$0x1] =	wrdreg $0xFFFFFFFF  }
0xa8: {  	s28 =	simm.s32 $_size_execute0_lowered;
	s4 =	sadd.s32 s4, s6;
	[dreg:$0x0] =	wrdreg $0x0  }
0xa9: {  	s6 =	sshll.u32 s28, $0x1;
	[dreg:$0x2] =	wrdreg s4  }
0xaa: {  	[dreg:$0x3] =	wrdreg s6  }
0xab: {  	[dreg:$0x4] =	wrdreg $0xC0  }
0xac: {  	_ =	task [dreg:s8], $0x5FFFF  }
0xad: {  	[dreg:$0x1] =	wrdreg $0xFFFFFFFF  }
0xae: {  	[dreg:$0x0] =	wrdreg $0x60  }
0xaf: {  	[dreg:$0x2] =	wrdreg s18  }
0xb0: {  	[dreg:$0x3] =	wrdreg s24  }
0xb1: {  	[dreg:$0x4] =	wrdreg s2  }
0xb2: {  	[dreg:$0x5] =	wrdreg $0xA  }
0xb3: {  	_ =	task.clear_ibuf [dreg:s8], $0x6FFFF;
	_ =	strace $0x90000046  }
0xb4: {  	s29 =	simm.s32 $0xA;
	_ =	strace $0x80000048  }
0xb5: {  	_ =	swait.ge [sflag:s29], $0x1  }
0xb6: {  	[sflag:s29] =	ssyncadd.s32 $0xFFFFFFFF  }
0xb7: {  	_ =	strace $0x90000048  }
0xb8: {  	_ =	sfence  }
0xb9: {  	s30 =	sld [smem:$0x0];
	_ =	sdelay $0x2  }
0xba: {  	s31 =	sshll.u32 s1, $0xD;
	s1 =	sshrl.u32 s1, $0x2  }
0xbb: {  	s3 =	sand.u32 $0x4000, s31;
	s1 =	sadd.s32 s1, s30  }
0xbc: {  	s0 =	sor.u32 s3, s0;
	s1 =	sshll.u32 s1, $0x11  }
0xbd: {  	s0 =	sor.u32 s1, s0  }
0xbe: {  	s0 =	sadd.s32 $0x8F2B, s0  }
0xbf: {  	[sflag:s0] =	ssyncadd.remote.s32 $0x1  }
0xc0: {  	_ =	sfence.sel $0xFFFF  }
0xc1: {  	[dreg:$0x0] =	wrdreg $0xFFFFFFFF;
	(pc) =	sbr.abs _section_cstart, $3  }
0xc2: {  	[dreg:$0x1] =	wrdreg $0xFFFFFFFF  }
0xc3: {  	_ =	task.clear_ibuf [dreg:s8], $0x2FFFF;
	_ =	strace $0x9FFFFFFF  }
0xc4: {  	(tm) =	ssettm $0x7FFFFFFF  }
0xc5: {  	_ =	shalt  }
tec
execute0_lowered:
.L_overlay_start_1:
0x0: {  	(tag) =	ssettag $0x1  }
0x1: {  	s0 =	rddreg [dreg:$0x0]  }
0x2: {  	s1 =	rddreg [dreg:$0x1]  }
0x3: {  	s2 =	rddreg [dreg:$0x2];
	s3 =	srdreg.scid  }
0x4: {  	s4 =	stileid.u32;
	s10 =	simm.s32 $0xC400;
	s11 =	simm.s32 $0x1  }
0x5: {  	s12 =	simm.s32 $0x2;
	s19 =	simm.s32 $0x3;
	s20 =	simm.s32 $0xCC00  }
0x6: {  	s21 =	simm.s32 $0x4;
	s22 =	simm.s32 $0x5;
	s5 =	sand.u32 $0x1, s3  }
0x7: {  	s13 =	simm.s32 $0x0;
	s4 =	sshll.u32 s4, $0xA;
	s6 =	sshll.u32 s5, $0x9  }
0x8: {  	s3 =	simm.s32 $0x0;
	s23 =	ssub.s32 $0x2, s5;
	s4 =	sor.u32 s6, s4  }
0x9: {  	[smem:$0x7FF] =	sst s3;
	s8 =	sshrl.u32 s23, $0x1;
	s7 =	sshrl.u32 s4, $0x3  }
0xa: {  	_ =	strace $0x80000047;
	s24 =	ssub.s32 s23, s8;
	s0 =	sadd.s32 s0, s7  }
0xb: {  	s9 =	sadd.s32 s7, s1;
	s31 =	smax.u32 s24, $0x1;
	[dreg:$0x4] =	wrdreg s0  }
0xc: {  	s5 =	sadd.s32 $0x4E00, s1;
	s25 =	sadd.s32 $0x2600, s9;
	[dreg:$0xa] =	wrdreg s31  }
0xd: {  	s6 =	simm.s32 $0xA400;
	s26 =	sadd.s32 $0x2E00, s9;
	[dreg:$0x5] =	wrdreg s25  }
0xe: {  	s8 =	simm.s32 $0xB400;
	s28 =	sadd.s32 $0x3600, s9;
	[dreg:$0x6] =	wrdreg s26  }
0xf: {  	v2 =	vlaneseq.u32;
	s23 =	simm.s32 $0x6;
	s29 =	sadd.s32 $0x3E00, s9;
	[dreg:$0x7] =	wrdreg s28  }
0x10: {  	vm0 =	vmmov $0xffff;
	v1 =	vshrl.u32 v2, $0x3;
	s7 =	simm.s32 $0xAC00;
	s30 =	sadd.s32 $0x4600, s9;
	[dreg:$0x8] =	wrdreg s29  }
0x11: {  	v0 =	vand.u32 $0x7, v2;
	v2 =	vor.u32 $0x8, v2;
	v1 =	vmul.u32 $0x8, v1;
	s24 =	simm.s32 $0xEC00;
	s9 =	simm.s32 $0xBC00;
	[dreg:$0x9] =	wrdreg s30  }
.LBB2_1:
0x12: {  	[dreg:$0xb] =	wrdreg s13  }
0x13: {  	s0 =	rddreg [dreg:$0x4];
	s1 =	simm.s32 $0x9  }
0x14: {  	[tilespmem:s3], [sflag:$0x9] =	stream.linear.gather [hbm4b:s0+s3], $0x200, $0x38;
	[tilespmem:$0x10C00] =	vst v63  }
0x15: {  	_ =	swait.ge [sflag:s1], $0x200  }
0x16: {  	[sflag:s1] =	ssyncset.done $0x0  }
0x17: {  	s26 =	simm.s32 $0x200;
	s25 =	rddreg [dreg:$0x5];
	[sflag:s1] =	ssyncadd.s32 $0xFFFFFE00  }
0x18: {  	[tilespmem:s26], [sflag:$0x9] =	stream.linear.gather [hbm4b:s25+s3], $0x200, $0x38;
	[tilespmem:$0x10C00] =	vst v63  }
0x19: {  	_ =	swait.ge [sflag:s1], $0x200  }
0x1a: {  	[sflag:s1] =	ssyncset.done $0x0  }
0x1b: {  	s14 =	simm.s32 $0x400;
	s13 =	rddreg [dreg:$0x6];
	[sflag:s1] =	ssyncadd.s32 $0xFFFFFE00  }
0x1c: {  	[tilespmem:s14], [sflag:$0x9] =	stream.linear.gather [hbm4b:s13+s3], $0x200, $0x38;
	[tilespmem:$0x10C00] =	vst v63  }
0x1d: {  	_ =	swait.ge [sflag:s1], $0x200  }
0x1e: {  	[sflag:s1] =	ssyncset.done $0x0  }
0x1f: {  	s16 =	simm.s32 $0x600;
	s15 =	rddreg [dreg:$0x7];
	[sflag:s1] =	ssyncadd.s32 $0xFFFFFE00  }
0x20: {  	[tilespmem:s16], [sflag:$0x9] =	stream.linear.gather [hbm4b:s15+s3], $0x200, $0x38;
	[tilespmem:$0x10C00] =	vst v63  }
0x21: {  	_ =	swait.ge [sflag:s1], $0x200  }
0x22: {  	[sflag:s1] =	ssyncset.done $0x0  }
0x23: {  	s18 =	simm.s32 $0x800;
	s17 =	rddreg [dreg:$0x8];
	[sflag:s1] =	ssyncadd.s32 $0xFFFFFE00  }
0x24: {  	[tilespmem:s18], [sflag:$0x9] =	stream.linear.gather [hbm4b:s17+s3], $0x200, $0x38;
	[tilespmem:$0x10C00] =	vst v63  }
0x25: {  	_ =	swait.ge [sflag:s1], $0x200  }
0x26: {  	[sflag:s1] =	ssyncset.done $0x0  }
0x27: {  	s26 =	simm.s32 $0xA00;
	s25 =	rddreg [dreg:$0x9];
	[sflag:s1] =	ssyncadd.s32 $0xFFFFFE00  }
0x28: {  	[tilespmem:s26], [sflag:$0x9] =	stream.linear.gather [hbm4b:s25+s3], $0x200, $0x38;
	[tilespmem:$0x10C00] =	vst v63  }
0x29: {  	_ =	swait.ge [sflag:s1], $0x200  }
0x2a: {  	[sflag:s1] =	ssyncset.done $0x0  }
0x2b: {  	[sflag:s1] =	ssyncadd.s32 $0xFFFFFE00;
	s1 =	simm.s32 $0x610  }
0x2c: {  	s0 =	simm.s32 $0x810;
	v3 =	vld [tilespmem:s1+$0x0]  }
0x2d: {  	v4 =	vld [tilespmem:s0+$0x0]  }
0x2e: {  	s13 =	simm.s32 $0xA10;
	v5 =	vld [tilespmem:s0+$0xFFFFFFF0]  }
0x2f: {  	v6 =	vld [tilespmem:s13+$0x0]  }
0x30: {  	v7 =	vld [tilespmem:s1+$0xFFFFFFF0]  }
0x31: {  	v3 =	vadd.f32 $9.999999930e-09, v3  }
0x32: {  	v4 =	vadd.f32 $9.999999930e-09, v4  }
0x33: {  	v8 =	vld [tilespmem:s13+$0xFFFFFFF0];
	v5 =	vadd.f32 $9.999999930e-09, v5;
	(erf) = vrcp.f32 v3  }
0x34: {  	s14 =	simm.s32 $0x630;
	v3 =	vadd.f32 $9.999999930e-09, v6;
	(erf) = vrcp.f32 v4  }
0x35: {  	s25 =	simm.s32 $0x830;
	v4 =	vadd.f32 $9.999999930e-09, v7;
	(erf) = vrcp.f32 v5;
	v5 =	vld [tilespmem:s14+$0x0]  }
0x36: {  	(erf) = vrcp.f32 v3;
	v3 =	vld [tilespmem:s25+$0x0]  }
0x37: {  	s26 =	simm.s32 $0xA30;
	(erf) = vrcp.f32 v4;
	v4 =	vld [tilespmem:s25+$0xFFFFFFF0]  }
0x38: {  	v6 =	vadd.f32 $9.999999930e-09, v8;
	v7 =	vld [tilespmem:s26+$0x0];
	_ =	sdelay $0x1  }
0x39: {  	(erf) = vrcp.f32 v6;
	v6 =	vld [tilespmem:s14+$0xFFFFFFF0];
	v5 =	vadd.f32 $9.999999930e-09, v5  }
0x3a: {  	v8 =	vadd.f32 $9.999999930e-09, v3  }
0x3b: {  	v9 =	vadd.f32 $9.999999930e-09, v4;
	(erf) = vrcp.f32 v5  }
0x3c: {  	v7 =	vadd.f32 $9.999999930e-09, v7;
	v3 =	vpop (erf);
	(erf) = vrcp.f32 v8  }
0x3d: {  	v10 =	vld [tilespmem:s26+$0xFFFFFFF0];
	v4 =	vpop (erf);
	(erf) = vrcp.f32 v9  }
0x3e: {  	s28 =	simm.s32 $0x650;
	v8 =	vpop (erf);
	(erf) = vrcp.f32 v7;
	v7 =	vadd.f32 $9.999999930e-09, v6  }
0x3f: {  	v11 =	vld [tilespmem:s28+$0x0];
	v9 =	vadd.f32 v4, v3;
	v5 =	vpop (erf)  }
0x40: {  	s31 =	simm.s32 $0x850;
	v6 =	vpop (erf)  }
0x41: {  	v12 =	vld [tilespmem:s31+$0x0];
	v9 =	vadd.f32 v5, v9;
	v13 =	vadd.f32 v8, v6  }
0x42: {  	v10 =	vadd.f32 $9.999999930e-09, v10;
	(erf) = vrcp.f32 v7;
	v7 =	vpop (erf)  }
0x43: {  	s29 =	simm.s32 $0xA50;
	v14 =	vld [tilespmem:s31+$0xFFFFFFF0];
	(erf) = vrcp.f32 v9;
	v9 =	vadd.f32 v7, v13  }
0x44: {  	v15 =	vld [tilespmem:s29+$0x0];
	(erf) = vrcp.f32 v10;
	v10 =	vadd.f32 $9.999999930e-09, v11  }
0x45: {  	v16 =	vld [tilespmem:s28+$0xFFFFFFF0]  }
0x46: {  	v11 =	vadd.f32 $9.999999930e-09, v12;
	v13 =	vld [tilespmem:s29+$0xFFFFFFF0];
	(erf) = vrcp.f32 v9  }
0x47: {  	v9 =	vpop (erf)  }
0x48: {  	v17 =	vadd.f32 $9.999999930e-09, v14;
	(erf) = vrcp.f32 v10;
	v10 =	vpop (erf)  }
0x49: {  	v14 =	vadd.f32 $9.999999930e-09, v15;
	(erf) = vrcp.f32 v11;
	v12 =	vpop (erf);
	v15 =	vadd.f32 v10, v9  }
0x4a: {  	s30 =	simm.s32 $0x850;
	s15 =	simm.s32 $0x4;
	s16 =	simm.s32 $0x670;
	v16 =	vadd.f32 $9.999999930e-09, v16;
	(erf) = vrcp.f32 v17;
	v11 =	vpop (erf)  }
.LBB2_2:
0x4b: {  	v17 =	vld [tilespmem:s16+$0x0];
	v13 =	vadd.f32 $9.999999930e-09, v13;
	s31 =	sadd.s32 $0x20, s31;
	(erf) = vrcp.f32 v14;
	v14 =	vadd.f32 v11, v15;
	v15 =	vpop (erf);
	s17 =	smov.u32 s29  }
0x4c: {  	v20 =	vmov v12;
	v18 =	vld [tilespmem:s31+$0x0];
	(erf) = vrcp.f32 v16;
	v16 =	vadd.f32 v12, v15;
	v19 =	vpop (erf)  }
0x4d: {  	s29 =	sadd.s32 $0x20, s29;
	v12 =	vld [tilespmem:s31+$0xFFFFFFF0];
	v21 =	vpop (erf);
	(erf) = vrcp.f32 v14;
	v24 =	vmul.f32 v19, v3;
	v3 =	vmov v9  }
0x4e: {  	s15 =	sadd.s32 $0x2, s15;
	v22 =	vld [tilespmem:s29+$0x0];
	(erf) = vrcp.f32 v13;
	v25 =	vadd.f32 v21, v16;
	v16 =	vmul.f32 v19, v4;
	v4 =	vmovc v10  }
0x4f: {  	p0 =	slt.u32 s15, $0x1E;
	v23 =	vld [tilespmem:s16+$0xFFFFFFF0];
	[tilespmem:s1+$0x0] =	vst v24;
	v24 =	vmul.f32 v19, v5;
	v14 =	vpop (erf);
	v5 =	vmov v11  }
.Ltmp0:
0x50: {  	v13 =	vld [tilespmem:s29+$0xFFFFFFF0];
	v11 =	vadd.f32 $9.999999930e-09, v17;
	(erf) = vrcp.f32 v25;
	v17 =	vmul.f32 v14, v6;
	[tilespmem:s0+$0x0] =	vst v16;
	v6 =	vmovc v15;
	(pc) =	sbr.rel @p0 .LBB2_2-.Ltmp0, $4  }
0x51: {  	v25 =	vmul.f32 v14, v8;
	v15 =	vadd.f32 $9.999999930e-09, v18;
	v9 =	vpop (erf);
	v18 =	vmul.f32 v14, v7;
	[tilespmem:s13+$0x0] =	vst v24  }
0x52: {  	v7 =	vmov v21;
	v19 =	vadd.f32 $9.999999930e-09, v12;
	(erf) = vrcp.f32 v11;
	v10 =	vpop (erf);
	[tilespmem:s1+$0xFFFFFFF0] =	vst v17;
	s1 =	smov.u32 s14;
	s14 =	smov.u32 s28;
	s28 =	smov.u32 s16  }
0x53: {  	v14 =	vadd.f32 $9.999999930e-09, v22;
	(erf) = vrcp.f32 v15;
	v15 =	vadd.f32 v10, v9;
	v12 =	vpop (erf);
	[tilespmem:s0+$0xFFFFFFF0] =	vst v25;
	s0 =	smov.u32 s25;
	s25 =	smov.u32 s30;
	s30 =	smov.u32 s31  }
0x54: {  	v8 =	vmov v20;
	s16 =	sadd.s32 $0x20, s16;
	v16 =	vadd.f32 $9.999999930e-09, v23;
	(erf) = vrcp.f32 v19;
	v11 =	vpop (erf);
	[tilespmem:s13+$0xFFFFFFF0] =	vst v18;
	s13 =	smov.u32 s26;
	s26 =	smov.u32 s17  }
0x55: {  	(erf) = vrcp.f32 v14;
	v39 =	vadd.f32 v11, v15  }
0x56: {  	v13 =	vadd.f32 $9.999999930e-09, v13;
	(erf) = vrcp.f32 v16  }
0x57: {  	v40 =	vpop (erf);
	(erf) = vrcp.f32 v39  }
0x58: {  	v41 =	vpop (erf);
	(erf) = vrcp.f32 v13  }
0x59: {  	v42 =	vpop (erf)  }
0x5a: {  	v43 =	vadd.f32 v12, v40;
	v17 =	vpop (erf)  }
0x5b: {  	v18 =	vpop (erf)  }
0x5c: {  	v16 =	vadd.f32 v42, v43;
	v19 =	vpop (erf)  }
0x5d: {  	v20 =	vadd.f32 v19, v18;
	v21 =	vpop (erf)  }
0x5e: {  	(erf) = vrcp.f32 v16;
	v44 =	vpop (erf)  }
0x5f: {  	v3 =	vmul.f32 v41, v3;
	v20 =	vadd.f32 v44, v20;
	v22 =	vpop (erf)  }
0x60: {  	v4 =	vmul.f32 v41, v4;
	v23 =	vadd.f32 v21, v22;
	v24 =	vpop (erf)  }
0x61: {  	[tilespmem:s1+$0x0] =	vst v3;
	v3 =	vmul.f32 v41, v5;
	(erf) = vrcp.f32 v20;
	v45 =	vpop (erf)  }
0x62: {  	[tilespmem:s0+$0x0] =	vst v4;
	v46 =	vmul.f32 v17, v6;
	v47 =	vadd.f32 v45, v23  }
0x63: {  	[tilespmem:s13+$0x0] =	vst v3;
	v3 =	vmul.f32 v17, v8  }
0x64: {  	v7 =	vmul.f32 v17, v7;
	[tilespmem:s1+$0xFFFFFFF0] =	vst v46;
	(erf) = vrcp.f32 v47  }
0x65: {  	[tilespmem:s0+$0xFFFFFFF0] =	vst v3;
	v3 =	vmul.f32 v24, v9  }
0x66: {  	[tilespmem:s13+$0xFFFFFFF0] =	vst v7;
	v48 =	vmul.f32 v24, v10  }
0x67: {  	[tilespmem:s14+$0x0] =	vst v3;
	v3 =	vmul.f32 v24, v11;
	v49 =	vpop (erf)  }
0x68: {  	v50 =	vmul.f32 v49, v40;
	[tilespmem:s25+$0x0] =	vst v48  }
0x69: {  	v51 =	vmul.f32 v49, v12;
	[tilespmem:s26+$0x0] =	vst v3  }
0x6a: {  	v3 =	vmul.f32 v49, v42;
	[tilespmem:s14+$0xFFFFFFF0] =	vst v50;
	v52 =	vpop (erf)  }
0x6b: {  	[tilespmem:s25+$0xFFFFFFF0] =	vst v51;
	v53 =	vmul.f32 v52, v18  }
0x6c: {  	[tilespmem:s26+$0xFFFFFFF0] =	vst v3;
	v3 =	vmul.f32 v52, v19  }
0x6d: {  	v54 =	vmul.f32 v52, v44;
	[tilespmem:s28+$0x0] =	vst v53;
	v55 =	vpop (erf)  }
0x6e: {  	v56 =	vmul.f32 v55, v22;
	[tilespmem:s30+$0x0] =	vst v3  }
0x6f: {  	v3 =	vmul.f32 v55, v21;
	[tilespmem:s29+$0x0] =	vst v54  }
0x70: {  	v57 =	vmul.f32 v55, v45;
	[tilespmem:s28+$0xFFFFFFF0] =	vst v56  }
0x71: {  	[tilespmem:s30+$0xFFFFFFF0] =	vst v3  }
0x72: {  	[tilespmem:s29+$0xFFFFFFF0] =	vst v57  }
0x73: {  	v3 =	vld [tilespmem:$0x0];
	_ =	sdelay $0x4  }
0x74: {  	v58 =	vshll.u32 v3, $0x1  }
0x75: {  	v3 =	vand.u32 $0x7, v3;
	v4 =	vand.u32 $0xFFFFFFF0, v58  }
0x76: {  	v3 =	vor.u32 v3, v4  }
0x77: {  	v4 =	vperm.xlane v3, v0;
	_ =	sdelay $0x1  }
0x78: {  	v3 =	vperm.xlane v3, v2;
	v4 =	vadd.s32 v1, v4;
	_ =	sdelay $0x1  }
0x79: {  	v3 =	vadd.s32 v1, v3;
	_ =	sdelay $0x1  }
0x7a: {  	s31 =	simm.s32 $0xC00;
	s25 =	simm.s32 $0x0  }
0x7b: {  	[tilespmem:s31], [sflag:$0x1] =	stream.indirect_vreg.gather [hbm4b:s2+s25], $0x80, v4, vm0, $0xb8;
	[tilespmem:$0x10C00] =	vst v63  }
0x7c: {  	s1 =	simm.s32 $0x1400  }
0x7d: {  	[tilespmem:s1], [sflag:$0x1] =	stream.indirect_vreg.gather [hbm4b:s2+s25], $0x80, v3, vm0, $0xb8;
	[tilespmem:$0x10C00] =	vst v63  }
0x7e: {  	v3 =	vld [tilespmem:$0x10];
	_ =	sdelay $0x4  }
0x7f: {  	v59 =	vshll.u32 v3, $0x1  }
0x80: {  	v3 =	vand.u32 $0x7, v3;
	v4 =	vand.u32 $0xFFFFFFF0, v59  }
0x81: {  	v3 =	vor.u32 v3, v4  }
0x82: {  	v4 =	vperm.xlane v3, v0;
	_ =	sdelay $0x1  }
0x83: {  	v3 =	vperm.xlane v3, v2;
	v4 =	vadd.s32 v1, v4;
	_ =	sdelay $0x1  }
0x84: {  	v3 =	vadd.s32 v1, v3;
	_ =	sdelay $0x1  }
0x85: {  	s13 =	simm.s32 $0x1C00  }
0x86: {  	[tilespmem:s13], [sflag:$0x1] =	stream.indirect_vreg.gather [hbm4b:s2+s25], $0x80, v4, vm0, $0xb8;
	[tilespmem:$0x10C00] =	vst v63  }
0x87: {  	s14 =	simm.s32 $0x2400  }
0x88: {  	[tilespmem:s14], [sflag:$0x1] =	stream.indirect_vreg.gather [hbm4b:s2+s25], $0x80, v3, vm0, $0xb8;
	[tilespmem:$0x10C00] =	vst v63  }
0x89: {  	v3 =	vld [tilespmem:$0x200];
	_ =	sdelay $0x4  }
0x8a: {  	v60 =	vshll.u32 v3, $0x1  }
0x8b: {  	v3 =	vand.u32 $0x7, v3;
	v4 =	vand.u32 $0xFFFFFFF0, v60  }
0x8c: {  	v3 =	vor.u32 v3, v4  }
0x8d: {  	v4 =	vperm.xlane v3, v0;
	_ =	sdelay $0x1  }
0x8e: {  	v3 =	vperm.xlane v3, v2;
	v4 =	vadd.s32 v1, v4;
	_ =	sdelay $0x1  }
0x8f: {  	v3 =	vadd.s32 v1, v3;
	_ =	sdelay $0x1  }
0x90: {  	s15 =	simm.s32 $0x2C00  }
0x91: {  	[tilespmem:s15], [sflag:$0x2] =	stream.indirect_vreg.gather [hbm4b:s2+s25], $0x80, v4, vm0, $0xb8;
	[tilespmem:$0x10C00] =	vst v63  }
0x92: {  	s16 =	simm.s32 $0x3400  }
0x93: {  	[tilespmem:s16], [sflag:$0x2] =	stream.indirect_vreg.gather [hbm4b:s2+s25], $0x80, v3, vm0, $0xb8;
	[tilespmem:$0x10C00] =	vst v63  }
0x94: {  	v3 =	vld [tilespmem:$0x210];
	_ =	sdelay $0x4  }
0x95: {  	v61 =	vshll.u32 v3, $0x1  }
0x96: {  	v3 =	vand.u32 $0x7, v3;
	v4 =	vand.u32 $0xFFFFFFF0, v61  }
0x97: {  	v3 =	vor.u32 v3, v4  }
0x98: {  	v4 =	vperm.xlane v3, v0;
	_ =	sdelay $0x1  }
0x99: {  	v3 =	vperm.xlane v3, v2;
	v4 =	vadd.s32 v1, v4;
	_ =	sdelay $0x1  }
0x9a: {  	v3 =	vadd.s32 v1, v3;
	_ =	sdelay $0x1  }
0x9b: {  	s17 =	simm.s32 $0x3C00  }
0x9c: {  	[tilespmem:s17], [sflag:$0x2] =	stream.indirect_vreg.gather [hbm4b:s2+s25], $0x80, v4, vm0, $0xb8;
	[tilespmem:$0x10C00] =	vst v63  }
0x9d: {  	s18 =	simm.s32 $0x4400  }
0x9e: {  	[tilespmem:s18], [sflag:$0x2] =	stream.indirect_vreg.gather [hbm4b:s2+s25], $0x80, v3, vm0, $0xb8;
	[tilespmem:$0x10C00] =	vst v63  }
0x9f: {  	v3 =	vld [tilespmem:$0x400];
	_ =	sdelay $0x4  }
0xa0: {  	v62 =	vshll.u32 v3, $0x1  }
0xa1: {  	v3 =	vand.u32 $0x7, v3;
	v4 =	vand.u32 $0xFFFFFFF0, v62  }
0xa2: {  	v3 =	vor.u32 v3, v4  }
0xa3: {  	v4 =	vperm.xlane v3, v0;
	_ =	sdelay $0x1  }
0xa4: {  	v3 =	vperm.xlane v3, v2;
	v4 =	vadd.s32 v1, v4;
	_ =	sdelay $0x1  }
0xa5: {  	v3 =	vadd.s32 v1, v3;
	_ =	sdelay $0x1  }
0xa6: {  	s26 =	simm.s32 $0x4C00  }
0xa7: {  	[tilespmem:s26], [sflag:$0x3] =	stream.indirect_vreg.gather [hbm4b:s2+s25], $0x80, v4, vm0, $0xb8;
	[tilespmem:$0x10C00] =	vst v63  }
0xa8: {  	s29 =	simm.s32 $0x5400  }
0xa9: {  	[tilespmem:s29], [sflag:$0x3] =	stream.indirect_vreg.gather [hbm4b:s2+s25], $0x80, v3, vm0, $0xb8;
	[tilespmem:$0x10C00] =	vst v63  }
0xaa: {  	v3 =	vld [tilespmem:$0x410];
	_ =	sdelay $0x4  }
0xab: {  	v63 =	vshll.u32 v3, $0x1  }
0xac: {  	v3 =	vand.u32 $0x7, v3;
	v4 =	vand.u32 $0xFFFFFFF0, v63  }
0xad: {  	v3 =	vor.u32 v3, v4  }
0xae: {  	v4 =	vperm.xlane v3, v0;
	_ =	sdelay $0x1  }
0xaf: {  	v3 =	vperm.xlane v3, v2;
	v4 =	vadd.s32 v1, v4;
	_ =	sdelay $0x1  }
0xb0: {  	v3 =	vadd.s32 v1, v3;
	_ =	sdelay $0x1  }
0xb1: {  	s30 =	simm.s32 $0x5C00  }
0xb2: {  	[tilespmem:s30], [sflag:$0x3] =	stream.indirect_vreg.gather [hbm4b:s2+s25], $0x80, v4, vm0, $0xb8;
	[tilespmem:$0x10C00] =	vst v63  }
0xb3: {  	s28 =	simm.s32 $0x0;
	s31 =	simm.s32 $0x6400;
	s26 =	simm.s32 $0x0  }
0xb4: {  	[tilespmem:s31], [sflag:$0x3] =	stream.indirect_vreg.gather [hbm4b:s2+s25], $0x80, v3, vm0, $0xb8;
	[tilespmem:$0x10C00] =	vst v63  }
.LBB2_4:
0xb5: {  	s30 =	sshll.u32 s28, $0x6  }
0xb6: {  	v3 =	vld [tilespmem:s30+$0x20];
	_ =	sdelay $0x4  }
0xb7: {  	v4 =	vshll.u32 v3, $0x1  }
0xb8: {  	v3 =	vand.u32 $0x7, v3;
	v4 =	vand.u32 $0xFFFFFFF0, v4  }
0xb9: {  	v3 =	vor.u32 v3, v4  }
0xba: {  	v4 =	vperm.xlane v3, v0;
	_ =	sdelay $0x1  }
0xbb: {  	v3 =	vperm.xlane v3, v2;
	v4 =	vadd.s32 v1, v4;
	_ =	sdelay $0x1  }
0xbc: {  	v3 =	vadd.s32 v1, v3;
	_ =	sdelay $0x1  }
0xbd: {  	s0 =	simm.s32 $0x6C00  }
0xbe: {  	[tilespmem:s0], [sflag:$0x4] =	stream.indirect_vreg.gather [hbm4b:s2+s3], $0x80, v4, vm0, $0xb8;
	[tilespmem:$0x10C00] =	vst v63  }
0xbf: {  	s18 =	simm.s32 $0x7400  }
0xc0: {  	[tilespmem:s18], [sflag:$0x4] =	stream.indirect_vreg.gather [hbm4b:s2+s3], $0x80, v3, vm0, $0xb8;
	[tilespmem:$0x10C00] =	vst v63  }
0xc1: {  	v3 =	vld [tilespmem:s30+$0x30];
	_ =	sdelay $0x4  }
0xc2: {  	v4 =	vshll.u32 v3, $0x1  }
0xc3: {  	v3 =	vand.u32 $0x7, v3;
	v4 =	vand.u32 $0xFFFFFFF0, v4  }
0xc4: {  	v3 =	vor.u32 v3, v4  }
0xc5: {  	v4 =	vperm.xlane v3, v0;
	_ =	sdelay $0x1  }
0xc6: {  	v3 =	vperm.xlane v3, v2;
	v4 =	vadd.s32 v1, v4;
	_ =	sdelay $0x1  }
0xc7: {  	v3 =	vadd.s32 v1, v3;
	_ =	sdelay $0x1  }
0xc8: {  	s1 =	simm.s32 $0x7C00  }
0xc9: {  	[tilespmem:s1], [sflag:$0x4] =	stream.indirect_vreg.gather [hbm4b:s2+s3], $0x80, v4, vm0, $0xb8;
	[tilespmem:$0x10C00] =	vst v63  }
0xca: {  	s13 =	simm.s32 $0x8400  }
0xcb: {  	[tilespmem:s13], [sflag:$0x4] =	stream.indirect_vreg.gather [hbm4b:s2+s3], $0x80, v3, vm0, $0xb8;
	[tilespmem:$0x10C00] =	vst v63  }
0xcc: {  	v3 =	vld [tilespmem:s30+$0x220];
	_ =	sdelay $0x4  }
0xcd: {  	v4 =	vshll.u32 v3, $0x1  }
0xce: {  	v3 =	vand.u32 $0x7, v3;
	v4 =	vand.u32 $0xFFFFFFF0, v4  }
0xcf: {  	v3 =	vor.u32 v3, v4  }
0xd0: {  	v4 =	vperm.xlane v3, v0;
	_ =	sdelay $0x1  }
0xd1: {  	v3 =	vperm.xlane v3, v2;
	v4 =	vadd.s32 v1, v4;
	_ =	sdelay $0x1  }
0xd2: {  	v3 =	vadd.s32 v1, v3;
	_ =	sdelay $0x1  }
0xd3: {  	s14 =	simm.s32 $0x8C00  }
0xd4: {  	[tilespmem:s14], [sflag:$0x5] =	stream.indirect_vreg.gather [hbm4b:s2+s3], $0x80, v4, vm0, $0xb8;
	[tilespmem:$0x10C00] =	vst v63  }
0xd5: {  	s15 =	simm.s32 $0x9400  }
0xd6: {  	[tilespmem:s15], [sflag:$0x5] =	stream.indirect_vreg.gather [hbm4b:s2+s3], $0x80, v3, vm0, $0xb8;
	[tilespmem:$0x10C00] =	vst v63  }
0xd7: {  	v3 =	vld [tilespmem:s30+$0x230];
	_ =	sdelay $0x4  }
0xd8: {  	v4 =	vshll.u32 v3, $0x1  }
0xd9: {  	v3 =	vand.u32 $0x7, v3;
	v4 =	vand.u32 $0xFFFFFFF0, v4  }
0xda: {  	v3 =	vor.u32 v3, v4  }
0xdb: {  	v4 =	vperm.xlane v3, v0;
	_ =	sdelay $0x1  }
0xdc: {  	v3 =	vperm.xlane v3, v2;
	v4 =	vadd.s32 v1, v4;
	_ =	sdelay $0x1  }
0xdd: {  	v3 =	vadd.s32 v1, v3;
	_ =	sdelay $0x1  }
0xde: {  	s16 =	simm.s32 $0x9C00  }
0xdf: {  	[tilespmem:s16], [sflag:$0x5] =	stream.indirect_vreg.gather [hbm4b:s2+s3], $0x80, v4, vm0, $0xb8;
	[tilespmem:$0x10C00] =	vst v63  }
0xe0: {  	_ = 	snop  }
0xe1: {  	[tilespmem:s6], [sflag:$0x5] =	stream.indirect_vreg.gather [hbm4b:s2+s3], $0x80, v3, vm0, $0xb8;
	[tilespmem:$0x10C00] =	vst v63  }
0xe2: {  	v3 =	vld [tilespmem:s30+$0x420];
	_ =	sdelay $0x4  }
0xe3: {  	v4 =	vshll.u32 v3, $0x1  }
0xe4: {  	v3 =	vand.u32 $0x7, v3;
	v4 =	vand.u32 $0xFFFFFFF0, v4  }
0xe5: {  	v3 =	vor.u32 v3, v4  }
0xe6: {  	v4 =	vperm.xlane v3, v0;
	_ =	sdelay $0x1  }
0xe7: {  	v3 =	vperm.xlane v3, v2;
	v4 =	vadd.s32 v1, v4;
	_ =	sdelay $0x1  }
0xe8: {  	v3 =	vadd.s32 v1, v3;
	_ =	sdelay $0x2  }
0xe9: {  	[tilespmem:s7], [sflag:$0x6] =	stream.indirect_vreg.gather [hbm4b:s2+s3], $0x80, v4, vm0, $0xb8;
	[tilespmem:$0x10C00] =	vst v63  }
0xea: {  	_ = 	snop  }
0xeb: {  	[tilespmem:s8], [sflag:$0x6] =	stream.indirect_vreg.gather [hbm4b:s2+s3], $0x80, v3, vm0, $0xb8;
	[tilespmem:$0x10C00] =	vst v63  }
0xec: {  	v3 =	vld [tilespmem:s30+$0x430];
	_ =	sdelay $0x4  }
0xed: {  	v4 =	vshll.u32 v3, $0x1  }
0xee: {  	v3 =	vand.u32 $0x7, v3;
	v4 =	vand.u32 $0xFFFFFFF0, v4  }
0xef: {  	v3 =	vor.u32 v3, v4  }
0xf0: {  	v4 =	vperm.xlane v3, v0;
	_ =	sdelay $0x1  }
0xf1: {  	v3 =	vperm.xlane v3, v2;
	v4 =	vadd.s32 v1, v4;
	_ =	sdelay $0x1  }
0xf2: {  	v3 =	vadd.s32 v1, v3;
	_ =	sdelay $0x2  }
0xf3: {  	[tilespmem:s9], [sflag:$0x6] =	stream.indirect_vreg.gather [hbm4b:s2+s3], $0x80, v4, vm0, $0xb8;
	[tilespmem:$0x10C00] =	vst v63  }
0xf4: {  	_ = 	snop  }
0xf5: {  	[tilespmem:s10], [sflag:$0x6] =	stream.indirect_vreg.gather [hbm4b:s2+s3], $0x80, v3, vm0, $0xb8;
	[tilespmem:$0x10C00] =	vst v63  }
0xf6: {  	_ =	swait.ge [sflag:s11], $0x2000  }
0xf7: {  	[sflag:s11] =	ssyncset.done $0x0  }
0xf8: {  	[sflag:s11] =	ssyncadd.s32 $0xFFFFE000  }
0xf9: {  	_ =	swait.ge [sflag:s12], $0x2000  }
0xfa: {  	[sflag:s12] =	ssyncset.done $0x0  }
0xfb: {  	[sflag:s12] =	ssyncadd.s32 $0xFFFFE000  }
0xfc: {  	_ =	swait.ge [sflag:s19], $0x2000  }
0xfd: {  	p0 =	seq.s32 s28, $0x0;
	[sflag:s19] =	ssyncset.done $0x0  }
0xfe: {  	s0 =	simm.s32 @!p0 $0x7;
	[sflag:s19] =	ssyncadd.s32 $0xFFFFE000  }
0xff: {  	_ =	swait.ge @!p0 [sflag:s0], $0x2000  }
0x100: {  	s1 =	sand.u32 $0x1800, s25;
	s13 =	sand.u32 $0x380, s25;
	[sflag:s0] =	ssyncset.done @!p0 $0x0  }
0x101: {  	s31 =	sor.u32 s13, s1;
	[sflag:s0] =	ssyncadd.s32 @!p0 $0xFFFFE000  }
0x102: {  	v3 =	vld [tilespmem:s31+$0x5010]  }
0x103: {  	v8 =	vld [tilespmem:s31+$0x1000]  }
0x104: {  	v6 =	vld [tilespmem:s31+$0x5000]  }
0x105: {  	v11 =	vld [tilespmem:s31+$0x3000]  }
0x106: {  	v16 =	vld [tilespmem:s31+$0x2C60]  }
0x107: {  	v20 =	vld [tilespmem:s31+$0x2C50]  }
0x108: {  	v21 =	vld [tilespmem:s31+$0xC50]  }
0x109: {  	v7 =	vld [tilespmem:s31+$0x5040]  }
0x10a: {  	v24 =	vld [tilespmem:s31+$0x2C40]  }
0x10b: {  	v10 =	vld [tilespmem:s31+$0xC60]  }
0x10c: {  	v13 =	vld [tilespmem:s31+$0xC40]  }
0x10d: {  	v17 =	vld [tilespmem:s31+$0x2C30]  }
0x10e: {  	v18 =	vld [tilespmem:s31+$0x5020]  }
0x10f: {  	s17 =	sand.u32 $0xF, s25;
	s18 =	sadd.s32 $0x0, s26;
	v19 =	vld [tilespmem:s31+$0x4C60]  }
0x110: {  	p1 =	sne.s32 s17, $0x0;
	p2 =	seq.s32 s18, $0x0;
	v22 =	vld [tilespmem:s31+$0x2C00]  }
0x111: {  	p1 =	por !p2, !p1;
	v12 =	vld [tilespmem:s31+$0xC20]  }
0x112: {  	p1 =	por !p1, !p1;
	s0 =	simm.s32 $0xFFFFFFFF;
	v23 =	vld [tilespmem:s31+$0x2C10]  }
0x113: {  	s0 =	simm.s32 @!p1 $0x0;
	v29 =	vld [tilespmem:s31+$0xC30]  }
0x114: {  	v15 =	vld [tilespmem:s31+$0xC00];
	s0 =	sshll.u32 s0, $0x4  }
0x115: {  	v26 =	vld [tilespmem:s31+$0x3010];
	s0 =	sadd.s32 s0, s18  }
0x116: {  	v28 =	vld [tilespmem:s31+$0x1020];
	s0 =	sand.u32 $0xFFFFFFF0, s0  }
0x117: {  	v4 =	vld [tilespmem:s0+$0x600]  }
0x118: {  	v9 =	vmov s18;
	v5 =	vld [tilespmem:s0+$0x800]  }
0x119: {  	v9 =	vand.u32 $0xF, v9;
	v25 =	vld [tilespmem:s0+$0xA00]  }
0x11a: {  	v31 =	vbroadcast v9, $0x0;
	v27 =	vld [tilespmem:s31+$0x3020]  }
0x11b: {  	v32 =	vld [tilespmem:s31+$0x3030]  }
0x11c: {  	v30 =	vld [tilespmem:s31+$0x1030];
	v4 =	vperm.xlane v4, v31  }
0x11d: {  	v14 =	vld [tilespmem:s31+$0x1040];
	v9 =	vperm.xlane v5, v31  }
0x11e: {  	v33 =	vld [tilespmem:s31+$0x3040];
	v5 =	vperm.xlane v25, v31;
	v34 =	vmul.f32 v10, v4  }
0x11f: {  	v37 =	vld [tilespmem:s31+$0x1060];
	v35 =	vmul.f32 v27, v9;
	v36 =	vmul.f32 v15, v4  }
0x120: {  	v38 =	vld [tilespmem:s31+$0x3060];
	v3 =	vmul.f32 v3, v5;
	v32 =	vmul.f32 v32, v9  }
0x121: {  	v39 =	vld [tilespmem:s31+$0x1070];
	v10 =	vmul.f32 v7, v5;
	v12 =	vmul.f32 v12, v4  }
0x122: {  	v58 =	vld [tilespmem:s31+$0x3070];
	v7 =	vmul.f32 v26, v9;
	v26 =	vmul.f32 v6, v5  }
0x123: {  	v40 =	vld [tilespmem:s31+$0x4C00];
	v15 =	vmul.f32 v33, v9;
	v6 =	vmul.f32 v13, v4  }
0x124: {  	v41 =	vld [tilespmem:s31+$0x4C10];
	v11 =	vmul.f32 v11, v9;
	v13 =	vmul.f32 v8, v4  }
0x125: {  	v59 =	vld [tilespmem:s31+$0x4C30];
	v8 =	vmul.f32 v23, v9;
	v42 =	vmul.f32 v19, v5  }
0x126: {  	v45 =	vld [tilespmem:s31+$0x4C50];
	v22 =	vmul.f32 v22, v9;
	v43 =	vmul.f32 v16, v9  }
0x127: {  	v46 =	vld [tilespmem:s31+$0x5050];
	v44 =	vmul.f32 v58, v9;
	v30 =	vmul.f32 v30, v4  }
0x128: {  	v31 =	vld [tilespmem:s31+$0x1050];
	v60 =	vmul.f32 v17, v9;
	v61 =	vmul.f32 v20, v9  }
0x129: {  	v25 =	vld [tilespmem:s31+$0x3050];
	v47 =	vmul.f32 v39, v4;
	v63 =	vmul.f32 v29, v4  }
0x12a: {  	v23 =	vld [tilespmem:s31+$0x4C20];
	v37 =	vmul.f32 v37, v4;
	v11 =	vadd.f32 v11, v13;
	v13 =	vmul.f32 v18, v5  }
0x12b: {  	v62 =	vld [tilespmem:s31+$0x5060];
	v20 =	vadd.f32 v32, v30;
	v33 =	vadd.f32 v22, v36;
	v30 =	vmul.f32 v21, v4  }
0x12c: {  	v16 =	vld [tilespmem:s31+$0x4C40];
	v22 =	vmul.f32 v45, v5;
	v18 =	vadd.f32 v26, v11;
	v26 =	vmul.f32 v28, v4  }
0x12d: {  	v19 =	vld [tilespmem:s31+$0xC10];
	v21 =	vmul.f32 v24, v9;
	v36 =	vmul.f32 v46, v5  }
0x12e: {  	v27 =	vmul.f32 v25, v9;
	v25 =	vmul.f32 v38, v9;
	[tilespmem:s31+$0xD000] =	vst v18;
	v18 =	vadd.f32 v35, v26;
	v35 =	vld [tilespmem:s31+$0x5070]  }
0x12f: {  	v34 =	vadd.f32 v43, v34;
	v39 =	vmul.f32 v31, v4;
	v17 =	vmul.f32 v23, v5;
	v23 =	vld [tilespmem:s31+$0x2C20]  }
0x130: {  	v29 =	vld [tilespmem:s31+$0x1010];
	v38 =	vadd.f32 v44, v47;
	v28 =	vmul.f32 v40, v5;
	v11 =	vmul.f32 v41, v5  }
0x131: {  	s29 =	sor.u32 $0x20, s30;
	s13 =	simm.s32 $0x80;
	v31 =	vld [tilespmem:s31+$0xC70];
	v24 =	vadd.f32 v61, v30;
	v40 =	vadd.f32 v42, v34;
	v34 =	vmul.f32 v62, v5  }
0x132: {  	s1 =	simm.s32 $0x100;
	s14 =	sadd.s32 $0x1, s26;
	s0 =	simm.s32 $0x1;
	v32 =	vld [tilespmem:s31+$0x2C70];
	v30 =	vadd.f32 v60, v63;
	v16 =	vmul.f32 v16, v5;
	v26 =	vmul.f32 v59, v5  }
.LBB2_5:
0x133: {  	s15 =	sand.u32 $0xF, s0;
	s16 =	sand.u32 $0x1800, s1;
	s17 =	sand.u32 $0x380, s13;
	v28 =	vadd.f32 v28, v33;
	[tilespmem:s31+$0xCC60] =	vst v40;
	v33 =	vld [tilespmem:s31+$0x5030];
	v27 =	vadd.f32 v27, v39;
	v35 =	vmul.f32 v35, v5  }
0x134: {  	s18 =	sadd.s32 s0, s26;
	v14 =	vmul.f32 v14, v4;
	v37 =	vadd.f32 v25, v37;
	p2 =	sne.s32 s15, $0x0;
	s15 =	sor.u32 s17, s16;
	v23 =	vmul.f32 v23, v9;
	v39 =	vld [tilespmem:s31+$0x4C70]  }
0x135: {  	p1 =	sne.s32 s13, $0xF80;
	s13 =	sadd.s32 $0x80, s13;
	p3 =	seq.s32 s18, $0x0;
	v40 =	vld [tilespmem:s15+$0x5010];
	[tilespmem:s31+$0xCC00] =	vst v28;
	v28 =	vmul.f32 v29, v4;
	v27 =	vadd.f32 v36, v27;
	v29 =	vadd.f32 v35, v38  }
0x136: {  	p2 =	por !p3, !p2;
	v25 =	vld [tilespmem:s15+$0x1000];
	v12 =	vadd.f32 v23, v12;
	v23 =	vmul.f32 v31, v4;
	v31 =	vadd.f32 v34, v37  }
0x137: {  	s16 =	simm.s32 $0xFFFFFFFF;
	v14 =	vadd.f32 v15, v14;
	p2 =	por !p2, !p2;
	v34 =	vmov s18;
	v35 =	vld [tilespmem:s15+$0x5000];
	v9 =	vmul.f32 v32, v9;
	[tilespmem:s31+$0xD050] =	vst v27  }
0x138: {  	v30 =	vadd.f32 v26, v30;
	s16 =	simm.s32 @!p2 $0x0;
	v15 =	vand.u32 $0xF, v34;
	v27 =	vld [tilespmem:s15+$0x3000];
	v32 =	vmul.f32 v33, v5  }
0x139: {  	v4 =	vmul.f32 v19, v4;
	v10 =	vadd.f32 v10, v14;
	s16 =	sshll.u32 s16, $0x4;
	v33 =	vld [tilespmem:s15+$0x2C60];
	v5 =	vmul.f32 v39, v5;
	[tilespmem:s31+$0xD070] =	vst v29  }
0x13a: {  	s16 =	sadd.s32 s16, s18;
	v9 =	vadd.f32 v9, v23;
	v26 =	vld [tilespmem:s15+$0x2C50];
	[tilespmem:s31+$0xCC30] =	vst v30;
	v14 =	vadd.f32 v32, v20  }
0x13b: {  	v7 =	vadd.f32 v7, v28;
	v12 =	vadd.f32 v17, v12;
	s16 =	sand.u32 $0xFFFFFFF0, s16;
	v23 =	vld [tilespmem:s15+$0xC50];
	[tilespmem:s31+$0xD040] =	vst v10  }
0x13c: {  	v13 =	vadd.f32 v13, v18;
	v17 =	vadd.f32 v22, v24;
	v10 =	vld [tilespmem:s15+$0x5040];
	[tilespmem:s31+$0xD060] =	vst v31  }
0x13d: {  	v6 =	vadd.f32 v21, v6;
	v3 =	vadd.f32 v3, v7;
	v24 =	vld [tilespmem:s15+$0x2C40];
	[tilespmem:s31+$0xD030] =	vst v14  }
0x13e: {  	v4 =	vadd.f32 v8, v4;
	v5 =	vadd.f32 v5, v9;
	v7 =	vld [tilespmem:s15+$0xC60];
	[tilespmem:s31+$0xD020] =	vst v13  }
0x13f: {  	v6 =	vadd.f32 v16, v6;
	v8 =	vld [tilespmem:s15+$0xC40];
	[tilespmem:s31+$0xCC50] =	vst v17  }
0x140: {  	v4 =	vadd.f32 v11, v4;
	v16 =	vld [tilespmem:s15+$0x2C30];
	[tilespmem:s31+$0xCC70] =	vst v5  }
0x141: {  	v11 =	vld [tilespmem:s15+$0x5020];
	[tilespmem:s31+$0xD010] =	vst v3  }
0x142: {  	v13 =	vld [tilespmem:s15+$0x4C60];
	[tilespmem:s31+$0xCC20] =	vst v12  }
0x143: {  	v17 =	vld [tilespmem:s15+$0x2C00];
	[tilespmem:s31+$0xCC40] =	vst v6  }
0x144: {  	v6 =	vld [tilespmem:s15+$0xC20];
	[tilespmem:s31+$0xCC10] =	vst v4;
	s31 =	smov.u32 s15  }
0x145: {  	v18 =	vld [tilespmem:s31+$0x2C10]  }
0x146: {  	v21 =	vld [tilespmem:s31+$0xC30]  }
0x147: {  	v3 =	vld [tilespmem:s31+$0xC00]  }
0x148: {  	v4 =	vld [tilespmem:s16+$0x600]  }
0x149: {  	v5 =	vld [tilespmem:s16+$0x800]  }
0x14a: {  	v12 =	vld [tilespmem:s16+$0xA00]  }
0x14b: {  	v19 =	vld [tilespmem:s31+$0x3010]  }
0x14c: {  	v20 =	vld [tilespmem:s31+$0x1020]  }
0x14d: {  	v22 =	vld [tilespmem:s31+$0x3020]  }
0x14e: {  	v15 =	vbroadcast v15, $0x0;
	v29 =	vld [tilespmem:s31+$0x1030]  }
0x14f: {  	v28 =	vld [tilespmem:s31+$0x3030]  }
0x150: {  	v4 =	vperm.xlane v4, v15;
	v9 =	vperm.xlane v5, v15;
	v14 =	vld [tilespmem:s31+$0x1040]  }
0x151: {  	v5 =	vperm.xlane v12, v15;
	v15 =	vld [tilespmem:s31+$0x3040]  }
0x152: {  	v30 =	vmul.f32 v7, v4;
	v22 =	vmul.f32 v22, v9;
	v31 =	vld [tilespmem:s31+$0x1050]  }
0x153: {  	v32 =	vmul.f32 v3, v4;
	v3 =	vmul.f32 v40, v5;
	v34 =	vld [tilespmem:s31+$0x3050]  }
0x154: {  	v10 =	vmul.f32 v10, v5;
	v36 =	vmul.f32 v28, v9;
	v37 =	vld [tilespmem:s31+$0x1060]  }
0x155: {  	v12 =	vmul.f32 v6, v4;
	v7 =	vmul.f32 v19, v9;
	v19 =	vld [tilespmem:s31+$0x3060]  }
0x156: {  	v28 =	vmul.f32 v35, v5;
	v15 =	vmul.f32 v15, v9;
	v35 =	vld [tilespmem:s31+$0x1070]  }
0x157: {  	v6 =	vmul.f32 v8, v4;
	v38 =	vmul.f32 v27, v9;
	v39 =	vld [tilespmem:s31+$0x3070]  }
0x158: {  	v25 =	vmul.f32 v25, v4;
	v40 =	vld [tilespmem:s31+$0x4C00];
	v27 =	vmul.f32 v34, v9  }
0x159: {  	v8 =	vmul.f32 v18, v9;
	v34 =	vmul.f32 v13, v5;
	v18 =	vld [tilespmem:s31+$0x4C10]  }
0x15a: {  	v38 =	vadd.f32 v38, v25;
	v13 =	vmul.f32 v11, v5;
	v41 =	vld [tilespmem:s31+$0x4C20];
	v25 =	vmul.f32 v19, v9  }
0x15b: {  	v42 =	vmul.f32 v17, v9;
	v44 =	vmul.f32 v33, v9;
	v43 =	vld [tilespmem:s31+$0x4C30]  }
0x15c: {  	v20 =	vmul.f32 v20, v4;
	v17 =	vadd.f32 v28, v38;
	v45 =	vld [tilespmem:s31+$0x4C40];
	v38 =	vmul.f32 v39, v9  }
0x15d: {  	v29 =	vmul.f32 v29, v4;
	v28 =	vmul.f32 v40, v5;
	v39 =	vld [tilespmem:s31+$0x4C50]  }
0x15e: {  	v46 =	vmul.f32 v16, v9;
	v19 =	vld [tilespmem:s31+$0xC10];
	v11 =	vmul.f32 v18, v5;
	[tilespmem:s31+$0xD000] =	vst v17;
	v18 =	vadd.f32 v22, v20  }
0x15f: {  	v40 =	vmul.f32 v26, v9;
	v20 =	vadd.f32 v36, v29;
	v17 =	vmul.f32 v41, v5;
	v36 =	vld [tilespmem:s31+$0x5050]  }
0x160: {  	v33 =	vadd.f32 v42, v32;
	v42 =	vmul.f32 v35, v4;
	v26 =	vmul.f32 v43, v5;
	v41 =	vld [tilespmem:s31+$0x5060]  }
.Ltmp1:
0x161: {  	v29 =	vmul.f32 v23, v4;
	v16 =	vmul.f32 v45, v5;
	v35 =	vld [tilespmem:s31+$0x5070];
	(pc) =	sbr.rel @p1 .LBB2_5-.Ltmp1, $4  }
0x162: {  	v32 =	vmul.f32 v21, v4;
	v30 =	vadd.f32 v44, v30;
	v23 =	vld [tilespmem:s31+$0x2C20];
	v22 =	vmul.f32 v39, v5  }
0x163: {  	v21 =	vmul.f32 v24, v9;
	v24 =	vadd.f32 v40, v29;
	v39 =	vmul.f32 v31, v4;
	v29 =	vld [tilespmem:s31+$0x1010]  }
0x164: {  	v37 =	vmul.f32 v37, v4;
	v40 =	vadd.f32 v34, v30;
	v31 =	vld [tilespmem:s31+$0xC70];
	v36 =	vmul.f32 v36, v5  }
0x165: {  	s0 =	sadd.s32 $0x1, s0;
	s1 =	sadd.s32 $0x100, s1;
	s14 =	sadd.s32 $0x1, s14;
	v38 =	vadd.f32 v38, v42;
	v30 =	vadd.f32 v46, v32;
	v32 =	vld [tilespmem:s31+$0x2C70];
	v34 =	vmul.f32 v41, v5  }
0x166: {  	v28 =	vadd.f32 v28, v33  }
0x167: {  	[tilespmem:s31+$0xCC60] =	vst v40;
	v13 =	vadd.f32 v13, v18  }
0x168: {  	v27 =	vadd.f32 v27, v39;
	v60 =	vadd.f32 v22, v24;
	[tilespmem:s31+$0xCC00] =	vst v28  }
0x169: {  	v48 =	vmul.f32 v35, v5;
	v52 =	vadd.f32 v26, v30;
	[tilespmem:s31+$0xD020] =	vst v13  }
0x16a: {  	v47 =	vld [tilespmem:s31+$0x5030];
	v14 =	vmul.f32 v14, v4;
	v51 =	vadd.f32 v25, v37;
	v27 =	vadd.f32 v36, v27;
	[tilespmem:s31+$0xCC50] =	vst v60  }
0x16b: {  	v49 =	vld [tilespmem:s31+$0x4C70];
	v6 =	vadd.f32 v21, v6;
	v50 =	vadd.f32 v48, v38;
	v57 =	vmul.f32 v29, v4;
	[tilespmem:s31+$0xCC30] =	vst v52  }
0x16c: {  	v56 =	vmul.f32 v23, v9;
	v14 =	vadd.f32 v15, v14;
	v15 =	vadd.f32 v34, v51;
	[tilespmem:s31+$0xD050] =	vst v27  }
0x16d: {  	v63 =	vadd.f32 v16, v6;
	v54 =	vmul.f32 v31, v4;
	[tilespmem:s31+$0xD070] =	vst v50;
	v7 =	vadd.f32 v7, v57  }
0x16e: {  	v10 =	vadd.f32 v10, v14;
	v55 =	vmul.f32 v32, v9;
	[tilespmem:s31+$0xD060] =	vst v15;
	v9 =	vadd.f32 v56, v12  }
0x16f: {  	v61 =	vmul.f32 v19, v4;
	[tilespmem:s31+$0xCC40] =	vst v63;
	v53 =	vmul.f32 v47, v5;
	v3 =	vadd.f32 v3, v7  }
0x170: {  	v58 =	vmul.f32 v49, v5;
	[tilespmem:s31+$0xD040] =	vst v10;
	v59 =	vadd.f32 v55, v54;
	v62 =	vadd.f32 v17, v9  }
0x171: {  	p1 =	seq.s32 s28, $0x7;
	v4 =	vadd.f32 v8, v61;
	v20 =	vadd.f32 v53, v20;
	[tilespmem:s31+$0xD010] =	vst v3  }
.Ltmp2:
0x172: {  	v5 =	vadd.f32 v58, v59;
	[tilespmem:s31+$0xCC20] =	vst v62;
	(pc) =	sbr.rel @p1 .LBB2_8-.Ltmp2, $4  }
0x173: {  	s0 =	sadd.s32 s4, s30;
	v3 =	vadd.f32 v11, v4;
	[tilespmem:s31+$0xD030] =	vst v20  }
0x174: {  	s0 =	sshll.u32 s0, $0x5;
	[tilespmem:s31+$0xCC70] =	vst v5  }
0x175: {  	s0 =	sadd.s32 s5, s0;
	[tilespmem:s31+$0xCC10] =	vst v3  }
0x176: {  	[hbm4b:s0+s3] =	stream.linear.scatter [tilespmem:s20], [sflag:$0x7], $0x2000, $0x38;
	[tilespmem:$0x10C00] =	vst v63  }
0x177: {  	v3 =	vld [tilespmem:s30+$0x40];
	_ =	sdelay $0x4  }
0x178: {  	v4 =	vshll.u32 v3, $0x1  }
0x179: {  	v3 =	vand.u32 $0x7, v3;
	v4 =	vand.u32 $0xFFFFFFF0, v4  }
0x17a: {  	v3 =	vor.u32 v3, v4  }
0x17b: {  	v4 =	vperm.xlane v3, v0;
	_ =	sdelay $0x1  }
0x17c: {  	v3 =	vperm.xlane v3, v2;
	v4 =	vadd.s32 v1, v4;
	_ =	sdelay $0x1  }
0x17d: {  	v3 =	vadd.s32 v1, v3;
	_ =	sdelay $0x1  }
0x17e: {  	s0 =	simm.s32 $0xC00  }
0x17f: {  	[tilespmem:s0], [sflag:$0x1] =	stream.indirect_vreg.gather [hbm4b:s2+s3], $0x80, v4, vm0, $0xb8;
	[tilespmem:$0x10C00] =	vst v63  }
0x180: {  	s18 =	simm.s32 $0x1400  }
0x181: {  	[tilespmem:s18], [sflag:$0x1] =	stream.indirect_vreg.gather [hbm4b:s2+s3], $0x80, v3, vm0, $0xb8;
	[tilespmem:$0x10C00] =	vst v63  }
0x182: {  	v3 =	vld [tilespmem:s30+$0x50];
	_ =	sdelay $0x4  }
0x183: {  	v59 =	vshll.u32 v3, $0x1  }
0x184: {  	v3 =	vand.u32 $0x7, v3;
	v4 =	vand.u32 $0xFFFFFFF0, v59  }
0x185: {  	v3 =	vor.u32 v3, v4  }
0x186: {  	v4 =	vperm.xlane v3, v0;
	_ =	sdelay $0x1  }
0x187: {  	v3 =	vperm.xlane v3, v2;
	v4 =	vadd.s32 v1, v4;
	_ =	sdelay $0x1  }
0x188: {  	v3 =	vadd.s32 v1, v3;
	_ =	sdelay $0x1  }
0x189: {  	s31 =	simm.s32 $0x1C00  }
0x18a: {  	[tilespmem:s31], [sflag:$0x1] =	stream.indirect_vreg.gather [hbm4b:s2+s3], $0x80, v4, vm0, $0xb8;
	[tilespmem:$0x10C00] =	vst v63  }
0x18b: {  	s1 =	simm.s32 $0x2400  }
0x18c: {  	[tilespmem:s1], [sflag:$0x1] =	stream.indirect_vreg.gather [hbm4b:s2+s3], $0x80, v3, vm0, $0xb8;
	[tilespmem:$0x10C00] =	vst v63  }
0x18d: {  	v3 =	vld [tilespmem:s30+$0x240];
	_ =	sdelay $0x4  }
0x18e: {  	v60 =	vshll.u32 v3, $0x1  }
0x18f: {  	v3 =	vand.u32 $0x7, v3;
	v4 =	vand.u32 $0xFFFFFFF0, v60  }
0x190: {  	v3 =	vor.u32 v3, v4  }
0x191: {  	v4 =	vperm.xlane v3, v0;
	_ =	sdelay $0x1  }
0x192: {  	v3 =	vperm.xlane v3, v2;
	v4 =	vadd.s32 v1, v4;
	_ =	sdelay $0x1  }
0x193: {  	v3 =	vadd.s32 v1, v3;
	_ =	sdelay $0x1  }
0x194: {  	s13 =	simm.s32 $0x2C00  }
0x195: {  	[tilespmem:s13], [sflag:$0x2] =	stream.indirect_vreg.gather [hbm4b:s2+s3], $0x80, v4, vm0, $0xb8;
	[tilespmem:$0x10C00] =	vst v63  }
0x196: {  	s14 =	simm.s32 $0x3400  }
0x197: {  	[tilespmem:s14], [sflag:$0x2] =	stream.indirect_vreg.gather [hbm4b:s2+s3], $0x80, v3, vm0, $0xb8;
	[tilespmem:$0x10C00] =	vst v63  }
0x198: {  	v3 =	vld [tilespmem:s30+$0x250];
	_ =	sdelay $0x4  }
0x199: {  	v61 =	vshll.u32 v3, $0x1  }
0x19a: {  	v3 =	vand.u32 $0x7, v3;
	v4 =	vand.u32 $0xFFFFFFF0, v61  }
0x19b: {  	v3 =	vor.u32 v3, v4  }
0x19c: {  	v4 =	vperm.xlane v3, v0;
	_ =	sdelay $0x1  }
0x19d: {  	v3 =	vperm.xlane v3, v2;
	v4 =	vadd.s32 v1, v4;
	_ =	sdelay $0x1  }
0x19e: {  	v3 =	vadd.s32 v1, v3;
	_ =	sdelay $0x1  }
0x19f: {  	s15 =	simm.s32 $0x3C00  }
0x1a0: {  	[tilespmem:s15], [sflag:$0x2] =	stream.indirect_vreg.gather [hbm4b:s2+s3], $0x80, v4, vm0, $0xb8;
	[tilespmem:$0x10C00] =	vst v63  }
0x1a1: {  	s16 =	simm.s32 $0x4400  }
0x1a2: {  	[tilespmem:s16], [sflag:$0x2] =	stream.indirect_vreg.gather [hbm4b:s2+s3], $0x80, v3, vm0, $0xb8;
	[tilespmem:$0x10C00] =	vst v63  }
0x1a3: {  	v3 =	vld [tilespmem:s30+$0x440];
	_ =	sdelay $0x4  }
0x1a4: {  	v62 =	vshll.u32 v3, $0x1  }
0x1a5: {  	v3 =	vand.u32 $0x7, v3;
	v4 =	vand.u32 $0xFFFFFFF0, v62  }
0x1a6: {  	v3 =	vor.u32 v3, v4  }
0x1a7: {  	v4 =	vperm.xlane v3, v0;
	_ =	sdelay $0x1  }
0x1a8: {  	v3 =	vperm.xlane v3, v2;
	v4 =	vadd.s32 v1, v4;
	_ =	sdelay $0x1  }
0x1a9: {  	v3 =	vadd.s32 v1, v3;
	_ =	sdelay $0x1  }
0x1aa: {  	s17 =	simm.s32 $0x4C00  }
0x1ab: {  	[tilespmem:s17], [sflag:$0x3] =	stream.indirect_vreg.gather [hbm4b:s2+s3], $0x80, v4, vm0, $0xb8;
	[tilespmem:$0x10C00] =	vst v63  }
0x1ac: {  	s18 =	simm.s32 $0x5400  }
0x1ad: {  	[tilespmem:s18], [sflag:$0x3] =	stream.indirect_vreg.gather [hbm4b:s2+s3], $0x80, v3, vm0, $0xb8;
	[tilespmem:$0x10C00] =	vst v63  }
0x1ae: {  	v3 =	vld [tilespmem:s30+$0x450];
	_ =	sdelay $0x4  }
0x1af: {  	v63 =	vshll.u32 v3, $0x1  }
0x1b0: {  	v3 =	vand.u32 $0x7, v3;
	v4 =	vand.u32 $0xFFFFFFF0, v63  }
0x1b1: {  	v3 =	vor.u32 v3, v4  }
0x1b2: {  	v4 =	vperm.xlane v3, v0;
	_ =	sdelay $0x1  }
0x1b3: {  	v3 =	vperm.xlane v3, v2;
	v4 =	vadd.s32 v1, v4;
	_ =	sdelay $0x1  }
0x1b4: {  	v3 =	vadd.s32 v1, v3;
	_ =	sdelay $0x1  }
0x1b5: {  	s30 =	simm.s32 $0x5C00  }
0x1b6: {  	[tilespmem:s30], [sflag:$0x3] =	stream.indirect_vreg.gather [hbm4b:s2+s3], $0x80, v4, vm0, $0xb8;
	[tilespmem:$0x10C00] =	vst v63  }
0x1b7: {  	s31 =	simm.s32 $0x6400  }
0x1b8: {  	[tilespmem:s31], [sflag:$0x3] =	stream.indirect_vreg.gather [hbm4b:s2+s3], $0x80, v3, vm0, $0xb8;
	[tilespmem:$0x10C00] =	vst v63  }
.LBB2_8:
0x1b9: {  	_ =	swait.ge [sflag:s21], $0x2000  }
0x1ba: {  	[sflag:s21] =	ssyncset.done $0x0  }
0x1bb: {  	[sflag:s21] =	ssyncadd.s32 $0xFFFFE000  }
0x1bc: {  	_ =	swait.ge [sflag:s22], $0x2000  }
0x1bd: {  	[sflag:s22] =	ssyncset.done $0x0  }
0x1be: {  	[sflag:s22] =	ssyncadd.s32 $0xFFFFE000  }
0x1bf: {  	_ =	swait.ge [sflag:s23], $0x2000  }
0x1c0: {  	[sflag:s23] =	ssyncset.done $0x0  }
0x1c1: {  	s0 =	simm.s32 @!p0 $0x8;
	[sflag:s23] =	ssyncadd.s32 $0xFFFFE000  }
0x1c2: {  	s1 =	simm.s32 $0x0;
	_ =	swait.ge @!p0 [sflag:s0], $0x2000  }
0x1c3: {  	s13 =	sand.u32 $0x1800, s1;
	s14 =	sand.u32 $0x380, s1;
	[sflag:s0] =	ssyncset.done @!p0 $0x0  }
0x1c4: {  	s30 =	sor.u32 s14, s13;
	[sflag:s0] =	ssyncadd.s32 @!p0 $0xFFFFE000  }
0x1c5: {  	v18 =	vld [tilespmem:s30+$0x9010]  }
0x1c6: {  	v42 =	vld [tilespmem:s30+$0x7010]  }
0x1c7: {  	v15 =	vld [tilespmem:s30+$0xB070]  }
0x1c8: {  	v6 =	vld [tilespmem:s30+$0x7000]  }
0x1c9: {  	v20 =	vld [tilespmem:s30+$0x6C70]  }
0x1ca: {  	v5 =	vld [tilespmem:s30+$0xB020]  }
0x1cb: {  	v26 =	vld [tilespmem:s30+$0x8C60]  }
0x1cc: {  	v21 =	vld [tilespmem:s30+$0x6C60]  }
0x1cd: {  	v27 =	vld [tilespmem:s30+$0x8C50]  }
0x1ce: {  	v22 =	vld [tilespmem:s30+$0x6C50]  }
0x1cf: {  	v8 =	vld [tilespmem:s30+$0xAC70]  }
0x1d0: {  	v12 =	vld [tilespmem:s30+$0xAC60]  }
0x1d1: {  	v9 =	vld [tilespmem:s30+$0xB040]  }
0x1d2: {  	v16 =	vld [tilespmem:s30+$0xB060]  }
0x1d3: {  	v19 =	vld [tilespmem:s30+$0xB050]  }
0x1d4: {  	v28 =	vld [tilespmem:s30+$0x8C00]  }
0x1d5: {  	v24 =	vld [tilespmem:s30+$0x9070]  }
0x1d6: {  	v4 =	vld [tilespmem:s30+$0x8C10]  }
0x1d7: {  	s31 =	sand.u32 $0x10, s1;
	v17 =	vld [tilespmem:s30+$0x6C10]  }
0x1d8: {  	s0 =	sor.u32 s29, s31;
	v30 =	vld [tilespmem:s30+$0x7070]  }
0x1d9: {  	v3 =	vld [tilespmem:s0+$0xA00]  }
0x1da: {  	v31 =	vld [tilespmem:s0+$0x800]  }
0x1db: {  	v7 =	vld [tilespmem:s0+$0x600]  }
0x1dc: {  	v23 =	vld [tilespmem:s30+$0x7020]  }
0x1dd: {  	v10 =	vld [tilespmem:s30+$0x9020]  }
0x1de: {  	v13 =	vmov s1;
	v14 =	vld [tilespmem:s30+$0x7030]  }
0x1df: {  	v13 =	vand.u32 $0xF, v13;
	v11 =	vld [tilespmem:s30+$0x9030]  }
0x1e0: {  	v33 =	vbroadcast v13, $0x0;
	v32 =	vld [tilespmem:s30+$0x7040]  }
0x1e1: {  	v13 =	vld [tilespmem:s30+$0x9040]  }
0x1e2: {  	v25 =	vld [tilespmem:s30+$0x7050];
	v3 =	vperm.xlane v3, v33  }
0x1e3: {  	v34 =	vld [tilespmem:s30+$0x9050];
	v43 =	vperm.xlane v7, v33  }
0x1e4: {  	v35 =	vld [tilespmem:s30+$0x7060];
	v7 =	vmul.f32 v5, v3;
	v9 =	vmul.f32 v9, v3  }
0x1e5: {  	v36 =	vld [tilespmem:s30+$0x9060];
	v5 =	vmul.f32 v8, v3;
	v6 =	vmul.f32 v6, v43  }
0x1e6: {  	v37 =	vld [tilespmem:s30+$0x6C00];
	v12 =	vmul.f32 v12, v3;
	v14 =	vmul.f32 v14, v43  }
0x1e7: {  	v38 =	vld [tilespmem:s30+$0x6C20];
	v8 =	vmul.f32 v17, v43;
	v17 =	vmul.f32 v23, v43  }
0x1e8: {  	v39 =	vld [tilespmem:s30+$0x6C40];
	v25 =	vmul.f32 v25, v43;
	v41 =	vmul.f32 v16, v3  }
0x1e9: {  	v40 =	vld [tilespmem:s30+$0x8C20];
	v23 =	vmul.f32 v19, v3;
	v44 =	vmul.f32 v35, v43  }
0x1ea: {  	v29 =	vld [tilespmem:s30+$0xAC40];
	v19 =	vmul.f32 v32, v43;
	v45 =	vmul.f32 v15, v3  }
0x1eb: {  	v57 =	vld [tilespmem:s30+$0xAC00];
	v15 =	vperm.xlane v31, v33;
	v37 =	vmul.f32 v37, v43  }
0x1ec: {  	v47 =	vld [tilespmem:s30+$0xAC10];
	v46 =	vmul.f32 v38, v43;
	v58 =	vmul.f32 v30, v43  }
0x1ed: {  	v31 =	vld [tilespmem:s30+$0xAC20];
	v16 =	vmul.f32 v39, v43;
	v35 =	vmul.f32 v22, v43  }
0x1ee: {  	v48 =	vld [tilespmem:s30+$0x6C30];
	v49 =	vmul.f32 v21, v43;
	v59 =	vmul.f32 v24, v15  }
0x1ef: {  	v32 =	vld [tilespmem:s30+$0xAC50];
	v21 =	vmul.f32 v20, v43;
	v22 =	vmul.f32 v36, v15  }
0x1f0: {  	v38 =	vld [tilespmem:s30+$0xB010];
	v39 =	vmul.f32 v57, v3;
	v30 =	vmul.f32 v34, v15;
	v60 =	vadd.f32 v59, v58  }
0x1f1: {  	v33 =	vld [tilespmem:s30+$0xAC30];
	v20 =	vmul.f32 v18, v15;
	v18 =	vmul.f32 v28, v15;
	v22 =	vadd.f32 v22, v44  }
0x1f2: {  	v24 =	vld [tilespmem:s30+$0x8C40];
	v61 =	vmul.f32 v40, v15;
	v34 =	vmul.f32 v31, v3;
	v31 =	vadd.f32 v45, v60  }
0x1f3: {  	v28 =	vld [tilespmem:s30+$0x8C30];
	v63 =	vmul.f32 v26, v15;
	v26 =	vmul.f32 v48, v43;
	v62 =	vadd.f32 v41, v22  }
0x1f4: {  	s28 =	sadd.s32 $0x1, s28;
	v36 =	vld [tilespmem:s30+$0xB030];
	v40 =	vadd.f32 v18, v37;
	v37 =	vadd.f32 v61, v46;
	v18 =	vmul.f32 v42, v43;
	[tilespmem:s30+$0xF070] =	vst v31  }
0x1f5: {  	s16 =	simm.s32 $0x1;
	s1 =	simm.s32 $0x100;
	s0 =	simm.s32 $0x80;
	v22 =	vmul.f32 v47, v3;
	v41 =	vmul.f32 v27, v15;
	v27 =	vadd.f32 v63, v49;
	v31 =	vld [tilespmem:s30+$0xB000];
	[tilespmem:s30+$0xF060] =	vst v62  }
.LBB2_9:
0x1f6: {  	s13 =	sand.u32 $0x10, s16  }
0x1f7: {  	s17 =	sand.u32 $0x1800, s1;
	s18 =	sand.u32 $0x380, s0;
	v39 =	vadd.f32 v39, v40;
	v32 =	vmul.f32 v32, v3;
	v40 =	vld [tilespmem:s30+$0x9000];
	v38 =	vmul.f32 v38, v3;
	s15 =	smov.u32 s16  }
0x1f8: {  	v29 =	vmul.f32 v29, v3;
	s14 =	sor.u32 s29, s13;
	s31 =	sor.u32 s18, s17;
	s13 =	sadd.s32 $0x1, s16;
	v35 =	vadd.f32 v41, v35;
	v41 =	vld [tilespmem:s30+$0x8C70];
	v42 =	vadd.f32 v20, v18  }
0x1f9: {  	p0 =	sne.s32 s16, $0x1F;
	v10 =	vmul.f32 v10, v15;
	v25 =	vadd.f32 v30, v25;
	v20 =	vld [tilespmem:s31+$0x9010];
	v36 =	vmul.f32 v36, v3  }
0x1fa: {  	v11 =	vmul.f32 v11, v15;
	v18 =	vld [tilespmem:s31+$0x7010];
	v32 =	vadd.f32 v32, v35;
	v35 =	vadd.f32 v38, v42  }
0x1fb: {  	v13 =	vmul.f32 v13, v15;
	v23 =	vadd.f32 v23, v25;
	v33 =	vmul.f32 v33, v3;
	v30 =	vld [tilespmem:s31+$0xB070]  }
0x1fc: {  	v34 =	vadd.f32 v34, v37;
	v37 =	vmul.f32 v28, v15;
	v10 =	vadd.f32 v10, v17;
	v25 =	vld [tilespmem:s31+$0x7000];
	[tilespmem:s30+$0xEC50] =	vst v32  }
0x1fd: {  	v4 =	vmul.f32 v4, v15;
	v11 =	vadd.f32 v11, v14;
	v13 =	vadd.f32 v13, v19;
	v28 =	vld [tilespmem:s31+$0x6C70];
	[tilespmem:s30+$0xF010] =	vst v35  }
0x1fe: {  	v12 =	vadd.f32 v12, v27;
	v17 =	vadd.f32 v37, v26;
	v19 =	vmul.f32 v41, v15;
	v14 =	vld [tilespmem:s31+$0xB020];
	[tilespmem:s30+$0xF050] =	vst v23  }
0x1ff: {  	v11 =	vadd.f32 v36, v11;
	v9 =	vadd.f32 v9, v13;
	v23 =	vmul.f32 v40, v15;
	v26 =	vld [tilespmem:s31+$0x8C60];
	[tilespmem:s30+$0xEC00] =	vst v39  }
0x200: {  	v7 =	vadd.f32 v7, v10;
	v13 =	vadd.f32 v33, v17;
	v15 =	vmul.f32 v24, v15;
	v36 =	vld [tilespmem:s31+$0x6C60];
	[tilespmem:s30+$0xEC60] =	vst v12  }
0x201: {  	v4 =	vadd.f32 v4, v8;
	v3 =	vmul.f32 v31, v3;
	v8 =	vadd.f32 v19, v21;
	v27 =	vld [tilespmem:s31+$0x8C50];
	[tilespmem:s30+$0xEC20] =	vst v34  }
0x202: {  	v10 =	vadd.f32 v15, v16;
	v6 =	vadd.f32 v23, v6;
	v21 =	vld [tilespmem:s31+$0x6C50];
	[tilespmem:s30+$0xF030] =	vst v11  }
0x203: {  	v4 =	vadd.f32 v22, v4;
	v5 =	vadd.f32 v5, v8;
	v11 =	vmov s15;
	v12 =	vld [tilespmem:s31+$0xAC70];
	[tilespmem:s30+$0xF040] =	vst v9  }
0x204: {  	v3 =	vadd.f32 v3, v6;
	v8 =	vand.u32 $0xF, v11;
	v9 =	vadd.f32 v29, v10;
	v15 =	vld [tilespmem:s31+$0xAC60];
	[tilespmem:s30+$0xF020] =	vst v7  }
0x205: {  	v16 =	vbroadcast v8, $0x0;
	v6 =	vld [tilespmem:s31+$0xB040];
	[tilespmem:s30+$0xEC70] =	vst v5  }
0x206: {  	v19 =	vld [tilespmem:s31+$0xB060];
	[tilespmem:s30+$0xEC40] =	vst v9  }
0x207: {  	v22 =	vld [tilespmem:s31+$0xB050];
	[tilespmem:s30+$0xF000] =	vst v3  }
0x208: {  	v31 =	vld [tilespmem:s31+$0x8C00];
	[tilespmem:s30+$0xEC10] =	vst v4  }
0x209: {  	v24 =	vld [tilespmem:s31+$0x9070];
	[tilespmem:s30+$0xEC30] =	vst v13;
	s30 =	smov.u32 s31  }
0x20a: {  	v4 =	vld [tilespmem:s30+$0x8C10]  }
0x20b: {  	v8 =	vld [tilespmem:s30+$0x6C10]  }
0x20c: {  	v33 =	vld [tilespmem:s30+$0x7070]  }
0x20d: {  	v3 =	vld [tilespmem:s14+$0xA00]  }
0x20e: {  	v32 =	vld [tilespmem:s14+$0x800]  }
0x20f: {  	v5 =	vld [tilespmem:s14+$0x600]  }
0x210: {  	v17 =	vld [tilespmem:s30+$0x7020]  }
0x211: {  	v10 =	vld [tilespmem:s30+$0x9020]  }
0x212: {  	v23 =	vld [tilespmem:s30+$0x7030]  }
0x213: {  	v3 =	vperm.xlane v3, v16;
	v11 =	vld [tilespmem:s30+$0x9030]  }
0x214: {  	v42 =	vperm.xlane v5, v16;
	v34 =	vld [tilespmem:s30+$0x7040]  }
0x215: {  	v7 =	vmul.f32 v14, v3;
	v13 =	vld [tilespmem:s30+$0x9040]  }
0x216: {  	v9 =	vmul.f32 v6, v3;
	v29 =	vld [tilespmem:s30+$0x7050]  }
0x217: {  	v5 =	vmul.f32 v12, v3;
	v6 =	vmul.f32 v25, v42;
	v35 =	vld [tilespmem:s30+$0x9050]  }
0x218: {  	v12 =	vmul.f32 v15, v3;
	v14 =	vmul.f32 v23, v42;
	v15 =	vld [tilespmem:s30+$0x7060]  }
0x219: {  	v8 =	vmul.f32 v8, v42;
	v37 =	vld [tilespmem:s30+$0x9060]  }
0x21a: {  	v17 =	vmul.f32 v17, v42;
	v38 =	vld [tilespmem:s30+$0x6C00]  }
0x21b: {  	v40 =	vmul.f32 v19, v3;
	v39 =	vld [tilespmem:s30+$0x6C20];
	v25 =	vmul.f32 v29, v42  }
0x21c: {  	v23 =	vmul.f32 v22, v3;
	v41 =	vld [tilespmem:s30+$0x6C40]  }
0x21d: {  	v22 =	vld [tilespmem:s30+$0x8C20];
	v43 =	vmul.f32 v15, v42  }
0x21e: {  	v44 =	vmul.f32 v30, v3;
	v19 =	vmul.f32 v34, v42;
	v29 =	vld [tilespmem:s30+$0xAC40]  }
0x21f: {  	v15 =	vperm.xlane v32, v16;
	v45 =	vmul.f32 v38, v42;
	v32 =	vld [tilespmem:s30+$0xAC50]  }
0x220: {  	v33 =	vmul.f32 v33, v42;
	v46 =	vmul.f32 v39, v42;
	v34 =	vld [tilespmem:s30+$0xAC20]  }
0x221: {  	v30 =	vmul.f32 v35, v15;
	v39 =	vld [tilespmem:s30+$0xAC00];
	v16 =	vmul.f32 v41, v42  }
0x222: {  	v35 =	vmul.f32 v21, v42;
	v38 =	vmul.f32 v24, v15;
	v41 =	vld [tilespmem:s30+$0xAC10]  }
0x223: {  	v48 =	vmul.f32 v36, v42;
	v36 =	vmul.f32 v37, v15;
	v47 =	vld [tilespmem:s30+$0x6C30]  }
0x224: {  	v21 =	vmul.f32 v28, v42;
	v20 =	vmul.f32 v20, v15;
	v33 =	vadd.f32 v38, v33;
	v24 =	vld [tilespmem:s30+$0x8C40]  }
.Ltmp3:
0x225: {  	v31 =	vmul.f32 v31, v15;
	v37 =	vadd.f32 v36, v43;
	v34 =	vmul.f32 v34, v3;
	v38 =	vld [tilespmem:s30+$0xB010];
	(pc) =	sbr.rel @p0 .LBB2_9-.Ltmp3, $4  }
0x226: {  	v43 =	vmul.f32 v22, v15;
	v44 =	vadd.f32 v44, v33;
	v39 =	vmul.f32 v39, v3;
	v28 =	vld [tilespmem:s30+$0x8C30]  }
0x227: {  	v49 =	vmul.f32 v26, v15;
	v50 =	vadd.f32 v40, v37;
	v22 =	vmul.f32 v41, v3;
	v36 =	vld [tilespmem:s30+$0xB030]  }
0x228: {  	v40 =	vadd.f32 v31, v45;
	v37 =	vadd.f32 v43, v46;
	v26 =	vmul.f32 v47, v42;
	v33 =	vld [tilespmem:s30+$0xAC30];
	[tilespmem:s30+$0xF070] =	vst v44  }
0x229: {  	s0 =	sadd.s32 $0x80, s0;
	s1 =	sadd.s32 $0x100, s1;
	s16 =	smov.u32 s13;
	v18 =	vmul.f32 v18, v42;
	v41 =	vmul.f32 v27, v15;
	v27 =	vadd.f32 v49, v48;
	v31 =	vld [tilespmem:s30+$0xB000];
	[tilespmem:s30+$0xF060] =	vst v50  }
0x22a: {  	v32 =	vmul.f32 v32, v3  }
0x22b: {  	v38 =	vmul.f32 v38, v3;
	v25 =	vadd.f32 v30, v25;
	v51 =	vadd.f32 v39, v40  }
0x22c: {  	v11 =	vmul.f32 v11, v15;
	v10 =	vmul.f32 v10, v15;
	v53 =	vadd.f32 v34, v37  }
0x22d: {  	v13 =	vmul.f32 v13, v15;
	v35 =	vadd.f32 v41, v35;
	v18 =	vadd.f32 v20, v18  }
0x22e: {  	v57 =	vmul.f32 v24, v15;
	v12 =	vadd.f32 v12, v27;
	v23 =	vadd.f32 v23, v25;
	[tilespmem:s30+$0xEC00] =	vst v51  }
0x22f: {  	v49 =	vld [tilespmem:s30+$0x8C70];
	v4 =	vmul.f32 v4, v15;
	v11 =	vadd.f32 v11, v14;
	v13 =	vadd.f32 v13, v19;
	[tilespmem:s30+$0xEC20] =	vst v53  }
0x230: {  	v52 =	vld [tilespmem:s30+$0x9000];
	v54 =	vmul.f32 v36, v3;
	v10 =	vadd.f32 v10, v17;
	v50 =	vadd.f32 v32, v35;
	[tilespmem:s30+$0xEC60] =	vst v12  }
0x231: {  	v55 =	vmul.f32 v28, v15;
	v60 =	vadd.f32 v57, v16;
	v18 =	vadd.f32 v38, v18;
	[tilespmem:s30+$0xF050] =	vst v23  }
0x232: {  	v4 =	vadd.f32 v4, v8;
	v11 =	vadd.f32 v54, v11;
	[tilespmem:s30+$0xEC50] =	vst v50  }
0x233: {  	v29 =	vmul.f32 v29, v3;
	v63 =	vadd.f32 v55, v26;
	v9 =	vadd.f32 v9, v13;
	[tilespmem:s30+$0xF010] =	vst v18  }
0x234: {  	v7 =	vadd.f32 v7, v10;
	v61 =	vmul.f32 v31, v3;
	v56 =	vmul.f32 v49, v15;
	[tilespmem:s30+$0xF030] =	vst v11  }
0x235: {  	v62 =	vadd.f32 v29, v60;
	v3 =	vmul.f32 v33, v3;
	v58 =	vmul.f32 v52, v15;
	[tilespmem:s30+$0xF040] =	vst v9  }
0x236: {  	v4 =	vadd.f32 v22, v4;
	[tilespmem:s30+$0xF020] =	vst v7;
	v59 =	vadd.f32 v56, v21  }
0x237: {  	p0 =	sne.s32 s28, $0x8;
	[tilespmem:s30+$0xEC40] =	vst v62;
	v3 =	vadd.f32 v3, v63;
	v6 =	vadd.f32 v58, v6  }
.Ltmp4:
0x238: {  	[tilespmem:s30+$0xEC10] =	vst v4;
	v5 =	vadd.f32 v5, v59;
	(pc) =	sbr.rel @p0 .LBB2_4-.Ltmp4, $4  }
0x239: {  	s0 =	sadd.s32 s4, s29;
	[tilespmem:s30+$0xEC30] =	vst v3;
	v6 =	vadd.f32 v61, v6  }
0x23a: {  	s0 =	sshll.u32 s0, $0x5;
	[tilespmem:s30+$0xEC70] =	vst v5  }
0x23b: {  	s26 =	sadd.s32 $0x40, s26;
	s0 =	sadd.s32 s5, s0;
	[tilespmem:s30+$0xF000] =	vst v6  }
0x23c: {  	[hbm4b:s0+s3] =	stream.linear.scatter [tilespmem:s24], [sflag:$0x8], $0x2000, $0x38;
	[tilespmem:$0x10C00] =	vst v63  }
0x23d: {  	s0 =	simm.s32 $0x7  }
0x23e: {  	_ =	swait.ge [sflag:s0], $0x2000  }
0x23f: {  	[sflag:s0] =	ssyncset.done $0x0  }
0x240: {  	s1 =	simm.s32 $0x8;
	[sflag:s0] =	ssyncadd.s32 $0xFFFFE000  }
0x241: {  	_ =	swait.ge [sflag:s1], $0x2000  }
0x242: {  	s13 =	rddreg [dreg:$0xb]  }
0x243: {  	s31 =	rddreg [dreg:$0xa];
	s13 =	sadd.s32 $0x1, s13  }
0x244: {  	p0 =	sne.s32 s13, s31  }
.Ltmp5:
0x245: {  	_ = 	snop;
	(pc) =	sbr.rel @p0 .LBB2_1-.Ltmp5, $3  }
0x246: {  	_ =	sdelay $0x1  }
0x247: {  	[sflag:s1] =	ssyncset.done $0x0  }
0x248: {  	[sflag:s1] =	ssyncadd.s32 $0xFFFFE000  }
0x249: {  	_ =	sfence.sel $0x180000  }
0x24a: {  	[bflag:$0x0] =	sbarrier.arrive $0xFFFF  }
0x24b: {  	_ =	strace $0x90000047  }
0x24c: {  	s0 =	stileid.u32;
	[bflag:$0x2] =	sbarrier.arrive $0xFFFF  }
0x24d: {  	p0 =	sne.s32 s0, $0x0;
	s0 =	rddreg [dreg:$0x3]  }
0x24e: {  	s0 =	sadd.s32 @!p0 $0x100000, s0  }
0x24f: {  	[sflag:s0] =	ssyncadd.tile.s32 @!p0 $0x1;
	_ =	shalt  }
.Lfunc_end2:
_tile_overlayer_lowered:
.L_overlay_start_2:
0x250: {  	(tag) =	ssettag $0x2  }
0x251: {  	s0 =	rddreg [dreg:$0x0];
	s2 =	stileid.u32  }
0x252: {  	s1 =	rddreg [dreg:$0x1];
	p0 =	sne.s32 s2, $0x0  }
0x253: {  	s3 =	rddreg [dreg:$0x2];
	[bflag:$0x3] =	sbarrier.arrive $0xFFFF;
	s2 =	simm.s32 @!p0 $0x1C09  }
0x254: {  	[timem:s3], [sflag:s2] =	dma.local @!p0 [hbm:s0], s1  }
0x255: {  	s0 =	simm.s32 @!p0 $0x9  }
0x256: {  	_ =	swait.ge @!p0 [sflag:s0], s1  }
0x257: {  	s1 =	ssub.s32 @!p0 $0x0, s1;
	[sflag:s0] =	ssyncset.done @!p0 $0x0  }
0x258: {  	[sflag:s0] =	ssyncadd.s32 @!p0 s1  }
0x259: {  	[bflag:$0x3] =	sbarrier.arrive $0xFFFF  }
0x25a: {  	_ =	shalt  }

</sc_bundles>
